<compile_context>
chip_gen: v7x
topology: tpu7x:2x2x1
jax: 0.10.2.dev20260603
libtpu: 0.0.44.dev20260713+nightly
codegen_flags: <defaults>
</compile_context>

<pallas_src>
import jax
import jax.numpy as jnp
from jax import lax
from jax.experimental import pallas as pl
from jax.experimental.pallas import tpu as pltpu
from jax.experimental.pallas import tpu_sc as plsc

N = 10000
E = 160000
D = 512
DO = 256
FC = 128
NK = D // FC
ER = 1280
EROWS_VALID = E // 128
NPAD = 10240
RB = 1000

NUM_CORES = 2
NUM_SUBCORES = 16
ROWS_PER_TEC = ER // (NUM_CORES * NUM_SUBCORES)
NSLICE = NPAD // NUM_SUBCORES

_MESH = plsc.VectorSubcoreMesh(
    core_axis_name="c", subcore_axis_name="s",
    num_cores=NUM_CORES, num_subcores=NUM_SUBCORES)

_SC_PARAMS = pltpu.CompilerParams(needs_layout_passes=False)



def _k1_body(feat_ref, w1_ref, att2_ref, xflat_ref, a2_ref):
    k = pl.program_id(1)
    xk = jnp.dot(feat_ref[...], w1_ref[...], preferred_element_type=jnp.float32)
    xflat_ref[...] = xk

    @pl.when(k == 0)
    def _():
        a2_ref[...] = jnp.zeros_like(a2_ref)

    a2_ref[...] += jnp.dot(xk, att2_ref[...], preferred_element_type=jnp.float32)


_k1 = pl.pallas_call(
    _k1_body,
    grid=(N // RB, NK),
    in_specs=[
        pl.BlockSpec((RB, D), lambda i, k: (i, 0)),
        pl.BlockSpec((D, FC), lambda i, k: (0, k)),
        pl.BlockSpec((FC, 128), lambda i, k: (k, 0)),
    ],
    out_specs=[
        pl.BlockSpec((RB, FC), lambda i, k: (k * (N // RB) + i, 0)),
        pl.BlockSpec((RB, 128), lambda i, k: (i, 0)),
    ],
    out_shape=[
        jax.ShapeDtypeStruct((NK * N, FC), jnp.float32),
        jax.ShapeDtypeStruct((N, 128), jnp.float32),
    ],
)


def _elu(x):
    return jnp.where(x > 0, x, jnp.exp(x) - 1.0)


def _k2_body(p_ref, d2_ref, w2_ref, w2t_ref, h2_ref, x3_ref):
    rd = 1.0 / (d2_ref[0, 0] + 1e-16)
    acc = jnp.zeros((RB, DO), jnp.float32)
    for k in range(NK):
        p = (p_ref[0, k] + p_ref[1, k]) * rd[:, None]
        h = _elu(p)
        acc += jnp.dot(h, w2_ref[k * FC:(k + 1) * FC, :],
                       preferred_element_type=jnp.float32)
    h2_ref[...] = acc
    for k in range(NK):
        x3_ref[k] = jnp.dot(acc, w2t_ref[:, k * FC:(k + 1) * FC],
                            preferred_element_type=jnp.float32)


_k2 = pl.pallas_call(
    _k2_body,
    grid=(N // RB,),
    in_specs=[
        pl.BlockSpec((NUM_CORES, NK, RB, FC), lambda i: (0, 0, i, 0)),
        pl.BlockSpec((1, 1, RB), lambda i: (i, 0, 0)),
        pl.BlockSpec((D, DO), lambda i: (0, 0)),
        pl.BlockSpec((DO, D), lambda i: (0, 0)),
    ],
    out_specs=[
        pl.BlockSpec((RB, DO), lambda i: (i, 0)),
        pl.BlockSpec((NK, RB, FC), lambda i: (0, i, 0)),
    ],
    out_shape=[
        jax.ShapeDtypeStruct((N, DO), jnp.float32),
        jax.ShapeDtypeStruct((NK, N, FC), jnp.float32),
    ],
)


def _k3_body(p_ref, d2_ref, w1t_ref, h4_ref):
    rd = 1.0 / (d2_ref[0, 0] + 1e-16)
    acc = jnp.zeros((RB, D), jnp.float32)
    for k in range(NK):
        p = (p_ref[0, k] + p_ref[1, k]) * rd[:, None]
        h = _elu(p)
        acc += jnp.dot(h, w1t_ref[k * FC:(k + 1) * FC, :],
                       preferred_element_type=jnp.float32)
    h4_ref[...] = acc


_k3 = pl.pallas_call(
    _k3_body,
    grid=(N // RB,),
    in_specs=[
        pl.BlockSpec((NUM_CORES, NK, RB, FC), lambda i: (0, 0, i, 0)),
        pl.BlockSpec((1, 1, RB), lambda i: (i, 0, 0)),
        pl.BlockSpec((D, D), lambda i: (0, 0)),
    ],
    out_specs=pl.BlockSpec((RB, D), lambda i: (i, 0)),
    out_shape=jax.ShapeDtypeStruct((N, D), jnp.float32),
)



def _edge_w_body(asrc_hbm, adst_hbm, srcr_hbm, dstr_hbm, exr_hbm, den2_hbm,
                 asrc_v, adst_v, src_v, dst_v, ex_v, zb_v, den_sp):
    c = lax.axis_index("c")
    t = lax.axis_index("s")
    rowbase = c * (NUM_SUBCORES * ROWS_PER_TEC) + t * ROWS_PER_TEC

    pltpu.sync_copy(asrc_hbm, asrc_v.at[pl.ds(0, N)])
    pltpu.sync_copy(adst_hbm, adst_v.at[pl.ds(0, N)])
    pltpu.sync_copy(srcr_hbm.at[pl.ds(rowbase, ROWS_PER_TEC)], src_v)
    pltpu.sync_copy(dstr_hbm.at[pl.ds(rowbase, ROWS_PER_TEC)], dst_v)

    def _zb(i, carry):
        zb_v[pl.ds(i * 16, 16)] = jnp.zeros((16,), jnp.float32)
        return carry
    lax.fori_loop(0, NSLICE // 16, _zb, 0)
    pltpu.sync_copy(zb_v, den_sp.at[pl.ds(t * NSLICE, NSLICE)])

    def _row(b, carry):
        valid = (rowbase + b) < EROWS_VALID

        def _grp(j, carry2):
            sl = pl.ds(j * 16, 16)
            si = src_v[b, sl]
            di = dst_v[b, sl]
            av = plsc.load_gather(asrc_v, [si])
            bv = plsc.load_gather(adst_v, [di])
            alpha = 1.0 / (1.0 + jnp.exp(-(av + bv)))
            ex = jnp.exp(alpha)
            ex = jnp.where(valid, ex, jnp.zeros((16,), jnp.float32))
            ex_v[b, sl] = ex
            return carry2
        lax.fori_loop(0, 8, _grp, 0)
        return carry
    lax.fori_loop(0, ROWS_PER_TEC, _row, 0)

    pltpu.sync_copy(ex_v, exr_hbm.at[pl.ds(rowbase, ROWS_PER_TEC)])

    plsc.subcore_barrier()

    def _scat(b, carry):
        pltpu.sync_copy(ex_v.at[b], den_sp.at[dst_v.at[b]], add=True)
        return carry
    lax.fori_loop(0, ROWS_PER_TEC, _scat, 0)

    plsc.subcore_barrier()
    pltpu.sync_copy(den_sp.at[pl.ds(t * NSLICE, NSLICE)],
                    den2_hbm.at[c, pl.ds(t * NSLICE, NSLICE)])


_edge_w = pl.kernel(
    _edge_w_body,
    out_type=[
        jax.ShapeDtypeStruct((ER, 128), jnp.float32),
        jax.ShapeDtypeStruct((NUM_CORES, NPAD), jnp.float32),
    ],
    mesh=_MESH,
    scratch_types=[
        pltpu.VMEM((NPAD,), jnp.float32),
        pltpu.VMEM((NPAD,), jnp.float32),
        pltpu.VMEM((ROWS_PER_TEC, 128), jnp.int32),
        pltpu.VMEM((ROWS_PER_TEC, 128), jnp.int32),
        pltpu.VMEM((ROWS_PER_TEC, 128), jnp.float32),
        pltpu.VMEM((NSLICE,), jnp.float32),
        pltpu.VMEM_SHARED((NPAD,), jnp.float32),
    ],
    compiler_params=_SC_PARAMS,
)


def _spmm_body(xflat_hbm, srcr_hbm, dstr_hbm, exr_hbm, out_hbm,
               src_v, dst_v, ex_v, g0_v, g1_v, s0_v, s1_v, acc_sp,
               gsem0, gsem1, ssem0, ssem1):
    c = lax.axis_index("c")
    t = lax.axis_index("s")
    rowbase = c * (NUM_SUBCORES * ROWS_PER_TEC) + t * ROWS_PER_TEC
    g = (g0_v, g1_v)
    s = (s0_v, s1_v)
    gsem = (gsem0, gsem1)
    ssem = (ssem0, ssem1)

    pltpu.sync_copy(srcr_hbm.at[pl.ds(rowbase, ROWS_PER_TEC)], src_v)
    pltpu.sync_copy(dstr_hbm.at[pl.ds(rowbase, ROWS_PER_TEC)], dst_v)
    pltpu.sync_copy(exr_hbm.at[pl.ds(rowbase, ROWS_PER_TEC)], ex_v)

    def _scale(b2, ph, gb, sb):
        @plsc.parallel_loop(0, 64, unroll=2)
        def _row(r):
            w = plsc.load_gather(
                ex_v, [jnp.full((16,), b2, jnp.int32),
                       jnp.full((16,), ph * 64 + r, jnp.int32)])
            for j in range(FC // 16):
                sl = pl.ds(j * 16, 16)
                sb[r, sl] = gb[r, sl] * w

    def _chunk(k, carry):
        @pl.when(k > 0)
        def _():
            @plsc.parallel_loop(0, ROWS_PER_TEC)
            def _bi(b):
                for j in range(8):
                    sl = pl.ds(j * 16, 16)
                    src_v[b, sl] = src_v[b, sl] + N

        @plsc.parallel_loop(0, 64, unroll=2)
        def _zr(r):
            for j in range(FC // 16):
                s0_v[r, pl.ds(j * 16, 16)] = jnp.zeros((16,), jnp.float32)

        def _z(i, carry2):
            pltpu.sync_copy(s0_v, acc_sp.at[pl.ds(t * NSLICE + i * 64, 64)])
            return carry2
        lax.fori_loop(0, NSLICE // 64, _z, 0)

        plsc.subcore_barrier()

        pltpu.async_copy(xflat_hbm.at[src_v.at[0, pl.ds(0, 64)]], g0_v, gsem0)
        pltpu.async_copy(xflat_hbm.at[src_v.at[0, pl.ds(64, 64)]], g1_v, gsem1)

        def _pair(b2, carry2):
            for ph in range(2):
                half = pl.ds(ph * 64, 64)
                pltpu.make_async_copy(
                    xflat_hbm.at[src_v.at[b2, half]], g[ph], gsem[ph]).wait()

                @pl.when(b2 > 0)
                def _():
                    pltpu.make_async_copy(
                        s[ph], acc_sp.at[dst_v.at[b2 - 1, half]],
                        ssem[ph]).wait()

                _scale(b2, ph, g[ph], s[ph])

                @pl.when(b2 < ROWS_PER_TEC - 1)
                def _():
                    pltpu.async_copy(
                        xflat_hbm.at[src_v.at[b2 + 1, half]], g[ph], gsem[ph])

                pltpu.async_copy(
                    s[ph], acc_sp.at[dst_v.at[b2, half]], ssem[ph], add=True)
            return carry2
        lax.fori_loop(0, ROWS_PER_TEC, _pair, 0)

        for ph in range(2):
            half = pl.ds(ph * 64, 64)
            pltpu.make_async_copy(
                s[ph], acc_sp.at[dst_v.at[ROWS_PER_TEC - 1, half]],
                ssem[ph]).wait()

        plsc.subcore_barrier()
        pltpu.sync_copy(acc_sp.at[pl.ds(t * NSLICE, NSLICE)],
                        out_hbm.at[c, k, pl.ds(t * NSLICE, NSLICE)])
        return carry
    lax.fori_loop(0, NK, _chunk, 0)


_spmm = pl.kernel(
    _spmm_body,
    out_type=jax.ShapeDtypeStruct((NUM_CORES, NK, NPAD, FC), jnp.float32),
    mesh=_MESH,
    scratch_types=[
        pltpu.VMEM((ROWS_PER_TEC, 128), jnp.int32),
        pltpu.VMEM((ROWS_PER_TEC, 128), jnp.int32),
        pltpu.VMEM((ROWS_PER_TEC, 128), jnp.float32),
        pltpu.VMEM((64, FC), jnp.float32),
        pltpu.VMEM((64, FC), jnp.float32),
        pltpu.VMEM((64, FC), jnp.float32),
        pltpu.VMEM((64, FC), jnp.float32),
        pltpu.VMEM_SHARED((NPAD, FC), jnp.float32),
        pltpu.SemaphoreType.DMA,
        pltpu.SemaphoreType.DMA,
        pltpu.SemaphoreType.DMA,
        pltpu.SemaphoreType.DMA,
    ],
    compiler_params=_SC_PARAMS,
)



def kernel(features, edge_index, W1, att_src1, att_dst1, W2):
    src = edge_index[0]
    dst = edge_index[1]
    pad = ER * 128 - E
    zpad = jnp.zeros((pad,), jnp.int32)
    srcr = jnp.concatenate([src, zpad]).reshape(ER, 128)
    dstr = jnp.concatenate([dst, zpad]).reshape(ER, 128)
    att2 = (jnp.zeros((D, 128), jnp.float32)
            .at[:, 0].set(att_src1).at[:, 1].set(att_dst1))

    xflat, a2 = _k1(features, W1, att2)
    a_src = a2[:, 0]
    a_dst = a2[:, 1]

    exr, den2 = _edge_w(a_src, a_dst, srcr, dstr)
    den3 = (den2[0, :N] + den2[1, :N]).reshape(N // RB, 1, RB)

    p1 = _spmm(xflat, srcr, dstr, exr)
    h2, x3 = _k2(p1, den3, W2, W2.T)

    p2 = _spmm(x3.reshape(NK * N, FC), srcr, dstr, exr)
    h4 = _k3(p2, den3, W1.T)
    return (h2, h4)

# --- scband reference (transcript-rebuilt; emitter-appended) ---
"""Pipeline reference for scband-stimgat-37735582663325 (READ-ONLY COPY).

The authoritative reference and input builder live on the scoring server;
editing this copy changes nothing except your own understanding.
"""

import jax, jax.numpy as jnp
import numpy as np

N_NODES = 10000
N_EDGES = 160000
IN_DIM = 512
NUM_HIDDEN = 512
OUT_DIM = 256


def setup_inputs(seed: int = 0):
    key = jax.random.key(seed)
    ks = jax.random.split(key, 6)
    features = jax.random.normal(ks[0], (N_NODES, IN_DIM), dtype=jnp.float32)
    edge_index = jax.random.randint(ks[1], (2, N_EDGES), 0, N_NODES, dtype=jnp.int32)

    def xavier(k, shape):
        fan_in, fan_out = shape[0], shape[1]
        std = 1.414 * np.sqrt(2.0 / (fan_in + fan_out))
        return jax.random.normal(k, shape, dtype=jnp.float32) * std

    W1 = xavier(ks[2], (IN_DIM, NUM_HIDDEN))
    W2 = xavier(ks[3], (NUM_HIDDEN, OUT_DIM))
    att_src1 = xavier(ks[4], (1, NUM_HIDDEN))[0]
    att_dst1 = xavier(ks[5], (1, NUM_HIDDEN))[0]
    return {"features": features, "edge_index": edge_index, "W1": W1,
            "att_src1": att_src1, "att_dst1": att_dst1, "W2": W2}


def _gat_propagate(x_src, alpha_src, alpha_dst, edge_index, num_nodes):
    # STAGATE-style GATConv propagate (heads=1, concat=False):
    # per-edge alpha = sigmoid(alpha_src[src] + alpha_dst[dst]), softmax over dst,
    # messages = x_src[src] * alpha, scatter-add to dst.
    src = edge_index[0]
    dst = edge_index[1]
    alpha = alpha_src[src] + alpha_dst[dst]
    alpha = jax.nn.sigmoid(alpha)
    amax = jax.ops.segment_max(alpha, dst, num_segments=num_nodes)
    amax = jnp.where(jnp.isfinite(amax), amax, 0.0)
    ex = jnp.exp(alpha - amax[dst])
    denom = jax.ops.segment_sum(ex, dst, num_segments=num_nodes)
    w = ex / (denom[dst] + 1e-16)
    msgs = x_src[src] * w[:, None]
    return jax.ops.segment_sum(msgs, dst, num_segments=num_nodes)


def reference(features, edge_index, W1, att_src1, att_dst1, W2):
    n = features.shape[0]
    # conv1 (attention=True): project, compute attention coeffs, propagate
    x1 = features @ W1
    a_src = x1 @ att_src1
    a_dst = x1 @ att_dst1
    h1 = jax.nn.elu(_gat_propagate(x1, a_src, a_dst, edge_index, n))
    # conv2 (attention=False): pure linear projection (heads=1 mean is identity)
    h2 = h1 @ W2
    # conv3: weights tied to conv2 transpose, attention tied to conv1's (a_src, a_dst)
    x3 = h2 @ W2.T
    h3 = jax.nn.elu(_gat_propagate(x3, a_src, a_dst, edge_index, n))
    # conv4 (attention=False): weights tied to conv1 transpose
    h4 = h3 @ W1.T
    return (h2, h4)

if __name__ == "__main__":
    import jax
    _d = setup_inputs()
    print(jax.jit(kernel)(*tuple(_d.values())))

</pallas_src>

<mosaic_0001>
#map = affine_map<(d0, d1) -> (0, 0)>
#map1 = affine_map<(d0, d1) -> (0, 0, 0, 0)>
module attributes {stable_mosaic.version = 14 : i64} {
  func.func @_spmm_body(%arg0: i32, %arg1: i32, %arg2: memref<40000x128xf32, #tpu.memory_space<hbm>>, %arg3: memref<1280x128xi32, #tpu.memory_space<hbm>>, %arg4: memref<1280x128xi32, #tpu.memory_space<hbm>>, %arg5: memref<1280x128xf32, #tpu.memory_space<hbm>>, %arg6: memref<2x4x10240x128xf32, #tpu.memory_space<hbm>>, %arg7: memref<40x128xi32, #tpu.memory_space<vmem>>, %arg8: memref<40x128xi32, #tpu.memory_space<vmem>>, %arg9: memref<40x128xf32, #tpu.memory_space<vmem>>, %arg10: memref<64x128xf32, #tpu.memory_space<vmem>>, %arg11: memref<64x128xf32, #tpu.memory_space<vmem>>, %arg12: memref<64x128xf32, #tpu.memory_space<vmem>>, %arg13: memref<64x128xf32, #tpu.memory_space<vmem>>, %arg14: memref<10240x128xf32, #tpu.memory_space<vmem_shared>>, %arg15: memref<!tpu.dma_semaphore, #tpu.memory_space<semaphore_mem>>, %arg16: memref<!tpu.dma_semaphore, #tpu.memory_space<semaphore_mem>>, %arg17: memref<!tpu.dma_semaphore, #tpu.memory_space<semaphore_mem>>, %arg18: memref<!tpu.dma_semaphore, #tpu.memory_space<semaphore_mem>>) attributes {dimension_semantics = [#tpu.dimension_semantics<core_parallel>, #tpu.dimension_semantics<subcore_parallel>], iteration_bounds = array<i64: 2, 16>, scalar_prefetch = 0 : i64, scratch_operands = 12 : i64, tpu.core_type = #tpu.core_type<sc_vector_subcore>, window_params = [{transform_indices = #map}, {transform_indices = #map}, {transform_indices = #map}, {transform_indices = #map}, {transform_indices = #map1}]} {
    %mul3A = arith.constant 640 : i32
    %mul3A_0 = arith.muli %arg0, %mul3A : i32
    %mul3A_1 = arith.constant 40 : i32
    %mul3A_2 = arith.muli %arg1, %mul3A_1 : i32
    %add3A = arith.addi %mul3A_0, %mul3A_2 : i32
    "tpu.region"() ({
      %run_scoped3A = tpu.sem_alloc : memref<!tpu.dma_semaphore, #tpu.memory_space<semaphore_mem>>
      %dma_start3A = arith.constant 0 : i32
      %dma_start3A_8 = tpu.memref_slice %arg3[%add3A, %dma_start3A] : memref<1280x128xi32, #tpu.memory_space<hbm>> -> memref<40x128xi32, #tpu.memory_space<hbm>>
      %dma_start3A_9 = arith.constant 0 : i32
      %dma_start3A_10 = tpu.memref_slice %arg3[%add3A, %dma_start3A_9] : memref<1280x128xi32, #tpu.memory_space<hbm>> -> memref<40x128xi32, #tpu.memory_space<hbm>>
      tpu.enqueue_dma source(%dma_start3A_10 : memref<40x128xi32, #tpu.memory_space<hbm>>) target(%arg7 : memref<40x128xi32, #tpu.memory_space<vmem>>) target_semaphore(%run_scoped3A : memref<!tpu.dma_semaphore, #tpu.memory_space<semaphore_mem>>)
      %dma_wait3A = arith.constant 0 : i32
      %dma_wait3A_11 = tpu.memref_slice %arg3[%add3A, %dma_wait3A] : memref<1280x128xi32, #tpu.memory_space<hbm>> -> memref<40x128xi32, #tpu.memory_space<hbm>>
      %dma_wait3A_12 = arith.constant 0 : i32
      %dma_wait3A_13 = tpu.memref_slice %arg3[%add3A, %dma_wait3A_12] : memref<1280x128xi32, #tpu.memory_space<hbm>> -> memref<40x128xi32, #tpu.memory_space<hbm>>
      tpu.wait_dma2 semaphore(%run_scoped3A : memref<!tpu.dma_semaphore, #tpu.memory_space<semaphore_mem>>) src(%dma_wait3A_13 : memref<40x128xi32, #tpu.memory_space<hbm>>) dst(%arg7 : memref<40x128xi32, #tpu.memory_space<vmem>>)
      tpu.yield
    }) : () -> ()
    "tpu.region"() ({
      %run_scoped3A = tpu.sem_alloc : memref<!tpu.dma_semaphore, #tpu.memory_space<semaphore_mem>>
      %dma_start3A = arith.constant 0 : i32
      %dma_start3A_8 = tpu.memref_slice %arg4[%add3A, %dma_start3A] : memref<1280x128xi32, #tpu.memory_space<hbm>> -> memref<40x128xi32, #tpu.memory_space<hbm>>
      %dma_start3A_9 = arith.constant 0 : i32
      %dma_start3A_10 = tpu.memref_slice %arg4[%add3A, %dma_start3A_9] : memref<1280x128xi32, #tpu.memory_space<hbm>> -> memref<40x128xi32, #tpu.memory_space<hbm>>
      tpu.enqueue_dma source(%dma_start3A_10 : memref<40x128xi32, #tpu.memory_space<hbm>>) target(%arg8 : memref<40x128xi32, #tpu.memory_space<vmem>>) target_semaphore(%run_scoped3A : memref<!tpu.dma_semaphore, #tpu.memory_space<semaphore_mem>>)
      %dma_wait3A = arith.constant 0 : i32
      %dma_wait3A_11 = tpu.memref_slice %arg4[%add3A, %dma_wait3A] : memref<1280x128xi32, #tpu.memory_space<hbm>> -> memref<40x128xi32, #tpu.memory_space<hbm>>
      %dma_wait3A_12 = arith.constant 0 : i32
      %dma_wait3A_13 = tpu.memref_slice %arg4[%add3A, %dma_wait3A_12] : memref<1280x128xi32, #tpu.memory_space<hbm>> -> memref<40x128xi32, #tpu.memory_space<hbm>>
      tpu.wait_dma2 semaphore(%run_scoped3A : memref<!tpu.dma_semaphore, #tpu.memory_space<semaphore_mem>>) src(%dma_wait3A_13 : memref<40x128xi32, #tpu.memory_space<hbm>>) dst(%arg8 : memref<40x128xi32, #tpu.memory_space<vmem>>)
      tpu.yield
    }) : () -> ()
    "tpu.region"() ({
      %run_scoped3A = tpu.sem_alloc : memref<!tpu.dma_semaphore, #tpu.memory_space<semaphore_mem>>
      %dma_start3A = arith.constant 0 : i32
      %dma_start3A_8 = tpu.memref_slice %arg5[%add3A, %dma_start3A] : memref<1280x128xf32, #tpu.memory_space<hbm>> -> memref<40x128xf32, #tpu.memory_space<hbm>>
      %dma_start3A_9 = arith.constant 0 : i32
      %dma_start3A_10 = tpu.memref_slice %arg5[%add3A, %dma_start3A_9] : memref<1280x128xf32, #tpu.memory_space<hbm>> -> memref<40x128xf32, #tpu.memory_space<hbm>>
      tpu.enqueue_dma source(%dma_start3A_10 : memref<40x128xf32, #tpu.memory_space<hbm>>) target(%arg9 : memref<40x128xf32, #tpu.memory_space<vmem>>) target_semaphore(%run_scoped3A : memref<!tpu.dma_semaphore, #tpu.memory_space<semaphore_mem>>)
      %dma_wait3A = arith.constant 0 : i32
      %dma_wait3A_11 = tpu.memref_slice %arg5[%add3A, %dma_wait3A] : memref<1280x128xf32, #tpu.memory_space<hbm>> -> memref<40x128xf32, #tpu.memory_space<hbm>>
      %dma_wait3A_12 = arith.constant 0 : i32
      %dma_wait3A_13 = tpu.memref_slice %arg5[%add3A, %dma_wait3A_12] : memref<1280x128xf32, #tpu.memory_space<hbm>> -> memref<40x128xf32, #tpu.memory_space<hbm>>
      tpu.wait_dma2 semaphore(%run_scoped3A : memref<!tpu.dma_semaphore, #tpu.memory_space<semaphore_mem>>) src(%dma_wait3A_13 : memref<40x128xf32, #tpu.memory_space<hbm>>) dst(%arg9 : memref<40x128xf32, #tpu.memory_space<vmem>>)
      tpu.yield
    }) : () -> ()
    %scan3A = arith.constant 0 : i32
    %scan3A_3 = arith.constant 0 : i32
    %scan3A_4 = arith.constant 4 : i32
    %scan3A_5 = arith.addi %scan3A_3, %scan3A_4 : i32
    %scan3A_6 = arith.constant 1 : i32
    scf.for %scan3A_8 = %scan3A_3 to %scan3A_5 step %scan3A_6  : i32 {
      %gt3A = arith.constant 0 : i32
      %gt3A_9 = arith.cmpi sgt, %scan3A_8, %gt3A : i32
      %convert_element_type3A = arith.extui %gt3A_9 : i1 to i32
      %cond3A = arith.constant 0 : i32
      %cond3A_10 = arith.cmpi ne, %convert_element_type3A, %cond3A : i32
      scf.if %cond3A_10 {
        %parallel_loop3A_56 = arith.constant 0 : i32
        %parallel_loop3A_57 = arith.constant 40 : i32
        %parallel_loop3A_58 = arith.constant 1 : i32
        scf.for %parallel_loop3A_59 = %parallel_loop3A_56 to %parallel_loop3A_57 step %parallel_loop3A_58  : i32 {
          %parallel_loop3A_60 = arith.index_cast %parallel_loop3A_59 : i32 to index
          %parallel_loop3A_61 = arith.constant 0 : index
          %parallel_loop3A_62 = tpu.vector_load %arg7[%parallel_loop3A_60, %parallel_loop3A_61] {strides = array<i32>} : memref<40x128xi32, #tpu.memory_space<vmem>>, vector<16xi32>,
          %parallel_loop3A_63 = arith.constant 10000 : i32
          %parallel_loop3A_64 = vector.broadcast %parallel_loop3A_63 : i32 to vector<16xi32>
          %parallel_loop3A_65 = arith.addi %parallel_loop3A_62, %parallel_loop3A_64 : vector<16xi32>
          %parallel_loop3A_66 = arith.index_cast %parallel_loop3A_59 : i32 to index
          %parallel_loop3A_67 = arith.constant 0 : index
          %parallel_loop3A_68 = tpu.vector_load %arg7[%parallel_loop3A_66, %parallel_loop3A_67] {strides = array<i32>} : memref<40x128xi32, #tpu.memory_space<vmem>>, vector<16xi32>,
          tpu.vector_store %arg7[%parallel_loop3A_66, %parallel_loop3A_67], %parallel_loop3A_65 {strides = array<i32>} : memref<40x128xi32, #tpu.memory_space<vmem>>, vector<16xi32>,
          %parallel_loop3A_69 = arith.index_cast %parallel_loop3A_59 : i32 to index
          %parallel_loop3A_70 = arith.constant 16 : index
          %parallel_loop3A_71 = tpu.vector_load %arg7[%parallel_loop3A_69, %parallel_loop3A_70] {strides = array<i32>} : memref<40x128xi32, #tpu.memory_space<vmem>>, vector<16xi32>,
          %parallel_loop3A_72 = arith.constant 10000 : i32
          %parallel_loop3A_73 = vector.broadcast %parallel_loop3A_72 : i32 to vector<16xi32>
          %parallel_loop3A_74 = arith.addi %parallel_loop3A_71, %parallel_loop3A_73 : vector<16xi32>
          %parallel_loop3A_75 = arith.index_cast %parallel_loop3A_59 : i32 to index
          %parallel_loop3A_76 = arith.constant 16 : index
          %parallel_loop3A_77 = tpu.vector_load %arg7[%parallel_loop3A_75, %parallel_loop3A_76] {strides = array<i32>} : memref<40x128xi32, #tpu.memory_space<vmem>>, vector<16xi32>,
          tpu.vector_store %arg7[%parallel_loop3A_75, %parallel_loop3A_76], %parallel_loop3A_74 {strides = array<i32>} : memref<40x128xi32, #tpu.memory_space<vmem>>, vector<16xi32>,
          %parallel_loop3A_78 = arith.index_cast %parallel_loop3A_59 : i32 to index
          %parallel_loop3A_79 = arith.constant 32 : index
          %parallel_loop3A_80 = tpu.vector_load %arg7[%parallel_loop3A_78, %parallel_loop3A_79] {strides = array<i32>} : memref<40x128xi32, #tpu.memory_space<vmem>>, vector<16xi32>,
          %parallel_loop3A_81 = arith.constant 10000 : i32
          %parallel_loop3A_82 = vector.broadcast %parallel_loop3A_81 : i32 to vector<16xi32>
          %parallel_loop3A_83 = arith.addi %parallel_loop3A_80, %parallel_loop3A_82 : vector<16xi32>
          %parallel_loop3A_84 = arith.index_cast %parallel_loop3A_59 : i32 to index
          %parallel_loop3A_85 = arith.constant 32 : index
          %parallel_loop3A_86 = tpu.vector_load %arg7[%parallel_loop3A_84, %parallel_loop3A_85] {strides = array<i32>} : memref<40x128xi32, #tpu.memory_space<vmem>>, vector<16xi32>,
          tpu.vector_store %arg7[%parallel_loop3A_84, %parallel_loop3A_85], %parallel_loop3A_83 {strides = array<i32>} : memref<40x128xi32, #tpu.memory_space<vmem>>, vector<16xi32>,
          %parallel_loop3A_87 = arith.index_cast %parallel_loop3A_59 : i32 to index
          %parallel_loop3A_88 = arith.constant 48 : index
          %parallel_loop3A_89 = tpu.vector_load %arg7[%parallel_loop3A_87, %parallel_loop3A_88] {strides = array<i32>} : memref<40x128xi32, #tpu.memory_space<vmem>>, vector<16xi32>,
          %parallel_loop3A_90 = arith.constant 10000 : i32
          %parallel_loop3A_91 = vector.broadcast %parallel_loop3A_90 : i32 to vector<16xi32>
          %parallel_loop3A_92 = arith.addi %parallel_loop3A_89, %parallel_loop3A_91 : vector<16xi32>
          %parallel_loop3A_93 = arith.index_cast %parallel_loop3A_59 : i32 to index
          %parallel_loop3A_94 = arith.constant 48 : index
          %parallel_loop3A_95 = tpu.vector_load %arg7[%parallel_loop3A_93, %parallel_loop3A_94] {strides = array<i32>} : memref<40x128xi32, #tpu.memory_space<vmem>>, vector<16xi32>,
          tpu.vector_store %arg7[%parallel_loop3A_93, %parallel_loop3A_94], %parallel_loop3A_92 {strides = array<i32>} : memref<40x128xi32, #tpu.memory_space<vmem>>, vector<16xi32>,
          %parallel_loop3A_96 = arith.index_cast %parallel_loop3A_59 : i32 to index
          %parallel_loop3A_97 = arith.constant 64 : index
          %parallel_loop3A_98 = tpu.vector_load %arg7[%parallel_loop3A_96, %parallel_loop3A_97] {strides = array<i32>} : memref<40x128xi32, #tpu.memory_space<vmem>>, vector<16xi32>,
          %parallel_loop3A_99 = arith.constant 10000 : i32
          %parallel_loop3A_100 = vector.broadcast %parallel_loop3A_99 : i32 to vector<16xi32>
          %parallel_loop3A_101 = arith.addi %parallel_loop3A_98, %parallel_loop3A_100 : vector<16xi32>
          %parallel_loop3A_102 = arith.index_cast %parallel_loop3A_59 : i32 to index
          %parallel_loop3A_103 = arith.constant 64 : index
          %parallel_loop3A_104 = tpu.vector_load %arg7[%parallel_loop3A_102, %parallel_loop3A_103] {strides = array<i32>} : memref<40x128xi32, #tpu.memory_space<vmem>>, vector<16xi32>,
          tpu.vector_store %arg7[%parallel_loop3A_102, %parallel_loop3A_103], %parallel_loop3A_101 {strides = array<i32>} : memref<40x128xi32, #tpu.memory_space<vmem>>, vector<16xi32>,
          %parallel_loop3A_105 = arith.index_cast %parallel_loop3A_59 : i32 to index
          %parallel_loop3A_106 = arith.constant 80 : index
          %parallel_loop3A_107 = tpu.vector_load %arg7[%parallel_loop3A_105, %parallel_loop3A_106] {strides = array<i32>} : memref<40x128xi32, #tpu.memory_space<vmem>>, vector<16xi32>,
          %parallel_loop3A_108 = arith.constant 10000 : i32
          %parallel_loop3A_109 = vector.broadcast %parallel_loop3A_108 : i32 to vector<16xi32>
          %parallel_loop3A_110 = arith.addi %parallel_loop3A_107, %parallel_loop3A_109 : vector<16xi32>
          %parallel_loop3A_111 = arith.index_cast %parallel_loop3A_59 : i32 to index
          %parallel_loop3A_112 = arith.constant 80 : index
          %parallel_loop3A_113 = tpu.vector_load %arg7[%parallel_loop3A_111, %parallel_loop3A_112] {strides = array<i32>} : memref<40x128xi32, #tpu.memory_space<vmem>>, vector<16xi32>,
          tpu.vector_store %arg7[%parallel_loop3A_111, %parallel_loop3A_112], %parallel_loop3A_110 {strides = array<i32>} : memref<40x128xi32, #tpu.memory_space<vmem>>, vector<16xi32>,
          %parallel_loop3A_114 = arith.index_cast %parallel_loop3A_59 : i32 to index
          %parallel_loop3A_115 = arith.constant 96 : index
          %parallel_loop3A_116 = tpu.vector_load %arg7[%parallel_loop3A_114, %parallel_loop3A_115] {strides = array<i32>} : memref<40x128xi32, #tpu.memory_space<vmem>>, vector<16xi32>,
          %parallel_loop3A_117 = arith.constant 10000 : i32
          %parallel_loop3A_118 = vector.broadcast %parallel_loop3A_117 : i32 to vector<16xi32>
          %parallel_loop3A_119 = arith.addi %parallel_loop3A_116, %parallel_loop3A_118 : vector<16xi32>
          %parallel_loop3A_120 = arith.index_cast %parallel_loop3A_59 : i32 to index
          %parallel_loop3A_121 = arith.constant 96 : index
          %parallel_loop3A_122 = tpu.vector_load %arg7[%parallel_loop3A_120, %parallel_loop3A_121] {strides = array<i32>} : memref<40x128xi32, #tpu.memory_space<vmem>>, vector<16xi32>,
          tpu.vector_store %arg7[%parallel_loop3A_120, %parallel_loop3A_121], %parallel_loop3A_119 {strides = array<i32>} : memref<40x128xi32, #tpu.memory_space<vmem>>, vector<16xi32>,
          %parallel_loop3A_123 = arith.index_cast %parallel_loop3A_59 : i32 to index
          %parallel_loop3A_124 = arith.constant 112 : index
          %parallel_loop3A_125 = tpu.vector_load %arg7[%parallel_loop3A_123, %parallel_loop3A_124] {strides = array<i32>} : memref<40x128xi32, #tpu.memory_space<vmem>>, vector<16xi32>,
          %parallel_loop3A_126 = arith.constant 10000 : i32
          %parallel_loop3A_127 = vector.broadcast %parallel_loop3A_126 : i32 to vector<16xi32>
          %parallel_loop3A_128 = arith.addi %parallel_loop3A_125, %parallel_loop3A_127 : vector<16xi32>
          %parallel_loop3A_129 = arith.index_cast %parallel_loop3A_59 : i32 to index
          %parallel_loop3A_130 = arith.constant 112 : index
          %parallel_loop3A_131 = tpu.vector_load %arg7[%parallel_loop3A_129, %parallel_loop3A_130] {strides = array<i32>} : memref<40x128xi32, #tpu.memory_space<vmem>>, vector<16xi32>,
          tpu.vector_store %arg7[%parallel_loop3A_129, %parallel_loop3A_130], %parallel_loop3A_128 {strides = array<i32>} : memref<40x128xi32, #tpu.memory_space<vmem>>, vector<16xi32>,
        } {sc.loop_unroll_factor = 1 : i64, sc.parallel_access}
      } else {
      }
      %parallel_loop3A = arith.constant 0 : i32
      %parallel_loop3A_11 = arith.constant 64 : i32
      %parallel_loop3A_12 = arith.constant 1 : i32
      scf.for %parallel_loop3A_56 = %parallel_loop3A to %parallel_loop3A_11 step %parallel_loop3A_12  : i32 {
        %parallel_loop3A_57 = arith.constant 0.000000e+00 : f32
        %parallel_loop3A_58 = vector.broadcast %parallel_loop3A_57 : f32 to vector<16xf32>
        %parallel_loop3A_59 = arith.index_cast %parallel_loop3A_56 : i32 to index
        %parallel_loop3A_60 = arith.constant 0 : index
        %parallel_loop3A_61 = tpu.vector_load %arg12[%parallel_loop3A_59, %parallel_loop3A_60] {strides = array<i32>} : memref<64x128xf32, #tpu.memory_space<vmem>>, vector<16xf32>,
        tpu.vector_store %arg12[%parallel_loop3A_59, %parallel_loop3A_60], %parallel_loop3A_58 {strides = array<i32>} : memref<64x128xf32, #tpu.memory_space<vmem>>, vector<16xf32>,
        %parallel_loop3A_62 = arith.constant 0.000000e+00 : f32
        %parallel_loop3A_63 = vector.broadcast %parallel_loop3A_62 : f32 to vector<16xf32>
        %parallel_loop3A_64 = arith.index_cast %parallel_loop3A_56 : i32 to index
        %parallel_loop3A_65 = arith.constant 16 : index
        %parallel_loop3A_66 = tpu.vector_load %arg12[%parallel_loop3A_64, %parallel_loop3A_65] {strides = array<i32>} : memref<64x128xf32, #tpu.memory_space<vmem>>, vector<16xf32>,
        tpu.vector_store %arg12[%parallel_loop3A_64, %parallel_loop3A_65], %parallel_loop3A_63 {strides = array<i32>} : memref<64x128xf32, #tpu.memory_space<vmem>>, vector<16xf32>,
        %parallel_loop3A_67 = arith.constant 0.000000e+00 : f32
        %parallel_loop3A_68 = vector.broadcast %parallel_loop3A_67 : f32 to vector<16xf32>
        %parallel_loop3A_69 = arith.index_cast %parallel_loop3A_56 : i32 to index
        %parallel_loop3A_70 = arith.constant 32 : index
        %parallel_loop3A_71 = tpu.vector_load %arg12[%parallel_loop3A_69, %parallel_loop3A_70] {strides = array<i32>} : memref<64x128xf32, #tpu.memory_space<vmem>>, vector<16xf32>,
        tpu.vector_store %arg12[%parallel_loop3A_69, %parallel_loop3A_70], %parallel_loop3A_68 {strides = array<i32>} : memref<64x128xf32, #tpu.memory_space<vmem>>, vector<16xf32>,
        %parallel_loop3A_72 = arith.constant 0.000000e+00 : f32
        %parallel_loop3A_73 = vector.broadcast %parallel_loop3A_72 : f32 to vector<16xf32>
        %parallel_loop3A_74 = arith.index_cast %parallel_loop3A_56 : i32 to index
        %parallel_loop3A_75 = arith.constant 48 : index
        %parallel_loop3A_76 = tpu.vector_load %arg12[%parallel_loop3A_74, %parallel_loop3A_75] {strides = array<i32>} : memref<64x128xf32, #tpu.memory_space<vmem>>, vector<16xf32>,
        tpu.vector_store %arg12[%parallel_loop3A_74, %parallel_loop3A_75], %parallel_loop3A_73 {strides = array<i32>} : memref<64x128xf32, #tpu.memory_space<vmem>>, vector<16xf32>,
        %parallel_loop3A_77 = arith.constant 0.000000e+00 : f32
        %parallel_loop3A_78 = vector.broadcast %parallel_loop3A_77 : f32 to vector<16xf32>
        %parallel_loop3A_79 = arith.index_cast %parallel_loop3A_56 : i32 to index
        %parallel_loop3A_80 = arith.constant 64 : index
        %parallel_loop3A_81 = tpu.vector_load %arg12[%parallel_loop3A_79, %parallel_loop3A_80] {strides = array<i32>} : memref<64x128xf32, #tpu.memory_space<vmem>>, vector<16xf32>,
        tpu.vector_store %arg12[%parallel_loop3A_79, %parallel_loop3A_80], %parallel_loop3A_78 {strides = array<i32>} : memref<64x128xf32, #tpu.memory_space<vmem>>, vector<16xf32>,
        %parallel_loop3A_82 = arith.constant 0.000000e+00 : f32
        %parallel_loop3A_83 = vector.broadcast %parallel_loop3A_82 : f32 to vector<16xf32>
        %parallel_loop3A_84 = arith.index_cast %parallel_loop3A_56 : i32 to index
        %parallel_loop3A_85 = arith.constant 80 : index
        %parallel_loop3A_86 = tpu.vector_load %arg12[%parallel_loop3A_84, %parallel_loop3A_85] {strides = array<i32>} : memref<64x128xf32, #tpu.memory_space<vmem>>, vector<16xf32>,
        tpu.vector_store %arg12[%parallel_loop3A_84, %parallel_loop3A_85], %parallel_loop3A_83 {strides = array<i32>} : memref<64x128xf32, #tpu.memory_space<vmem>>, vector<16xf32>,
        %parallel_loop3A_87 = arith.constant 0.000000e+00 : f32
        %parallel_loop3A_88 = vector.broadcast %parallel_loop3A_87 : f32 to vector<16xf32>
        %parallel_loop3A_89 = arith.index_cast %parallel_loop3A_56 : i32 to index
        %parallel_loop3A_90 = arith.constant 96 : index
        %parallel_loop3A_91 = tpu.vector_load %arg12[%parallel_loop3A_89, %parallel_loop3A_90] {strides = array<i32>} : memref<64x128xf32, #tpu.memory_space<vmem>>, vector<16xf32>,
        tpu.vector_store %arg12[%parallel_loop3A_89, %parallel_loop3A_90], %parallel_loop3A_88 {strides = array<i32>} : memref<64x128xf32, #tpu.memory_space<vmem>>, vector<16xf32>,
        %parallel_loop3A_92 = arith.constant 0.000000e+00 : f32
        %parallel_loop3A_93 = vector.broadcast %parallel_loop3A_92 : f32 to vector<16xf32>
        %parallel_loop3A_94 = arith.index_cast %parallel_loop3A_56 : i32 to index
        %parallel_loop3A_95 = arith.constant 112 : index
        %parallel_loop3A_96 = tpu.vector_load %arg12[%parallel_loop3A_94, %parallel_loop3A_95] {strides = array<i32>} : memref<64x128xf32, #tpu.memory_space<vmem>>, vector<16xf32>,
        tpu.vector_store %arg12[%parallel_loop3A_94, %parallel_loop3A_95], %parallel_loop3A_93 {strides = array<i32>} : memref<64x128xf32, #tpu.memory_space<vmem>>, vector<16xf32>,
      } {sc.loop_unroll_factor = 2 : i64, sc.parallel_access}
      %scan3A_13 = arith.constant 0 : i32
      %scan3A_14 = arith.constant 0 : i32
      %scan3A_15 = arith.constant 10 : i32
      %scan3A_16 = arith.addi %scan3A_14, %scan3A_15 : i32
      %scan3A_17 = arith.constant 1 : i32
      scf.for %scan3A_56 = %scan3A_14 to %scan3A_16 step %scan3A_17  : i32 {
        %mul3A_57 = arith.constant 640 : i32
        %mul3A_58 = arith.muli %arg1, %mul3A_57 : i32
        %mul3A_59 = arith.constant 64 : i32
        %mul3A_60 = arith.muli %scan3A_56, %mul3A_59 : i32
        %add3A_61 = arith.addi %mul3A_58, %mul3A_60 : i32
        "tpu.region"() ({
          %run_scoped3A = tpu.sem_alloc : memref<!tpu.dma_semaphore, #tpu.memory_space<semaphore_mem>>
          %dma_start3A_62 = arith.constant 0 : i32
          %dma_start3A_63 = tpu.memref_slice %arg14[%add3A_61, %dma_start3A_62] : memref<10240x128xf32, #tpu.memory_space<vmem_shared>> -> memref<64x128xf32, #tpu.memory_space<vmem_shared>>
          %dma_start3A_64 = arith.constant 0 : i32
          %dma_start3A_65 = tpu.memref_slice %arg14[%add3A_61, %dma_start3A_64] : memref<10240x128xf32, #tpu.memory_space<vmem_shared>> -> memref<64x128xf32, #tpu.memory_space<vmem_shared>>
          tpu.enqueue_dma source(%arg12 : memref<64x128xf32, #tpu.memory_space<vmem>>) target(%dma_start3A_65 : memref<64x128xf32, #tpu.memory_space<vmem_shared>>) target_semaphore(%run_scoped3A : memref<!tpu.dma_semaphore, #tpu.memory_space<semaphore_mem>>)
          %dma_wait3A_66 = arith.constant 0 : i32
          %dma_wait3A_67 = tpu.memref_slice %arg14[%add3A_61, %dma_wait3A_66] : memref<10240x128xf32, #tpu.memory_space<vmem_shared>> -> memref<64x128xf32, #tpu.memory_space<vmem_shared>>
          %dma_wait3A_68 = arith.constant 0 : i32
          %dma_wait3A_69 = tpu.memref_slice %arg14[%add3A_61, %dma_wait3A_68] : memref<10240x128xf32, #tpu.memory_space<vmem_shared>> -> memref<64x128xf32, #tpu.memory_space<vmem_shared>>
          tpu.wait_dma2 semaphore(%run_scoped3A : memref<!tpu.dma_semaphore, #tpu.memory_space<semaphore_mem>>) src(%arg12 : memref<64x128xf32, #tpu.memory_space<vmem>>) dst(%dma_wait3A_69 : memref<64x128xf32, #tpu.memory_space<vmem_shared>>)
          tpu.yield
        }) : () -> ()
      }
      %scan3A_18 = arith.constant 10 : i32
      %barrier3A = arith.constant 0 : index
      tpu.barrier barrier_id(%barrier3A)
      %dma_start3A = arith.constant 0 : i32
      %dma_start3A_19 = arith.constant 0 : i32
      %dma_start3A_20 = tpu.memref_slice %arg7[%dma_start3A, %dma_start3A_19] : memref<40x128xi32, #tpu.memory_space<vmem>> -> memref<1x64xi32, #tpu.memory_space<vmem>>
      %dma_start3A_21 = tpu.memref_squeeze %dma_start3A_20 : memref<1x64xi32, #tpu.memory_space<vmem>> -> memref<64xi32, #tpu.memory_space<vmem>>
      %dma_start3A_22 = arith.constant 0 : i32
      %dma_start3A_23 = arith.constant 0 : i32
      %dma_start3A_24 = tpu.memref_slice %arg2[%dma_start3A_22, %dma_start3A_23] : memref<40000x128xf32, #tpu.memory_space<hbm>> -> memref<40000x128xf32, #tpu.memory_space<hbm>>
      tpu.enqueue_indirect_dma source(%dma_start3A_24 : memref<40000x128xf32, #tpu.memory_space<hbm>>) target(%arg10 : memref<64x128xf32, #tpu.memory_space<vmem>>) offsets(%dma_start3A_21 : memref<64xi32, #tpu.memory_space<vmem>>) semaphore(%arg15 : memref<!tpu.dma_semaphore, #tpu.memory_space<semaphore_mem>>)
      %dma_start3A_25 = arith.constant 0 : i32
      %dma_start3A_26 = arith.constant 64 : i32
      %dma_start3A_27 = tpu.memref_slice %arg7[%dma_start3A_25, %dma_start3A_26] : memref<40x128xi32, #tpu.memory_space<vmem>> -> memref<1x64xi32, #tpu.memory_space<vmem>>
      %dma_start3A_28 = tpu.memref_squeeze %dma_start3A_27 : memref<1x64xi32, #tpu.memory_space<vmem>> -> memref<64xi32, #tpu.memory_space<vmem>>
      %dma_start3A_29 = arith.constant 0 : i32
      %dma_start3A_30 = arith.constant 0 : i32
      %dma_start3A_31 = tpu.memref_slice %arg2[%dma_start3A_29, %dma_start3A_30] : memref<40000x128xf32, #tpu.memory_space<hbm>> -> memref<40000x128xf32, #tpu.memory_space<hbm>>
      tpu.enqueue_indirect_dma source(%dma_start3A_31 : memref<40000x128xf32, #tpu.memory_space<hbm>>) target(%arg11 : memref<64x128xf32, #tpu.memory_space<vmem>>) offsets(%dma_start3A_28 : memref<64xi32, #tpu.memory_space<vmem>>) semaphore(%arg16 : memref<!tpu.dma_semaphore, #tpu.memory_space<semaphore_mem>>)
      %scan3A_32 = arith.constant 0 : i32
      %scan3A_33 = arith.constant 0 : i32
      %scan3A_34 = arith.constant 40 : i32
      %scan3A_35 = arith.addi %scan3A_33, %scan3A_34 : i32
      %scan3A_36 = arith.constant 1 : i32
      scf.for %scan3A_56 = %scan3A_33 to %scan3A_35 step %scan3A_36  : i32 {
        %dma_wait3A_57 = arith.constant 0 : i32
        %dma_wait3A_58 = tpu.memref_slice %arg7[%scan3A_56, %dma_wait3A_57] : memref<40x128xi32, #tpu.memory_space<vmem>> -> memref<1x64xi32, #tpu.memory_space<vmem>>
        %dma_wait3A_59 = tpu.memref_squeeze %dma_wait3A_58 : memref<1x64xi32, #tpu.memory_space<vmem>> -> memref<64xi32, #tpu.memory_space<vmem>>
        %dma_wait3A_60 = arith.constant 0 : i32
        %dma_wait3A_61 = arith.constant 0 : i32
        %dma_wait3A_62 = tpu.memref_slice %arg2[%dma_wait3A_60, %dma_wait3A_61] : memref<40000x128xf32, #tpu.memory_space<hbm>> -> memref<40000x128xf32, #tpu.memory_space<hbm>>
        tpu.wait_indirect_dma semaphore(%arg15 : memref<!tpu.dma_semaphore, #tpu.memory_space<semaphore_mem>>) src(%dma_wait3A_62 : memref<40000x128xf32, #tpu.memory_space<hbm>>) dst(%arg10 : memref<64x128xf32, #tpu.memory_space<vmem>>)
        %gt3A_63 = arith.constant 0 : i32
        %gt3A_64 = arith.cmpi sgt, %scan3A_56, %gt3A_63 : i32
        %convert_element_type3A_65 = arith.extui %gt3A_64 : i1 to i32
        %cond3A_66 = arith.constant 0 : i32
        %cond3A_67 = arith.cmpi ne, %convert_element_type3A_65, %cond3A_66 : i32
        scf.if %cond3A_67 {
          %sub3A = arith.constant 1 : i32
          %sub3A_106 = arith.subi %scan3A_56, %sub3A : i32
          %dma_wait3A_107 = arith.constant 0 : i32
          %dma_wait3A_108 = tpu.memref_slice %arg8[%sub3A_106, %dma_wait3A_107] : memref<40x128xi32, #tpu.memory_space<vmem>> -> memref<1x64xi32, #tpu.memory_space<vmem>>
          %dma_wait3A_109 = tpu.memref_squeeze %dma_wait3A_108 : memref<1x64xi32, #tpu.memory_space<vmem>> -> memref<64xi32, #tpu.memory_space<vmem>>
          %dma_wait3A_110 = arith.constant 0 : i32
          %dma_wait3A_111 = arith.constant 0 : i32
          %dma_wait3A_112 = tpu.memref_slice %arg14[%dma_wait3A_110, %dma_wait3A_111] : memref<10240x128xf32, #tpu.memory_space<vmem_shared>> -> memref<10240x128xf32, #tpu.memory_space<vmem_shared>>
          tpu.wait_indirect_dma semaphore(%arg17 : memref<!tpu.dma_semaphore, #tpu.memory_space<semaphore_mem>>) src(%arg12 : memref<64x128xf32, #tpu.memory_space<vmem>>) dst(%dma_wait3A_112 : memref<10240x128xf32, #tpu.memory_space<vmem_shared>>)
        } else {
        }
        %parallel_loop3A_68 = arith.constant 0 : i32
        %parallel_loop3A_69 = arith.constant 64 : i32
        %parallel_loop3A_70 = arith.constant 1 : i32
        scf.for %parallel_loop3A_106 = %parallel_loop3A_68 to %parallel_loop3A_69 step %parallel_loop3A_70  : i32 {
          %parallel_loop3A_107 = vector.broadcast %scan3A_56 : i32 to vector<16xi32>
          %parallel_loop3A_108 = arith.constant 0 : i32
          %parallel_loop3A_109 = arith.addi %parallel_loop3A_108, %parallel_loop3A_106 : i32
          %parallel_loop3A_110 = vector.broadcast %parallel_loop3A_109 : i32 to vector<16xi32>
          %parallel_loop3A_111 = tpu.vector_load_idx %arg9[%parallel_loop3A_107, %parallel_loop3A_110] : memref<40x128xf32, #tpu.memory_space<vmem>>[vector<16xi32>, vector<16xi32>], vector<16xf32>,
          %parallel_loop3A_112 = arith.index_cast %parallel_loop3A_106 : i32 to index
          %parallel_loop3A_113 = arith.constant 0 : index
          %parallel_loop3A_114 = tpu.vector_load %arg10[%parallel_loop3A_112, %parallel_loop3A_113] {strides = array<i32>} : memref<64x128xf32, #tpu.memory_space<vmem>>, vector<16xf32>,
          %parallel_loop3A_115 = arith.mulf %parallel_loop3A_114, %parallel_loop3A_111 : vector<16xf32>
          %parallel_loop3A_116 = arith.index_cast %parallel_loop3A_106 : i32 to index
          %parallel_loop3A_117 = arith.constant 0 : index
          %parallel_loop3A_118 = tpu.vector_load %arg12[%parallel_loop3A_116, %parallel_loop3A_117] {strides = array<i32>} : memref<64x128xf32, #tpu.memory_space<vmem>>, vector<16xf32>,
          tpu.vector_store %arg12[%parallel_loop3A_116, %parallel_loop3A_117], %parallel_loop3A_115 {strides = array<i32>} : memref<64x128xf32, #tpu.memory_space<vmem>>, vector<16xf32>,
          %parallel_loop3A_119 = arith.index_cast %parallel_loop3A_106 : i32 to index
          %parallel_loop3A_120 = arith.constant 16 : index
          %parallel_loop3A_121 = tpu.vector_load %arg10[%parallel_loop3A_119, %parallel_loop3A_120] {strides = array<i32>} : memref<64x128xf32, #tpu.memory_space<vmem>>, vector<16xf32>,
          %parallel_loop3A_122 = arith.mulf %parallel_loop3A_121, %parallel_loop3A_111 : vector<16xf32>
          %parallel_loop3A_123 = arith.index_cast %parallel_loop3A_106 : i32 to index
          %parallel_loop3A_124 = arith.constant 16 : index
          %parallel_loop3A_125 = tpu.vector_load %arg12[%parallel_loop3A_123, %parallel_loop3A_124] {strides = array<i32>} : memref<64x128xf32, #tpu.memory_space<vmem>>, vector<16xf32>,
          tpu.vector_store %arg12[%parallel_loop3A_123, %parallel_loop3A_124], %parallel_loop3A_122 {strides = array<i32>} : memref<64x128xf32, #tpu.memory_space<vmem>>, vector<16xf32>,
          %parallel_loop3A_126 = arith.index_cast %parallel_loop3A_106 : i32 to index
          %parallel_loop3A_127 = arith.constant 32 : index
          %parallel_loop3A_128 = tpu.vector_load %arg10[%parallel_loop3A_126, %parallel_loop3A_127] {strides = array<i32>} : memref<64x128xf32, #tpu.memory_space<vmem>>, vector<16xf32>,
          %parallel_loop3A_129 = arith.mulf %parallel_loop3A_128, %parallel_loop3A_111 : vector<16xf32>
          %parallel_loop3A_130 = arith.index_cast %parallel_loop3A_106 : i32 to index
          %parallel_loop3A_131 = arith.constant 32 : index
          %parallel_loop3A_132 = tpu.vector_load %arg12[%parallel_loop3A_130, %parallel_loop3A_131] {strides = array<i32>} : memref<64x128xf32, #tpu.memory_space<vmem>>, vector<16xf32>,
          tpu.vector_store %arg12[%parallel_loop3A_130, %parallel_loop3A_131], %parallel_loop3A_129 {strides = array<i32>} : memref<64x128xf32, #tpu.memory_space<vmem>>, vector<16xf32>,
          %parallel_loop3A_133 = arith.index_cast %parallel_loop3A_106 : i32 to index
          %parallel_loop3A_134 = arith.constant 48 : index
          %parallel_loop3A_135 = tpu.vector_load %arg10[%parallel_loop3A_133, %parallel_loop3A_134] {strides = array<i32>} : memref<64x128xf32, #tpu.memory_space<vmem>>, vector<16xf32>,
          %parallel_loop3A_136 = arith.mulf %parallel_loop3A_135, %parallel_loop3A_111 : vector<16xf32>
          %parallel_loop3A_137 = arith.index_cast %parallel_loop3A_106 : i32 to index
          %parallel_loop3A_138 = arith.constant 48 : index
          %parallel_loop3A_139 = tpu.vector_load %arg12[%parallel_loop3A_137, %parallel_loop3A_138] {strides = array<i32>} : memref<64x128xf32, #tpu.memory_space<vmem>>, vector<16xf32>,
          tpu.vector_store %arg12[%parallel_loop3A_137, %parallel_loop3A_138], %parallel_loop3A_136 {strides = array<i32>} : memref<64x128xf32, #tpu.memory_space<vmem>>, vector<16xf32>,
          %parallel_loop3A_140 = arith.index_cast %parallel_loop3A_106 : i32 to index
          %parallel_loop3A_141 = arith.constant 64 : index
          %parallel_loop3A_142 = tpu.vector_load %arg10[%parallel_loop3A_140, %parallel_loop3A_141] {strides = array<i32>} : memref<64x128xf32, #tpu.memory_space<vmem>>, vector<16xf32>,
          %parallel_loop3A_143 = arith.mulf %parallel_loop3A_142, %parallel_loop3A_111 : vector<16xf32>
          %parallel_loop3A_144 = arith.index_cast %parallel_loop3A_106 : i32 to index
          %parallel_loop3A_145 = arith.constant 64 : index
          %parallel_loop3A_146 = tpu.vector_load %arg12[%parallel_loop3A_144, %parallel_loop3A_145] {strides = array<i32>} : memref<64x128xf32, #tpu.memory_space<vmem>>, vector<16xf32>,
          tpu.vector_store %arg12[%parallel_loop3A_144, %parallel_loop3A_145], %parallel_loop3A_143 {strides = array<i32>} : memref<64x128xf32, #tpu.memory_space<vmem>>, vector<16xf32>,
          %parallel_loop3A_147 = arith.index_cast %parallel_loop3A_106 : i32 to index
          %parallel_loop3A_148 = arith.constant 80 : index
          %parallel_loop3A_149 = tpu.vector_load %arg10[%parallel_loop3A_147, %parallel_loop3A_148] {strides = array<i32>} : memref<64x128xf32, #tpu.memory_space<vmem>>, vector<16xf32>,
          %parallel_loop3A_150 = arith.mulf %parallel_loop3A_149, %parallel_loop3A_111 : vector<16xf32>
          %parallel_loop3A_151 = arith.index_cast %parallel_loop3A_106 : i32 to index
          %parallel_loop3A_152 = arith.constant 80 : index
          %parallel_loop3A_153 = tpu.vector_load %arg12[%parallel_loop3A_151, %parallel_loop3A_152] {strides = array<i32>} : memref<64x128xf32, #tpu.memory_space<vmem>>, vector<16xf32>,
          tpu.vector_store %arg12[%parallel_loop3A_151, %parallel_loop3A_152], %parallel_loop3A_150 {strides = array<i32>} : memref<64x128xf32, #tpu.memory_space<vmem>>, vector<16xf32>,
          %parallel_loop3A_154 = arith.index_cast %parallel_loop3A_106 : i32 to index
          %parallel_loop3A_155 = arith.constant 96 : index
          %parallel_loop3A_156 = tpu.vector_load %arg10[%parallel_loop3A_154, %parallel_loop3A_155] {strides = array<i32>} : memref<64x128xf32, #tpu.memory_space<vmem>>, vector<16xf32>,
          %parallel_loop3A_157 = arith.mulf %parallel_loop3A_156, %parallel_loop3A_111 : vector<16xf32>
          %parallel_loop3A_158 = arith.index_cast %parallel_loop3A_106 : i32 to index
          %parallel_loop3A_159 = arith.constant 96 : index
          %parallel_loop3A_160 = tpu.vector_load %arg12[%parallel_loop3A_158, %parallel_loop3A_159] {strides = array<i32>} : memref<64x128xf32, #tpu.memory_space<vmem>>, vector<16xf32>,
          tpu.vector_store %arg12[%parallel_loop3A_158, %parallel_loop3A_159], %parallel_loop3A_157 {strides = array<i32>} : memref<64x128xf32, #tpu.memory_space<vmem>>, vector<16xf32>,
          %parallel_loop3A_161 = arith.index_cast %parallel_loop3A_106 : i32 to index
          %parallel_loop3A_162 = arith.constant 112 : index
          %parallel_loop3A_163 = tpu.vector_load %arg10[%parallel_loop3A_161, %parallel_loop3A_162] {strides = array<i32>} : memref<64x128xf32, #tpu.memory_space<vmem>>, vector<16xf32>,
          %parallel_loop3A_164 = arith.mulf %parallel_loop3A_163, %parallel_loop3A_111 : vector<16xf32>
          %parallel_loop3A_165 = arith.index_cast %parallel_loop3A_106 : i32 to index
          %parallel_loop3A_166 = arith.constant 112 : index
          %parallel_loop3A_167 = tpu.vector_load %arg12[%parallel_loop3A_165, %parallel_loop3A_166] {strides = array<i32>} : memref<64x128xf32, #tpu.memory_space<vmem>>, vector<16xf32>,
          tpu.vector_store %arg12[%parallel_loop3A_165, %parallel_loop3A_166], %parallel_loop3A_164 {strides = array<i32>} : memref<64x128xf32, #tpu.memory_space<vmem>>, vector<16xf32>,
        } {sc.loop_unroll_factor = 2 : i64, sc.parallel_access}
        %lt3A = arith.constant 39 : i32
        %lt3A_71 = arith.cmpi slt, %scan3A_56, %lt3A : i32
        %convert_element_type3A_72 = arith.extui %lt3A_71 : i1 to i32
        %cond3A_73 = arith.constant 0 : i32
        %cond3A_74 = arith.cmpi ne, %convert_element_type3A_72, %cond3A_73 : i32
        scf.if %cond3A_74 {
          %add3A_106 = arith.constant 1 : i32
          %add3A_107 = arith.addi %scan3A_56, %add3A_106 : i32
          %dma_start3A_108 = arith.constant 0 : i32
          %dma_start3A_109 = tpu.memref_slice %arg7[%add3A_107, %dma_start3A_108] : memref<40x128xi32, #tpu.memory_space<vmem>> -> memref<1x64xi32, #tpu.memory_space<vmem>>
          %dma_start3A_110 = tpu.memref_squeeze %dma_start3A_109 : memref<1x64xi32, #tpu.memory_space<vmem>> -> memref<64xi32, #tpu.memory_space<vmem>>
          %dma_start3A_111 = arith.constant 0 : i32
          %dma_start3A_112 = arith.constant 0 : i32
          %dma_start3A_113 = tpu.memref_slice %arg2[%dma_start3A_111, %dma_start3A_112] : memref<40000x128xf32, #tpu.memory_space<hbm>> -> memref<40000x128xf32, #tpu.memory_space<hbm>>
          tpu.enqueue_indirect_dma source(%dma_start3A_113 : memref<40000x128xf32, #tpu.memory_space<hbm>>) target(%arg10 : memref<64x128xf32, #tpu.memory_space<vmem>>) offsets(%dma_start3A_110 : memref<64xi32, #tpu.memory_space<vmem>>) semaphore(%arg15 : memref<!tpu.dma_semaphore, #tpu.memory_space<semaphore_mem>>)
        } else {
        }
        %dma_start3A_75 = arith.constant 0 : i32
        %dma_start3A_76 = tpu.memref_slice %arg8[%scan3A_56, %dma_start3A_75] : memref<40x128xi32, #tpu.memory_space<vmem>> -> memref<1x64xi32, #tpu.memory_space<vmem>>
        %dma_start3A_77 = tpu.memref_squeeze %dma_start3A_76 : memref<1x64xi32, #tpu.memory_space<vmem>> -> memref<64xi32, #tpu.memory_space<vmem>>
        %dma_start3A_78 = arith.constant 0 : i32
        %dma_start3A_79 = arith.constant 0 : i32
        %dma_start3A_80 = tpu.memref_slice %arg14[%dma_start3A_78, %dma_start3A_79] : memref<10240x128xf32, #tpu.memory_space<vmem_shared>> -> memref<10240x128xf32, #tpu.memory_space<vmem_shared>>
        tpu.enqueue_indirect_dma source(%arg12 : memref<64x128xf32, #tpu.memory_space<vmem>>) target(%dma_start3A_80 : memref<10240x128xf32, #tpu.memory_space<vmem_shared>>) offsets(%dma_start3A_77 : memref<64xi32, #tpu.memory_space<vmem>>) semaphore(%arg17 : memref<!tpu.dma_semaphore, #tpu.memory_space<semaphore_mem>>) {add = true}
        %dma_wait3A_81 = arith.constant 64 : i32
        %dma_wait3A_82 = tpu.memref_slice %arg7[%scan3A_56, %dma_wait3A_81] : memref<40x128xi32, #tpu.memory_space<vmem>> -> memref<1x64xi32, #tpu.memory_space<vmem>>
        %dma_wait3A_83 = tpu.memref_squeeze %dma_wait3A_82 : memref<1x64xi32, #tpu.memory_space<vmem>> -> memref<64xi32, #tpu.memory_space<vmem>>
        %dma_wait3A_84 = arith.constant 0 : i32
        %dma_wait3A_85 = arith.constant 0 : i32
        %dma_wait3A_86 = tpu.memref_slice %arg2[%dma_wait3A_84, %dma_wait3A_85] : memref<40000x128xf32, #tpu.memory_space<hbm>> -> memref<40000x128xf32, #tpu.memory_space<hbm>>
        tpu.wait_indirect_dma semaphore(%arg16 : memref<!tpu.dma_semaphore, #tpu.memory_space<semaphore_mem>>) src(%dma_wait3A_86 : memref<40000x128xf32, #tpu.memory_space<hbm>>) dst(%arg11 : memref<64x128xf32, #tpu.memory_space<vmem>>)
        %gt3A_87 = arith.constant 0 : i32
        %gt3A_88 = arith.cmpi sgt, %scan3A_56, %gt3A_87 : i32
        %convert_element_type3A_89 = arith.extui %gt3A_88 : i1 to i32
        %cond3A_90 = arith.constant 0 : i32
        %cond3A_91 = arith.cmpi ne, %convert_element_type3A_89, %cond3A_90 : i32
        scf.if %cond3A_91 {
          %sub3A = arith.constant 1 : i32
          %sub3A_106 = arith.subi %scan3A_56, %sub3A : i32
          %dma_wait3A_107 = arith.constant 64 : i32
          %dma_wait3A_108 = tpu.memref_slice %arg8[%sub3A_106, %dma_wait3A_107] : memref<40x128xi32, #tpu.memory_space<vmem>> -> memref<1x64xi32, #tpu.memory_space<vmem>>
          %dma_wait3A_109 = tpu.memref_squeeze %dma_wait3A_108 : memref<1x64xi32, #tpu.memory_space<vmem>> -> memref<64xi32, #tpu.memory_space<vmem>>
          %dma_wait3A_110 = arith.constant 0 : i32
          %dma_wait3A_111 = arith.constant 0 : i32
          %dma_wait3A_112 = tpu.memref_slice %arg14[%dma_wait3A_110, %dma_wait3A_111] : memref<10240x128xf32, #tpu.memory_space<vmem_shared>> -> memref<10240x128xf32, #tpu.memory_space<vmem_shared>>
          tpu.wait_indirect_dma semaphore(%arg18 : memref<!tpu.dma_semaphore, #tpu.memory_space<semaphore_mem>>) src(%arg13 : memref<64x128xf32, #tpu.memory_space<vmem>>) dst(%dma_wait3A_112 : memref<10240x128xf32, #tpu.memory_space<vmem_shared>>)
        } else {
        }
        %parallel_loop3A_92 = arith.constant 0 : i32
        %parallel_loop3A_93 = arith.constant 64 : i32
        %parallel_loop3A_94 = arith.constant 1 : i32
        scf.for %parallel_loop3A_106 = %parallel_loop3A_92 to %parallel_loop3A_93 step %parallel_loop3A_94  : i32 {
          %parallel_loop3A_107 = vector.broadcast %scan3A_56 : i32 to vector<16xi32>
          %parallel_loop3A_108 = arith.constant 64 : i32
          %parallel_loop3A_109 = arith.addi %parallel_loop3A_108, %parallel_loop3A_106 : i32
          %parallel_loop3A_110 = vector.broadcast %parallel_loop3A_109 : i32 to vector<16xi32>
          %parallel_loop3A_111 = tpu.vector_load_idx %arg9[%parallel_loop3A_107, %parallel_loop3A_110] : memref<40x128xf32, #tpu.memory_space<vmem>>[vector<16xi32>, vector<16xi32>], vector<16xf32>,
          %parallel_loop3A_112 = arith.index_cast %parallel_loop3A_106 : i32 to index
          %parallel_loop3A_113 = arith.constant 0 : index
          %parallel_loop3A_114 = tpu.vector_load %arg11[%parallel_loop3A_112, %parallel_loop3A_113] {strides = array<i32>} : memref<64x128xf32, #tpu.memory_space<vmem>>, vector<16xf32>,
          %parallel_loop3A_115 = arith.mulf %parallel_loop3A_114, %parallel_loop3A_111 : vector<16xf32>
          %parallel_loop3A_116 = arith.index_cast %parallel_loop3A_106 : i32 to index
          %parallel_loop3A_117 = arith.constant 0 : index
          %parallel_loop3A_118 = tpu.vector_load %arg13[%parallel_loop3A_116, %parallel_loop3A_117] {strides = array<i32>} : memref<64x128xf32, #tpu.memory_space<vmem>>, vector<16xf32>,
          tpu.vector_store %arg13[%parallel_loop3A_116, %parallel_loop3A_117], %parallel_loop3A_115 {strides = array<i32>} : memref<64x128xf32, #tpu.memory_space<vmem>>, vector<16xf32>,
          %parallel_loop3A_119 = arith.index_cast %parallel_loop3A_106 : i32 to index
          %parallel_loop3A_120 = arith.constant 16 : index
          %parallel_loop3A_121 = tpu.vector_load %arg11[%parallel_loop3A_119, %parallel_loop3A_120] {strides = array<i32>} : memref<64x128xf32, #tpu.memory_space<vmem>>, vector<16xf32>,
          %parallel_loop3A_122 = arith.mulf %parallel_loop3A_121, %parallel_loop3A_111 : vector<16xf32>
          %parallel_loop3A_123 = arith.index_cast %parallel_loop3A_106 : i32 to index
          %parallel_loop3A_124 = arith.constant 16 : index
          %parallel_loop3A_125 = tpu.vector_load %arg13[%parallel_loop3A_123, %parallel_loop3A_124] {strides = array<i32>} : memref<64x128xf32, #tpu.memory_space<vmem>>, vector<16xf32>,
          tpu.vector_store %arg13[%parallel_loop3A_123, %parallel_loop3A_124], %parallel_loop3A_122 {strides = array<i32>} : memref<64x128xf32, #tpu.memory_space<vmem>>, vector<16xf32>,
          %parallel_loop3A_126 = arith.index_cast %parallel_loop3A_106 : i32 to index
          %parallel_loop3A_127 = arith.constant 32 : index
          %parallel_loop3A_128 = tpu.vector_load %arg11[%parallel_loop3A_126, %parallel_loop3A_127] {strides = array<i32>} : memref<64x128xf32, #tpu.memory_space<vmem>>, vector<16xf32>,
          %parallel_loop3A_129 = arith.mulf %parallel_loop3A_128, %parallel_loop3A_111 : vector<16xf32>
          %parallel_loop3A_130 = arith.index_cast %parallel_loop3A_106 : i32 to index
          %parallel_loop3A_131 = arith.constant 32 : index
          %parallel_loop3A_132 = tpu.vector_load %arg13[%parallel_loop3A_130, %parallel_loop3A_131] {strides = array<i32>} : memref<64x128xf32, #tpu.memory_space<vmem>>, vector<16xf32>,
          tpu.vector_store %arg13[%parallel_loop3A_130, %parallel_loop3A_131], %parallel_loop3A_129 {strides = array<i32>} : memref<64x128xf32, #tpu.memory_space<vmem>>, vector<16xf32>,
          %parallel_loop3A_133 = arith.index_cast %parallel_loop3A_106 : i32 to index
          %parallel_loop3A_134 = arith.constant 48 : index
          %parallel_loop3A_135 = tpu.vector_load %arg11[%parallel_loop3A_133, %parallel_loop3A_134] {strides = array<i32>} : memref<64x128xf32, #tpu.memory_space<vmem>>, vector<16xf32>,
          %parallel_loop3A_136 = arith.mulf %parallel_loop3A_135, %parallel_loop3A_111 : vector<16xf32>
          %parallel_loop3A_137 = arith.index_cast %parallel_loop3A_106 : i32 to index
          %parallel_loop3A_138 = arith.constant 48 : index
          %parallel_loop3A_139 = tpu.vector_load %arg13[%parallel_loop3A_137, %parallel_loop3A_138] {strides = array<i32>} : memref<64x128xf32, #tpu.memory_space<vmem>>, vector<16xf32>,
          tpu.vector_store %arg13[%parallel_loop3A_137, %parallel_loop3A_138], %parallel_loop3A_136 {strides = array<i32>} : memref<64x128xf32, #tpu.memory_space<vmem>>, vector<16xf32>,
          %parallel_loop3A_140 = arith.index_cast %parallel_loop3A_106 : i32 to index
          %parallel_loop3A_141 = arith.constant 64 : index
          %parallel_loop3A_142 = tpu.vector_load %arg11[%parallel_loop3A_140, %parallel_loop3A_141] {strides = array<i32>} : memref<64x128xf32, #tpu.memory_space<vmem>>, vector<16xf32>,
          %parallel_loop3A_143 = arith.mulf %parallel_loop3A_142, %parallel_loop3A_111 : vector<16xf32>
          %parallel_loop3A_144 = arith.index_cast %parallel_loop3A_106 : i32 to index
          %parallel_loop3A_145 = arith.constant 64 : index
          %parallel_loop3A_146 = tpu.vector_load %arg13[%parallel_loop3A_144, %parallel_loop3A_145] {strides = array<i32>} : memref<64x128xf32, #tpu.memory_space<vmem>>, vector<16xf32>,
          tpu.vector_store %arg13[%parallel_loop3A_144, %parallel_loop3A_145], %parallel_loop3A_143 {strides = array<i32>} : memref<64x128xf32, #tpu.memory_space<vmem>>, vector<16xf32>,
          %parallel_loop3A_147 = arith.index_cast %parallel_loop3A_106 : i32 to index
          %parallel_loop3A_148 = arith.constant 80 : index
          %parallel_loop3A_149 = tpu.vector_load %arg11[%parallel_loop3A_147, %parallel_loop3A_148] {strides = array<i32>} : memref<64x128xf32, #tpu.memory_space<vmem>>, vector<16xf32>,
          %parallel_loop3A_150 = arith.mulf %parallel_loop3A_149, %parallel_loop3A_111 : vector<16xf32>
          %parallel_loop3A_151 = arith.index_cast %parallel_loop3A_106 : i32 to index
          %parallel_loop3A_152 = arith.constant 80 : index
          %parallel_loop3A_153 = tpu.vector_load %arg13[%parallel_loop3A_151, %parallel_loop3A_152] {strides = array<i32>} : memref<64x128xf32, #tpu.memory_space<vmem>>, vector<16xf32>,
          tpu.vector_store %arg13[%parallel_loop3A_151, %parallel_loop3A_152], %parallel_loop3A_150 {strides = array<i32>} : memref<64x128xf32, #tpu.memory_space<vmem>>, vector<16xf32>,
          %parallel_loop3A_154 = arith.index_cast %parallel_loop3A_106 : i32 to index
          %parallel_loop3A_155 = arith.constant 96 : index
          %parallel_loop3A_156 = tpu.vector_load %arg11[%parallel_loop3A_154, %parallel_loop3A_155] {strides = array<i32>} : memref<64x128xf32, #tpu.memory_space<vmem>>, vector<16xf32>,
          %parallel_loop3A_157 = arith.mulf %parallel_loop3A_156, %parallel_loop3A_111 : vector<16xf32>
          %parallel_loop3A_158 = arith.index_cast %parallel_loop3A_106 : i32 to index
          %parallel_loop3A_159 = arith.constant 96 : index
          %parallel_loop3A_160 = tpu.vector_load %arg13[%parallel_loop3A_158, %parallel_loop3A_159] {strides = array<i32>} : memref<64x128xf32, #tpu.memory_space<vmem>>, vector<16xf32>,
          tpu.vector_store %arg13[%parallel_loop3A_158, %parallel_loop3A_159], %parallel_loop3A_157 {strides = array<i32>} : memref<64x128xf32, #tpu.memory_space<vmem>>, vector<16xf32>,
          %parallel_loop3A_161 = arith.index_cast %parallel_loop3A_106 : i32 to index
          %parallel_loop3A_162 = arith.constant 112 : index
          %parallel_loop3A_163 = tpu.vector_load %arg11[%parallel_loop3A_161, %parallel_loop3A_162] {strides = array<i32>} : memref<64x128xf32, #tpu.memory_space<vmem>>, vector<16xf32>,
          %parallel_loop3A_164 = arith.mulf %parallel_loop3A_163, %parallel_loop3A_111 : vector<16xf32>
          %parallel_loop3A_165 = arith.index_cast %parallel_loop3A_106 : i32 to index
          %parallel_loop3A_166 = arith.constant 112 : index
          %parallel_loop3A_167 = tpu.vector_load %arg13[%parallel_loop3A_165, %parallel_loop3A_166] {strides = array<i32>} : memref<64x128xf32, #tpu.memory_space<vmem>>, vector<16xf32>,
          tpu.vector_store %arg13[%parallel_loop3A_165, %parallel_loop3A_166], %parallel_loop3A_164 {strides = array<i32>} : memref<64x128xf32, #tpu.memory_space<vmem>>, vector<16xf32>,
        } {sc.loop_unroll_factor = 2 : i64, sc.parallel_access}
        %lt3A_95 = arith.constant 39 : i32
        %lt3A_96 = arith.cmpi slt, %scan3A_56, %lt3A_95 : i32
        %convert_element_type3A_97 = arith.extui %lt3A_96 : i1 to i32
        %cond3A_98 = arith.constant 0 : i32
        %cond3A_99 = arith.cmpi ne, %convert_element_type3A_97, %cond3A_98 : i32
        scf.if %cond3A_99 {
          %add3A_106 = arith.constant 1 : i32
          %add3A_107 = arith.addi %scan3A_56, %add3A_106 : i32
          %dma_start3A_108 = arith.constant 64 : i32
          %dma_start3A_109 = tpu.memref_slice %arg7[%add3A_107, %dma_start3A_108] : memref<40x128xi32, #tpu.memory_space<vmem>> -> memref<1x64xi32, #tpu.memory_space<vmem>>
          %dma_start3A_110 = tpu.memref_squeeze %dma_start3A_109 : memref<1x64xi32, #tpu.memory_space<vmem>> -> memref<64xi32, #tpu.memory_space<vmem>>
          %dma_start3A_111 = arith.constant 0 : i32
          %dma_start3A_112 = arith.constant 0 : i32
          %dma_start3A_113 = tpu.memref_slice %arg2[%dma_start3A_111, %dma_start3A_112] : memref<40000x128xf32, #tpu.memory_space<hbm>> -> memref<40000x128xf32, #tpu.memory_space<hbm>>
          tpu.enqueue_indirect_dma source(%dma_start3A_113 : memref<40000x128xf32, #tpu.memory_space<hbm>>) target(%arg11 : memref<64x128xf32, #tpu.memory_space<vmem>>) offsets(%dma_start3A_110 : memref<64xi32, #tpu.memory_space<vmem>>) semaphore(%arg16 : memref<!tpu.dma_semaphore, #tpu.memory_space<semaphore_mem>>)
        } else {
        }
        %dma_start3A_100 = arith.constant 64 : i32
        %dma_start3A_101 = tpu.memref_slice %arg8[%scan3A_56, %dma_start3A_100] : memref<40x128xi32, #tpu.memory_space<vmem>> -> memref<1x64xi32, #tpu.memory_space<vmem>>
        %dma_start3A_102 = tpu.memref_squeeze %dma_start3A_101 : memref<1x64xi32, #tpu.memory_space<vmem>> -> memref<64xi32, #tpu.memory_space<vmem>>
        %dma_start3A_103 = arith.constant 0 : i32
        %dma_start3A_104 = arith.constant 0 : i32
        %dma_start3A_105 = tpu.memref_slice %arg14[%dma_start3A_103, %dma_start3A_104] : memref<10240x128xf32, #tpu.memory_space<vmem_shared>> -> memref<10240x128xf32, #tpu.memory_space<vmem_shared>>
        tpu.enqueue_indirect_dma source(%arg13 : memref<64x128xf32, #tpu.memory_space<vmem>>) target(%dma_start3A_105 : memref<10240x128xf32, #tpu.memory_space<vmem_shared>>) offsets(%dma_start3A_102 : memref<64xi32, #tpu.memory_space<vmem>>) semaphore(%arg18 : memref<!tpu.dma_semaphore, #tpu.memory_space<semaphore_mem>>) {add = true}
      }
      %scan3A_37 = arith.constant 40 : i32
      %dma_wait3A = arith.constant 39 : i32
      %dma_wait3A_38 = arith.constant 0 : i32
      %dma_wait3A_39 = tpu.memref_slice %arg8[%dma_wait3A, %dma_wait3A_38] : memref<40x128xi32, #tpu.memory_space<vmem>> -> memref<1x64xi32, #tpu.memory_space<vmem>>
      %dma_wait3A_40 = tpu.memref_squeeze %dma_wait3A_39 : memref<1x64xi32, #tpu.memory_space<vmem>> -> memref<64xi32, #tpu.memory_space<vmem>>
      %dma_wait3A_41 = arith.constant 0 : i32
      %dma_wait3A_42 = arith.constant 0 : i32
      %dma_wait3A_43 = tpu.memref_slice %arg14[%dma_wait3A_41, %dma_wait3A_42] : memref<10240x128xf32, #tpu.memory_space<vmem_shared>> -> memref<10240x128xf32, #tpu.memory_space<vmem_shared>>
      tpu.wait_indirect_dma semaphore(%arg17 : memref<!tpu.dma_semaphore, #tpu.memory_space<semaphore_mem>>) src(%arg12 : memref<64x128xf32, #tpu.memory_space<vmem>>) dst(%dma_wait3A_43 : memref<10240x128xf32, #tpu.memory_space<vmem_shared>>)
      %dma_wait3A_44 = arith.constant 39 : i32
      %dma_wait3A_45 = arith.constant 64 : i32
      %dma_wait3A_46 = tpu.memref_slice %arg8[%dma_wait3A_44, %dma_wait3A_45] : memref<40x128xi32, #tpu.memory_space<vmem>> -> memref<1x64xi32, #tpu.memory_space<vmem>>
      %dma_wait3A_47 = tpu.memref_squeeze %dma_wait3A_46 : memref<1x64xi32, #tpu.memory_space<vmem>> -> memref<64xi32, #tpu.memory_space<vmem>>
      %dma_wait3A_48 = arith.constant 0 : i32
      %dma_wait3A_49 = arith.constant 0 : i32
      %dma_wait3A_50 = tpu.memref_slice %arg14[%dma_wait3A_48, %dma_wait3A_49] : memref<10240x128xf32, #tpu.memory_space<vmem_shared>> -> memref<10240x128xf32, #tpu.memory_space<vmem_shared>>
      tpu.wait_indirect_dma semaphore(%arg18 : memref<!tpu.dma_semaphore, #tpu.memory_space<semaphore_mem>>) src(%arg13 : memref<64x128xf32, #tpu.memory_space<vmem>>) dst(%dma_wait3A_50 : memref<10240x128xf32, #tpu.memory_space<vmem_shared>>)
      %barrier3A_51 = arith.constant 0 : index
      tpu.barrier barrier_id(%barrier3A_51)
      %mul3A_52 = arith.constant 640 : i32
      %mul3A_53 = arith.muli %arg1, %mul3A_52 : i32
      %mul3A_54 = arith.constant 640 : i32
      %mul3A_55 = arith.muli %arg1, %mul3A_54 : i32
      "tpu.region"() ({
        %run_scoped3A = tpu.sem_alloc : memref<!tpu.dma_semaphore, #tpu.memory_space<semaphore_mem>>
        %dma_start3A_56 = arith.constant 0 : i32
        %dma_start3A_57 = tpu.memref_slice %arg6[%arg0, %scan3A_8, %mul3A_55, %dma_start3A_56] : memref<2x4x10240x128xf32, #tpu.memory_space<hbm>> -> memref<1x1x640x128xf32, #tpu.memory_space<hbm>>
        %dma_start3A_58 = tpu.memref_squeeze %dma_start3A_57 : memref<1x1x640x128xf32, #tpu.memory_space<hbm>> -> memref<640x128xf32, #tpu.memory_space<hbm>>
        %dma_start3A_59 = arith.constant 0 : i32
        %dma_start3A_60 = tpu.memref_slice %arg14[%mul3A_53, %dma_start3A_59] : memref<10240x128xf32, #tpu.memory_space<vmem_shared>> -> memref<640x128xf32, #tpu.memory_space<vmem_shared>>
        tpu.enqueue_dma source(%dma_start3A_60 : memref<640x128xf32, #tpu.memory_space<vmem_shared>>) target(%dma_start3A_58 : memref<640x128xf32, #tpu.memory_space<hbm>>) target_semaphore(%run_scoped3A : memref<!tpu.dma_semaphore, #tpu.memory_space<semaphore_mem>>)
        %dma_wait3A_61 = arith.constant 0 : i32
        %dma_wait3A_62 = tpu.memref_slice %arg6[%arg0, %scan3A_8, %mul3A_55, %dma_wait3A_61] : memref<2x4x10240x128xf32, #tpu.memory_space<hbm>> -> memref<1x1x640x128xf32, #tpu.memory_space<hbm>>
        %dma_wait3A_63 = tpu.memref_squeeze %dma_wait3A_62 : memref<1x1x640x128xf32, #tpu.memory_space<hbm>> -> memref<640x128xf32, #tpu.memory_space<hbm>>
        %dma_wait3A_64 = arith.constant 0 : i32
        %dma_wait3A_65 = tpu.memref_slice %arg14[%mul3A_53, %dma_wait3A_64] : memref<10240x128xf32, #tpu.memory_space<vmem_shared>> -> memref<640x128xf32, #tpu.memory_space<vmem_shared>>
        tpu.wait_dma2 semaphore(%run_scoped3A : memref<!tpu.dma_semaphore, #tpu.memory_space<semaphore_mem>>) src(%dma_wait3A_65 : memref<640x128xf32, #tpu.memory_space<vmem_shared>>) dst(%dma_wait3A_63 : memref<640x128xf32, #tpu.memory_space<hbm>>)
        tpu.yield
      }) : () -> ()
    }
    %scan3A_7 = arith.constant 4 : i32
    return
  }
}

#map = affine_map<(d0, d1) -> (0, 0)>
#map1 = affine_map<(d0, d1) -> (0, 0, 0, 0)>
module attributes {stable_mosaic.version = 14 : i64} {
  func.func @_spmm_body(%arg0: i32, %arg1: i32, %arg2: memref<40000x128xf32, #tpu.memory_space<hbm>>, %arg3: memref<1280x128xi32, #tpu.memory_space<hbm>>, %arg4: memref<1280x128xi32, #tpu.memory_space<hbm>>, %arg5: memref<1280x128xf32, #tpu.memory_space<hbm>>, %arg6: memref<2x4x10240x128xf32, #tpu.memory_space<hbm>>, %arg7: memref<40x128xi32, #tpu.memory_space<vmem>>, %arg8: memref<40x128xi32, #tpu.memory_space<vmem>>, %arg9: memref<40x128xf32, #tpu.memory_space<vmem>>, %arg10: memref<64x128xf32, #tpu.memory_space<vmem>>, %arg11: memref<64x128xf32, #tpu.memory_space<vmem>>, %arg12: memref<64x128xf32, #tpu.memory_space<vmem>>, %arg13: memref<64x128xf32, #tpu.memory_space<vmem>>, %arg14: memref<10240x128xf32, #tpu.memory_space<vmem_shared>>, %arg15: memref<!tpu.dma_semaphore, #tpu.memory_space<semaphore_mem>>, %arg16: memref<!tpu.dma_semaphore, #tpu.memory_space<semaphore_mem>>, %arg17: memref<!tpu.dma_semaphore, #tpu.memory_space<semaphore_mem>>, %arg18: memref<!tpu.dma_semaphore, #tpu.memory_space<semaphore_mem>>) attributes {dimension_semantics = [#tpu.dimension_semantics<core_parallel>, #tpu.dimension_semantics<subcore_parallel>], iteration_bounds = array<i64: 2, 16>, scalar_prefetch = 0 : i64, scratch_operands = 12 : i64, tpu.core_type = #tpu.core_type<sc_vector_subcore>, window_params = [{transform_indices = #map}, {transform_indices = #map}, {transform_indices = #map}, {transform_indices = #map}, {transform_indices = #map1}]} {
    %mul3A = arith.constant 640 : i32
    %mul3A_0 = arith.muli %arg0, %mul3A : i32
    %mul3A_1 = arith.constant 40 : i32
    %mul3A_2 = arith.muli %arg1, %mul3A_1 : i32
    %add3A = arith.addi %mul3A_0, %mul3A_2 : i32
    "tpu.region"() ({
      %run_scoped3A = tpu.sem_alloc : memref<!tpu.dma_semaphore, #tpu.memory_space<semaphore_mem>>
      %dma_start3A = arith.constant 0 : i32
      %dma_start3A_8 = tpu.memref_slice %arg3[%add3A, %dma_start3A] : memref<1280x128xi32, #tpu.memory_space<hbm>> -> memref<40x128xi32, #tpu.memory_space<hbm>>
      %dma_start3A_9 = arith.constant 0 : i32
      %dma_start3A_10 = tpu.memref_slice %arg3[%add3A, %dma_start3A_9] : memref<1280x128xi32, #tpu.memory_space<hbm>> -> memref<40x128xi32, #tpu.memory_space<hbm>>
      tpu.enqueue_dma source(%dma_start3A_10 : memref<40x128xi32, #tpu.memory_space<hbm>>) target(%arg7 : memref<40x128xi32, #tpu.memory_space<vmem>>) target_semaphore(%run_scoped3A : memref<!tpu.dma_semaphore, #tpu.memory_space<semaphore_mem>>)
      %dma_wait3A = arith.constant 0 : i32
      %dma_wait3A_11 = tpu.memref_slice %arg3[%add3A, %dma_wait3A] : memref<1280x128xi32, #tpu.memory_space<hbm>> -> memref<40x128xi32, #tpu.memory_space<hbm>>
      %dma_wait3A_12 = arith.constant 0 : i32
      %dma_wait3A_13 = tpu.memref_slice %arg3[%add3A, %dma_wait3A_12] : memref<1280x128xi32, #tpu.memory_space<hbm>> -> memref<40x128xi32, #tpu.memory_space<hbm>>
      tpu.wait_dma2 semaphore(%run_scoped3A : memref<!tpu.dma_semaphore, #tpu.memory_space<semaphore_mem>>) src(%dma_wait3A_13 : memref<40x128xi32, #tpu.memory_space<hbm>>) dst(%arg7 : memref<40x128xi32, #tpu.memory_space<vmem>>)
      tpu.yield
    }) : () -> ()
    "tpu.region"() ({
      %run_scoped3A = tpu.sem_alloc : memref<!tpu.dma_semaphore, #tpu.memory_space<semaphore_mem>>
      %dma_start3A = arith.constant 0 : i32
      %dma_start3A_8 = tpu.memref_slice %arg4[%add3A, %dma_start3A] : memref<1280x128xi32, #tpu.memory_space<hbm>> -> memref<40x128xi32, #tpu.memory_space<hbm>>
      %dma_start3A_9 = arith.constant 0 : i32
      %dma_start3A_10 = tpu.memref_slice %arg4[%add3A, %dma_start3A_9] : memref<1280x128xi32, #tpu.memory_space<hbm>> -> memref<40x128xi32, #tpu.memory_space<hbm>>
      tpu.enqueue_dma source(%dma_start3A_10 : memref<40x128xi32, #tpu.memory_space<hbm>>) target(%arg8 : memref<40x128xi32, #tpu.memory_space<vmem>>) target_semaphore(%run_scoped3A : memref<!tpu.dma_semaphore, #tpu.memory_space<semaphore_mem>>)
      %dma_wait3A = arith.constant 0 : i32
      %dma_wait3A_11 = tpu.memref_slice %arg4[%add3A, %dma_wait3A] : memref<1280x128xi32, #tpu.memory_space<hbm>> -> memref<40x128xi32, #tpu.memory_space<hbm>>
      %dma_wait3A_12 = arith.constant 0 : i32
      %dma_wait3A_13 = tpu.memref_slice %arg4[%add3A, %dma_wait3A_12] : memref<1280x128xi32, #tpu.memory_space<hbm>> -> memref<40x128xi32, #tpu.memory_space<hbm>>
      tpu.wait_dma2 semaphore(%run_scoped3A : memref<!tpu.dma_semaphore, #tpu.memory_space<semaphore_mem>>) src(%dma_wait3A_13 : memref<40x128xi32, #tpu.memory_space<hbm>>) dst(%arg8 : memref<40x128xi32, #tpu.memory_space<vmem>>)
      tpu.yield
    }) : () -> ()
    "tpu.region"() ({
      %run_scoped3A = tpu.sem_alloc : memref<!tpu.dma_semaphore, #tpu.memory_space<semaphore_mem>>
      %dma_start3A = arith.constant 0 : i32
      %dma_start3A_8 = tpu.memref_slice %arg5[%add3A, %dma_start3A] : memref<1280x128xf32, #tpu.memory_space<hbm>> -> memref<40x128xf32, #tpu.memory_space<hbm>>
      %dma_start3A_9 = arith.constant 0 : i32
      %dma_start3A_10 = tpu.memref_slice %arg5[%add3A, %dma_start3A_9] : memref<1280x128xf32, #tpu.memory_space<hbm>> -> memref<40x128xf32, #tpu.memory_space<hbm>>
      tpu.enqueue_dma source(%dma_start3A_10 : memref<40x128xf32, #tpu.memory_space<hbm>>) target(%arg9 : memref<40x128xf32, #tpu.memory_space<vmem>>) target_semaphore(%run_scoped3A : memref<!tpu.dma_semaphore, #tpu.memory_space<semaphore_mem>>)
      %dma_wait3A = arith.constant 0 : i32
      %dma_wait3A_11 = tpu.memref_slice %arg5[%add3A, %dma_wait3A] : memref<1280x128xf32, #tpu.memory_space<hbm>> -> memref<40x128xf32, #tpu.memory_space<hbm>>
      %dma_wait3A_12 = arith.constant 0 : i32
      %dma_wait3A_13 = tpu.memref_slice %arg5[%add3A, %dma_wait3A_12] : memref<1280x128xf32, #tpu.memory_space<hbm>> -> memref<40x128xf32, #tpu.memory_space<hbm>>
      tpu.wait_dma2 semaphore(%run_scoped3A : memref<!tpu.dma_semaphore, #tpu.memory_space<semaphore_mem>>) src(%dma_wait3A_13 : memref<40x128xf32, #tpu.memory_space<hbm>>) dst(%arg9 : memref<40x128xf32, #tpu.memory_space<vmem>>)
      tpu.yield
    }) : () -> ()
    %scan3A = arith.constant 0 : i32
    %scan3A_3 = arith.constant 0 : i32
    %scan3A_4 = arith.constant 4 : i32
    %scan3A_5 = arith.addi %scan3A_3, %scan3A_4 : i32
    %scan3A_6 = arith.constant 1 : i32
    scf.for %scan3A_8 = %scan3A_3 to %scan3A_5 step %scan3A_6  : i32 {
      %gt3A = arith.constant 0 : i32
      %gt3A_9 = arith.cmpi sgt, %scan3A_8, %gt3A : i32
      %convert_element_type3A = arith.extui %gt3A_9 : i1 to i32
      %cond3A = arith.constant 0 : i32
      %cond3A_10 = arith.cmpi ne, %convert_element_type3A, %cond3A : i32
      scf.if %cond3A_10 {
        %parallel_loop3A_56 = arith.constant 0 : i32
        %parallel_loop3A_57 = arith.constant 40 : i32
        %parallel_loop3A_58 = arith.constant 1 : i32
        scf.for %parallel_loop3A_59 = %parallel_loop3A_56 to %parallel_loop3A_57 step %parallel_loop3A_58  : i32 {
          %parallel_loop3A_60 = arith.index_cast %parallel_loop3A_59 : i32 to index
          %parallel_loop3A_61 = arith.constant 0 : index
          %parallel_loop3A_62 = tpu.vector_load %arg7[%parallel_loop3A_60, %parallel_loop3A_61] {strides = array<i32>} : memref<40x128xi32, #tpu.memory_space<vmem>>, vector<16xi32>,
          %parallel_loop3A_63 = arith.constant 10000 : i32
          %parallel_loop3A_64 = vector.broadcast %parallel_loop3A_63 : i32 to vector<16xi32>
          %parallel_loop3A_65 = arith.addi %parallel_loop3A_62, %parallel_loop3A_64 : vector<16xi32>
          %parallel_loop3A_66 = arith.index_cast %parallel_loop3A_59 : i32 to index
          %parallel_loop3A_67 = arith.constant 0 : index
          %parallel_loop3A_68 = tpu.vector_load %arg7[%parallel_loop3A_66, %parallel_loop3A_67] {strides = array<i32>} : memref<40x128xi32, #tpu.memory_space<vmem>>, vector<16xi32>,
          tpu.vector_store %arg7[%parallel_loop3A_66, %parallel_loop3A_67], %parallel_loop3A_65 {strides = array<i32>} : memref<40x128xi32, #tpu.memory_space<vmem>>, vector<16xi32>,
          %parallel_loop3A_69 = arith.index_cast %parallel_loop3A_59 : i32 to index
          %parallel_loop3A_70 = arith.constant 16 : index
          %parallel_loop3A_71 = tpu.vector_load %arg7[%parallel_loop3A_69, %parallel_loop3A_70] {strides = array<i32>} : memref<40x128xi32, #tpu.memory_space<vmem>>, vector<16xi32>,
          %parallel_loop3A_72 = arith.constant 10000 : i32
          %parallel_loop3A_73 = vector.broadcast %parallel_loop3A_72 : i32 to vector<16xi32>
          %parallel_loop3A_74 = arith.addi %parallel_loop3A_71, %parallel_loop3A_73 : vector<16xi32>
          %parallel_loop3A_75 = arith.index_cast %parallel_loop3A_59 : i32 to index
          %parallel_loop3A_76 = arith.constant 16 : index
          %parallel_loop3A_77 = tpu.vector_load %arg7[%parallel_loop3A_75, %parallel_loop3A_76] {strides = array<i32>} : memref<40x128xi32, #tpu.memory_space<vmem>>, vector<16xi32>,
          tpu.vector_store %arg7[%parallel_loop3A_75, %parallel_loop3A_76], %parallel_loop3A_74 {strides = array<i32>} : memref<40x128xi32, #tpu.memory_space<vmem>>, vector<16xi32>,
          %parallel_loop3A_78 = arith.index_cast %parallel_loop3A_59 : i32 to index
          %parallel_loop3A_79 = arith.constant 32 : index
          %parallel_loop3A_80 = tpu.vector_load %arg7[%parallel_loop3A_78, %parallel_loop3A_79] {strides = array<i32>} : memref<40x128xi32, #tpu.memory_space<vmem>>, vector<16xi32>,
          %parallel_loop3A_81 = arith.constant 10000 : i32
          %parallel_loop3A_82 = vector.broadcast %parallel_loop3A_81 : i32 to vector<16xi32>
          %parallel_loop3A_83 = arith.addi %parallel_loop3A_80, %parallel_loop3A_82 : vector<16xi32>
          %parallel_loop3A_84 = arith.index_cast %parallel_loop3A_59 : i32 to index
          %parallel_loop3A_85 = arith.constant 32 : index
          %parallel_loop3A_86 = tpu.vector_load %arg7[%parallel_loop3A_84, %parallel_loop3A_85] {strides = array<i32>} : memref<40x128xi32, #tpu.memory_space<vmem>>, vector<16xi32>,
          tpu.vector_store %arg7[%parallel_loop3A_84, %parallel_loop3A_85], %parallel_loop3A_83 {strides = array<i32>} : memref<40x128xi32, #tpu.memory_space<vmem>>, vector<16xi32>,
          %parallel_loop3A_87 = arith.index_cast %parallel_loop3A_59 : i32 to index
          %parallel_loop3A_88 = arith.constant 48 : index
          %parallel_loop3A_89 = tpu.vector_load %arg7[%parallel_loop3A_87, %parallel_loop3A_88] {strides = array<i32>} : memref<40x128xi32, #tpu.memory_space<vmem>>, vector<16xi32>,
          %parallel_loop3A_90 = arith.constant 10000 : i32
          %parallel_loop3A_91 = vector.broadcast %parallel_loop3A_90 : i32 to vector<16xi32>
          %parallel_loop3A_92 = arith.addi %parallel_loop3A_89, %parallel_loop3A_91 : vector<16xi32>
          %parallel_loop3A_93 = arith.index_cast %parallel_loop3A_59 : i32 to index
          %parallel_loop3A_94 = arith.constant 48 : index
          %parallel_loop3A_95 = tpu.vector_load %arg7[%parallel_loop3A_93, %parallel_loop3A_94] {strides = array<i32>} : memref<40x128xi32, #tpu.memory_space<vmem>>, vector<16xi32>,
          tpu.vector_store %arg7[%parallel_loop3A_93, %parallel_loop3A_94], %parallel_loop3A_92 {strides = array<i32>} : memref<40x128xi32, #tpu.memory_space<vmem>>, vector<16xi32>,
          %parallel_loop3A_96 = arith.index_cast %parallel_loop3A_59 : i32 to index
          %parallel_loop3A_97 = arith.constant 64 : index
          %parallel_loop3A_98 = tpu.vector_load %arg7[%parallel_loop3A_96, %parallel_loop3A_97] {strides = array<i32>} : memref<40x128xi32, #tpu.memory_space<vmem>>, vector<16xi32>,
          %parallel_loop3A_99 = arith.constant 10000 : i32
          %parallel_loop3A_100 = vector.broadcast %parallel_loop3A_99 : i32 to vector<16xi32>
          %parallel_loop3A_101 = arith.addi %parallel_loop3A_98, %parallel_loop3A_100 : vector<16xi32>
          %parallel_loop3A_102 = arith.index_cast %parallel_loop3A_59 : i32 to index
          %parallel_loop3A_103 = arith.constant 64 : index
          %parallel_loop3A_104 = tpu.vector_load %arg7[%parallel_loop3A_102, %parallel_loop3A_103] {strides = array<i32>} : memref<40x128xi32, #tpu.memory_space<vmem>>, vector<16xi32>,
          tpu.vector_store %arg7[%parallel_loop3A_102, %parallel_loop3A_103], %parallel_loop3A_101 {strides = array<i32>} : memref<40x128xi32, #tpu.memory_space<vmem>>, vector<16xi32>,
          %parallel_loop3A_105 = arith.index_cast %parallel_loop3A_59 : i32 to index
          %parallel_loop3A_106 = arith.constant 80 : index
          %parallel_loop3A_107 = tpu.vector_load %arg7[%parallel_loop3A_105, %parallel_loop3A_106] {strides = array<i32>} : memref<40x128xi32, #tpu.memory_space<vmem>>, vector<16xi32>,
          %parallel_loop3A_108 = arith.constant 10000 : i32
          %parallel_loop3A_109 = vector.broadcast %parallel_loop3A_108 : i32 to vector<16xi32>
          %parallel_loop3A_110 = arith.addi %parallel_loop3A_107, %parallel_loop3A_109 : vector<16xi32>
          %parallel_loop3A_111 = arith.index_cast %parallel_loop3A_59 : i32 to index
          %parallel_loop3A_112 = arith.constant 80 : index
          %parallel_loop3A_113 = tpu.vector_load %arg7[%parallel_loop3A_111, %parallel_loop3A_112] {strides = array<i32>} : memref<40x128xi32, #tpu.memory_space<vmem>>, vector<16xi32>,
          tpu.vector_store %arg7[%parallel_loop3A_111, %parallel_loop3A_112], %parallel_loop3A_110 {strides = array<i32>} : memref<40x128xi32, #tpu.memory_space<vmem>>, vector<16xi32>,
          %parallel_loop3A_114 = arith.index_cast %parallel_loop3A_59 : i32 to index
          %parallel_loop3A_115 = arith.constant 96 : index
          %parallel_loop3A_116 = tpu.vector_load %arg7[%parallel_loop3A_114, %parallel_loop3A_115] {strides = array<i32>} : memref<40x128xi32, #tpu.memory_space<vmem>>, vector<16xi32>,
          %parallel_loop3A_117 = arith.constant 10000 : i32
          %parallel_loop3A_118 = vector.broadcast %parallel_loop3A_117 : i32 to vector<16xi32>
          %parallel_loop3A_119 = arith.addi %parallel_loop3A_116, %parallel_loop3A_118 : vector<16xi32>
          %parallel_loop3A_120 = arith.index_cast %parallel_loop3A_59 : i32 to index
          %parallel_loop3A_121 = arith.constant 96 : index
          %parallel_loop3A_122 = tpu.vector_load %arg7[%parallel_loop3A_120, %parallel_loop3A_121] {strides = array<i32>} : memref<40x128xi32, #tpu.memory_space<vmem>>, vector<16xi32>,
          tpu.vector_store %arg7[%parallel_loop3A_120, %parallel_loop3A_121], %parallel_loop3A_119 {strides = array<i32>} : memref<40x128xi32, #tpu.memory_space<vmem>>, vector<16xi32>,
          %parallel_loop3A_123 = arith.index_cast %parallel_loop3A_59 : i32 to index
          %parallel_loop3A_124 = arith.constant 112 : index
          %parallel_loop3A_125 = tpu.vector_load %arg7[%parallel_loop3A_123, %parallel_loop3A_124] {strides = array<i32>} : memref<40x128xi32, #tpu.memory_space<vmem>>, vector<16xi32>,
          %parallel_loop3A_126 = arith.constant 10000 : i32
          %parallel_loop3A_127 = vector.broadcast %parallel_loop3A_126 : i32 to vector<16xi32>
          %parallel_loop3A_128 = arith.addi %parallel_loop3A_125, %parallel_loop3A_127 : vector<16xi32>
          %parallel_loop3A_129 = arith.index_cast %parallel_loop3A_59 : i32 to index
          %parallel_loop3A_130 = arith.constant 112 : index
          %parallel_loop3A_131 = tpu.vector_load %arg7[%parallel_loop3A_129, %parallel_loop3A_130] {strides = array<i32>} : memref<40x128xi32, #tpu.memory_space<vmem>>, vector<16xi32>,
          tpu.vector_store %arg7[%parallel_loop3A_129, %parallel_loop3A_130], %parallel_loop3A_128 {strides = array<i32>} : memref<40x128xi32, #tpu.memory_space<vmem>>, vector<16xi32>,
        } {sc.loop_unroll_factor = 1 : i64, sc.parallel_access}
      } else {
      }
      %parallel_loop3A = arith.constant 0 : i32
      %parallel_loop3A_11 = arith.constant 64 : i32
      %parallel_loop3A_12 = arith.constant 1 : i32
      scf.for %parallel_loop3A_56 = %parallel_loop3A to %parallel_loop3A_11 step %parallel_loop3A_12  : i32 {
        %parallel_loop3A_57 = arith.constant 0.000000e+00 : f32
        %parallel_loop3A_58 = vector.broadcast %parallel_loop3A_57 : f32 to vector<16xf32>
        %parallel_loop3A_59 = arith.index_cast %parallel_loop3A_56 : i32 to index
        %parallel_loop3A_60 = arith.constant 0 : index
        %parallel_loop3A_61 = tpu.vector_load %arg12[%parallel_loop3A_59, %parallel_loop3A_60] {strides = array<i32>} : memref<64x128xf32, #tpu.memory_space<vmem>>, vector<16xf32>,
        tpu.vector_store %arg12[%parallel_loop3A_59, %parallel_loop3A_60], %parallel_loop3A_58 {strides = array<i32>} : memref<64x128xf32, #tpu.memory_space<vmem>>, vector<16xf32>,
        %parallel_loop3A_62 = arith.constant 0.000000e+00 : f32
        %parallel_loop3A_63 = vector.broadcast %parallel_loop3A_62 : f32 to vector<16xf32>
        %parallel_loop3A_64 = arith.index_cast %parallel_loop3A_56 : i32 to index
        %parallel_loop3A_65 = arith.constant 16 : index
        %parallel_loop3A_66 = tpu.vector_load %arg12[%parallel_loop3A_64, %parallel_loop3A_65] {strides = array<i32>} : memref<64x128xf32, #tpu.memory_space<vmem>>, vector<16xf32>,
        tpu.vector_store %arg12[%parallel_loop3A_64, %parallel_loop3A_65], %parallel_loop3A_63 {strides = array<i32>} : memref<64x128xf32, #tpu.memory_space<vmem>>, vector<16xf32>,
        %parallel_loop3A_67 = arith.constant 0.000000e+00 : f32
        %parallel_loop3A_68 = vector.broadcast %parallel_loop3A_67 : f32 to vector<16xf32>
        %parallel_loop3A_69 = arith.index_cast %parallel_loop3A_56 : i32 to index
        %parallel_loop3A_70 = arith.constant 32 : index
        %parallel_loop3A_71 = tpu.vector_load %arg12[%parallel_loop3A_69, %parallel_loop3A_70] {strides = array<i32>} : memref<64x128xf32, #tpu.memory_space<vmem>>, vector<16xf32>,
        tpu.vector_store %arg12[%parallel_loop3A_69, %parallel_loop3A_70], %parallel_loop3A_68 {strides = array<i32>} : memref<64x128xf32, #tpu.memory_space<vmem>>, vector<16xf32>,
        %parallel_loop3A_72 = arith.constant 0.000000e+00 : f32
        %parallel_loop3A_73 = vector.broadcast %parallel_loop3A_72 : f32 to vector<16xf32>
        %parallel_loop3A_74 = arith.index_cast %parallel_loop3A_56 : i32 to index
        %parallel_loop3A_75 = arith.constant 48 : index
        %parallel_loop3A_76 = tpu.vector_load %arg12[%parallel_loop3A_74, %parallel_loop3A_75] {strides = array<i32>} : memref<64x128xf32, #tpu.memory_space<vmem>>, vector<16xf32>,
        tpu.vector_store %arg12[%parallel_loop3A_74, %parallel_loop3A_75], %parallel_loop3A_73 {strides = array<i32>} : memref<64x128xf32, #tpu.memory_space<vmem>>, vector<16xf32>,
        %parallel_loop3A_77 = arith.constant 0.000000e+00 : f32
        %parallel_loop3A_78 = vector.broadcast %parallel_loop3A_77 : f32 to vector<16xf32>
        %parallel_loop3A_79 = arith.index_cast %parallel_loop3A_56 : i32 to index
        %parallel_loop3A_80 = arith.constant 64 : index
        %parallel_loop3A_81 = tpu.vector_load %arg12[%parallel_loop3A_79, %parallel_loop3A_80] {strides = array<i32>} : memref<64x128xf32, #tpu.memory_space<vmem>>, vector<16xf32>,
        tpu.vector_store %arg12[%parallel_loop3A_79, %parallel_loop3A_80], %parallel_loop3A_78 {strides = array<i32>} : memref<64x128xf32, #tpu.memory_space<vmem>>, vector<16xf32>,
        %parallel_loop3A_82 = arith.constant 0.000000e+00 : f32
        %parallel_loop3A_83 = vector.broadcast %parallel_loop3A_82 : f32 to vector<16xf32>
        %parallel_loop3A_84 = arith.index_cast %parallel_loop3A_56 : i32 to index
        %parallel_loop3A_85 = arith.constant 80 : index
        %parallel_loop3A_86 = tpu.vector_load %arg12[%parallel_loop3A_84, %parallel_loop3A_85] {strides = array<i32>} : memref<64x128xf32, #tpu.memory_space<vmem>>, vector<16xf32>,
        tpu.vector_store %arg12[%parallel_loop3A_84, %parallel_loop3A_85], %parallel_loop3A_83 {strides = array<i32>} : memref<64x128xf32, #tpu.memory_space<vmem>>, vector<16xf32>,
        %parallel_loop3A_87 = arith.constant 0.000000e+00 : f32
        %parallel_loop3A_88 = vector.broadcast %parallel_loop3A_87 : f32 to vector<16xf32>
        %parallel_loop3A_89 = arith.index_cast %parallel_loop3A_56 : i32 to index
        %parallel_loop3A_90 = arith.constant 96 : index
        %parallel_loop3A_91 = tpu.vector_load %arg12[%parallel_loop3A_89, %parallel_loop3A_90] {strides = array<i32>} : memref<64x128xf32, #tpu.memory_space<vmem>>, vector<16xf32>,
        tpu.vector_store %arg12[%parallel_loop3A_89, %parallel_loop3A_90], %parallel_loop3A_88 {strides = array<i32>} : memref<64x128xf32, #tpu.memory_space<vmem>>, vector<16xf32>,
        %parallel_loop3A_92 = arith.constant 0.000000e+00 : f32
        %parallel_loop3A_93 = vector.broadcast %parallel_loop3A_92 : f32 to vector<16xf32>
        %parallel_loop3A_94 = arith.index_cast %parallel_loop3A_56 : i32 to index
        %parallel_loop3A_95 = arith.constant 112 : index
        %parallel_loop3A_96 = tpu.vector_load %arg12[%parallel_loop3A_94, %parallel_loop3A_95] {strides = array<i32>} : memref<64x128xf32, #tpu.memory_space<vmem>>, vector<16xf32>,
        tpu.vector_store %arg12[%parallel_loop3A_94, %parallel_loop3A_95], %parallel_loop3A_93 {strides = array<i32>} : memref<64x128xf32, #tpu.memory_space<vmem>>, vector<16xf32>,
      } {sc.loop_unroll_factor = 2 : i64, sc.parallel_access}
      %scan3A_13 = arith.constant 0 : i32
      %scan3A_14 = arith.constant 0 : i32
      %scan3A_15 = arith.constant 10 : i32
      %scan3A_16 = arith.addi %scan3A_14, %scan3A_15 : i32
      %scan3A_17 = arith.constant 1 : i32
      scf.for %scan3A_56 = %scan3A_14 to %scan3A_16 step %scan3A_17  : i32 {
        %mul3A_57 = arith.constant 640 : i32
        %mul3A_58 = arith.muli %arg1, %mul3A_57 : i32
        %mul3A_59 = arith.constant 64 : i32
        %mul3A_60 = arith.muli %scan3A_56, %mul3A_59 : i32
        %add3A_61 = arith.addi %mul3A_58, %mul3A_60 : i32
        "tpu.region"() ({
          %run_scoped3A = tpu.sem_alloc : memref<!tpu.dma_semaphore, #tpu.memory_space<semaphore_mem>>
          %dma_start3A_62 = arith.constant 0 : i32
          %dma_start3A_63 = tpu.memref_slice %arg14[%add3A_61, %dma_start3A_62] : memref<10240x128xf32, #tpu.memory_space<vmem_shared>> -> memref<64x128xf32, #tpu.memory_space<vmem_shared>>
          %dma_start3A_64 = arith.constant 0 : i32
          %dma_start3A_65 = tpu.memref_slice %arg14[%add3A_61, %dma_start3A_64] : memref<10240x128xf32, #tpu.memory_space<vmem_shared>> -> memref<64x128xf32, #tpu.memory_space<vmem_shared>>
          tpu.enqueue_dma source(%arg12 : memref<64x128xf32, #tpu.memory_space<vmem>>) target(%dma_start3A_65 : memref<64x128xf32, #tpu.memory_space<vmem_shared>>) target_semaphore(%run_scoped3A : memref<!tpu.dma_semaphore, #tpu.memory_space<semaphore_mem>>)
          %dma_wait3A_66 = arith.constant 0 : i32
          %dma_wait3A_67 = tpu.memref_slice %arg14[%add3A_61, %dma_wait3A_66] : memref<10240x128xf32, #tpu.memory_space<vmem_shared>> -> memref<64x128xf32, #tpu.memory_space<vmem_shared>>
          %dma_wait3A_68 = arith.constant 0 : i32
          %dma_wait3A_69 = tpu.memref_slice %arg14[%add3A_61, %dma_wait3A_68] : memref<10240x128xf32, #tpu.memory_space<vmem_shared>> -> memref<64x128xf32, #tpu.memory_space<vmem_shared>>
          tpu.wait_dma2 semaphore(%run_scoped3A : memref<!tpu.dma_semaphore, #tpu.memory_space<semaphore_mem>>) src(%arg12 : memref<64x128xf32, #tpu.memory_space<vmem>>) dst(%dma_wait3A_69 : memref<64x128xf32, #tpu.memory_space<vmem_shared>>)
          tpu.yield
        }) : () -> ()
      }
      %scan3A_18 = arith.constant 10 : i32
      %barrier3A = arith.constant 0 : index
      tpu.barrier barrier_id(%barrier3A)
      %dma_start3A = arith.constant 0 : i32
      %dma_start3A_19 = arith.constant 0 : i32
      %dma_start3A_20 = tpu.memref_slice %arg7[%dma_start3A, %dma_start3A_19] : memref<40x128xi32, #tpu.memory_space<vmem>> -> memref<1x64xi32, #tpu.memory_space<vmem>>
      %dma_start3A_21 = tpu.memref_squeeze %dma_start3A_20 : memref<1x64xi32, #tpu.memory_space<vmem>> -> memref<64xi32, #tpu.memory_space<vmem>>
      %dma_start3A_22 = arith.constant 0 : i32
      %dma_start3A_23 = arith.constant 0 : i32
      %dma_start3A_24 = tpu.memref_slice %arg2[%dma_start3A_22, %dma_start3A_23] : memref<40000x128xf32, #tpu.memory_space<hbm>> -> memref<40000x128xf32, #tpu.memory_space<hbm>>
      tpu.enqueue_indirect_dma source(%dma_start3A_24 : memref<40000x128xf32, #tpu.memory_space<hbm>>) target(%arg10 : memref<64x128xf32, #tpu.memory_space<vmem>>) offsets(%dma_start3A_21 : memref<64xi32, #tpu.memory_space<vmem>>) semaphore(%arg15 : memref<!tpu.dma_semaphore, #tpu.memory_space<semaphore_mem>>)
      %dma_start3A_25 = arith.constant 0 : i32
      %dma_start3A_26 = arith.constant 64 : i32
      %dma_start3A_27 = tpu.memref_slice %arg7[%dma_start3A_25, %dma_start3A_26] : memref<40x128xi32, #tpu.memory_space<vmem>> -> memref<1x64xi32, #tpu.memory_space<vmem>>
      %dma_start3A_28 = tpu.memref_squeeze %dma_start3A_27 : memref<1x64xi32, #tpu.memory_space<vmem>> -> memref<64xi32, #tpu.memory_space<vmem>>
      %dma_start3A_29 = arith.constant 0 : i32
      %dma_start3A_30 = arith.constant 0 : i32
      %dma_start3A_31 = tpu.memref_slice %arg2[%dma_start3A_29, %dma_start3A_30] : memref<40000x128xf32, #tpu.memory_space<hbm>> -> memref<40000x128xf32, #tpu.memory_space<hbm>>
      tpu.enqueue_indirect_dma source(%dma_start3A_31 : memref<40000x128xf32, #tpu.memory_space<hbm>>) target(%arg11 : memref<64x128xf32, #tpu.memory_space<vmem>>) offsets(%dma_start3A_28 : memref<64xi32, #tpu.memory_space<vmem>>) semaphore(%arg16 : memref<!tpu.dma_semaphore, #tpu.memory_space<semaphore_mem>>)
      %scan3A_32 = arith.constant 0 : i32
      %scan3A_33 = arith.constant 0 : i32
      %scan3A_34 = arith.constant 40 : i32
      %scan3A_35 = arith.addi %scan3A_33, %scan3A_34 : i32
      %scan3A_36 = arith.constant 1 : i32
      scf.for %scan3A_56 = %scan3A_33 to %scan3A_35 step %scan3A_36  : i32 {
        %dma_wait3A_57 = arith.constant 0 : i32
        %dma_wait3A_58 = tpu.memref_slice %arg7[%scan3A_56, %dma_wait3A_57] : memref<40x128xi32, #tpu.memory_space<vmem>> -> memref<1x64xi32, #tpu.memory_space<vmem>>
        %dma_wait3A_59 = tpu.memref_squeeze %dma_wait3A_58 : memref<1x64xi32, #tpu.memory_space<vmem>> -> memref<64xi32, #tpu.memory_space<vmem>>
        %dma_wait3A_60 = arith.constant 0 : i32
        %dma_wait3A_61 = arith.constant 0 : i32
        %dma_wait3A_62 = tpu.memref_slice %arg2[%dma_wait3A_60, %dma_wait3A_61] : memref<40000x128xf32, #tpu.memory_space<hbm>> -> memref<40000x128xf32, #tpu.memory_space<hbm>>
        tpu.wait_indirect_dma semaphore(%arg15 : memref<!tpu.dma_semaphore, #tpu.memory_space<semaphore_mem>>) src(%dma_wait3A_62 : memref<40000x128xf32, #tpu.memory_space<hbm>>) dst(%arg10 : memref<64x128xf32, #tpu.memory_space<vmem>>)
        %gt3A_63 = arith.constant 0 : i32
        %gt3A_64 = arith.cmpi sgt, %scan3A_56, %gt3A_63 : i32
        %convert_element_type3A_65 = arith.extui %gt3A_64 : i1 to i32
        %cond3A_66 = arith.constant 0 : i32
        %cond3A_67 = arith.cmpi ne, %convert_element_type3A_65, %cond3A_66 : i32
        scf.if %cond3A_67 {
          %sub3A = arith.constant 1 : i32
          %sub3A_106 = arith.subi %scan3A_56, %sub3A : i32
          %dma_wait3A_107 = arith.constant 0 : i32
          %dma_wait3A_108 = tpu.memref_slice %arg8[%sub3A_106, %dma_wait3A_107] : memref<40x128xi32, #tpu.memory_space<vmem>> -> memref<1x64xi32, #tpu.memory_space<vmem>>
          %dma_wait3A_109 = tpu.memref_squeeze %dma_wait3A_108 : memref<1x64xi32, #tpu.memory_space<vmem>> -> memref<64xi32, #tpu.memory_space<vmem>>
          %dma_wait3A_110 = arith.constant 0 : i32
          %dma_wait3A_111 = arith.constant 0 : i32
          %dma_wait3A_112 = tpu.memref_slice %arg14[%dma_wait3A_110, %dma_wait3A_111] : memref<10240x128xf32, #tpu.memory_space<vmem_shared>> -> memref<10240x128xf32, #tpu.memory_space<vmem_shared>>
          tpu.wait_indirect_dma semaphore(%arg17 : memref<!tpu.dma_semaphore, #tpu.memory_space<semaphore_mem>>) src(%arg12 : memref<64x128xf32, #tpu.memory_space<vmem>>) dst(%dma_wait3A_112 : memref<10240x128xf32, #tpu.memory_space<vmem_shared>>)
        } else {
        }
        %parallel_loop3A_68 = arith.constant 0 : i32
        %parallel_loop3A_69 = arith.constant 64 : i32
        %parallel_loop3A_70 = arith.constant 1 : i32
        scf.for %parallel_loop3A_106 = %parallel_loop3A_68 to %parallel_loop3A_69 step %parallel_loop3A_70  : i32 {
          %parallel_loop3A_107 = vector.broadcast %scan3A_56 : i32 to vector<16xi32>
          %parallel_loop3A_108 = arith.constant 0 : i32
          %parallel_loop3A_109 = arith.addi %parallel_loop3A_108, %parallel_loop3A_106 : i32
          %parallel_loop3A_110 = vector.broadcast %parallel_loop3A_109 : i32 to vector<16xi32>
          %parallel_loop3A_111 = tpu.vector_load_idx %arg9[%parallel_loop3A_107, %parallel_loop3A_110] : memref<40x128xf32, #tpu.memory_space<vmem>>[vector<16xi32>, vector<16xi32>], vector<16xf32>,
          %parallel_loop3A_112 = arith.index_cast %parallel_loop3A_106 : i32 to index
          %parallel_loop3A_113 = arith.constant 0 : index
          %parallel_loop3A_114 = tpu.vector_load %arg10[%parallel_loop3A_112, %parallel_loop3A_113] {strides = array<i32>} : memref<64x128xf32, #tpu.memory_space<vmem>>, vector<16xf32>,
          %parallel_loop3A_115 = arith.mulf %parallel_loop3A_114, %parallel_loop3A_111 : vector<16xf32>
          %parallel_loop3A_116 = arith.index_cast %parallel_loop3A_106 : i32 to index
          %parallel_loop3A_117 = arith.constant 0 : index
          %parallel_loop3A_118 = tpu.vector_load %arg12[%parallel_loop3A_116, %parallel_loop3A_117] {strides = array<i32>} : memref<64x128xf32, #tpu.memory_space<vmem>>, vector<16xf32>,
          tpu.vector_store %arg12[%parallel_loop3A_116, %parallel_loop3A_117], %parallel_loop3A_115 {strides = array<i32>} : memref<64x128xf32, #tpu.memory_space<vmem>>, vector<16xf32>,
          %parallel_loop3A_119 = arith.index_cast %parallel_loop3A_106 : i32 to index
          %parallel_loop3A_120 = arith.constant 16 : index
          %parallel_loop3A_121 = tpu.vector_load %arg10[%parallel_loop3A_119, %parallel_loop3A_120] {strides = array<i32>} : memref<64x128xf32, #tpu.memory_space<vmem>>, vector<16xf32>,
          %parallel_loop3A_122 = arith.mulf %parallel_loop3A_121, %parallel_loop3A_111 : vector<16xf32>
          %parallel_loop3A_123 = arith.index_cast %parallel_loop3A_106 : i32 to index
          %parallel_loop3A_124 = arith.constant 16 : index
          %parallel_loop3A_125 = tpu.vector_load %arg12[%parallel_loop3A_123, %parallel_loop3A_124] {strides = array<i32>} : memref<64x128xf32, #tpu.memory_space<vmem>>, vector<16xf32>,
          tpu.vector_store %arg12[%parallel_loop3A_123, %parallel_loop3A_124], %parallel_loop3A_122 {strides = array<i32>} : memref<64x128xf32, #tpu.memory_space<vmem>>, vector<16xf32>,
          %parallel_loop3A_126 = arith.index_cast %parallel_loop3A_106 : i32 to index
          %parallel_loop3A_127 = arith.constant 32 : index
          %parallel_loop3A_128 = tpu.vector_load %arg10[%parallel_loop3A_126, %parallel_loop3A_127] {strides = array<i32>} : memref<64x128xf32, #tpu.memory_space<vmem>>, vector<16xf32>,
          %parallel_loop3A_129 = arith.mulf %parallel_loop3A_128, %parallel_loop3A_111 : vector<16xf32>
          %parallel_loop3A_130 = arith.index_cast %parallel_loop3A_106 : i32 to index
          %parallel_loop3A_131 = arith.constant 32 : index
          %parallel_loop3A_132 = tpu.vector_load %arg12[%parallel_loop3A_130, %parallel_loop3A_131] {strides = array<i32>} : memref<64x128xf32, #tpu.memory_space<vmem>>, vector<16xf32>,
          tpu.vector_store %arg12[%parallel_loop3A_130, %parallel_loop3A_131], %parallel_loop3A_129 {strides = array<i32>} : memref<64x128xf32, #tpu.memory_space<vmem>>, vector<16xf32>,
          %parallel_loop3A_133 = arith.index_cast %parallel_loop3A_106 : i32 to index
          %parallel_loop3A_134 = arith.constant 48 : index
          %parallel_loop3A_135 = tpu.vector_load %arg10[%parallel_loop3A_133, %parallel_loop3A_134] {strides = array<i32>} : memref<64x128xf32, #tpu.memory_space<vmem>>, vector<16xf32>,
          %parallel_loop3A_136 = arith.mulf %parallel_loop3A_135, %parallel_loop3A_111 : vector<16xf32>
          %parallel_loop3A_137 = arith.index_cast %parallel_loop3A_106 : i32 to index
          %parallel_loop3A_138 = arith.constant 48 : index
          %parallel_loop3A_139 = tpu.vector_load %arg12[%parallel_loop3A_137, %parallel_loop3A_138] {strides = array<i32>} : memref<64x128xf32, #tpu.memory_space<vmem>>, vector<16xf32>,
          tpu.vector_store %arg12[%parallel_loop3A_137, %parallel_loop3A_138], %parallel_loop3A_136 {strides = array<i32>} : memref<64x128xf32, #tpu.memory_space<vmem>>, vector<16xf32>,
          %parallel_loop3A_140 = arith.index_cast %parallel_loop3A_106 : i32 to index
          %parallel_loop3A_141 = arith.constant 64 : index
          %parallel_loop3A_142 = tpu.vector_load %arg10[%parallel_loop3A_140, %parallel_loop3A_141] {strides = array<i32>} : memref<64x128xf32, #tpu.memory_space<vmem>>, vector<16xf32>,
          %parallel_loop3A_143 = arith.mulf %parallel_loop3A_142, %parallel_loop3A_111 : vector<16xf32>
          %parallel_loop3A_144 = arith.index_cast %parallel_loop3A_106 : i32 to index
          %parallel_loop3A_145 = arith.constant 64 : index
          %parallel_loop3A_146 = tpu.vector_load %arg12[%parallel_loop3A_144, %parallel_loop3A_145] {strides = array<i32>} : memref<64x128xf32, #tpu.memory_space<vmem>>, vector<16xf32>,
          tpu.vector_store %arg12[%parallel_loop3A_144, %parallel_loop3A_145], %parallel_loop3A_143 {strides = array<i32>} : memref<64x128xf32, #tpu.memory_space<vmem>>, vector<16xf32>,
          %parallel_loop3A_147 = arith.index_cast %parallel_loop3A_106 : i32 to index
          %parallel_loop3A_148 = arith.constant 80 : index
          %parallel_loop3A_149 = tpu.vector_load %arg10[%parallel_loop3A_147, %parallel_loop3A_148] {strides = array<i32>} : memref<64x128xf32, #tpu.memory_space<vmem>>, vector<16xf32>,
          %parallel_loop3A_150 = arith.mulf %parallel_loop3A_149, %parallel_loop3A_111 : vector<16xf32>
          %parallel_loop3A_151 = arith.index_cast %parallel_loop3A_106 : i32 to index
          %parallel_loop3A_152 = arith.constant 80 : index
          %parallel_loop3A_153 = tpu.vector_load %arg12[%parallel_loop3A_151, %parallel_loop3A_152] {strides = array<i32>} : memref<64x128xf32, #tpu.memory_space<vmem>>, vector<16xf32>,
          tpu.vector_store %arg12[%parallel_loop3A_151, %parallel_loop3A_152], %parallel_loop3A_150 {strides = array<i32>} : memref<64x128xf32, #tpu.memory_space<vmem>>, vector<16xf32>,
          %parallel_loop3A_154 = arith.index_cast %parallel_loop3A_106 : i32 to index
          %parallel_loop3A_155 = arith.constant 96 : index
          %parallel_loop3A_156 = tpu.vector_load %arg10[%parallel_loop3A_154, %parallel_loop3A_155] {strides = array<i32>} : memref<64x128xf32, #tpu.memory_space<vmem>>, vector<16xf32>,
          %parallel_loop3A_157 = arith.mulf %parallel_loop3A_156, %parallel_loop3A_111 : vector<16xf32>
          %parallel_loop3A_158 = arith.index_cast %parallel_loop3A_106 : i32 to index
          %parallel_loop3A_159 = arith.constant 96 : index
          %parallel_loop3A_160 = tpu.vector_load %arg12[%parallel_loop3A_158, %parallel_loop3A_159] {strides = array<i32>} : memref<64x128xf32, #tpu.memory_space<vmem>>, vector<16xf32>,
          tpu.vector_store %arg12[%parallel_loop3A_158, %parallel_loop3A_159], %parallel_loop3A_157 {strides = array<i32>} : memref<64x128xf32, #tpu.memory_space<vmem>>, vector<16xf32>,
          %parallel_loop3A_161 = arith.index_cast %parallel_loop3A_106 : i32 to index
          %parallel_loop3A_162 = arith.constant 112 : index
          %parallel_loop3A_163 = tpu.vector_load %arg10[%parallel_loop3A_161, %parallel_loop3A_162] {strides = array<i32>} : memref<64x128xf32, #tpu.memory_space<vmem>>, vector<16xf32>,
          %parallel_loop3A_164 = arith.mulf %parallel_loop3A_163, %parallel_loop3A_111 : vector<16xf32>
          %parallel_loop3A_165 = arith.index_cast %parallel_loop3A_106 : i32 to index
          %parallel_loop3A_166 = arith.constant 112 : index
          %parallel_loop3A_167 = tpu.vector_load %arg12[%parallel_loop3A_165, %parallel_loop3A_166] {strides = array<i32>} : memref<64x128xf32, #tpu.memory_space<vmem>>, vector<16xf32>,
          tpu.vector_store %arg12[%parallel_loop3A_165, %parallel_loop3A_166], %parallel_loop3A_164 {strides = array<i32>} : memref<64x128xf32, #tpu.memory_space<vmem>>, vector<16xf32>,
        } {sc.loop_unroll_factor = 2 : i64, sc.parallel_access}
        %lt3A = arith.constant 39 : i32
        %lt3A_71 = arith.cmpi slt, %scan3A_56, %lt3A : i32
        %convert_element_type3A_72 = arith.extui %lt3A_71 : i1 to i32
        %cond3A_73 = arith.constant 0 : i32
        %cond3A_74 = arith.cmpi ne, %convert_element_type3A_72, %cond3A_73 : i32
        scf.if %cond3A_74 {
          %add3A_106 = arith.constant 1 : i32
          %add3A_107 = arith.addi %scan3A_56, %add3A_106 : i32
          %dma_start3A_108 = arith.constant 0 : i32
          %dma_start3A_109 = tpu.memref_slice %arg7[%add3A_107, %dma_start3A_108] : memref<40x128xi32, #tpu.memory_space<vmem>> -> memref<1x64xi32, #tpu.memory_space<vmem>>
          %dma_start3A_110 = tpu.memref_squeeze %dma_start3A_109 : memref<1x64xi32, #tpu.memory_space<vmem>> -> memref<64xi32, #tpu.memory_space<vmem>>
          %dma_start3A_111 = arith.constant 0 : i32
          %dma_start3A_112 = arith.constant 0 : i32
          %dma_start3A_113 = tpu.memref_slice %arg2[%dma_start3A_111, %dma_start3A_112] : memref<40000x128xf32, #tpu.memory_space<hbm>> -> memref<40000x128xf32, #tpu.memory_space<hbm>>
          tpu.enqueue_indirect_dma source(%dma_start3A_113 : memref<40000x128xf32, #tpu.memory_space<hbm>>) target(%arg10 : memref<64x128xf32, #tpu.memory_space<vmem>>) offsets(%dma_start3A_110 : memref<64xi32, #tpu.memory_space<vmem>>) semaphore(%arg15 : memref<!tpu.dma_semaphore, #tpu.memory_space<semaphore_mem>>)
        } else {
        }
        %dma_start3A_75 = arith.constant 0 : i32
        %dma_start3A_76 = tpu.memref_slice %arg8[%scan3A_56, %dma_start3A_75] : memref<40x128xi32, #tpu.memory_space<vmem>> -> memref<1x64xi32, #tpu.memory_space<vmem>>
        %dma_start3A_77 = tpu.memref_squeeze %dma_start3A_76 : memref<1x64xi32, #tpu.memory_space<vmem>> -> memref<64xi32, #tpu.memory_space<vmem>>
        %dma_start3A_78 = arith.constant 0 : i32
        %dma_start3A_79 = arith.constant 0 : i32
        %dma_start3A_80 = tpu.memref_slice %arg14[%dma_start3A_78, %dma_start3A_79] : memref<10240x128xf32, #tpu.memory_space<vmem_shared>> -> memref<10240x128xf32, #tpu.memory_space<vmem_shared>>
        tpu.enqueue_indirect_dma source(%arg12 : memref<64x128xf32, #tpu.memory_space<vmem>>) target(%dma_start3A_80 : memref<10240x128xf32, #tpu.memory_space<vmem_shared>>) offsets(%dma_start3A_77 : memref<64xi32, #tpu.memory_space<vmem>>) semaphore(%arg17 : memref<!tpu.dma_semaphore, #tpu.memory_space<semaphore_mem>>) {add = true}
        %dma_wait3A_81 = arith.constant 64 : i32
        %dma_wait3A_82 = tpu.memref_slice %arg7[%scan3A_56, %dma_wait3A_81] : memref<40x128xi32, #tpu.memory_space<vmem>> -> memref<1x64xi32, #tpu.memory_space<vmem>>
        %dma_wait3A_83 = tpu.memref_squeeze %dma_wait3A_82 : memref<1x64xi32, #tpu.memory_space<vmem>> -> memref<64xi32, #tpu.memory_space<vmem>>
        %dma_wait3A_84 = arith.constant 0 : i32
        %dma_wait3A_85 = arith.constant 0 : i32
        %dma_wait3A_86 = tpu.memref_slice %arg2[%dma_wait3A_84, %dma_wait3A_85] : memref<40000x128xf32, #tpu.memory_space<hbm>> -> memref<40000x128xf32, #tpu.memory_space<hbm>>
        tpu.wait_indirect_dma semaphore(%arg16 : memref<!tpu.dma_semaphore, #tpu.memory_space<semaphore_mem>>) src(%dma_wait3A_86 : memref<40000x128xf32, #tpu.memory_space<hbm>>) dst(%arg11 : memref<64x128xf32, #tpu.memory_space<vmem>>)
        %gt3A_87 = arith.constant 0 : i32
        %gt3A_88 = arith.cmpi sgt, %scan3A_56, %gt3A_87 : i32
        %convert_element_type3A_89 = arith.extui %gt3A_88 : i1 to i32
        %cond3A_90 = arith.constant 0 : i32
        %cond3A_91 = arith.cmpi ne, %convert_element_type3A_89, %cond3A_90 : i32
        scf.if %cond3A_91 {
          %sub3A = arith.constant 1 : i32
          %sub3A_106 = arith.subi %scan3A_56, %sub3A : i32
          %dma_wait3A_107 = arith.constant 64 : i32
          %dma_wait3A_108 = tpu.memref_slice %arg8[%sub3A_106, %dma_wait3A_107] : memref<40x128xi32, #tpu.memory_space<vmem>> -> memref<1x64xi32, #tpu.memory_space<vmem>>
          %dma_wait3A_109 = tpu.memref_squeeze %dma_wait3A_108 : memref<1x64xi32, #tpu.memory_space<vmem>> -> memref<64xi32, #tpu.memory_space<vmem>>
          %dma_wait3A_110 = arith.constant 0 : i32
          %dma_wait3A_111 = arith.constant 0 : i32
          %dma_wait3A_112 = tpu.memref_slice %arg14[%dma_wait3A_110, %dma_wait3A_111] : memref<10240x128xf32, #tpu.memory_space<vmem_shared>> -> memref<10240x128xf32, #tpu.memory_space<vmem_shared>>
          tpu.wait_indirect_dma semaphore(%arg18 : memref<!tpu.dma_semaphore, #tpu.memory_space<semaphore_mem>>) src(%arg13 : memref<64x128xf32, #tpu.memory_space<vmem>>) dst(%dma_wait3A_112 : memref<10240x128xf32, #tpu.memory_space<vmem_shared>>)
        } else {
        }
        %parallel_loop3A_92 = arith.constant 0 : i32
        %parallel_loop3A_93 = arith.constant 64 : i32
        %parallel_loop3A_94 = arith.constant 1 : i32
        scf.for %parallel_loop3A_106 = %parallel_loop3A_92 to %parallel_loop3A_93 step %parallel_loop3A_94  : i32 {
          %parallel_loop3A_107 = vector.broadcast %scan3A_56 : i32 to vector<16xi32>
          %parallel_loop3A_108 = arith.constant 64 : i32
          %parallel_loop3A_109 = arith.addi %parallel_loop3A_108, %parallel_loop3A_106 : i32
          %parallel_loop3A_110 = vector.broadcast %parallel_loop3A_109 : i32 to vector<16xi32>
          %parallel_loop3A_111 = tpu.vector_load_idx %arg9[%parallel_loop3A_107, %parallel_loop3A_110] : memref<40x128xf32, #tpu.memory_space<vmem>>[vector<16xi32>, vector<16xi32>], vector<16xf32>,
          %parallel_loop3A_112 = arith.index_cast %parallel_loop3A_106 : i32 to index
          %parallel_loop3A_113 = arith.constant 0 : index
          %parallel_loop3A_114 = tpu.vector_load %arg11[%parallel_loop3A_112, %parallel_loop3A_113] {strides = array<i32>} : memref<64x128xf32, #tpu.memory_space<vmem>>, vector<16xf32>,
          %parallel_loop3A_115 = arith.mulf %parallel_loop3A_114, %parallel_loop3A_111 : vector<16xf32>
          %parallel_loop3A_116 = arith.index_cast %parallel_loop3A_106 : i32 to index
          %parallel_loop3A_117 = arith.constant 0 : index
          %parallel_loop3A_118 = tpu.vector_load %arg13[%parallel_loop3A_116, %parallel_loop3A_117] {strides = array<i32>} : memref<64x128xf32, #tpu.memory_space<vmem>>, vector<16xf32>,
          tpu.vector_store %arg13[%parallel_loop3A_116, %parallel_loop3A_117], %parallel_loop3A_115 {strides = array<i32>} : memref<64x128xf32, #tpu.memory_space<vmem>>, vector<16xf32>,
          %parallel_loop3A_119 = arith.index_cast %parallel_loop3A_106 : i32 to index
          %parallel_loop3A_120 = arith.constant 16 : index
          %parallel_loop3A_121 = tpu.vector_load %arg11[%parallel_loop3A_119, %parallel_loop3A_120] {strides = array<i32>} : memref<64x128xf32, #tpu.memory_space<vmem>>, vector<16xf32>,
          %parallel_loop3A_122 = arith.mulf %parallel_loop3A_121, %parallel_loop3A_111 : vector<16xf32>
          %parallel_loop3A_123 = arith.index_cast %parallel_loop3A_106 : i32 to index
          %parallel_loop3A_124 = arith.constant 16 : index
          %parallel_loop3A_125 = tpu.vector_load %arg13[%parallel_loop3A_123, %parallel_loop3A_124] {strides = array<i32>} : memref<64x128xf32, #tpu.memory_space<vmem>>, vector<16xf32>,
          tpu.vector_store %arg13[%parallel_loop3A_123, %parallel_loop3A_124], %parallel_loop3A_122 {strides = array<i32>} : memref<64x128xf32, #tpu.memory_space<vmem>>, vector<16xf32>,
          %parallel_loop3A_126 = arith.index_cast %parallel_loop3A_106 : i32 to index
          %parallel_loop3A_127 = arith.constant 32 : index
          %parallel_loop3A_128 = tpu.vector_load %arg11[%parallel_loop3A_126, %parallel_loop3A_127] {strides = array<i32>} : memref<64x128xf32, #tpu.memory_space<vmem>>, vector<16xf32>,
          %parallel_loop3A_129 = arith.mulf %parallel_loop3A_128, %parallel_loop3A_111 : vector<16xf32>
          %parallel_loop3A_130 = arith.index_cast %parallel_loop3A_106 : i32 to index
          %parallel_loop3A_131 = arith.constant 32 : index
          %parallel_loop3A_132 = tpu.vector_load %arg13[%parallel_loop3A_130, %parallel_loop3A_131] {strides = array<i32>} : memref<64x128xf32, #tpu.memory_space<vmem>>, vector<16xf32>,
          tpu.vector_store %arg13[%parallel_loop3A_130, %parallel_loop3A_131], %parallel_loop3A_129 {strides = array<i32>} : memref<64x128xf32, #tpu.memory_space<vmem>>, vector<16xf32>,
          %parallel_loop3A_133 = arith.index_cast %parallel_loop3A_106 : i32 to index
          %parallel_loop3A_134 = arith.constant 48 : index
          %parallel_loop3A_135 = tpu.vector_load %arg11[%parallel_loop3A_133, %parallel_loop3A_134] {strides = array<i32>} : memref<64x128xf32, #tpu.memory_space<vmem>>, vector<16xf32>,
          %parallel_loop3A_136 = arith.mulf %parallel_loop3A_135, %parallel_loop3A_111 : vector<16xf32>
          %parallel_loop3A_137 = arith.index_cast %parallel_loop3A_106 : i32 to index
          %parallel_loop3A_138 = arith.constant 48 : index
          %parallel_loop3A_139 = tpu.vector_load %arg13[%parallel_loop3A_137, %parallel_loop3A_138] {strides = array<i32>} : memref<64x128xf32, #tpu.memory_space<vmem>>, vector<16xf32>,
          tpu.vector_store %arg13[%parallel_loop3A_137, %parallel_loop3A_138], %parallel_loop3A_136 {strides = array<i32>} : memref<64x128xf32, #tpu.memory_space<vmem>>, vector<16xf32>,
          %parallel_loop3A_140 = arith.index_cast %parallel_loop3A_106 : i32 to index
          %parallel_loop3A_141 = arith.constant 64 : index
          %parallel_loop3A_142 = tpu.vector_load %arg11[%parallel_loop3A_140, %parallel_loop3A_141] {strides = array<i32>} : memref<64x128xf32, #tpu.memory_space<vmem>>, vector<16xf32>,
          %parallel_loop3A_143 = arith.mulf %parallel_loop3A_142, %parallel_loop3A_111 : vector<16xf32>
          %parallel_loop3A_144 = arith.index_cast %parallel_loop3A_106 : i32 to index
          %parallel_loop3A_145 = arith.constant 64 : index
          %parallel_loop3A_146 = tpu.vector_load %arg13[%parallel_loop3A_144, %parallel_loop3A_145] {strides = array<i32>} : memref<64x128xf32, #tpu.memory_space<vmem>>, vector<16xf32>,
          tpu.vector_store %arg13[%parallel_loop3A_144, %parallel_loop3A_145], %parallel_loop3A_143 {strides = array<i32>} : memref<64x128xf32, #tpu.memory_space<vmem>>, vector<16xf32>,
          %parallel_loop3A_147 = arith.index_cast %parallel_loop3A_106 : i32 to index
          %parallel_loop3A_148 = arith.constant 80 : index
          %parallel_loop3A_149 = tpu.vector_load %arg11[%parallel_loop3A_147, %parallel_loop3A_148] {strides = array<i32>} : memref<64x128xf32, #tpu.memory_space<vmem>>, vector<16xf32>,
          %parallel_loop3A_150 = arith.mulf %parallel_loop3A_149, %parallel_loop3A_111 : vector<16xf32>
          %parallel_loop3A_151 = arith.index_cast %parallel_loop3A_106 : i32 to index
          %parallel_loop3A_152 = arith.constant 80 : index
          %parallel_loop3A_153 = tpu.vector_load %arg13[%parallel_loop3A_151, %parallel_loop3A_152] {strides = array<i32>} : memref<64x128xf32, #tpu.memory_space<vmem>>, vector<16xf32>,
          tpu.vector_store %arg13[%parallel_loop3A_151, %parallel_loop3A_152], %parallel_loop3A_150 {strides = array<i32>} : memref<64x128xf32, #tpu.memory_space<vmem>>, vector<16xf32>,
          %parallel_loop3A_154 = arith.index_cast %parallel_loop3A_106 : i32 to index
          %parallel_loop3A_155 = arith.constant 96 : index
          %parallel_loop3A_156 = tpu.vector_load %arg11[%parallel_loop3A_154, %parallel_loop3A_155] {strides = array<i32>} : memref<64x128xf32, #tpu.memory_space<vmem>>, vector<16xf32>,
          %parallel_loop3A_157 = arith.mulf %parallel_loop3A_156, %parallel_loop3A_111 : vector<16xf32>
          %parallel_loop3A_158 = arith.index_cast %parallel_loop3A_106 : i32 to index
          %parallel_loop3A_159 = arith.constant 96 : index
          %parallel_loop3A_160 = tpu.vector_load %arg13[%parallel_loop3A_158, %parallel_loop3A_159] {strides = array<i32>} : memref<64x128xf32, #tpu.memory_space<vmem>>, vector<16xf32>,
          tpu.vector_store %arg13[%parallel_loop3A_158, %parallel_loop3A_159], %parallel_loop3A_157 {strides = array<i32>} : memref<64x128xf32, #tpu.memory_space<vmem>>, vector<16xf32>,
          %parallel_loop3A_161 = arith.index_cast %parallel_loop3A_106 : i32 to index
          %parallel_loop3A_162 = arith.constant 112 : index
          %parallel_loop3A_163 = tpu.vector_load %arg11[%parallel_loop3A_161, %parallel_loop3A_162] {strides = array<i32>} : memref<64x128xf32, #tpu.memory_space<vmem>>, vector<16xf32>,
          %parallel_loop3A_164 = arith.mulf %parallel_loop3A_163, %parallel_loop3A_111 : vector<16xf32>
          %parallel_loop3A_165 = arith.index_cast %parallel_loop3A_106 : i32 to index
          %parallel_loop3A_166 = arith.constant 112 : index
          %parallel_loop3A_167 = tpu.vector_load %arg13[%parallel_loop3A_165, %parallel_loop3A_166] {strides = array<i32>} : memref<64x128xf32, #tpu.memory_space<vmem>>, vector<16xf32>,
          tpu.vector_store %arg13[%parallel_loop3A_165, %parallel_loop3A_166], %parallel_loop3A_164 {strides = array<i32>} : memref<64x128xf32, #tpu.memory_space<vmem>>, vector<16xf32>,
        } {sc.loop_unroll_factor = 2 : i64, sc.parallel_access}
        %lt3A_95 = arith.constant 39 : i32
        %lt3A_96 = arith.cmpi slt, %scan3A_56, %lt3A_95 : i32
        %convert_element_type3A_97 = arith.extui %lt3A_96 : i1 to i32
        %cond3A_98 = arith.constant 0 : i32
        %cond3A_99 = arith.cmpi ne, %convert_element_type3A_97, %cond3A_98 : i32
        scf.if %cond3A_99 {
          %add3A_106 = arith.constant 1 : i32
          %add3A_107 = arith.addi %scan3A_56, %add3A_106 : i32
          %dma_start3A_108 = arith.constant 64 : i32
          %dma_start3A_109 = tpu.memref_slice %arg7[%add3A_107, %dma_start3A_108] : memref<40x128xi32, #tpu.memory_space<vmem>> -> memref<1x64xi32, #tpu.memory_space<vmem>>
          %dma_start3A_110 = tpu.memref_squeeze %dma_start3A_109 : memref<1x64xi32, #tpu.memory_space<vmem>> -> memref<64xi32, #tpu.memory_space<vmem>>
          %dma_start3A_111 = arith.constant 0 : i32
          %dma_start3A_112 = arith.constant 0 : i32
          %dma_start3A_113 = tpu.memref_slice %arg2[%dma_start3A_111, %dma_start3A_112] : memref<40000x128xf32, #tpu.memory_space<hbm>> -> memref<40000x128xf32, #tpu.memory_space<hbm>>
          tpu.enqueue_indirect_dma source(%dma_start3A_113 : memref<40000x128xf32, #tpu.memory_space<hbm>>) target(%arg11 : memref<64x128xf32, #tpu.memory_space<vmem>>) offsets(%dma_start3A_110 : memref<64xi32, #tpu.memory_space<vmem>>) semaphore(%arg16 : memref<!tpu.dma_semaphore, #tpu.memory_space<semaphore_mem>>)
        } else {
        }
        %dma_start3A_100 = arith.constant 64 : i32
        %dma_start3A_101 = tpu.memref_slice %arg8[%scan3A_56, %dma_start3A_100] : memref<40x128xi32, #tpu.memory_space<vmem>> -> memref<1x64xi32, #tpu.memory_space<vmem>>
        %dma_start3A_102 = tpu.memref_squeeze %dma_start3A_101 : memref<1x64xi32, #tpu.memory_space<vmem>> -> memref<64xi32, #tpu.memory_space<vmem>>
        %dma_start3A_103 = arith.constant 0 : i32
        %dma_start3A_104 = arith.constant 0 : i32
        %dma_start3A_105 = tpu.memref_slice %arg14[%dma_start3A_103, %dma_start3A_104] : memref<10240x128xf32, #tpu.memory_space<vmem_shared>> -> memref<10240x128xf32, #tpu.memory_space<vmem_shared>>
        tpu.enqueue_indirect_dma source(%arg13 : memref<64x128xf32, #tpu.memory_space<vmem>>) target(%dma_start3A_105 : memref<10240x128xf32, #tpu.memory_space<vmem_shared>>) offsets(%dma_start3A_102 : memref<64xi32, #tpu.memory_space<vmem>>) semaphore(%arg18 : memref<!tpu.dma_semaphore, #tpu.memory_space<semaphore_mem>>) {add = true}
      }
      %scan3A_37 = arith.constant 40 : i32
      %dma_wait3A = arith.constant 39 : i32
      %dma_wait3A_38 = arith.constant 0 : i32
      %dma_wait3A_39 = tpu.memref_slice %arg8[%dma_wait3A, %dma_wait3A_38] : memref<40x128xi32, #tpu.memory_space<vmem>> -> memref<1x64xi32, #tpu.memory_space<vmem>>
      %dma_wait3A_40 = tpu.memref_squeeze %dma_wait3A_39 : memref<1x64xi32, #tpu.memory_space<vmem>> -> memref<64xi32, #tpu.memory_space<vmem>>
      %dma_wait3A_41 = arith.constant 0 : i32
      %dma_wait3A_42 = arith.constant 0 : i32
      %dma_wait3A_43 = tpu.memref_slice %arg14[%dma_wait3A_41, %dma_wait3A_42] : memref<10240x128xf32, #tpu.memory_space<vmem_shared>> -> memref<10240x128xf32, #tpu.memory_space<vmem_shared>>
      tpu.wait_indirect_dma semaphore(%arg17 : memref<!tpu.dma_semaphore, #tpu.memory_space<semaphore_mem>>) src(%arg12 : memref<64x128xf32, #tpu.memory_space<vmem>>) dst(%dma_wait3A_43 : memref<10240x128xf32, #tpu.memory_space<vmem_shared>>)
      %dma_wait3A_44 = arith.constant 39 : i32
      %dma_wait3A_45 = arith.constant 64 : i32
      %dma_wait3A_46 = tpu.memref_slice %arg8[%dma_wait3A_44, %dma_wait3A_45] : memref<40x128xi32, #tpu.memory_space<vmem>> -> memref<1x64xi32, #tpu.memory_space<vmem>>
      %dma_wait3A_47 = tpu.memref_squeeze %dma_wait3A_46 : memref<1x64xi32, #tpu.memory_space<vmem>> -> memref<64xi32, #tpu.memory_space<vmem>>
      %dma_wait3A_48 = arith.constant 0 : i32
      %dma_wait3A_49 = arith.constant 0 : i32
      %dma_wait3A_50 = tpu.memref_slice %arg14[%dma_wait3A_48, %dma_wait3A_49] : memref<10240x128xf32, #tpu.memory_space<vmem_shared>> -> memref<10240x128xf32, #tpu.memory_space<vmem_shared>>
      tpu.wait_indirect_dma semaphore(%arg18 : memref<!tpu.dma_semaphore, #tpu.memory_space<semaphore_mem>>) src(%arg13 : memref<64x128xf32, #tpu.memory_space<vmem>>) dst(%dma_wait3A_50 : memref<10240x128xf32, #tpu.memory_space<vmem_shared>>)
      %barrier3A_51 = arith.constant 0 : index
      tpu.barrier barrier_id(%barrier3A_51)
      %mul3A_52 = arith.constant 640 : i32
      %mul3A_53 = arith.muli %arg1, %mul3A_52 : i32
      %mul3A_54 = arith.constant 640 : i32
      %mul3A_55 = arith.muli %arg1, %mul3A_54 : i32
      "tpu.region"() ({
        %run_scoped3A = tpu.sem_alloc : memref<!tpu.dma_semaphore, #tpu.memory_space<semaphore_mem>>
        %dma_start3A_56 = arith.constant 0 : i32
        %dma_start3A_57 = tpu.memref_slice %arg6[%arg0, %scan3A_8, %mul3A_55, %dma_start3A_56] : memref<2x4x10240x128xf32, #tpu.memory_space<hbm>> -> memref<1x1x640x128xf32, #tpu.memory_space<hbm>>
        %dma_start3A_58 = tpu.memref_squeeze %dma_start3A_57 : memref<1x1x640x128xf32, #tpu.memory_space<hbm>> -> memref<640x128xf32, #tpu.memory_space<hbm>>
        %dma_start3A_59 = arith.constant 0 : i32
        %dma_start3A_60 = tpu.memref_slice %arg14[%mul3A_53, %dma_start3A_59] : memref<10240x128xf32, #tpu.memory_space<vmem_shared>> -> memref<640x128xf32, #tpu.memory_space<vmem_shared>>
        tpu.enqueue_dma source(%dma_start3A_60 : memref<640x128xf32, #tpu.memory_space<vmem_shared>>) target(%dma_start3A_58 : memref<640x128xf32, #tpu.memory_space<hbm>>) target_semaphore(%run_scoped3A : memref<!tpu.dma_semaphore, #tpu.memory_space<semaphore_mem>>)
        %dma_wait3A_61 = arith.constant 0 : i32
        %dma_wait3A_62 = tpu.memref_slice %arg6[%arg0, %scan3A_8, %mul3A_55, %dma_wait3A_61] : memref<2x4x10240x128xf32, #tpu.memory_space<hbm>> -> memref<1x1x640x128xf32, #tpu.memory_space<hbm>>
        %dma_wait3A_63 = tpu.memref_squeeze %dma_wait3A_62 : memref<1x1x640x128xf32, #tpu.memory_space<hbm>> -> memref<640x128xf32, #tpu.memory_space<hbm>>
        %dma_wait3A_64 = arith.constant 0 : i32
        %dma_wait3A_65 = tpu.memref_slice %arg14[%mul3A_53, %dma_wait3A_64] : memref<10240x128xf32, #tpu.memory_space<vmem_shared>> -> memref<640x128xf32, #tpu.memory_space<vmem_shared>>
        tpu.wait_dma2 semaphore(%run_scoped3A : memref<!tpu.dma_semaphore, #tpu.memory_space<semaphore_mem>>) src(%dma_wait3A_65 : memref<640x128xf32, #tpu.memory_space<vmem_shared>>) dst(%dma_wait3A_63 : memref<640x128xf32, #tpu.memory_space<hbm>>)
        tpu.yield
      }) : () -> ()
    }
    %scan3A_7 = arith.constant 4 : i32
    return
  }
}

#map = affine_map<(d0, d1) -> (0)>
#map1 = affine_map<(d0, d1) -> (0, 0)>
module attributes {stable_mosaic.version = 14 : i64} {
  func.func @_edge_w_body(%arg0: i32, %arg1: i32, %arg2: memref<10000xf32, #tpu.memory_space<hbm>>, %arg3: memref<10000xf32, #tpu.memory_space<hbm>>, %arg4: memref<1280x128xi32, #tpu.memory_space<hbm>>, %arg5: memref<1280x128xi32, #tpu.memory_space<hbm>>, %arg6: memref<1280x128xf32, #tpu.memory_space<hbm>>, %arg7: memref<2x10240xf32, #tpu.memory_space<hbm>>, %arg8: memref<10240xf32, #tpu.memory_space<vmem>>, %arg9: memref<10240xf32, #tpu.memory_space<vmem>>, %arg10: memref<40x128xi32, #tpu.memory_space<vmem>>, %arg11: memref<40x128xi32, #tpu.memory_space<vmem>>, %arg12: memref<40x128xf32, #tpu.memory_space<vmem>>, %arg13: memref<640xf32, #tpu.memory_space<vmem>>, %arg14: memref<10240xf32, #tpu.memory_space<vmem_shared>>) attributes {dimension_semantics = [#tpu.dimension_semantics<core_parallel>, #tpu.dimension_semantics<subcore_parallel>], iteration_bounds = array<i64: 2, 16>, scalar_prefetch = 0 : i64, scratch_operands = 7 : i64, tpu.core_type = #tpu.core_type<sc_vector_subcore>, window_params = [{transform_indices = #map}, {transform_indices = #map}, {transform_indices = #map1}, {transform_indices = #map1}, {transform_indices = #map1}, {transform_indices = #map1}]} {
    %mul3A = arith.constant 640 : i32
    %mul3A_0 = arith.muli %arg0, %mul3A : i32
    %mul3A_1 = arith.constant 40 : i32
    %mul3A_2 = arith.muli %arg1, %mul3A_1 : i32
    %add3A = arith.addi %mul3A_0, %mul3A_2 : i32
    "tpu.region"() ({
      %run_scoped3A = tpu.sem_alloc : memref<!tpu.dma_semaphore, #tpu.memory_space<semaphore_mem>>
      %dma_start3A = arith.constant 0 : i32
      %dma_start3A_27 = tpu.memref_slice %arg8[%dma_start3A] : memref<10240xf32, #tpu.memory_space<vmem>> -> memref<10000xf32, #tpu.memory_space<vmem>>
      %dma_start3A_28 = arith.constant 0 : i32
      %dma_start3A_29 = tpu.memref_slice %arg8[%dma_start3A_28] : memref<10240xf32, #tpu.memory_space<vmem>> -> memref<10000xf32, #tpu.memory_space<vmem>>
      tpu.enqueue_dma source(%arg2 : memref<10000xf32, #tpu.memory_space<hbm>>) target(%dma_start3A_29 : memref<10000xf32, #tpu.memory_space<vmem>>) target_semaphore(%run_scoped3A : memref<!tpu.dma_semaphore, #tpu.memory_space<semaphore_mem>>)
      %dma_wait3A = arith.constant 0 : i32
      %dma_wait3A_30 = tpu.memref_slice %arg8[%dma_wait3A] : memref<10240xf32, #tpu.memory_space<vmem>> -> memref<10000xf32, #tpu.memory_space<vmem>>
      %dma_wait3A_31 = arith.constant 0 : i32
      %dma_wait3A_32 = tpu.memref_slice %arg8[%dma_wait3A_31] : memref<10240xf32, #tpu.memory_space<vmem>> -> memref<10000xf32, #tpu.memory_space<vmem>>
      tpu.wait_dma2 semaphore(%run_scoped3A : memref<!tpu.dma_semaphore, #tpu.memory_space<semaphore_mem>>) src(%arg2 : memref<10000xf32, #tpu.memory_space<hbm>>) dst(%dma_wait3A_32 : memref<10000xf32, #tpu.memory_space<vmem>>)
      tpu.yield
    }) : () -> ()
    "tpu.region"() ({
      %run_scoped3A = tpu.sem_alloc : memref<!tpu.dma_semaphore, #tpu.memory_space<semaphore_mem>>
      %dma_start3A = arith.constant 0 : i32
      %dma_start3A_27 = tpu.memref_slice %arg9[%dma_start3A] : memref<10240xf32, #tpu.memory_space<vmem>> -> memref<10000xf32, #tpu.memory_space<vmem>>
      %dma_start3A_28 = arith.constant 0 : i32
      %dma_start3A_29 = tpu.memref_slice %arg9[%dma_start3A_28] : memref<10240xf32, #tpu.memory_space<vmem>> -> memref<10000xf32, #tpu.memory_space<vmem>>
      tpu.enqueue_dma source(%arg3 : memref<10000xf32, #tpu.memory_space<hbm>>) target(%dma_start3A_29 : memref<10000xf32, #tpu.memory_space<vmem>>) target_semaphore(%run_scoped3A : memref<!tpu.dma_semaphore, #tpu.memory_space<semaphore_mem>>)
      %dma_wait3A = arith.constant 0 : i32
      %dma_wait3A_30 = tpu.memref_slice %arg9[%dma_wait3A] : memref<10240xf32, #tpu.memory_space<vmem>> -> memref<10000xf32, #tpu.memory_space<vmem>>
      %dma_wait3A_31 = arith.constant 0 : i32
      %dma_wait3A_32 = tpu.memref_slice %arg9[%dma_wait3A_31] : memref<10240xf32, #tpu.memory_space<vmem>> -> memref<10000xf32, #tpu.memory_space<vmem>>
      tpu.wait_dma2 semaphore(%run_scoped3A : memref<!tpu.dma_semaphore, #tpu.memory_space<semaphore_mem>>) src(%arg3 : memref<10000xf32, #tpu.memory_space<hbm>>) dst(%dma_wait3A_32 : memref<10000xf32, #tpu.memory_space<vmem>>)
      tpu.yield
    }) : () -> ()
    "tpu.region"() ({
      %run_scoped3A = tpu.sem_alloc : memref<!tpu.dma_semaphore, #tpu.memory_space<semaphore_mem>>
      %dma_start3A = arith.constant 0 : i32
      %dma_start3A_27 = tpu.memref_slice %arg4[%add3A, %dma_start3A] : memref<1280x128xi32, #tpu.memory_space<hbm>> -> memref<40x128xi32, #tpu.memory_space<hbm>>
      %dma_start3A_28 = arith.constant 0 : i32
      %dma_start3A_29 = tpu.memref_slice %arg4[%add3A, %dma_start3A_28] : memref<1280x128xi32, #tpu.memory_space<hbm>> -> memref<40x128xi32, #tpu.memory_space<hbm>>
      tpu.enqueue_dma source(%dma_start3A_29 : memref<40x128xi32, #tpu.memory_space<hbm>>) target(%arg10 : memref<40x128xi32, #tpu.memory_space<vmem>>) target_semaphore(%run_scoped3A : memref<!tpu.dma_semaphore, #tpu.memory_space<semaphore_mem>>)
      %dma_wait3A = arith.constant 0 : i32
      %dma_wait3A_30 = tpu.memref_slice %arg4[%add3A, %dma_wait3A] : memref<1280x128xi32, #tpu.memory_space<hbm>> -> memref<40x128xi32, #tpu.memory_space<hbm>>
      %dma_wait3A_31 = arith.constant 0 : i32
      %dma_wait3A_32 = tpu.memref_slice %arg4[%add3A, %dma_wait3A_31] : memref<1280x128xi32, #tpu.memory_space<hbm>> -> memref<40x128xi32, #tpu.memory_space<hbm>>
      tpu.wait_dma2 semaphore(%run_scoped3A : memref<!tpu.dma_semaphore, #tpu.memory_space<semaphore_mem>>) src(%dma_wait3A_32 : memref<40x128xi32, #tpu.memory_space<hbm>>) dst(%arg10 : memref<40x128xi32, #tpu.memory_space<vmem>>)
      tpu.yield
    }) : () -> ()
    "tpu.region"() ({
      %run_scoped3A = tpu.sem_alloc : memref<!tpu.dma_semaphore, #tpu.memory_space<semaphore_mem>>
      %dma_start3A = arith.constant 0 : i32
      %dma_start3A_27 = tpu.memref_slice %arg5[%add3A, %dma_start3A] : memref<1280x128xi32, #tpu.memory_space<hbm>> -> memref<40x128xi32, #tpu.memory_space<hbm>>
      %dma_start3A_28 = arith.constant 0 : i32
      %dma_start3A_29 = tpu.memref_slice %arg5[%add3A, %dma_start3A_28] : memref<1280x128xi32, #tpu.memory_space<hbm>> -> memref<40x128xi32, #tpu.memory_space<hbm>>
      tpu.enqueue_dma source(%dma_start3A_29 : memref<40x128xi32, #tpu.memory_space<hbm>>) target(%arg11 : memref<40x128xi32, #tpu.memory_space<vmem>>) target_semaphore(%run_scoped3A : memref<!tpu.dma_semaphore, #tpu.memory_space<semaphore_mem>>)
      %dma_wait3A = arith.constant 0 : i32
      %dma_wait3A_30 = tpu.memref_slice %arg5[%add3A, %dma_wait3A] : memref<1280x128xi32, #tpu.memory_space<hbm>> -> memref<40x128xi32, #tpu.memory_space<hbm>>
      %dma_wait3A_31 = arith.constant 0 : i32
      %dma_wait3A_32 = tpu.memref_slice %arg5[%add3A, %dma_wait3A_31] : memref<1280x128xi32, #tpu.memory_space<hbm>> -> memref<40x128xi32, #tpu.memory_space<hbm>>
      tpu.wait_dma2 semaphore(%run_scoped3A : memref<!tpu.dma_semaphore, #tpu.memory_space<semaphore_mem>>) src(%dma_wait3A_32 : memref<40x128xi32, #tpu.memory_space<hbm>>) dst(%arg11 : memref<40x128xi32, #tpu.memory_space<vmem>>)
      tpu.yield
    }) : () -> ()
    %scan3A = arith.constant 0 : i32
    %scan3A_3 = arith.constant 0 : i32
    %scan3A_4 = arith.constant 40 : i32
    %scan3A_5 = arith.addi %scan3A_3, %scan3A_4 : i32
    %scan3A_6 = arith.constant 1 : i32
    scf.for %scan3A_27 = %scan3A_3 to %scan3A_5 step %scan3A_6  : i32 {
      %broadcast_in_dim3A = arith.constant 0.000000e+00 : f32
      %broadcast_in_dim3A_28 = vector.broadcast %broadcast_in_dim3A : f32 to vector<16xf32>
      %mul3A_29 = arith.constant 16 : i32
      %mul3A_30 = arith.muli %scan3A_27, %mul3A_29 : i32
      %swap3A = arith.index_cast %mul3A_30 : i32 to index
      %swap3A_31 = tpu.vector_load %arg13[%swap3A] {strides = array<i32>} : memref<640xf32, #tpu.memory_space<vmem>>, vector<16xf32>,
      tpu.vector_store %arg13[%swap3A], %broadcast_in_dim3A_28 {strides = array<i32>} : memref<640xf32, #tpu.memory_space<vmem>>, vector<16xf32>,
    }
    %scan3A_7 = arith.constant 40 : i32
    %mul3A_8 = arith.constant 640 : i32
    %mul3A_9 = arith.muli %arg1, %mul3A_8 : i32
    "tpu.region"() ({
      %run_scoped3A = tpu.sem_alloc : memref<!tpu.dma_semaphore, #tpu.memory_space<semaphore_mem>>
      %dma_start3A = tpu.memref_slice %arg14[%mul3A_9] : memref<10240xf32, #tpu.memory_space<vmem_shared>> -> memref<640xf32, #tpu.memory_space<vmem_shared>>
      %dma_start3A_27 = tpu.memref_slice %arg14[%mul3A_9] : memref<10240xf32, #tpu.memory_space<vmem_shared>> -> memref<640xf32, #tpu.memory_space<vmem_shared>>
      tpu.enqueue_dma source(%arg13 : memref<640xf32, #tpu.memory_space<vmem>>) target(%dma_start3A_27 : memref<640xf32, #tpu.memory_space<vmem_shared>>) target_semaphore(%run_scoped3A : memref<!tpu.dma_semaphore, #tpu.memory_space<semaphore_mem>>)
      %dma_wait3A = tpu.memref_slice %arg14[%mul3A_9] : memref<10240xf32, #tpu.memory_space<vmem_shared>> -> memref<640xf32, #tpu.memory_space<vmem_shared>>
      %dma_wait3A_28 = tpu.memref_slice %arg14[%mul3A_9] : memref<10240xf32, #tpu.memory_space<vmem_shared>> -> memref<640xf32, #tpu.memory_space<vmem_shared>>
      tpu.wait_dma2 semaphore(%run_scoped3A : memref<!tpu.dma_semaphore, #tpu.memory_space<semaphore_mem>>) src(%arg13 : memref<640xf32, #tpu.memory_space<vmem>>) dst(%dma_wait3A_28 : memref<640xf32, #tpu.memory_space<vmem_shared>>)
      tpu.yield
    }) : () -> ()
    %scan3A_10 = arith.constant 0 : i32
    %scan3A_11 = arith.constant 0 : i32
    %scan3A_12 = arith.constant 40 : i32
    %scan3A_13 = arith.addi %scan3A_11, %scan3A_12 : i32
    %scan3A_14 = arith.constant 1 : i32
    scf.for %scan3A_27 = %scan3A_11 to %scan3A_13 step %scan3A_14  : i32 {
      %add3A_28 = arith.addi %add3A, %scan3A_27 : i32
      %lt3A = arith.constant 1250 : i32
      %lt3A_29 = arith.cmpi slt, %add3A_28, %lt3A : i32
      %scan3A_30 = arith.constant 0 : i32
      %scan3A_31 = arith.constant 0 : i32
      %scan3A_32 = arith.constant 8 : i32
      %scan3A_33 = arith.addi %scan3A_31, %scan3A_32 : i32
      %scan3A_34 = arith.constant 1 : i32
      scf.for %scan3A_36 = %scan3A_31 to %scan3A_33 step %scan3A_34  : i32 {
        %mul3A_37 = arith.constant 16 : i32
        %mul3A_38 = arith.muli %scan3A_36, %mul3A_37 : i32
        %get3A = arith.index_cast %scan3A_27 : i32 to index
        %get3A_39 = arith.index_cast %mul3A_38 : i32 to index
        %get3A_40 = tpu.vector_load %arg10[%get3A, %get3A_39] {strides = array<i32>} : memref<40x128xi32, #tpu.memory_space<vmem>>, vector<16xi32>,
        %get3A_41 = arith.index_cast %scan3A_27 : i32 to index
        %get3A_42 = arith.index_cast %mul3A_38 : i32 to index
        %get3A_43 = tpu.vector_load %arg11[%get3A_41, %get3A_42] {strides = array<i32>} : memref<40x128xi32, #tpu.memory_space<vmem>>, vector<16xi32>,
        %gather3A = tpu.vector_load_idx %arg8[%get3A_40] : memref<10240xf32, #tpu.memory_space<vmem>>[vector<16xi32>], vector<16xf32>,
        %gather3A_44 = tpu.vector_load_idx %arg9[%get3A_43] : memref<10240xf32, #tpu.memory_space<vmem>>[vector<16xi32>], vector<16xf32>,
        %add3A_45 = arith.addf %gather3A, %gather3A_44 : vector<16xf32>
        %neg3A = arith.constant 0.000000e+00 : f32
        %neg3A_46 = vector.broadcast %neg3A : f32 to vector<16xf32>
        %neg3A_47 = arith.subf %neg3A_46, %add3A_45 : vector<16xf32>
        %exp3A = math.exp %neg3A_47 : vector<16xf32>
        %add3A_48 = arith.constant 1.000000e+00 : f32
        %add3A_49 = vector.broadcast %add3A_48 : f32 to vector<16xf32>
        %add3A_50 = arith.addf %add3A_49, %exp3A : vector<16xf32>
        %div3A = arith.constant 1.000000e+00 : f32
        %div3A_51 = vector.broadcast %div3A : f32 to vector<16xf32>
        %div3A_52 = arith.divf %div3A_51, %add3A_50 : vector<16xf32>
        %exp3A_53 = math.exp %div3A_52 : vector<16xf32>
        %broadcast_in_dim3A = arith.constant 0.000000e+00 : f32
        %broadcast_in_dim3A_54 = vector.broadcast %broadcast_in_dim3A : f32 to vector<16xf32>
        %select_n3A = arith.select %lt3A_29, %exp3A_53, %broadcast_in_dim3A_54 : vector<16xf32>
        %swap3A = arith.index_cast %scan3A_27 : i32 to index
        %swap3A_55 = arith.index_cast %mul3A_38 : i32 to index
        %swap3A_56 = tpu.vector_load %arg12[%swap3A, %swap3A_55] {strides = array<i32>} : memref<40x128xf32, #tpu.memory_space<vmem>>, vector<16xf32>,
        tpu.vector_store %arg12[%swap3A, %swap3A_55], %select_n3A {strides = array<i32>} : memref<40x128xf32, #tpu.memory_space<vmem>>, vector<16xf32>,
      }
      %scan3A_35 = arith.constant 8 : i32
    }
    %scan3A_15 = arith.constant 40 : i32
    "tpu.region"() ({
      %run_scoped3A = tpu.sem_alloc : memref<!tpu.dma_semaphore, #tpu.memory_space<semaphore_mem>>
      %dma_start3A = arith.constant 0 : i32
      %dma_start3A_27 = tpu.memref_slice %arg6[%add3A, %dma_start3A] : memref<1280x128xf32, #tpu.memory_space<hbm>> -> memref<40x128xf32, #tpu.memory_space<hbm>>
      %dma_start3A_28 = arith.constant 0 : i32
      %dma_start3A_29 = tpu.memref_slice %arg6[%add3A, %dma_start3A_28] : memref<1280x128xf32, #tpu.memory_space<hbm>> -> memref<40x128xf32, #tpu.memory_space<hbm>>
      tpu.enqueue_dma source(%arg12 : memref<40x128xf32, #tpu.memory_space<vmem>>) target(%dma_start3A_29 : memref<40x128xf32, #tpu.memory_space<hbm>>) target_semaphore(%run_scoped3A : memref<!tpu.dma_semaphore, #tpu.memory_space<semaphore_mem>>)
      %dma_wait3A = arith.constant 0 : i32
      %dma_wait3A_30 = tpu.memref_slice %arg6[%add3A, %dma_wait3A] : memref<1280x128xf32, #tpu.memory_space<hbm>> -> memref<40x128xf32, #tpu.memory_space<hbm>>
      %dma_wait3A_31 = arith.constant 0 : i32
      %dma_wait3A_32 = tpu.memref_slice %arg6[%add3A, %dma_wait3A_31] : memref<1280x128xf32, #tpu.memory_space<hbm>> -> memref<40x128xf32, #tpu.memory_space<hbm>>
      tpu.wait_dma2 semaphore(%run_scoped3A : memref<!tpu.dma_semaphore, #tpu.memory_space<semaphore_mem>>) src(%arg12 : memref<40x128xf32, #tpu.memory_space<vmem>>) dst(%dma_wait3A_32 : memref<40x128xf32, #tpu.memory_space<hbm>>)
      tpu.yield
    }) : () -> ()
    %barrier3A = arith.constant 0 : index
    tpu.barrier barrier_id(%barrier3A)
    %scan3A_16 = arith.constant 0 : i32
    %scan3A_17 = arith.constant 0 : i32
    %scan3A_18 = arith.constant 40 : i32
    %scan3A_19 = arith.addi %scan3A_17, %scan3A_18 : i32
    %scan3A_20 = arith.constant 1 : i32
    scf.for %scan3A_27 = %scan3A_17 to %scan3A_19 step %scan3A_20  : i32 {
      "tpu.region"() ({
        %run_scoped3A = tpu.sem_alloc : memref<!tpu.dma_semaphore, #tpu.memory_space<semaphore_mem>>
        %dma_start3A = arith.constant 0 : i32
        %dma_start3A_28 = tpu.memref_slice %arg12[%scan3A_27, %dma_start3A] : memref<40x128xf32, #tpu.memory_space<vmem>> -> memref<1x128xf32, #tpu.memory_space<vmem>>
        %dma_start3A_29 = tpu.memref_squeeze %dma_start3A_28 : memref<1x128xf32, #tpu.memory_space<vmem>> -> memref<128xf32, #tpu.memory_space<vmem>>
        %dma_start3A_30 = arith.constant 0 : i32
        %dma_start3A_31 = tpu.memref_slice %arg11[%scan3A_27, %dma_start3A_30] : memref<40x128xi32, #tpu.memory_space<vmem>> -> memref<1x128xi32, #tpu.memory_space<vmem>>
        %dma_start3A_32 = tpu.memref_squeeze %dma_start3A_31 : memref<1x128xi32, #tpu.memory_space<vmem>> -> memref<128xi32, #tpu.memory_space<vmem>>
        %dma_start3A_33 = arith.constant 0 : i32
        %dma_start3A_34 = tpu.memref_slice %arg14[%dma_start3A_33] : memref<10240xf32, #tpu.memory_space<vmem_shared>> -> memref<10240xf32, #tpu.memory_space<vmem_shared>>
        tpu.enqueue_indirect_dma source(%dma_start3A_29 : memref<128xf32, #tpu.memory_space<vmem>>) target(%dma_start3A_34 : memref<10240xf32, #tpu.memory_space<vmem_shared>>) offsets(%dma_start3A_32 : memref<128xi32, #tpu.memory_space<vmem>>) semaphore(%run_scoped3A : memref<!tpu.dma_semaphore, #tpu.memory_space<semaphore_mem>>) {add = true}
        %dma_wait3A = arith.constant 0 : i32
        %dma_wait3A_35 = tpu.memref_slice %arg12[%scan3A_27, %dma_wait3A] : memref<40x128xf32, #tpu.memory_space<vmem>> -> memref<1x128xf32, #tpu.memory_space<vmem>>
        %dma_wait3A_36 = tpu.memref_squeeze %dma_wait3A_35 : memref<1x128xf32, #tpu.memory_space<vmem>> -> memref<128xf32, #tpu.memory_space<vmem>>
        %dma_wait3A_37 = arith.constant 0 : i32
        %dma_wait3A_38 = tpu.memref_slice %arg11[%scan3A_27, %dma_wait3A_37] : memref<40x128xi32, #tpu.memory_space<vmem>> -> memref<1x128xi32, #tpu.memory_space<vmem>>
        %dma_wait3A_39 = tpu.memref_squeeze %dma_wait3A_38 : memref<1x128xi32, #tpu.memory_space<vmem>> -> memref<128xi32, #tpu.memory_space<vmem>>
        %dma_wait3A_40 = arith.constant 0 : i32
        %dma_wait3A_41 = tpu.memref_slice %arg14[%dma_wait3A_40] : memref<10240xf32, #tpu.memory_space<vmem_shared>> -> memref<10240xf32, #tpu.memory_space<vmem_shared>>
        tpu.wait_indirect_dma semaphore(%run_scoped3A : memref<!tpu.dma_semaphore, #tpu.memory_space<semaphore_mem>>) src(%dma_wait3A_36 : memref<128xf32, #tpu.memory_space<vmem>>) dst(%dma_wait3A_41 : memref<10240xf32, #tpu.memory_space<vmem_shared>>)
        tpu.yield
      }) : () -> ()
    }
    %scan3A_21 = arith.constant 40 : i32
    %barrier3A_22 = arith.constant 0 : index
    tpu.barrier barrier_id(%barrier3A_22)
    %mul3A_23 = arith.constant 640 : i32
    %mul3A_24 = arith.muli %arg1, %mul3A_23 : i32
    %mul3A_25 = arith.constant 640 : i32
    %mul3A_26 = arith.muli %arg1, %mul3A_25 : i32
    "tpu.region"() ({
      %run_scoped3A = tpu.sem_alloc : memref<!tpu.dma_semaphore, #tpu.memory_space<semaphore_mem>>
      %dma_start3A = tpu.memref_slice %arg7[%arg0, %mul3A_26] : memref<2x10240xf32, #tpu.memory_space<hbm>> -> memref<1x640xf32, #tpu.memory_space<hbm>>
      %dma_start3A_27 = tpu.memref_squeeze %dma_start3A : memref<1x640xf32, #tpu.memory_space<hbm>> -> memref<640xf32, #tpu.memory_space<hbm>>
      %dma_start3A_28 = tpu.memref_slice %arg14[%mul3A_24] : memref<10240xf32, #tpu.memory_space<vmem_shared>> -> memref<640xf32, #tpu.memory_space<vmem_shared>>
      tpu.enqueue_dma source(%dma_start3A_28 : memref<640xf32, #tpu.memory_space<vmem_shared>>) target(%dma_start3A_27 : memref<640xf32, #tpu.memory_space<hbm>>) target_semaphore(%run_scoped3A : memref<!tpu.dma_semaphore, #tpu.memory_space<semaphore_mem>>)
      %dma_wait3A = tpu.memref_slice %arg7[%arg0, %mul3A_26] : memref<2x10240xf32, #tpu.memory_space<hbm>> -> memref<1x640xf32, #tpu.memory_space<hbm>>
      %dma_wait3A_29 = tpu.memref_squeeze %dma_wait3A : memref<1x640xf32, #tpu.memory_space<hbm>> -> memref<640xf32, #tpu.memory_space<hbm>>
      %dma_wait3A_30 = tpu.memref_slice %arg14[%mul3A_24] : memref<10240xf32, #tpu.memory_space<vmem_shared>> -> memref<640xf32, #tpu.memory_space<vmem_shared>>
      tpu.wait_dma2 semaphore(%run_scoped3A : memref<!tpu.dma_semaphore, #tpu.memory_space<semaphore_mem>>) src(%dma_wait3A_30 : memref<640xf32, #tpu.memory_space<vmem_shared>>) dst(%dma_wait3A_29 : memref<640xf32, #tpu.memory_space<hbm>>)
      tpu.yield
    }) : () -> ()
    return
  }
}

module attributes {stable_mosaic.version = 14 : i64} {
  func.func @_k1_body(%arg0: i32, %arg1: i32, %arg2: memref<1000x512xf32, #tpu.memory_space<vmem>>, %arg3: memref<512x128xf32, #tpu.memory_space<vmem>>, %arg4: memref<128x128xf32, #tpu.memory_space<vmem>>, %arg5: memref<1000x128xf32, #tpu.memory_space<vmem>>, %arg6: memref<1000x128xf32, #tpu.memory_space<vmem>>) attributes {dimension_semantics = [#tpu.dimension_semantics<arbitrary>, #tpu.dimension_semantics<arbitrary>], iteration_bounds = array<i64: 10, 4>, scalar_prefetch = 0 : i64, scratch_operands = 0 : i64, tpu.core_type = #tpu.core_type<tc>, window_params = [{transform_indices = @transform_0, window_bounds = array<i64: 1000, 512>}, {transform_indices = @transform_1, window_bounds = array<i64: 512, 128>}, {transform_indices = @transform_2, window_bounds = array<i64: 128, 128>}, {transform_indices = @transform_3, window_bounds = array<i64: 1000, 128>}, {transform_indices = @transform_4, window_bounds = array<i64: 1000, 128>}]} {
    %get3A = arith.constant 0 : index
    %get3A_0 = arith.constant 0 : index
    %get3A_1 = vector.load %arg2[%get3A, %get3A_0] : memref<1000x512xf32, #tpu.memory_space<vmem>>, vector<1000x512xf32>
    %get3A_2 = arith.constant 0 : index
    %get3A_3 = arith.constant 0 : index
    %get3A_4 = vector.load %arg3[%get3A_2, %get3A_3] : memref<512x128xf32, #tpu.memory_space<vmem>>, vector<512x128xf32>
    %dot_general3A = arith.constant dense<0.000000e+00> : vector<1000x128xf32>
    %dot_general3A_5 = tpu.matmul %get3A_1, %get3A_4, %dot_general3A {dimension_numbers = #tpu.dot_dimension_numbers<[1], [0], [0], [1], [0, 0, 1, 1], [], []>, transpose_lhs_hint = false} : vector<1000x512xf32>, vector<512x128xf32>, vector<1000x128xf32> -> vector<1000x128xf32>
    %swap3A = arith.constant 0 : index
    %swap3A_6 = arith.constant 0 : index
    %swap3A_7 = vector.load %arg5[%swap3A, %swap3A_6] : memref<1000x128xf32, #tpu.memory_space<vmem>>, vector<1000x128xf32>
    tpu.vector_store %arg5[%swap3A, %swap3A_6], %dot_general3A_5 {strides = array<i32>} : memref<1000x128xf32, #tpu.memory_space<vmem>>, vector<1000x128xf32>,
    %eq3A = arith.constant 0 : i32
    %eq3A_8 = arith.cmpi eq, %arg1, %eq3A : i32
    %convert_element_type3A = arith.extui %eq3A_8 : i1 to i32
    %cond3A = arith.constant 0 : i32
    %cond3A_9 = arith.cmpi ne, %convert_element_type3A, %cond3A : i32
    scf.if %cond3A_9 {
      %broadcast_in_dim3A = arith.constant 0.000000e+00 : f32
      %broadcast_in_dim3A_21 = vector.broadcast %broadcast_in_dim3A : f32 to vector<1000x128xf32>
      %swap3A_22 = arith.constant 0 : index
      %swap3A_23 = arith.constant 0 : index
      %swap3A_24 = vector.load %arg6[%swap3A_22, %swap3A_23] : memref<1000x128xf32, #tpu.memory_space<vmem>>, vector<1000x128xf32>
      tpu.vector_store %arg6[%swap3A_22, %swap3A_23], %broadcast_in_dim3A_21 {strides = array<i32>} : memref<1000x128xf32, #tpu.memory_space<vmem>>, vector<1000x128xf32>,
    } else {
    }
    %get3A_10 = arith.constant 0 : index
    %get3A_11 = arith.constant 0 : index
    %get3A_12 = vector.load %arg6[%get3A_10, %get3A_11] : memref<1000x128xf32, #tpu.memory_space<vmem>>, vector<1000x128xf32>
    %get3A_13 = arith.constant 0 : index
    %get3A_14 = arith.constant 0 : index
    %get3A_15 = vector.load %arg4[%get3A_13, %get3A_14] : memref<128x128xf32, #tpu.memory_space<vmem>>, vector<128x128xf32>
    %dot_general3A_16 = arith.constant dense<0.000000e+00> : vector<1000x128xf32>
    %dot_general3A_17 = tpu.matmul %dot_general3A_5, %get3A_15, %dot_general3A_16 {dimension_numbers = #tpu.dot_dimension_numbers<[1], [0], [0], [1], [0, 0, 1, 1], [], []>, transpose_lhs_hint = false} : vector<1000x128xf32>, vector<128x128xf32>, vector<1000x128xf32> -> vector<1000x128xf32>
    %add3A = arith.addf %get3A_12, %dot_general3A_17 : vector<1000x128xf32>
    %swap3A_18 = arith.constant 0 : index
    %swap3A_19 = arith.constant 0 : index
    %swap3A_20 = vector.load %arg6[%swap3A_18, %swap3A_19] : memref<1000x128xf32, #tpu.memory_space<vmem>>, vector<1000x128xf32>
    tpu.vector_store %arg6[%swap3A_18, %swap3A_19], %add3A {strides = array<i32>} : memref<1000x128xf32, #tpu.memory_space<vmem>>, vector<1000x128xf32>,
    return
  }
  func.func @transform_0(%arg0: i32, %arg1: i32) -> (i32, i32) {
    %c0_i32 = arith.constant 0 : i32
    %c0_i32_0 = arith.constant 0 : i32
    return %arg0, %c0_i32 : i32, i32
  }
  func.func @transform_1(%arg0: i32, %arg1: i32) -> (i32, i32) {
    %c0_i32 = arith.constant 0 : i32
    %c0_i32_0 = arith.constant 0 : i32
    return %c0_i32, %arg1 : i32, i32
  }
  func.func @transform_2(%arg0: i32, %arg1: i32) -> (i32, i32) {
    %c0_i32 = arith.constant 0 : i32
    %c0_i32_0 = arith.constant 0 : i32
    return %arg1, %c0_i32 : i32, i32
  }
  func.func @transform_3(%arg0: i32, %arg1: i32) -> (i32, i32) {
    %mul3A = arith.constant 10 : i32
    %mul3A_0 = arith.muli %arg1, %mul3A : i32
    %add3A = arith.addi %mul3A_0, %arg0 : i32
    %c0_i32 = arith.constant 0 : i32
    %c0_i32_1 = arith.constant 0 : i32
    return %add3A, %c0_i32 : i32, i32
  }
  func.func @transform_4(%arg0: i32, %arg1: i32) -> (i32, i32) {
    %c0_i32 = arith.constant 0 : i32
    %c0_i32_0 = arith.constant 0 : i32
    return %arg0, %c0_i32 : i32, i32
  }
}

module attributes {stable_mosaic.version = 14 : i64} {
  func.func @_k2_body(%arg0: i32, %arg1: memref<2x4x1000x128xf32, #tpu.memory_space<vmem>>, %arg2: memref<1x1x1000xf32, #tpu.memory_space<vmem>>, %arg3: memref<512x256xf32, #tpu.memory_space<vmem>>, %arg4: memref<256x512xf32, #tpu.memory_space<vmem>>, %arg5: memref<1000x256xf32, #tpu.memory_space<vmem>>, %arg6: memref<4x1000x128xf32, #tpu.memory_space<vmem>>) attributes {dimension_semantics = [#tpu.dimension_semantics<arbitrary>], iteration_bounds = array<i64: 10>, scalar_prefetch = 0 : i64, scratch_operands = 0 : i64, tpu.core_type = #tpu.core_type<tc>, window_params = [{transform_indices = @transform_0, window_bounds = array<i64: 2, 4, 1000, 128>}, {transform_indices = @transform_1, window_bounds = array<i64: 1, 1, 1000>}, {pipeline_mode = #tpu.pipeline_mode<synchronous>, transform_indices = @transform_2, window_bounds = array<i64: 512, 256>}, {pipeline_mode = #tpu.pipeline_mode<synchronous>, transform_indices = @transform_3, window_bounds = array<i64: 256, 512>}, {transform_indices = @transform_4, window_bounds = array<i64: 1000, 256>}, {transform_indices = @transform_5, window_bounds = array<i64: 4, 1000, 128>}]} {
    %get3A = arith.constant 0 : index
    %get3A_0 = arith.constant 0 : index
    %get3A_1 = arith.constant 0 : index
    %get3A_2 = vector.load %arg2[%get3A, %get3A_0, %get3A_1] : memref<1x1x1000xf32, #tpu.memory_space<vmem>>, vector<1x1x1000xf32>
    %get3A_3 = vector.shape_cast %get3A_2 : vector<1x1x1000xf32> to vector<1000xf32>
    %add3A = arith.constant 1.000000e-16 : f32
    %add3A_4 = vector.broadcast %add3A : f32 to vector<1000xf32>
    %add3A_5 = arith.addf %get3A_3, %add3A_4 : vector<1000xf32>
    %div3A = arith.constant 1.000000e+00 : f32
    %div3A_6 = vector.broadcast %div3A : f32 to vector<1000xf32>
    %div3A_7 = arith.divf %div3A_6, %add3A_5 : vector<1000xf32>
    %broadcast_in_dim3A = arith.constant 0.000000e+00 : f32
    %broadcast_in_dim3A_8 = vector.broadcast %broadcast_in_dim3A : f32 to vector<1000x256xf32>
    %get3A_9 = arith.constant 0 : index
    %get3A_10 = arith.constant 0 : index
    %get3A_11 = arith.constant 0 : index
    %get3A_12 = arith.constant 0 : index
    %get3A_13 = vector.load %arg1[%get3A_9, %get3A_10, %get3A_11, %get3A_12] : memref<2x4x1000x128xf32, #tpu.memory_space<vmem>>, vector<1x1x1000x128xf32>
    %get3A_14 = vector.shape_cast %get3A_13 : vector<1x1x1000x128xf32> to vector<1000x128xf32>
    %get3A_15 = arith.constant 1 : index
    %get3A_16 = arith.constant 0 : index
    %get3A_17 = arith.constant 0 : index
    %get3A_18 = arith.constant 0 : index
    %get3A_19 = vector.load %arg1[%get3A_15, %get3A_16, %get3A_17, %get3A_18] : memref<2x4x1000x128xf32, #tpu.memory_space<vmem>>, vector<1x1x1000x128xf32>
    %get3A_20 = vector.shape_cast %get3A_19 : vector<1x1x1000x128xf32> to vector<1000x128xf32>
    %add3A_21 = arith.addf %get3A_14, %get3A_20 : vector<1000x128xf32>
    %broadcast_in_dim3A_22 = vector.shape_cast %div3A_7 : vector<1000xf32> to vector<1000x1xf32>
    %mul3A = vector.broadcast %broadcast_in_dim3A_22 : vector<1000x1xf32> to vector<1000x128xf32>
    %mul3A_23 = arith.mulf %add3A_21, %mul3A : vector<1000x128xf32>
    %gt3A = arith.constant 0.000000e+00 : f32
    %gt3A_24 = vector.broadcast %gt3A : f32 to vector<1000x128xf32>
    %gt3A_25 = arith.cmpf ogt, %mul3A_23, %gt3A_24 : vector<1000x128xf32>
    %exp3A = math.exp %mul3A_23 : vector<1000x128xf32>
    %sub3A = arith.constant 1.000000e+00 : f32
    %sub3A_26 = vector.broadcast %sub3A : f32 to vector<1000x128xf32>
    %sub3A_27 = arith.subf %exp3A, %sub3A_26 : vector<1000x128xf32>
    %select_n3A = arith.select %gt3A_25, %mul3A_23, %sub3A_27 : vector<1000x128xi1>, vector<1000x128xf32>
    %get3A_28 = arith.constant 0 : index
    %get3A_29 = arith.constant 0 : index
    %get3A_30 = vector.load %arg3[%get3A_28, %get3A_29] : memref<512x256xf32, #tpu.memory_space<vmem>>, vector<128x256xf32>
    %dot_general3A = arith.constant dense<0.000000e+00> : vector<1000x256xf32>
    %dot_general3A_31 = tpu.matmul %select_n3A, %get3A_30, %dot_general3A {dimension_numbers = #tpu.dot_dimension_numbers<[1], [0], [0], [1], [0, 0, 1, 1], [], []>, transpose_lhs_hint = false} : vector<1000x128xf32>, vector<128x256xf32>, vector<1000x256xf32> -> vector<1000x256xf32>
    %add3A_32 = arith.addf %broadcast_in_dim3A_8, %dot_general3A_31 : vector<1000x256xf32>
    %get3A_33 = arith.constant 0 : index
    %get3A_34 = arith.constant 1 : index
    %get3A_35 = arith.constant 0 : index
    %get3A_36 = arith.constant 0 : index
    %get3A_37 = vector.load %arg1[%get3A_33, %get3A_34, %get3A_35, %get3A_36] : memref<2x4x1000x128xf32, #tpu.memory_space<vmem>>, vector<1x1x1000x128xf32>
    %get3A_38 = vector.shape_cast %get3A_37 : vector<1x1x1000x128xf32> to vector<1000x128xf32>
    %get3A_39 = arith.constant 1 : index
    %get3A_40 = arith.constant 1 : index
    %get3A_41 = arith.constant 0 : index
    %get3A_42 = arith.constant 0 : index
    %get3A_43 = vector.load %arg1[%get3A_39, %get3A_40, %get3A_41, %get3A_42] : memref<2x4x1000x128xf32, #tpu.memory_space<vmem>>, vector<1x1x1000x128xf32>
    %get3A_44 = vector.shape_cast %get3A_43 : vector<1x1x1000x128xf32> to vector<1000x128xf32>
    %add3A_45 = arith.addf %get3A_38, %get3A_44 : vector<1000x128xf32>
    %broadcast_in_dim3A_46 = vector.shape_cast %div3A_7 : vector<1000xf32> to vector<1000x1xf32>
    %mul3A_47 = vector.broadcast %broadcast_in_dim3A_46 : vector<1000x1xf32> to vector<1000x128xf32>
    %mul3A_48 = arith.mulf %add3A_45, %mul3A_47 : vector<1000x128xf32>
    %gt3A_49 = arith.constant 0.000000e+00 : f32
    %gt3A_50 = vector.broadcast %gt3A_49 : f32 to vector<1000x128xf32>
    %gt3A_51 = arith.cmpf ogt, %mul3A_48, %gt3A_50 : vector<1000x128xf32>
    %exp3A_52 = math.exp %mul3A_48 : vector<1000x128xf32>
    %sub3A_53 = arith.constant 1.000000e+00 : f32
    %sub3A_54 = vector.broadcast %sub3A_53 : f32 to vector<1000x128xf32>
    %sub3A_55 = arith.subf %exp3A_52, %sub3A_54 : vector<1000x128xf32>
    %select_n3A_56 = arith.select %gt3A_51, %mul3A_48, %sub3A_55 : vector<1000x128xi1>, vector<1000x128xf32>
    %get3A_57 = arith.constant 128 : index
    %get3A_58 = arith.constant 0 : index
    %get3A_59 = vector.load %arg3[%get3A_57, %get3A_58] : memref<512x256xf32, #tpu.memory_space<vmem>>, vector<128x256xf32>
    %dot_general3A_60 = arith.constant dense<0.000000e+00> : vector<1000x256xf32>
    %dot_general3A_61 = tpu.matmul %select_n3A_56, %get3A_59, %dot_general3A_60 {dimension_numbers = #tpu.dot_dimension_numbers<[1], [0], [0], [1], [0, 0, 1, 1], [], []>, transpose_lhs_hint = false} : vector<1000x128xf32>, vector<128x256xf32>, vector<1000x256xf32> -> vector<1000x256xf32>
    %add3A_62 = arith.addf %add3A_32, %dot_general3A_61 : vector<1000x256xf32>
    %get3A_63 = arith.constant 0 : index
    %get3A_64 = arith.constant 2 : index
    %get3A_65 = arith.constant 0 : index
    %get3A_66 = arith.constant 0 : index
    %get3A_67 = vector.load %arg1[%get3A_63, %get3A_64, %get3A_65, %get3A_66] : memref<2x4x1000x128xf32, #tpu.memory_space<vmem>>, vector<1x1x1000x128xf32>
    %get3A_68 = vector.shape_cast %get3A_67 : vector<1x1x1000x128xf32> to vector<1000x128xf32>
    %get3A_69 = arith.constant 1 : index
    %get3A_70 = arith.constant 2 : index
    %get3A_71 = arith.constant 0 : index
    %get3A_72 = arith.constant 0 : index
    %get3A_73 = vector.load %arg1[%get3A_69, %get3A_70, %get3A_71, %get3A_72] : memref<2x4x1000x128xf32, #tpu.memory_space<vmem>>, vector<1x1x1000x128xf32>
    %get3A_74 = vector.shape_cast %get3A_73 : vector<1x1x1000x128xf32> to vector<1000x128xf32>
    %add3A_75 = arith.addf %get3A_68, %get3A_74 : vector<1000x128xf32>
    %broadcast_in_dim3A_76 = vector.shape_cast %div3A_7 : vector<1000xf32> to vector<1000x1xf32>
    %mul3A_77 = vector.broadcast %broadcast_in_dim3A_76 : vector<1000x1xf32> to vector<1000x128xf32>
    %mul3A_78 = arith.mulf %add3A_75, %mul3A_77 : vector<1000x128xf32>
    %gt3A_79 = arith.constant 0.000000e+00 : f32
    %gt3A_80 = vector.broadcast %gt3A_79 : f32 to vector<1000x128xf32>
    %gt3A_81 = arith.cmpf ogt, %mul3A_78, %gt3A_80 : vector<1000x128xf32>
    %exp3A_82 = math.exp %mul3A_78 : vector<1000x128xf32>
    %sub3A_83 = arith.constant 1.000000e+00 : f32
    %sub3A_84 = vector.broadcast %sub3A_83 : f32 to vector<1000x128xf32>
    %sub3A_85 = arith.subf %exp3A_82, %sub3A_84 : vector<1000x128xf32>
    %select_n3A_86 = arith.select %gt3A_81, %mul3A_78, %sub3A_85 : vector<1000x128xi1>, vector<1000x128xf32>
    %get3A_87 = arith.constant 256 : index
    %get3A_88 = arith.constant 0 : index
    %get3A_89 = vector.load %arg3[%get3A_87, %get3A_88] : memref<512x256xf32, #tpu.memory_space<vmem>>, vector<128x256xf32>
    %dot_general3A_90 = arith.constant dense<0.000000e+00> : vector<1000x256xf32>
    %dot_general3A_91 = tpu.matmul %select_n3A_86, %get3A_89, %dot_general3A_90 {dimension_numbers = #tpu.dot_dimension_numbers<[1], [0], [0], [1], [0, 0, 1, 1], [], []>, transpose_lhs_hint = false} : vector<1000x128xf32>, vector<128x256xf32>, vector<1000x256xf32> -> vector<1000x256xf32>
    %add3A_92 = arith.addf %add3A_62, %dot_general3A_91 : vector<1000x256xf32>
    %get3A_93 = arith.constant 0 : index
    %get3A_94 = arith.constant 3 : index
    %get3A_95 = arith.constant 0 : index
    %get3A_96 = arith.constant 0 : index
    %get3A_97 = vector.load %arg1[%get3A_93, %get3A_94, %get3A_95, %get3A_96] : memref<2x4x1000x128xf32, #tpu.memory_space<vmem>>, vector<1x1x1000x128xf32>
    %get3A_98 = vector.shape_cast %get3A_97 : vector<1x1x1000x128xf32> to vector<1000x128xf32>
    %get3A_99 = arith.constant 1 : index
    %get3A_100 = arith.constant 3 : index
    %get3A_101 = arith.constant 0 : index
    %get3A_102 = arith.constant 0 : index
    %get3A_103 = vector.load %arg1[%get3A_99, %get3A_100, %get3A_101, %get3A_102] : memref<2x4x1000x128xf32, #tpu.memory_space<vmem>>, vector<1x1x1000x128xf32>
    %get3A_104 = vector.shape_cast %get3A_103 : vector<1x1x1000x128xf32> to vector<1000x128xf32>
    %add3A_105 = arith.addf %get3A_98, %get3A_104 : vector<1000x128xf32>
    %broadcast_in_dim3A_106 = vector.shape_cast %div3A_7 : vector<1000xf32> to vector<1000x1xf32>
    %mul3A_107 = vector.broadcast %broadcast_in_dim3A_106 : vector<1000x1xf32> to vector<1000x128xf32>
    %mul3A_108 = arith.mulf %add3A_105, %mul3A_107 : vector<1000x128xf32>
    %gt3A_109 = arith.constant 0.000000e+00 : f32
    %gt3A_110 = vector.broadcast %gt3A_109 : f32 to vector<1000x128xf32>
    %gt3A_111 = arith.cmpf ogt, %mul3A_108, %gt3A_110 : vector<1000x128xf32>
    %exp3A_112 = math.exp %mul3A_108 : vector<1000x128xf32>
    %sub3A_113 = arith.constant 1.000000e+00 : f32
    %sub3A_114 = vector.broadcast %sub3A_113 : f32 to vector<1000x128xf32>
    %sub3A_115 = arith.subf %exp3A_112, %sub3A_114 : vector<1000x128xf32>
    %select_n3A_116 = arith.select %gt3A_111, %mul3A_108, %sub3A_115 : vector<1000x128xi1>, vector<1000x128xf32>
    %get3A_117 = arith.constant 384 : index
    %get3A_118 = arith.constant 0 : index
    %get3A_119 = vector.load %arg3[%get3A_117, %get3A_118] : memref<512x256xf32, #tpu.memory_space<vmem>>, vector<128x256xf32>
    %dot_general3A_120 = arith.constant dense<0.000000e+00> : vector<1000x256xf32>
    %dot_general3A_121 = tpu.matmul %select_n3A_116, %get3A_119, %dot_general3A_120 {dimension_numbers = #tpu.dot_dimension_numbers<[1], [0], [0], [1], [0, 0, 1, 1], [], []>, transpose_lhs_hint = false} : vector<1000x128xf32>, vector<128x256xf32>, vector<1000x256xf32> -> vector<1000x256xf32>
    %add3A_122 = arith.addf %add3A_92, %dot_general3A_121 : vector<1000x256xf32>
    %swap3A = arith.constant 0 : index
    %swap3A_123 = arith.constant 0 : index
    %swap3A_124 = vector.load %arg5[%swap3A, %swap3A_123] : memref<1000x256xf32, #tpu.memory_space<vmem>>, vector<1000x256xf32>
    tpu.vector_store %arg5[%swap3A, %swap3A_123], %add3A_122 {strides = array<i32>} : memref<1000x256xf32, #tpu.memory_space<vmem>>, vector<1000x256xf32>,
    %get3A_125 = arith.constant 0 : index
    %get3A_126 = arith.constant 0 : index
    %get3A_127 = vector.load %arg4[%get3A_125, %get3A_126] : memref<256x512xf32, #tpu.memory_space<vmem>>, vector<256x128xf32>
    %dot_general3A_128 = arith.constant dense<0.000000e+00> : vector<1000x128xf32>
    %dot_general3A_129 = tpu.matmul %add3A_122, %get3A_127, %dot_general3A_128 {dimension_numbers = #tpu.dot_dimension_numbers<[1], [0], [0], [1], [0, 0, 1, 1], [], []>, transpose_lhs_hint = false} : vector<1000x256xf32>, vector<256x128xf32>, vector<1000x128xf32> -> vector<1000x128xf32>
    %swap3A_130 = arith.constant 0 : index
    %swap3A_131 = arith.constant 0 : index
    %swap3A_132 = arith.constant 0 : index
    %swap3A_133 = vector.load %arg6[%swap3A_130, %swap3A_131, %swap3A_132] : memref<4x1000x128xf32, #tpu.memory_space<vmem>>, vector<1x1000x128xf32>
    %swap3A_134 = vector.shape_cast %swap3A_133 : vector<1x1000x128xf32> to vector<1000x128xf32>
    %swap3A_135 = vector.shape_cast %dot_general3A_129 : vector<1000x128xf32> to vector<1x1000x128xf32>
    tpu.vector_store %arg6[%swap3A_130, %swap3A_131, %swap3A_132], %swap3A_135 {strides = array<i32>} : memref<4x1000x128xf32, #tpu.memory_space<vmem>>, vector<1x1000x128xf32>,
    %get3A_136 = arith.constant 0 : index
    %get3A_137 = arith.constant 128 : index
    %get3A_138 = vector.load %arg4[%get3A_136, %get3A_137] : memref<256x512xf32, #tpu.memory_space<vmem>>, vector<256x128xf32>
    %dot_general3A_139 = arith.constant dense<0.000000e+00> : vector<1000x128xf32>
    %dot_general3A_140 = tpu.matmul %add3A_122, %get3A_138, %dot_general3A_139 {dimension_numbers = #tpu.dot_dimension_numbers<[1], [0], [0], [1], [0, 0, 1, 1], [], []>, transpose_lhs_hint = false} : vector<1000x256xf32>, vector<256x128xf32>, vector<1000x128xf32> -> vector<1000x128xf32>
    %swap3A_141 = arith.constant 1 : index
    %swap3A_142 = arith.constant 0 : index
    %swap3A_143 = arith.constant 0 : index
    %swap3A_144 = vector.load %arg6[%swap3A_141, %swap3A_142, %swap3A_143] : memref<4x1000x128xf32, #tpu.memory_space<vmem>>, vector<1x1000x128xf32>
    %swap3A_145 = vector.shape_cast %swap3A_144 : vector<1x1000x128xf32> to vector<1000x128xf32>
    %swap3A_146 = vector.shape_cast %dot_general3A_140 : vector<1000x128xf32> to vector<1x1000x128xf32>
    tpu.vector_store %arg6[%swap3A_141, %swap3A_142, %swap3A_143], %swap3A_146 {strides = array<i32>} : memref<4x1000x128xf32, #tpu.memory_space<vmem>>, vector<1x1000x128xf32>,
    %get3A_147 = arith.constant 0 : index
    %get3A_148 = arith.constant 256 : index
    %get3A_149 = vector.load %arg4[%get3A_147, %get3A_148] : memref<256x512xf32, #tpu.memory_space<vmem>>, vector<256x128xf32>
    %dot_general3A_150 = arith.constant dense<0.000000e+00> : vector<1000x128xf32>
    %dot_general3A_151 = tpu.matmul %add3A_122, %get3A_149, %dot_general3A_150 {dimension_numbers = #tpu.dot_dimension_numbers<[1], [0], [0], [1], [0, 0, 1, 1], [], []>, transpose_lhs_hint = false} : vector<1000x256xf32>, vector<256x128xf32>, vector<1000x128xf32> -> vector<1000x128xf32>
    %swap3A_152 = arith.constant 2 : index
    %swap3A_153 = arith.constant 0 : index
    %swap3A_154 = arith.constant 0 : index
    %swap3A_155 = vector.load %arg6[%swap3A_152, %swap3A_153, %swap3A_154] : memref<4x1000x128xf32, #tpu.memory_space<vmem>>, vector<1x1000x128xf32>
    %swap3A_156 = vector.shape_cast %swap3A_155 : vector<1x1000x128xf32> to vector<1000x128xf32>
    %swap3A_157 = vector.shape_cast %dot_general3A_151 : vector<1000x128xf32> to vector<1x1000x128xf32>
    tpu.vector_store %arg6[%swap3A_152, %swap3A_153, %swap3A_154], %swap3A_157 {strides = array<i32>} : memref<4x1000x128xf32, #tpu.memory_space<vmem>>, vector<1x1000x128xf32>,
    %get3A_158 = arith.constant 0 : index
    %get3A_159 = arith.constant 384 : index
    %get3A_160 = vector.load %arg4[%get3A_158, %get3A_159] : memref<256x512xf32, #tpu.memory_space<vmem>>, vector<256x128xf32>
    %dot_general3A_161 = arith.constant dense<0.000000e+00> : vector<1000x128xf32>
    %dot_general3A_162 = tpu.matmul %add3A_122, %get3A_160, %dot_general3A_161 {dimension_numbers = #tpu.dot_dimension_numbers<[1], [0], [0], [1], [0, 0, 1, 1], [], []>, transpose_lhs_hint = false} : vector<1000x256xf32>, vector<256x128xf32>, vector<1000x128xf32> -> vector<1000x128xf32>
    %swap3A_163 = arith.constant 3 : index
    %swap3A_164 = arith.constant 0 : index
    %swap3A_165 = arith.constant 0 : index
    %swap3A_166 = vector.load %arg6[%swap3A_163, %swap3A_164, %swap3A_165] : memref<4x1000x128xf32, #tpu.memory_space<vmem>>, vector<1x1000x128xf32>
    %swap3A_167 = vector.shape_cast %swap3A_166 : vector<1x1000x128xf32> to vector<1000x128xf32>
    %swap3A_168 = vector.shape_cast %dot_general3A_162 : vector<1000x128xf32> to vector<1x1000x128xf32>
    tpu.vector_store %arg6[%swap3A_163, %swap3A_164, %swap3A_165], %swap3A_168 {strides = array<i32>} : memref<4x1000x128xf32, #tpu.memory_space<vmem>>, vector<1x1000x128xf32>,
    return
  }
  func.func @transform_0(%arg0: i32) -> (i32, i32, i32, i32) {
    %c0_i32 = arith.constant 0 : i32
    %c0_i32_0 = arith.constant 0 : i32
    %c0_i32_1 = arith.constant 0 : i32
    %c0_i32_2 = arith.constant 0 : i32
    return %c0_i32, %c0_i32_0, %arg0, %c0_i32_1 : i32, i32, i32, i32
  }
  func.func @transform_1(%arg0: i32) -> (i32, i32, i32) {
    %c0_i32 = arith.constant 0 : i32
    %c0_i32_0 = arith.constant 0 : i32
    %c0_i32_1 = arith.constant 0 : i32
    return %arg0, %c0_i32, %c0_i32_0 : i32, i32, i32
  }
  func.func @transform_2(%arg0: i32) -> (i32, i32) {
    %c0_i32 = arith.constant 0 : i32
    %c0_i32_0 = arith.constant 0 : i32
    %c0_i32_1 = arith.constant 0 : i32
    return %c0_i32, %c0_i32_0 : i32, i32
  }
  func.func @transform_3(%arg0: i32) -> (i32, i32) {
    %c0_i32 = arith.constant 0 : i32
    %c0_i32_0 = arith.constant 0 : i32
    %c0_i32_1 = arith.constant 0 : i32
    return %c0_i32, %c0_i32_0 : i32, i32
  }
  func.func @transform_4(%arg0: i32) -> (i32, i32) {
    %c0_i32 = arith.constant 0 : i32
    %c0_i32_0 = arith.constant 0 : i32
    return %arg0, %c0_i32 : i32, i32
  }
  func.func @transform_5(%arg0: i32) -> (i32, i32, i32) {
    %c0_i32 = arith.constant 0 : i32
    %c0_i32_0 = arith.constant 0 : i32
    %c0_i32_1 = arith.constant 0 : i32
    return %c0_i32, %arg0, %c0_i32_0 : i32, i32, i32
  }
}

module attributes {stable_mosaic.version = 14 : i64} {
  func.func @_k3_body(%arg0: i32, %arg1: memref<2x4x1000x128xf32, #tpu.memory_space<vmem>>, %arg2: memref<1x1x1000xf32, #tpu.memory_space<vmem>>, %arg3: memref<512x512xf32, #tpu.memory_space<vmem>>, %arg4: memref<1000x512xf32, #tpu.memory_space<vmem>>) attributes {dimension_semantics = [#tpu.dimension_semantics<arbitrary>], iteration_bounds = array<i64: 10>, scalar_prefetch = 0 : i64, scratch_operands = 0 : i64, tpu.core_type = #tpu.core_type<tc>, window_params = [{transform_indices = @transform_0, window_bounds = array<i64: 2, 4, 1000, 128>}, {transform_indices = @transform_1, window_bounds = array<i64: 1, 1, 1000>}, {pipeline_mode = #tpu.pipeline_mode<synchronous>, transform_indices = @transform_2, window_bounds = array<i64: 512, 512>}, {transform_indices = @transform_3, window_bounds = array<i64: 1000, 512>}]} {
    %get3A = arith.constant 0 : index
    %get3A_0 = arith.constant 0 : index
    %get3A_1 = arith.constant 0 : index
    %get3A_2 = vector.load %arg2[%get3A, %get3A_0, %get3A_1] : memref<1x1x1000xf32, #tpu.memory_space<vmem>>, vector<1x1x1000xf32>
    %get3A_3 = vector.shape_cast %get3A_2 : vector<1x1x1000xf32> to vector<1000xf32>
    %add3A = arith.constant 1.000000e-16 : f32
    %add3A_4 = vector.broadcast %add3A : f32 to vector<1000xf32>
    %add3A_5 = arith.addf %get3A_3, %add3A_4 : vector<1000xf32>
    %div3A = arith.constant 1.000000e+00 : f32
    %div3A_6 = vector.broadcast %div3A : f32 to vector<1000xf32>
    %div3A_7 = arith.divf %div3A_6, %add3A_5 : vector<1000xf32>
    %broadcast_in_dim3A = arith.constant 0.000000e+00 : f32
    %broadcast_in_dim3A_8 = vector.broadcast %broadcast_in_dim3A : f32 to vector<1000x512xf32>
    %get3A_9 = arith.constant 0 : index
    %get3A_10 = arith.constant 0 : index
    %get3A_11 = arith.constant 0 : index
    %get3A_12 = arith.constant 0 : index
    %get3A_13 = vector.load %arg1[%get3A_9, %get3A_10, %get3A_11, %get3A_12] : memref<2x4x1000x128xf32, #tpu.memory_space<vmem>>, vector<1x1x1000x128xf32>
    %get3A_14 = vector.shape_cast %get3A_13 : vector<1x1x1000x128xf32> to vector<1000x128xf32>
    %get3A_15 = arith.constant 1 : index
    %get3A_16 = arith.constant 0 : index
    %get3A_17 = arith.constant 0 : index
    %get3A_18 = arith.constant 0 : index
    %get3A_19 = vector.load %arg1[%get3A_15, %get3A_16, %get3A_17, %get3A_18] : memref<2x4x1000x128xf32, #tpu.memory_space<vmem>>, vector<1x1x1000x128xf32>
    %get3A_20 = vector.shape_cast %get3A_19 : vector<1x1x1000x128xf32> to vector<1000x128xf32>
    %add3A_21 = arith.addf %get3A_14, %get3A_20 : vector<1000x128xf32>
    %broadcast_in_dim3A_22 = vector.shape_cast %div3A_7 : vector<1000xf32> to vector<1000x1xf32>
    %mul3A = vector.broadcast %broadcast_in_dim3A_22 : vector<1000x1xf32> to vector<1000x128xf32>
    %mul3A_23 = arith.mulf %add3A_21, %mul3A : vector<1000x128xf32>
    %gt3A = arith.constant 0.000000e+00 : f32
    %gt3A_24 = vector.broadcast %gt3A : f32 to vector<1000x128xf32>
    %gt3A_25 = arith.cmpf ogt, %mul3A_23, %gt3A_24 : vector<1000x128xf32>
    %exp3A = math.exp %mul3A_23 : vector<1000x128xf32>
    %sub3A = arith.constant 1.000000e+00 : f32
    %sub3A_26 = vector.broadcast %sub3A : f32 to vector<1000x128xf32>
    %sub3A_27 = arith.subf %exp3A, %sub3A_26 : vector<1000x128xf32>
    %select_n3A = arith.select %gt3A_25, %mul3A_23, %sub3A_27 : vector<1000x128xi1>, vector<1000x128xf32>
    %get3A_28 = arith.constant 0 : index
    %get3A_29 = arith.constant 0 : index
    %get3A_30 = vector.load %arg3[%get3A_28, %get3A_29] : memref<512x512xf32, #tpu.memory_space<vmem>>, vector<128x512xf32>
    %dot_general3A = arith.constant dense<0.000000e+00> : vector<1000x512xf32>
    %dot_general3A_31 = tpu.matmul %select_n3A, %get3A_30, %dot_general3A {dimension_numbers = #tpu.dot_dimension_numbers<[1], [0], [0], [1], [0, 0, 1, 1], [], []>, transpose_lhs_hint = false} : vector<1000x128xf32>, vector<128x512xf32>, vector<1000x512xf32> -> vector<1000x512xf32>
    %add3A_32 = arith.addf %broadcast_in_dim3A_8, %dot_general3A_31 : vector<1000x512xf32>
    %get3A_33 = arith.constant 0 : index
    %get3A_34 = arith.constant 1 : index
    %get3A_35 = arith.constant 0 : index
    %get3A_36 = arith.constant 0 : index
    %get3A_37 = vector.load %arg1[%get3A_33, %get3A_34, %get3A_35, %get3A_36] : memref<2x4x1000x128xf32, #tpu.memory_space<vmem>>, vector<1x1x1000x128xf32>
    %get3A_38 = vector.shape_cast %get3A_37 : vector<1x1x1000x128xf32> to vector<1000x128xf32>
    %get3A_39 = arith.constant 1 : index
    %get3A_40 = arith.constant 1 : index
    %get3A_41 = arith.constant 0 : index
    %get3A_42 = arith.constant 0 : index
    %get3A_43 = vector.load %arg1[%get3A_39, %get3A_40, %get3A_41, %get3A_42] : memref<2x4x1000x128xf32, #tpu.memory_space<vmem>>, vector<1x1x1000x128xf32>
    %get3A_44 = vector.shape_cast %get3A_43 : vector<1x1x1000x128xf32> to vector<1000x128xf32>
    %add3A_45 = arith.addf %get3A_38, %get3A_44 : vector<1000x128xf32>
    %broadcast_in_dim3A_46 = vector.shape_cast %div3A_7 : vector<1000xf32> to vector<1000x1xf32>
    %mul3A_47 = vector.broadcast %broadcast_in_dim3A_46 : vector<1000x1xf32> to vector<1000x128xf32>
    %mul3A_48 = arith.mulf %add3A_45, %mul3A_47 : vector<1000x128xf32>
    %gt3A_49 = arith.constant 0.000000e+00 : f32
    %gt3A_50 = vector.broadcast %gt3A_49 : f32 to vector<1000x128xf32>
    %gt3A_51 = arith.cmpf ogt, %mul3A_48, %gt3A_50 : vector<1000x128xf32>
    %exp3A_52 = math.exp %mul3A_48 : vector<1000x128xf32>
    %sub3A_53 = arith.constant 1.000000e+00 : f32
    %sub3A_54 = vector.broadcast %sub3A_53 : f32 to vector<1000x128xf32>
    %sub3A_55 = arith.subf %exp3A_52, %sub3A_54 : vector<1000x128xf32>
    %select_n3A_56 = arith.select %gt3A_51, %mul3A_48, %sub3A_55 : vector<1000x128xi1>, vector<1000x128xf32>
    %get3A_57 = arith.constant 128 : index
    %get3A_58 = arith.constant 0 : index
    %get3A_59 = vector.load %arg3[%get3A_57, %get3A_58] : memref<512x512xf32, #tpu.memory_space<vmem>>, vector<128x512xf32>
    %dot_general3A_60 = arith.constant dense<0.000000e+00> : vector<1000x512xf32>
    %dot_general3A_61 = tpu.matmul %select_n3A_56, %get3A_59, %dot_general3A_60 {dimension_numbers = #tpu.dot_dimension_numbers<[1], [0], [0], [1], [0, 0, 1, 1], [], []>, transpose_lhs_hint = false} : vector<1000x128xf32>, vector<128x512xf32>, vector<1000x512xf32> -> vector<1000x512xf32>
    %add3A_62 = arith.addf %add3A_32, %dot_general3A_61 : vector<1000x512xf32>
    %get3A_63 = arith.constant 0 : index
    %get3A_64 = arith.constant 2 : index
    %get3A_65 = arith.constant 0 : index
    %get3A_66 = arith.constant 0 : index
    %get3A_67 = vector.load %arg1[%get3A_63, %get3A_64, %get3A_65, %get3A_66] : memref<2x4x1000x128xf32, #tpu.memory_space<vmem>>, vector<1x1x1000x128xf32>
    %get3A_68 = vector.shape_cast %get3A_67 : vector<1x1x1000x128xf32> to vector<1000x128xf32>
    %get3A_69 = arith.constant 1 : index
    %get3A_70 = arith.constant 2 : index
    %get3A_71 = arith.constant 0 : index
    %get3A_72 = arith.constant 0 : index
    %get3A_73 = vector.load %arg1[%get3A_69, %get3A_70, %get3A_71, %get3A_72] : memref<2x4x1000x128xf32, #tpu.memory_space<vmem>>, vector<1x1x1000x128xf32>
    %get3A_74 = vector.shape_cast %get3A_73 : vector<1x1x1000x128xf32> to vector<1000x128xf32>
    %add3A_75 = arith.addf %get3A_68, %get3A_74 : vector<1000x128xf32>
    %broadcast_in_dim3A_76 = vector.shape_cast %div3A_7 : vector<1000xf32> to vector<1000x1xf32>
    %mul3A_77 = vector.broadcast %broadcast_in_dim3A_76 : vector<1000x1xf32> to vector<1000x128xf32>
    %mul3A_78 = arith.mulf %add3A_75, %mul3A_77 : vector<1000x128xf32>
    %gt3A_79 = arith.constant 0.000000e+00 : f32
    %gt3A_80 = vector.broadcast %gt3A_79 : f32 to vector<1000x128xf32>
    %gt3A_81 = arith.cmpf ogt, %mul3A_78, %gt3A_80 : vector<1000x128xf32>
    %exp3A_82 = math.exp %mul3A_78 : vector<1000x128xf32>
    %sub3A_83 = arith.constant 1.000000e+00 : f32
    %sub3A_84 = vector.broadcast %sub3A_83 : f32 to vector<1000x128xf32>
    %sub3A_85 = arith.subf %exp3A_82, %sub3A_84 : vector<1000x128xf32>
    %select_n3A_86 = arith.select %gt3A_81, %mul3A_78, %sub3A_85 : vector<1000x128xi1>, vector<1000x128xf32>
    %get3A_87 = arith.constant 256 : index
    %get3A_88 = arith.constant 0 : index
    %get3A_89 = vector.load %arg3[%get3A_87, %get3A_88] : memref<512x512xf32, #tpu.memory_space<vmem>>, vector<128x512xf32>
    %dot_general3A_90 = arith.constant dense<0.000000e+00> : vector<1000x512xf32>
    %dot_general3A_91 = tpu.matmul %select_n3A_86, %get3A_89, %dot_general3A_90 {dimension_numbers = #tpu.dot_dimension_numbers<[1], [0], [0], [1], [0, 0, 1, 1], [], []>, transpose_lhs_hint = false} : vector<1000x128xf32>, vector<128x512xf32>, vector<1000x512xf32> -> vector<1000x512xf32>
    %add3A_92 = arith.addf %add3A_62, %dot_general3A_91 : vector<1000x512xf32>
    %get3A_93 = arith.constant 0 : index
    %get3A_94 = arith.constant 3 : index
    %get3A_95 = arith.constant 0 : index
    %get3A_96 = arith.constant 0 : index
    %get3A_97 = vector.load %arg1[%get3A_93, %get3A_94, %get3A_95, %get3A_96] : memref<2x4x1000x128xf32, #tpu.memory_space<vmem>>, vector<1x1x1000x128xf32>
    %get3A_98 = vector.shape_cast %get3A_97 : vector<1x1x1000x128xf32> to vector<1000x128xf32>
    %get3A_99 = arith.constant 1 : index
    %get3A_100 = arith.constant 3 : index
    %get3A_101 = arith.constant 0 : index
    %get3A_102 = arith.constant 0 : index
    %get3A_103 = vector.load %arg1[%get3A_99, %get3A_100, %get3A_101, %get3A_102] : memref<2x4x1000x128xf32, #tpu.memory_space<vmem>>, vector<1x1x1000x128xf32>
    %get3A_104 = vector.shape_cast %get3A_103 : vector<1x1x1000x128xf32> to vector<1000x128xf32>
    %add3A_105 = arith.addf %get3A_98, %get3A_104 : vector<1000x128xf32>
    %broadcast_in_dim3A_106 = vector.shape_cast %div3A_7 : vector<1000xf32> to vector<1000x1xf32>
    %mul3A_107 = vector.broadcast %broadcast_in_dim3A_106 : vector<1000x1xf32> to vector<1000x128xf32>
    %mul3A_108 = arith.mulf %add3A_105, %mul3A_107 : vector<1000x128xf32>
    %gt3A_109 = arith.constant 0.000000e+00 : f32
    %gt3A_110 = vector.broadcast %gt3A_109 : f32 to vector<1000x128xf32>
    %gt3A_111 = arith.cmpf ogt, %mul3A_108, %gt3A_110 : vector<1000x128xf32>
    %exp3A_112 = math.exp %mul3A_108 : vector<1000x128xf32>
    %sub3A_113 = arith.constant 1.000000e+00 : f32
    %sub3A_114 = vector.broadcast %sub3A_113 : f32 to vector<1000x128xf32>
    %sub3A_115 = arith.subf %exp3A_112, %sub3A_114 : vector<1000x128xf32>
    %select_n3A_116 = arith.select %gt3A_111, %mul3A_108, %sub3A_115 : vector<1000x128xi1>, vector<1000x128xf32>
    %get3A_117 = arith.constant 384 : index
    %get3A_118 = arith.constant 0 : index
    %get3A_119 = vector.load %arg3[%get3A_117, %get3A_118] : memref<512x512xf32, #tpu.memory_space<vmem>>, vector<128x512xf32>
    %dot_general3A_120 = arith.constant dense<0.000000e+00> : vector<1000x512xf32>
    %dot_general3A_121 = tpu.matmul %select_n3A_116, %get3A_119, %dot_general3A_120 {dimension_numbers = #tpu.dot_dimension_numbers<[1], [0], [0], [1], [0, 0, 1, 1], [], []>, transpose_lhs_hint = false} : vector<1000x128xf32>, vector<128x512xf32>, vector<1000x512xf32> -> vector<1000x512xf32>
    %add3A_122 = arith.addf %add3A_92, %dot_general3A_121 : vector<1000x512xf32>
    %swap3A = arith.constant 0 : index
    %swap3A_123 = arith.constant 0 : index
    %swap3A_124 = vector.load %arg4[%swap3A, %swap3A_123] : memref<1000x512xf32, #tpu.memory_space<vmem>>, vector<1000x512xf32>
    tpu.vector_store %arg4[%swap3A, %swap3A_123], %add3A_122 {strides = array<i32>} : memref<1000x512xf32, #tpu.memory_space<vmem>>, vector<1000x512xf32>,
    return
  }
  func.func @transform_0(%arg0: i32) -> (i32, i32, i32, i32) {
    %c0_i32 = arith.constant 0 : i32
    %c0_i32_0 = arith.constant 0 : i32
    %c0_i32_1 = arith.constant 0 : i32
    %c0_i32_2 = arith.constant 0 : i32
    return %c0_i32, %c0_i32_0, %arg0, %c0_i32_1 : i32, i32, i32, i32
  }
  func.func @transform_1(%arg0: i32) -> (i32, i32, i32) {
    %c0_i32 = arith.constant 0 : i32
    %c0_i32_0 = arith.constant 0 : i32
    %c0_i32_1 = arith.constant 0 : i32
    return %arg0, %c0_i32, %c0_i32_0 : i32, i32, i32
  }
  func.func @transform_2(%arg0: i32) -> (i32, i32) {
    %c0_i32 = arith.constant 0 : i32
    %c0_i32_0 = arith.constant 0 : i32
    %c0_i32_1 = arith.constant 0 : i32
    return %c0_i32, %c0_i32_0 : i32, i32
  }
  func.func @transform_3(%arg0: i32) -> (i32, i32) {
    %c0_i32 = arith.constant 0 : i32
    %c0_i32_0 = arith.constant 0 : i32
    return %arg0, %c0_i32 : i32, i32
  }
}

</mosaic_0001>

<sc_bundles>
// kernel: kernel.11.cloned.1.call-start
scs
__scs_entry_jumppad:
0x0: {  	(pc) =	sbr.rel $0x88, $3  }
0x1: {  	(tag) =	ssettag $0x0;
	lr =	simm.s32 $0x1  }
0x2: {  	[smem:$0x3F9B] =	sst lr;
	_ =	strace $0xD0000000  }
0x3: {  	_ = 	snop  }
0x4: {  	_ = 	snop  }
0x5: {  	_ = 	snop  }
0x6: {  	_ = 	snop  }
0x7: {  	_ = 	snop  }
__scs_overlays_trampoline_lowered:
0x8: {  	[smem:$0x3FAA] =	sst s0  }
0x9: {  	[smem:$0x3FAB] =	sst s1  }
0xa: {  	[smem:$0x3FAC] =	sst s2  }
0xb: {  	[smem:$0x3FAD] =	sst s3  }
0xc: {  	[smem:$0x3FAE] =	sst s4  }
0xd: {  	[smem:$0x3FAF] =	sst s5  }
0xe: {  	[smem:$0x3FB0] =	sst s6  }
0xf: {  	[smem:$0x3FB1] =	sst s7  }
0x10: {  	[smem:$0x3FB2] =	sst s8  }
0x11: {  	[smem:$0x3FB3] =	sst s9;
	s0 =	simm.s32 @!p0 $0x0  }
0x12: {  	s1 =	sld [smem:$0x3F99];
	s0 =	simm.s32 @p0 $0x1  }
0x13: {  	[smem:$0x3FB4] =	sst s0;
	s0 =	simm.s32 @!p1 $0x0  }
0x14: {  	s2 =	sld [smem:$0x3F98];
	s0 =	simm.s32 @p1 $0x1  }
0x15: {  	[smem:$0x3FB5] =	sst s0;
	s0 =	simm.s32 @!p2 $0x0  }
0x16: {  	s3 =	sld [smem:$0x3FDB];
	s0 =	simm.s32 @p2 $0x1  }
0x17: {  	s4 =	simm.s32 $0x1BF5;
	[smem:$0x3FB7] =	sst s0  }
0x18: {  	s0 =	sld [smem:$0x3F9A];
	_ =	swait.ge [sflag:s4], $0x0  }
0x19: {  	s7 =	sld [smem:$0x3F9B]  }
0x1a: {  	s8 =	sadd.s32 $0xFFFFE003, lr  }
0x1b: {  	s9 =	sadd.s32 $0xFFFFFEF7, lr;
	s5 =	simm.s32 $0xFFFFFFFF;
	p2 =	slt.u32 s8, $0xFFFFF086  }
0x1c: {  	p1 =	slt.u32 s9, $0xF7A;
	s5 =	simm.s32 @!p2 $0x0  }
0x1d: {  	s5 =	simm.s32 @p1 $0x1;
	p0 =	seq.s32 s7, s2  }
0x1e: {  	s7 =	smul.u32 @!p0 $0xF7A, s2;
	p2 =	seq.s32 @!p0 s5, $0x0  }
0x1f: {  	s9 =	smul.u32 $0xF7A, s1;
	s8 =	simm.s32 @!p0 $0x1BF5;
	p2 =	por !p2, p0  }
0x20: {  	[sflag:s8] =	ssyncset.s32 @!p0 $0xFFFFF086;
	s6 =	sadd.s32 @!p0 s3, s7;
	s7 =	simm.s32 @!p0 $0x108  }
0x21: {  	s3 =	sadd.s32 s3, s9;
	s6 =	sadd.s32 @!p0 $0x88, s6;
	s7 =	simm.s32 @p2 $0x1082  }
0x22: {  	[simem:s7], [sflag:s8] =	dma.local @!p0 [hbm:s6], $0xF7A  }
0x23: {  	s9 =	sor.u32 $0xD0000000, s2;
	s6 =	simm.s32 $0x108;
	_ =	swait.ge @!p0 [sflag:s8], $0x0  }
0x24: {  	s3 =	sadd.s32 $0x88, s3;
	s6 =	simm.s32 @!p1 $0x1082;
	[sflag:s4] =	ssyncset.s32 $0xFFFFF086  }
0x25: {  	[simem:s6], [sflag:s4] =	dma.local [hbm:s3], $0xF7A  }
0x26: {  	[smem:$0x3F9B] =	sst s1;
	(tag) =	ssettag s2;
	_ =	strace s9  }
0x27: {  	s1 =	sld [smem:$0x3FAB]  }
0x28: {  	s2 =	sld [smem:$0x3FAC]  }
0x29: {  	s4 =	sld [smem:$0x3FAE]  }
0x2a: {  	p0 =	seq.s32 s5, $0x0;
	s5 =	sld [smem:$0x3FAF]  }
0x2b: {  	s6 =	sld [smem:$0x3FB0]  }
0x2c: {  	s7 =	sld [smem:$0x3FB1]  }
0x2d: {  	s3 =	simm.s32 $0x108;
	s8 =	sld [smem:$0x3FB2]  }
0x2e: {  	s3 =	simm.s32 @!p0 $0x1082;
	s9 =	sld [smem:$0x3FB3]  }
0x2f: {  	lr =	sadd.s32 s0, s3;
	s0 =	sld [smem:$0x3FAA]  }
0x30: {  	s3 =	sld [smem:$0x3FAD]  }
0x31: {  	[smem:$0x3FB6] =	sst s10  }
0x32: {  	s10 =	sld [smem:$0x3FB4];
	_ =	sdelay $0x3  }
0x33: {  	p0 =	seq.s32 s10, $0x1;
	s10 =	sld [smem:$0x3FB6];
	_ =	sdelay $0x3  }
0x34: {  	[smem:$0x3FB6] =	sst s10  }
0x35: {  	s10 =	sld [smem:$0x3FB5];
	_ =	sdelay $0x3  }
0x36: {  	p1 =	seq.s32 s10, $0x1;
	s10 =	sld [smem:$0x3FB6];
	_ =	sdelay $0x3  }
0x37: {  	[smem:$0x3FB6] =	sst s10  }
0x38: {  	s10 =	sld [smem:$0x3FB7]  }
0x39: {  	_ = 	snop;
	(pc) =	sbr.ind lr, $3  }
0x3a: {  	_ = 	snop  }
0x3b: {  	_ = 	snop  }
0x3c: {  	p2 =	seq.s32 s10, $0x1;
	s10 =	sld [smem:$0x3FB6]  }
0x3d: {  	_ =	shalt  }
0x3e: {  	_ =	shalt  }
0x3f: {  	_ =	shalt  }
0x40: {  	_ =	shalt  }
0x41: {  	_ =	shalt  }
0x42: {  	_ =	shalt  }
0x43: {  	_ =	shalt  }
0x44: {  	_ =	shalt  }
0x45: {  	_ =	shalt  }
0x46: {  	_ =	shalt  }
0x47: {  	_ =	shalt  }
0x48: {  	_ =	shalt  }
0x49: {  	_ =	shalt  }
0x4a: {  	_ =	shalt  }
0x4b: {  	_ =	shalt  }
0x4c: {  	_ =	shalt  }
0x4d: {  	_ =	shalt  }
0x4e: {  	_ =	shalt  }
0x4f: {  	_ =	shalt  }
0x50: {  	_ =	shalt  }
0x51: {  	_ =	shalt  }
0x52: {  	_ =	shalt  }
0x53: {  	_ =	shalt  }
0x54: {  	_ =	shalt  }
0x55: {  	_ =	shalt  }
0x56: {  	_ =	shalt  }
0x57: {  	_ =	shalt  }
0x58: {  	_ =	shalt  }
0x59: {  	_ =	shalt  }
0x5a: {  	_ =	shalt  }
0x5b: {  	_ =	shalt  }
0x5c: {  	_ =	shalt  }
0x5d: {  	_ =	shalt  }
0x5e: {  	_ =	shalt  }
0x5f: {  	_ =	shalt  }
0x60: {  	_ =	shalt  }
0x61: {  	_ =	shalt  }
0x62: {  	_ =	shalt  }
0x63: {  	_ =	shalt  }
0x64: {  	_ =	shalt  }
0x65: {  	_ =	shalt  }
0x66: {  	_ =	shalt  }
0x67: {  	_ =	shalt  }
0x68: {  	_ =	shalt  }
0x69: {  	_ =	shalt  }
0x6a: {  	_ =	shalt  }
0x6b: {  	_ =	shalt  }
0x6c: {  	_ =	shalt  }
0x6d: {  	_ =	shalt  }
0x6e: {  	_ =	shalt  }
0x6f: {  	_ =	shalt  }
0x70: {  	_ =	shalt  }
0x71: {  	_ =	shalt  }
0x72: {  	_ =	shalt  }
0x73: {  	_ =	shalt  }
0x74: {  	_ =	shalt  }
0x75: {  	_ =	shalt  }
0x76: {  	_ =	shalt  }
0x77: {  	_ =	shalt  }
0x78: {  	_ =	shalt  }
0x79: {  	_ =	shalt  }
0x7a: {  	_ =	shalt  }
0x7b: {  	_ =	shalt  }
0x7c: {  	_ =	shalt  }
0x7d: {  	_ =	shalt  }
0x7e: {  	_ =	shalt  }
0x7f: {  	_ =	shalt  }
0x80: {  	_ =	shalt  }
0x81: {  	_ =	shalt  }
0x82: {  	_ =	shalt  }
0x83: {  	_ =	shalt  }
0x84: {  	_ =	shalt  }
0x85: {  	_ =	shalt  }
0x86: {  	_ =	shalt  }
0x87: {  	_ =	shalt  }
.Lfunc_end0:
.L_simem_size_0:
called_computation.1_lowered:
.L_overlay_start_0:
0x88: {  	s2 =	sld [smem:$0x3FD9]  }
0x89: {  	s3 =	sld [smem:$0x3FFE];
	_ =	sdelay $0x1  }
0x8a: {  	s1 =	srdreg.scid  }
0x8b: {  	s0 =	sand.u32 $0x1, s1  }
0x8c: {  	s14 =	sshll.u32 s0, $0xA;
	s2 =	sadd.s32 s3, s2  }
0x8d: {  	s2 =	sadd.s32 s2, s14  }
0x8e: {  	[smem:$0x3FC2] =	sst s2  }
0x8f: {  	_ = 	snop  }
0x90: {  	s2 =	sld [smem:$0x3FD0];
	_ =	sdelay $0x2  }
0x91: {  	s15 =	simm.s32 $0xA;
	s4 =	simm.s32 $0x10  }
0x92: {  	[smem:s4], [sflag:s15] =	dma.local [hbm:s2], $0x1  }
0x93: {  	_ =	swait.eq [sflag:s15], $0x1  }
0x94: {  	[sflag:s15] =	ssyncset.done $0x0  }
0x95: {  	[sflag:s15] =	ssyncadd.s32 $0xFFFFFFFF  }
0x96: {  	s16 =	sld [smem:$0x11];
	(tm) =	ssettm $0x1  }
0x97: {  	s17 =	sld [smem:$0x3FFB];
	_ =	sdelay $0x3  }
0x98: {  	_ =	strace s17  }
0x99: {  	s3 =	sld [smem:$0x3FFC];
	_ =	sdelay $0x3  }
0x9a: {  	_ =	strace s3  }
0x9b: {  	s3 =	sld [smem:$0x3FFD];
	_ =	sdelay $0x3  }
0x9c: {  	_ =	strace s3  }
0x9d: {  	_ =	strace $0x8FFFFFFF  }
0x9e: {  	s18 =	sld [smem:$0x3FDB];
	_ =	sdelay $0x1  }
0x9f: {  	s19 =	simm.s32 $_scs_section_size  }
0xa0: {  	s5 =	simm.s32 $_size__tile_overlayer_lowered;
	s6 =	simm.s32 $_tile_overlayer_lowered  }
0xa1: {  	s22 =	simm.s32 $0x1BFF;
	s21 =	sshll.u32 s6, $0x1;
	s3 =	sadd.s32 s19, s18  }
0xa2: {  	s7 =	simm.s32 $0x0;
	s20 =	sshll.u32 s5, $0x1;
	s5 =	sadd.s32 s21, s3  }
0xa3: {  	[timem:s7], [sflag:s22] =	dma.local [hbm:s5], s20  }
0xa4: {  	_ =	swait.ge [sflag:s22], s20  }
0xa5: {  	s4 =	ssub.s32 $0x0, s20;
	[sflag:s22] =	ssyncset.done $0x0  }
0xa6: {  	[sflag:s22] =	ssyncadd.s32 s4;
	_ =	sdelay $0x1  }
0xa7: {  	s23 =	simm.s32 $0x1B8B  }
0xa8: {  	_ =	swait.ge [sflag:s23], $0x1  }
0xa9: {  	[sflag:s23] =	ssyncset.done $0x0  }
0xaa: {  	s25 =	simm.s32 $0x1B8E;
	s24 =	sld [smem:$0x3FFE];
	[sflag:s23] =	ssyncadd.s32 $0xFFFFFFFF  }
0xab: {  	s26 =	simm.s32 $execute0_lowered;
	[smem:$0x3FD2] =	sst s25  }
0xac: {  	s5 =	sshll.u32 s26, $0x1;
	_ =	strace $0x80000049;
	[dreg:$0x1] =	wrdreg $0xFFFFFFFF  }
0xad: {  	s28 =	simm.s32 $_size_execute0_lowered;
	s3 =	sadd.s32 s3, s5;
	[dreg:$0x0] =	wrdreg $0x0  }
0xae: {  	s5 =	sshll.u32 s28, $0x1;
	[dreg:$0x2] =	wrdreg s3  }
0xaf: {  	[dreg:$0x3] =	wrdreg s5  }
0xb0: {  	[dreg:$0x4] =	wrdreg $0xC0  }
0xb1: {  	_ =	task [dreg:s7], $0x5FFFF  }
0xb2: {  	[dreg:$0x1] =	wrdreg $0xFFFFFFFF  }
0xb3: {  	[dreg:$0x0] =	wrdreg $0x60  }
0xb4: {  	[dreg:$0x2] =	wrdreg s16  }
0xb5: {  	[dreg:$0x3] =	wrdreg s24  }
0xb6: {  	[dreg:$0x4] =	wrdreg $0xBC000  }
0xb7: {  	[dreg:$0x5] =	wrdreg $0x9  }
0xb8: {  	_ =	task.clear_ibuf [dreg:s7], $0x6FFFF;
	_ =	strace $0x90000049  }
0xb9: {  	s29 =	simm.s32 $0x9;
	_ =	strace $0x8000004B  }
0xba: {  	_ =	swait.ge [sflag:s29], $0x1  }
0xbb: {  	[sflag:s29] =	ssyncadd.s32 $0xFFFFFFFF  }
0xbc: {  	_ =	strace $0x9000004B  }
0xbd: {  	_ =	sfence  }
0xbe: {  	s30 =	sld [smem:$0x0];
	_ =	sdelay $0x2  }
0xbf: {  	s31 =	sshll.u32 s1, $0xD;
	s1 =	sshrl.u32 s1, $0x2  }
0xc0: {  	s3 =	sand.u32 $0x4000, s31;
	s1 =	sadd.s32 s1, s30  }
0xc1: {  	s0 =	sor.u32 s3, s0;
	s1 =	sshll.u32 s1, $0x11  }
0xc2: {  	s0 =	sor.u32 s1, s0  }
0xc3: {  	s0 =	sadd.s32 $0x8F2B, s0  }
0xc4: {  	[sflag:s0] =	ssyncadd.remote.s32 $0x1  }
0xc5: {  	_ =	sfence.sel $0xFFFF  }
0xc6: {  	[dreg:$0x0] =	wrdreg $0xFFFFFFFF;
	(pc) =	sbr.abs _section_cstart, $3  }
0xc7: {  	[dreg:$0x1] =	wrdreg $0xFFFFFFFF  }
0xc8: {  	_ =	task.clear_ibuf [dreg:s7], $0x2FFFF;
	_ =	strace $0x9FFFFFFF  }
0xc9: {  	(tm) =	ssettm $0x7FFFFFFF  }
tec
execute0_lowered:
.L_overlay_start_1:
0x0: {  	(tag) =	ssettag $0x1  }
0x1: {  	s1 =	rddreg [dreg:$0x0];
	s0 =	srdreg.scid  }
0x2: {  	s2 =	rddreg [dreg:$0x1];
	s8 =	stileid.u32  }
0x3: {  	s3 =	rddreg [dreg:$0x2];
	s6 =	simm.s32 $0x0;
	s5 =	smul.u32 $0x28, s8  }
0x4: {  	s28 =	simm.s32 $0x5C00;
	s29 =	simm.s32 $0x1;
	s7 =	smul.u32 $0x50000, s8  }
0x5: {  	s30 =	simm.s32 $0x2;
	s0 =	sand.u32 $0x1, s0;
	s19 =	smul.u32 $0x14000, s8  }
0x6: {  	s31 =	simm.s32 $0x9C00;
	[smem:$0x7FF] =	sst s6;
	s4 =	smul.u32 $0x280, s0  }
0x7: {  	s8 =	simm.s32 $0x0;
	s14 =	ssub.s32 $0x2, s0;
	s0 =	smul.u32 $0x500000, s0  }
0x8: {  	_ =	strace $0x8000004A;
	s15 =	sshrl.u32 s14, $0x1;
	s18 =	sshrl.u32 s7, $0x2  }
0x9: {  	s4 =	sadd.s32 s5, s4;
	s16 =	ssub.s32 s14, s15;
	s0 =	sadd.s32 s0, s19  }
0xa: {  	s9 =	sadd.s32 s18, s3;
	[dreg:$0x8] =	wrdreg s0;
	s21 =	smax.u32 s16, $0x1  }
0xb: {  	s4 =	sshll.u32 s4, $0x4;
	s22 =	sadd.s32 $0x2000, s9;
	[dreg:$0x9] =	wrdreg s21  }
0xc: {  	s23 =	sadd.s32 $0x4000, s9;
	s24 =	sadd.s32 $0x6000, s9;
	[dreg:$0xa] =	wrdreg s22  }
0xd: {  	s25 =	sadd.s32 $0x8000, s9;
	s26 =	sadd.s32 $0xA000, s9;
	[dreg:$0xb] =	wrdreg s23  }
0xe: {  	s18 =	sadd.s32 $0xE000, s9;
	s19 =	sadd.s32 $0x10000, s9;
	[dreg:$0xc] =	wrdreg s24  }
0xf: {  	s4 =	sadd.s32 s4, s2;
	s2 =	sadd.s32 $0xFC00, s2;
	[dreg:$0xd] =	wrdreg s25  }
0x10: {  	[dreg:$0xe] =	wrdreg s26;
	s21 =	simm.s32 $0x5;
	s23 =	simm.s32 $0x2800  }
.Ltmp0:
0x11: {  	[dreg:$0x4] =	wrdreg s2;
	s17 =	sadd.s32 $0x5C00, s4;
	(pc) =	sbr.rel .LBB2_1-.Ltmp0, $4  }
0x12: {  	s24 =	simm.s32 $0x7C00;
	s20 =	sadd.s32 $0xC00, s4;
	[dreg:$0x5] =	wrdreg s17  }
0x13: {  	s25 =	simm.s32 $0x40;
	s4 =	sadd.s32 $0xAC00, s4;
	[dreg:$0x6] =	wrdreg s20  }
0x14: {  	s22 =	simm.s32 $0x4;
	s2 =	simm.s32 $0x3;
	[dreg:$0x7] =	wrdreg s4  }
0x15: {  	v0 =	vimm.f32 $0.0e+00;
	s17 =	sadd.s32 $0xC000, s9;
	s20 =	sadd.s32 $0x12000, s9;
	s4 =	simm.s32 $0x0  }
.LBB2_16:
0x16: {  	s4 =	rddreg [dreg:$0xf]  }
0x17: {  	s0 =	rddreg [dreg:$0x9];
	s4 =	sadd.s32 $0x1, s4  }
0x18: {  	p0 =	sne.s32 s4, s0  }
.Ltmp1:
0x19: {  	_ = 	snop;
	(pc) =	sbr.rel @!p0 .LBB2_17-.Ltmp1, $1  }
0x1a: {  	_ =	sdelay $0x3  }
.LBB2_1:
0x1b: {  	[dreg:$0xf] =	wrdreg s4  }
0x1c: {  	s0 =	simm.s32 $0x0;
	s15 =	rddreg [dreg:$0x5]  }
0x1d: {  	[tilespmem:s0], [sflag:$0x5] =	stream.linear.gather [hbm4b:s15+s0], $0x1400, $0x38;
	[tilespmem:$0x1FC00] =	vst v63  }
0x1e: {  	_ =	swait.ge [sflag:s21], $0x1400  }
0x1f: {  	[sflag:s21] =	ssyncset.done $0x0  }
0x20: {  	s5 =	simm.s32 $0x1400;
	s16 =	rddreg [dreg:$0x6];
	[sflag:s21] =	ssyncadd.s32 $0xFFFFEC00  }
0x21: {  	[tilespmem:s5], [sflag:$0x5] =	stream.linear.gather [hbm4b:s16+s0], $0x1400, $0x38;
	[tilespmem:$0x1FC00] =	vst v63  }
0x22: {  	_ =	swait.ge [sflag:s21], $0x1400  }
0x23: {  	[sflag:s21] =	ssyncset.done $0x0  }
.Ltmp2:
0x24: {  	s26 =	rddreg [dreg:$0x7];
	[sflag:s21] =	ssyncadd.s32 $0xFFFFEC00;
	(pc) =	sbr.rel .LBB2_2-.Ltmp2, $4  }
0x25: {  	[tilespmem:s23], [sflag:$0x5] =	stream.linear.gather [hbm4b:s26+s0], $0x1400, $0x38;
	[tilespmem:$0x1FC00] =	vst v63  }
0x26: {  	_ =	swait.ge [sflag:s21], $0x1400  }
0x27: {  	[sflag:s21] =	ssyncset.done $0x0  }
0x28: {  	s7 =	simm.s32 $0x0;
	[sflag:s21] =	ssyncadd.s32 $0xFFFFEC00  }
.LBB2_15:
0x29: {  	[spmem:s3] =	stream.indirect.scatter.add.f32 [tilespmem:s31], [sflag:$0x4], $0x80, s0, s25, $0xb8;
	[tilespmem:$0x1FC00] =	vst v63  }
0x2a: {  	_ =	swait.ge [sflag:s2], $0x2000  }
0x2b: {  	[sflag:s2] =	ssyncset.done $0x0  }
0x2c: {  	[sflag:s2] =	ssyncadd.s32 $0xFFFFE000  }
0x2d: {  	s15 =	smul.u32 $0x140000, s7;
	_ =	swait.ge [sflag:s22], $0x2000  }
0x2e: {  	s16 =	stileid.u32;
	s26 =	sshrl.u32 s9, $0x3;
	[sflag:s22] =	ssyncset.done $0x0  }
0x2f: {  	s7 =	sadd.s32 $0x1, s7;
	s4 =	rddreg [dreg:$0x8];
	[sflag:s22] =	ssyncadd.s32 $0xFFFFE000  }
0x30: {  	p0 =	sne.s32 s7, $0x4;
	s0 =	sadd.s32 s15, s4;
	[bflag:$0x0] =	sbarrier.arrive $0xFFFF  }
0x31: {  	s4 =	sshll.u32 s16, $0x6;
	s0 =	sshrl.u32 s0, $0x3;
	s5 =	rddreg [dreg:$0x4]  }
.Ltmp3:
0x32: {  	s4 =	sor.u32 $0x1C05, s4;
	s0 =	sadd.s32 s5, s0;
	(pc) =	sbr.rel @!p0 .LBB2_16-.Ltmp3, $4  }
0x33: {  	[hbm:s0], [sflag:s4] =	dma.local [spmem:s26], $0x2800  }
0x34: {  	_ =	swait.ge [sflag:s21], $0x2800  }
0x35: {  	[sflag:s21] =	ssyncset.done $0x0  }
0x36: {  	[sflag:s21] =	ssyncadd.s32 $0xFFFFD800  }
.LBB2_2:
0x37: {  	p0 =	seq.s32 s7, $0x0  }
.Ltmp4:
0x38: {  	_ = 	snop;
	(pc) =	sbr.rel @p0 .LBB2_6-.Ltmp4, $1  }
0x39: {  	_ =	sdelay $0x3  }
0x3a: {  	s0 =	simm.s32 $0x0  }
0x3b: {  	v2 =	vld [tilespmem:s0+$0x70]  }
0x3c: {  	v5 =	vld [tilespmem:s0+$0x0]  }
0x3d: {  	v6 =	vld [tilespmem:s0+$0x10]  }
0x3e: {  	v4 =	vld [tilespmem:s0+$0x20]  }
0x3f: {  	v3 =	vld [tilespmem:s0+$0x30]  }
0x40: {  	v1 =	vld [tilespmem:s0+$0x40];
	v7 =	vadd.s32 $0x2710, v2  }
0x41: {  	v2 =	vld [tilespmem:s0+$0x50];
	v5 =	vadd.s32 $0x2710, v5;
	[tilespmem:s0+$0x70] =	vst v7  }
0x42: {  	s4 =	simm.s32 $0x80;
	s5 =	simm.s32 $0x400;
	v6 =	vadd.s32 $0x2710, v6;
	[tilespmem:s0+$0x0] =	vst v5;
	v5 =	vld [tilespmem:s0+$0x60]  }
.LBB2_4:
0x43: {  	p0 =	sne.s32 s5, $0x4E00;
	v7 =	vld [tilespmem:s4+$0x70];
	[tilespmem:s0+$0x10] =	vst v6;
	v4 =	vadd.s32 $0x2710, v4  }
0x44: {  	v6 =	vld [tilespmem:s4+$0x0];
	[tilespmem:s0+$0x20] =	vst v4;
	v3 =	vadd.s32 $0x2710, v3  }
0x45: {  	v8 =	vld [tilespmem:s4+$0x10];
	[tilespmem:s0+$0x30] =	vst v3;
	v1 =	vadd.s32 $0x2710, v1  }
.Ltmp5:
0x46: {  	v4 =	vld [tilespmem:s4+$0x20];
	[tilespmem:s0+$0x40] =	vst v1;
	v1 =	vadd.s32 $0x2710, v2;
	(pc) =	sbr.rel @p0 .LBB2_4-.Ltmp5, $4  }
0x47: {  	v3 =	vld [tilespmem:s4+$0x30];
	[tilespmem:s0+$0x50] =	vst v1;
	v2 =	vadd.s32 $0x2710, v5  }
0x48: {  	v1 =	vld [tilespmem:s4+$0x40];
	v5 =	vadd.s32 $0x2710, v7;
	[tilespmem:s0+$0x60] =	vst v2;
	s0 =	smov.u32 s4  }
0x49: {  	v6 =	vadd.s32 $0x2710, v6;
	v2 =	vld [tilespmem:s0+$0x50];
	[tilespmem:s0+$0x70] =	vst v5  }
0x4a: {  	s4 =	sshra.s32 s5, $0x2;
	s5 =	sadd.s32 $0x200, s5;
	[tilespmem:s0+$0x0] =	vst v6;
	v6 =	vadd.s32 $0x2710, v8;
	v5 =	vld [tilespmem:s0+$0x60]  }
0x4b: {  	v7 =	vld [tilespmem:s4+$0x70];
	[tilespmem:s0+$0x10] =	vst v6;
	v4 =	vadd.s32 $0x2710, v4  }
0x4c: {  	v8 =	vld [tilespmem:s4+$0x0];
	[tilespmem:s0+$0x20] =	vst v4;
	v3 =	vadd.s32 $0x2710, v3  }
0x4d: {  	v60 =	vld [tilespmem:s4+$0x10];
	[tilespmem:s0+$0x30] =	vst v3;
	v1 =	vadd.s32 $0x2710, v1  }
0x4e: {  	v61 =	vld [tilespmem:s4+$0x20];
	[tilespmem:s0+$0x40] =	vst v1;
	v1 =	vadd.s32 $0x2710, v2  }
0x4f: {  	v3 =	vld [tilespmem:s4+$0x30];
	[tilespmem:s0+$0x50] =	vst v1;
	v5 =	vadd.s32 $0x2710, v5  }
0x50: {  	v2 =	vld [tilespmem:s4+$0x40];
	v1 =	vadd.s32 $0x2710, v7;
	[tilespmem:s0+$0x60] =	vst v5  }
0x51: {  	v62 =	vld [tilespmem:s4+$0x50];
	[tilespmem:s4+$0x70] =	vst v1;
	v1 =	vadd.s32 $0x2710, v8  }
0x52: {  	v63 =	vld [tilespmem:s4+$0x60];
	[tilespmem:s4+$0x0] =	vst v1;
	v1 =	vadd.s32 $0x2710, v60  }
0x53: {  	[tilespmem:s4+$0x10] =	vst v1;
	v1 =	vadd.s32 $0x2710, v61  }
0x54: {  	[tilespmem:s4+$0x20] =	vst v1;
	v1 =	vadd.s32 $0x2710, v3  }
0x55: {  	[tilespmem:s4+$0x30] =	vst v1;
	v1 =	vadd.s32 $0x2710, v2  }
0x56: {  	[tilespmem:s4+$0x40] =	vst v1;
	v1 =	vadd.s32 $0x2710, v62  }
0x57: {  	[tilespmem:s4+$0x50] =	vst v1;
	v1 =	vadd.s32 $0x2710, v63  }
0x58: {  	[tilespmem:s4+$0x60] =	vst v1  }
.LBB2_6:
0x59: {  	s0 =	simm.s32 $0x7C80  }
0x5a: {  	[tilespmem:s0+$0xFFFFFF80] =	vst v0  }
0x5b: {  	[tilespmem:s0+$0x70] =	vst v0  }
0x5c: {  	[tilespmem:s0+$0x60] =	vst v0  }
0x5d: {  	[tilespmem:s0+$0x50] =	vst v0  }
0x5e: {  	[tilespmem:s0+$0x40] =	vst v0  }
0x5f: {  	[tilespmem:s0+$0x30] =	vst v0  }
0x60: {  	[tilespmem:s0+$0x20] =	vst v0  }
0x61: {  	[tilespmem:s0+$0x10] =	vst v0  }
0x62: {  	[tilespmem:s0+$0x0] =	vst v0  }
0x63: {  	[tilespmem:s0+$0xFFFFFFF0] =	vst v0  }
0x64: {  	[tilespmem:s0+$0xFFFFFFE0] =	vst v0  }
0x65: {  	[tilespmem:s0+$0xFFFFFFD0] =	vst v0  }
0x66: {  	[tilespmem:s0+$0xFFFFFFC0] =	vst v0  }
0x67: {  	[tilespmem:s0+$0xFFFFFFB0] =	vst v0  }
0x68: {  	s4 =	simm.s32 $0x0;
	[tilespmem:s0+$0xFFFFFFA0] =	vst v0  }
.LBB2_7:
0x69: {  	s4 =	sadd.s32 $0x2, s4;
	[tilespmem:s0+$0xFFFFFF90] =	vst v0;
	s0 =	sadd.s32 $0x100, s0  }
0x6a: {  	[tilespmem:s0+$0xFFFFFF80] =	vst v0;
	p0 =	slt.u32 s4, $0x3E  }
0x6b: {  	[tilespmem:s0+$0x70] =	vst v0  }
0x6c: {  	[tilespmem:s0+$0x60] =	vst v0  }
0x6d: {  	[tilespmem:s0+$0x50] =	vst v0  }
0x6e: {  	[tilespmem:s0+$0x40] =	vst v0  }
0x6f: {  	[tilespmem:s0+$0x30] =	vst v0  }
0x70: {  	[tilespmem:s0+$0x20] =	vst v0  }
0x71: {  	[tilespmem:s0+$0x10] =	vst v0  }
0x72: {  	[tilespmem:s0+$0x0] =	vst v0  }
0x73: {  	[tilespmem:s0+$0xFFFFFFF0] =	vst v0  }
.Ltmp6:
0x74: {  	[tilespmem:s0+$0xFFFFFFE0] =	vst v0;
	(pc) =	sbr.rel @p0 .LBB2_7-.Ltmp6, $4  }
0x75: {  	[tilespmem:s0+$0xFFFFFFD0] =	vst v0  }
0x76: {  	[tilespmem:s0+$0xFFFFFFC0] =	vst v0  }
0x77: {  	[tilespmem:s0+$0xFFFFFFB0] =	vst v0  }
0x78: {  	[tilespmem:s0+$0xFFFFFFA0] =	vst v0  }
0x79: {  	[tilespmem:s0+$0xFFFFFF90] =	vst v0  }
0x7a: {  	[spmem:s9] =	stream.linear.scatter [tilespmem:s24], [sflag:$0x5], $0x2000, $0x38;
	[tilespmem:$0x1FC00] =	vst v63  }
0x7b: {  	_ =	swait.ge [sflag:s21], $0x2000  }
0x7c: {  	[sflag:s21] =	ssyncset.done $0x0  }
0x7d: {  	s12 =	rddreg [dreg:$0xa];
	[sflag:s21] =	ssyncadd.s32 $0xFFFFE000  }
0x7e: {  	[spmem:s12] =	stream.linear.scatter [tilespmem:s24], [sflag:$0x5], $0x2000, $0x38;
	[tilespmem:$0x1FC00] =	vst v63  }
0x7f: {  	_ =	swait.ge [sflag:s21], $0x2000  }
0x80: {  	[sflag:s21] =	ssyncset.done $0x0  }
0x81: {  	s13 =	rddreg [dreg:$0xb];
	[sflag:s21] =	ssyncadd.s32 $0xFFFFE000  }
0x82: {  	[spmem:s13] =	stream.linear.scatter [tilespmem:s24], [sflag:$0x5], $0x2000, $0x38;
	[tilespmem:$0x1FC00] =	vst v63  }
0x83: {  	_ =	swait.ge [sflag:s21], $0x2000  }
0x84: {  	[sflag:s21] =	ssyncset.done $0x0  }
0x85: {  	s14 =	rddreg [dreg:$0xc];
	[sflag:s21] =	ssyncadd.s32 $0xFFFFE000  }
0x86: {  	[spmem:s14] =	stream.linear.scatter [tilespmem:s24], [sflag:$0x5], $0x2000, $0x38;
	[tilespmem:$0x1FC00] =	vst v63  }
0x87: {  	_ =	swait.ge [sflag:s21], $0x2000  }
0x88: {  	[sflag:s21] =	ssyncset.done $0x0  }
0x89: {  	s15 =	rddreg [dreg:$0xd];
	[sflag:s21] =	ssyncadd.s32 $0xFFFFE000  }
0x8a: {  	[spmem:s15] =	stream.linear.scatter [tilespmem:s24], [sflag:$0x5], $0x2000, $0x38;
	[tilespmem:$0x1FC00] =	vst v63  }
0x8b: {  	_ =	swait.ge [sflag:s21], $0x2000  }
0x8c: {  	[sflag:s21] =	ssyncset.done $0x0  }
0x8d: {  	s16 =	rddreg [dreg:$0xe];
	[sflag:s21] =	ssyncadd.s32 $0xFFFFE000  }
0x8e: {  	[spmem:s16] =	stream.linear.scatter [tilespmem:s24], [sflag:$0x5], $0x2000, $0x38;
	[tilespmem:$0x1FC00] =	vst v63  }
0x8f: {  	_ =	swait.ge [sflag:s21], $0x2000  }
0x90: {  	[sflag:s21] =	ssyncset.done $0x0  }
0x91: {  	[sflag:s21] =	ssyncadd.s32 $0xFFFFE000  }
0x92: {  	[spmem:s17] =	stream.linear.scatter [tilespmem:s24], [sflag:$0x5], $0x2000, $0x38;
	[tilespmem:$0x1FC00] =	vst v63  }
0x93: {  	_ =	swait.ge [sflag:s21], $0x2000  }
0x94: {  	[sflag:s21] =	ssyncset.done $0x0  }
0x95: {  	[sflag:s21] =	ssyncadd.s32 $0xFFFFE000  }
0x96: {  	[spmem:s18] =	stream.linear.scatter [tilespmem:s24], [sflag:$0x5], $0x2000, $0x38;
	[tilespmem:$0x1FC00] =	vst v63  }
0x97: {  	_ =	swait.ge [sflag:s21], $0x2000  }
0x98: {  	[sflag:s21] =	ssyncset.done $0x0  }
0x99: {  	[sflag:s21] =	ssyncadd.s32 $0xFFFFE000  }
0x9a: {  	[spmem:s19] =	stream.linear.scatter [tilespmem:s24], [sflag:$0x5], $0x2000, $0x38;
	[tilespmem:$0x1FC00] =	vst v63  }
0x9b: {  	_ =	swait.ge [sflag:s21], $0x2000  }
0x9c: {  	[sflag:s21] =	ssyncset.done $0x0  }
0x9d: {  	[sflag:s21] =	ssyncadd.s32 $0xFFFFE000  }
0x9e: {  	[spmem:s20] =	stream.linear.scatter [tilespmem:s24], [sflag:$0x5], $0x2000, $0x38;
	[tilespmem:$0x1FC00] =	vst v63  }
0x9f: {  	_ =	swait.ge [sflag:s21], $0x2000  }
0xa0: {  	[sflag:s21] =	ssyncset.done $0x0  }
0xa1: {  	[sflag:s21] =	ssyncadd.s32 $0xFFFFE000  }
0xa2: {  	s26 =	simm.s32 $0x3C00;
	[bflag:$0x0] =	sbarrier.arrive $0xFFFF  }
0xa3: {  	[tilespmem:s26], [sflag:$0x1] =	stream.indirect.gather [hbm4b:s1+s25], $0x80, s8, s25, $0xb8;
	[tilespmem:$0x1FC00] =	vst v63  }
0xa4: {  	s11 =	simm.s32 $0x0  }
0xa5: {  	[tilespmem:s28], [sflag:$0x2] =	stream.indirect.gather [hbm4b:s1+s25], $0x80, s25, s25, $0xb8;
	[tilespmem:$0x1FC00] =	vst v63  }
.LBB2_9:
0xa6: {  	s0 =	simm.s32 $0x1  }
0xa7: {  	s4 =	sshll.u32 s11, $0x7;
	v2 =	vmov s0  }
0xa8: {  	v1 =	vmov s4;
	v2 =	vand.u32 $0x7F, v2  }
0xa9: {  	v2 =	vor.u32 v1, v2  }
0xaa: {  	_ =	swait.ge [sflag:s29], $0x2000;
	v2 =	vbroadcast v2, $0x0  }
0xab: {  	p0 =	seq.s32 s11, $0x0;
	[sflag:s29] =	ssyncset.done $0x0  }
0xac: {  	s0 =	simm.s32 @!p0 $0x3;
	[sflag:s29] =	ssyncadd.s32 $0xFFFFE000  }
0xad: {  	_ =	swait.ge @!p0 [sflag:s0], $0x2000  }
0xae: {  	v3 =	vmov s8;
	[sflag:s0] =	ssyncset.done @!p0 $0x0  }
0xaf: {  	v3 =	vand.u32 $0x7E, v3;
	[sflag:s0] =	ssyncadd.s32 @!p0 $0xFFFFE000  }
0xb0: {  	v3 =	vor.u32 v1, v3;
	s0 =	simm.s32 $0x3C80;
	v9 =	vld.idx.msk [tilespmem:v2+s23+$0x0], $0xffff  }
0xb1: {  	v2 =	vbroadcast v3, $0x0;
	v3 =	vld [tilespmem:s0+$0x0];
	_ =	sdelay $0x4  }
0xb2: {  	v3 =	vmul.f32 v3, v9  }
0xb3: {  	s4 =	simm.s32 $0x7C80;
	v4 =	vld.idx.msk [tilespmem:v2+s23+$0x0], $0xffff  }
0xb4: {  	v2 =	vld [tilespmem:s0+$0xFFFFFF80];
	[tilespmem:s4+$0x0] =	vst v3  }
0xb5: {  	s5 =	simm.s32 $0x3;
	v5 =	vld [tilespmem:s0+$0x10]  }
0xb6: {  	v3 =	vmov s5  }
0xb7: {  	v3 =	vand.u32 $0x7F, v3  }
0xb8: {  	v3 =	vor.u32 v1, v3  }
0xb9: {  	s14 =	simm.s32 $0x2;
	v3 =	vbroadcast v3, $0x0;
	v2 =	vmul.f32 v2, v4  }
0xba: {  	v6 =	vmov s14;
	v5 =	vmul.f32 v5, v9  }
0xbb: {  	s26 =	simm.s32 $0x3D80;
	v6 =	vand.u32 $0x7E, v6;
	[tilespmem:s4+$0xFFFFFF80] =	vst v2  }
0xbc: {  	v8 =	vld [tilespmem:s26+$0x0];
	v2 =	vor.u32 v1, v6;
	[tilespmem:s4+$0x10] =	vst v5  }
0xbd: {  	v5 =	vbroadcast v2, $0x0;
	v7 =	vld [tilespmem:s0+$0x20]  }
0xbe: {  	v6 =	vld [tilespmem:s0+$0xFFFFFF90]  }
0xbf: {  	v2 =	vld.idx.msk [tilespmem:v3+s23+$0x0], $0xffff;
	_ =	sdelay $0x2  }
0xc0: {  	v7 =	vmul.f32 v7, v9  }
0xc1: {  	v3 =	vld.idx.msk [tilespmem:v5+s23+$0x0], $0xffff;
	v5 =	vmul.f32 v6, v4  }
0xc2: {  	v8 =	vmul.f32 v8, v2;
	[tilespmem:s4+$0x20] =	vst v7  }
0xc3: {  	s6 =	simm.s32 $0x7D80;
	v6 =	vld [tilespmem:s26+$0xFFFFFF80];
	[tilespmem:s4+$0xFFFFFF90] =	vst v5  }
0xc4: {  	s15 =	simm.s32 $0x5;
	[tilespmem:s6+$0x0] =	vst v8;
	v5 =	vld [tilespmem:s0+$0x30]  }
0xc5: {  	v8 =	vmov s15;
	v10 =	vld [tilespmem:s26+$0x10]  }
0xc6: {  	v7 =	vld [tilespmem:s0+$0xFFFFFFA0];
	v8 =	vand.u32 $0x7F, v8  }
0xc7: {  	s16 =	simm.s32 $0x4;
	v8 =	vor.u32 v1, v8  }
0xc8: {  	v11 =	vmov s16;
	v6 =	vmul.f32 v6, v3;
	v8 =	vbroadcast v8, $0x0  }
0xc9: {  	v11 =	vand.u32 $0x7E, v11;
	v5 =	vmul.f32 v5, v9  }
0xca: {  	v11 =	vor.u32 v1, v11;
	[tilespmem:s6+$0xFFFFFF80] =	vst v6;
	v10 =	vmul.f32 v10, v2  }
0xcb: {  	v6 =	vmul.f32 v7, v4;
	v7 =	vbroadcast v11, $0x0;
	v11 =	vld [tilespmem:s26+$0xFFFFFF90];
	[tilespmem:s4+$0x30] =	vst v5  }
0xcc: {  	[tilespmem:s6+$0x10] =	vst v10;
	v12 =	vld [tilespmem:s0+$0x40]  }
0xcd: {  	v10 =	vld [tilespmem:s26+$0x20]  }
0xce: {  	s5 =	simm.s32 $0x3E80;
	v5 =	vld.idx.msk [tilespmem:v8+s23+$0x0], $0xffff  }
0xcf: {  	[tilespmem:s4+$0xFFFFFFA0] =	vst v6;
	v8 =	vld [tilespmem:s5+$0x0]  }
0xd0: {  	v13 =	vld [tilespmem:s0+$0xFFFFFFB0]  }
0xd1: {  	s10 =	simm.s32 $0x6;
	v6 =	vld.idx.msk [tilespmem:v7+s23+$0x0], $0xffff;
	v7 =	vmul.f32 v12, v9  }
0xd2: {  	v14 =	vld [tilespmem:s5+$0xFFFFFF80];
	v11 =	vmul.f32 v11, v3;
	v12 =	vmov s10  }
0xd3: {  	v10 =	vmul.f32 v10, v2;
	v12 =	vand.u32 $0x7E, v12;
	[tilespmem:s4+$0x40] =	vst v7  }
0xd4: {  	[tilespmem:s6+$0xFFFFFF90] =	vst v11;
	v8 =	vmul.f32 v8, v5;
	v11 =	vor.u32 v1, v12;
	v12 =	vld [tilespmem:s0+$0x50]  }
0xd5: {  	s10 =	simm.s32 $0x7E80;
	v7 =	vmul.f32 v13, v4;
	v13 =	vld [tilespmem:s26+$0xFFFFFFA0];
	[tilespmem:s6+$0x20] =	vst v10;
	v11 =	vbroadcast v11, $0x0  }
0xd6: {  	[tilespmem:s10+$0x0] =	vst v8;
	v10 =	vld [tilespmem:s26+$0x30]  }
0xd7: {  	s12 =	simm.s32 $0x7;
	[tilespmem:s4+$0xFFFFFFB0] =	vst v7;
	v7 =	vmul.f32 v14, v6  }
0xd8: {  	v8 =	vmov s12;
	v14 =	vld [tilespmem:s5+$0x10]  }
0xd9: {  	[tilespmem:s10+$0xFFFFFF80] =	vst v7;
	v7 =	vand.u32 $0x7F, v8;
	v8 =	vmul.f32 v12, v9  }
0xda: {  	v15 =	vld [tilespmem:s0+$0xFFFFFFC0];
	v16 =	vor.u32 v1, v7;
	v12 =	vmul.f32 v13, v3  }
0xdb: {  	v10 =	vmul.f32 v10, v2;
	v7 =	vld.idx.msk [tilespmem:v11+s23+$0x0], $0xffff;
	v11 =	vbroadcast v16, $0x0;
	[tilespmem:s4+$0x50] =	vst v8  }
0xdc: {  	[tilespmem:s6+$0xFFFFFFA0] =	vst v12;
	v12 =	vld [tilespmem:s0+$0x60]  }
0xdd: {  	v13 =	vld [tilespmem:s5+$0xFFFFFF90];
	v14 =	vmul.f32 v14, v5;
	[tilespmem:s6+$0x30] =	vst v10  }
0xde: {  	v10 =	vld [tilespmem:s26+$0x40]  }
0xdf: {  	v8 =	vmul.f32 v15, v4;
	v15 =	vld [tilespmem:s26+$0xFFFFFFB0];
	[tilespmem:s10+$0x10] =	vst v14  }
0xe0: {  	v14 =	vld [tilespmem:s5+$0x20]  }
0xe1: {  	[tilespmem:s4+$0xFFFFFFC0] =	vst v8;
	v8 =	vld.idx.msk [tilespmem:v11+s23+$0x0], $0xffff;
	v11 =	vmul.f32 v12, v9  }
0xe2: {  	v12 =	vmul.f32 v13, v6  }
0xe3: {  	s12 =	simm.s32 $0x3F80;
	v16 =	vld [tilespmem:s0+$0xFFFFFFD0];
	v10 =	vmul.f32 v10, v2;
	[tilespmem:s4+$0x60] =	vst v11  }
0xe4: {  	s13 =	simm.s32 $0x8;
	v17 =	vld [tilespmem:s12+$0x0];
	[tilespmem:s10+$0xFFFFFF90] =	vst v12;
	v11 =	vmul.f32 v15, v3  }
0xe5: {  	v18 =	vld [tilespmem:s12+$0xFFFFFF80];
	v12 =	vmov s13;
	[tilespmem:s6+$0x40] =	vst v10  }
0xe6: {  	v10 =	vmul.f32 v14, v5;
	v19 =	vld [tilespmem:s0+$0x70];
	[tilespmem:s6+$0xFFFFFFB0] =	vst v11;
	v11 =	vand.u32 $0x7E, v12  }
0xe7: {  	v15 =	vld [tilespmem:s5+$0xFFFFFFA0];
	v12 =	vor.u32 v1, v11  }
0xe8: {  	v14 =	vmul.f32 v16, v4;
	v13 =	vld [tilespmem:s26+$0x50];
	[tilespmem:s10+$0x20] =	vst v10;
	v10 =	vbroadcast v12, $0x0  }
0xe9: {  	v16 =	vmul.f32 v17, v8;
	v11 =	vld [tilespmem:s26+$0xFFFFFFC0]  }
0xea: {  	s13 =	simm.s32 $0x7F80;
	[tilespmem:s4+$0xFFFFFFD0] =	vst v14;
	v17 =	vmul.f32 v18, v7;
	v14 =	vld [tilespmem:s5+$0x30]  }
0xeb: {  	s14 =	simm.s32 $0xA;
	s15 =	simm.s32 $0x9;
	[tilespmem:s13+$0x0] =	vst v16;
	v12 =	vld [tilespmem:s0+$0xFFFFFFE0];
	v16 =	vmul.f32 v19, v9  }
.LBB2_10:
0xec: {  	p1 =	slt.u32 s14, $0x3E;
	v9 =	vmov s15;
	[tilespmem:s13+$0xFFFFFF80] =	vst v17;
	v17 =	vld [tilespmem:s12+$0x10];
	v15 =	vmul.f32 v15, v6  }
0xed: {  	v9 =	vand.u32 $0x7F, v9;
	v18 =	vld [tilespmem:s12+$0xFFFFFF90];
	v13 =	vmul.f32 v13, v2;
	[tilespmem:s4+$0x70] =	vst v16  }
0xee: {  	v10 =	vld.idx.msk [tilespmem:v10+s23+$0x0], $0xffff;
	v9 =	vor.u32 v1, v9;
	[tilespmem:s10+$0xFFFFFFA0] =	vst v15;
	v11 =	vmul.f32 v11, v3  }
0xef: {  	v9 =	vbroadcast v9, $0x0;
	v15 =	vld [tilespmem:s5+$0xFFFFFFB0];
	v14 =	vmul.f32 v14, v5;
	[tilespmem:s6+$0x50] =	vst v13  }
0xf0: {  	[tilespmem:s6+$0xFFFFFFC0] =	vst v11;
	v11 =	vld [tilespmem:s26+$0x60];
	v12 =	vmul.f32 v12, v4  }
0xf1: {  	v13 =	vmul.f32 v17, v8;
	[tilespmem:s10+$0x30] =	vst v14;
	v14 =	vld [tilespmem:s26+$0xFFFFFFD0]  }
0xf2: {  	v16 =	vmul.f32 v18, v7;
	v17 =	vld [tilespmem:s5+$0x40];
	[tilespmem:s4+$0xFFFFFFE0] =	vst v12  }
0xf3: {  	[tilespmem:s13+$0x10] =	vst v13;
	v12 =	vld [tilespmem:s0+$0xFFFFFFF0];
	s0 =	smov.u32 s26;
	s26 =	smov.u32 s5;
	s5 =	smov.u32 s12  }
0xf4: {  	[tilespmem:s13+$0xFFFFFF90] =	vst v16;
	v13 =	vld [tilespmem:s12+$0x20];
	v15 =	vmul.f32 v15, v6  }
0xf5: {  	s12 =	sadd.s32 $0x100, s12;
	v9 =	vld.idx.msk [tilespmem:v9+s23+$0x0], $0xffff;
	v11 =	vmul.f32 v11, v2  }
0xf6: {  	v16 =	vld [tilespmem:s12+$0x0];
	[tilespmem:s10+$0xFFFFFFB0] =	vst v15;
	v14 =	vmul.f32 v14, v3  }
0xf7: {  	v15 =	vmov s14;
	v18 =	vld [tilespmem:s12+$0xFFFFFF80];
	v17 =	vmul.f32 v17, v5;
	[tilespmem:s6+$0x60] =	vst v11  }
0xf8: {  	v11 =	vand.u32 $0x7E, v15;
	[tilespmem:s6+$0xFFFFFFD0] =	vst v14;
	v19 =	vld [tilespmem:s0+$0x70];
	v12 =	vmul.f32 v12, v4;
	v4 =	vmovc v3;
	v3 =	vmovc v6;
	v6 =	vmov v7  }
.Ltmp7:
0xf9: {  	v11 =	vor.u32 v1, v11;
	v7 =	vmov v10;
	v15 =	vld [tilespmem:s5+$0xFFFFFFA0];
	v14 =	vmul.f32 v13, v8;
	[tilespmem:s10+$0x40] =	vst v17;
	(pc) =	sbr.rel @p1 .LBB2_10-.Ltmp7, $4  }
0xfa: {  	v10 =	vbroadcast v11, $0x0;
	v13 =	vld [tilespmem:s26+$0x50];
	[tilespmem:s4+$0xFFFFFFF0] =	vst v12;
	s4 =	smov.u32 s6;
	s6 =	smov.u32 s10;
	s10 =	smov.u32 s13  }
0xfb: {  	v12 =	vmul.f32 v16, v9;
	[tilespmem:s13+$0x20] =	vst v14;
	v11 =	vld [tilespmem:s26+$0xFFFFFFC0]  }
0xfc: {  	s13 =	sadd.s32 $0x100, s13;
	v17 =	vmul.f32 v18, v7;
	v14 =	vld [tilespmem:s5+$0x30]  }
0xfd: {  	s15 =	sadd.s32 $0x1, s14;
	s14 =	sadd.s32 $0x2, s14;
	[tilespmem:s13+$0x0] =	vst v12;
	v12 =	vld [tilespmem:s0+$0xFFFFFFE0];
	v16 =	vmul.f32 v19, v2;
	v2 =	vmovc v5;
	v5 =	vmov v8;
	v8 =	vmov v9  }
0xfe: {  	v9 =	vmov s15  }
0xff: {  	v9 =	vand.u32 $0x7F, v9  }
0x100: {  	v9 =	vor.u32 v1, v9  }
0x101: {  	v18 =	vbroadcast v9, $0x0;
	_ =	sdelay $0x4  }
0x102: {  	v9 =	vld.idx.msk [tilespmem:v10+s23+$0x0], $0xffff  }
0x103: {  	s16 =	sadd.s32 $0x100, s12;
	v10 =	vld.idx.msk [tilespmem:v18+s23+$0x0], $0xffff  }
0x104: {  	v18 =	vld [tilespmem:s16+$0x0]  }
0x105: {  	v19 =	vld [tilespmem:s16+$0xFFFFFF80];
	_ =	sdelay $0x3  }
0x106: {  	v18 =	vmul.f32 v18, v10  }
0x107: {  	[tilespmem:s13+$0xFFFFFF80] =	vst v17;
	v17 =	vld [tilespmem:s12+$0x10];
	s14 =	sadd.s32 $0x100, s13;
	v19 =	vmul.f32 v19, v9  }
0x108: {  	v20 =	vld [tilespmem:s12+$0xFFFFFF90];
	[tilespmem:s14+$0x0] =	vst v18  }
0x109: {  	[tilespmem:s14+$0xFFFFFF80] =	vst v19;
	v18 =	vld [tilespmem:s16+$0x10]  }
0x10a: {  	v19 =	vld [tilespmem:s16+$0xFFFFFF90];
	_ =	sdelay $0x1  }
0x10b: {  	v17 =	vmul.f32 v17, v8  }
0x10c: {  	v20 =	vmul.f32 v20, v7  }
0x10d: {  	[tilespmem:s13+$0x10] =	vst v17;
	v17 =	vmul.f32 v18, v10  }
0x10e: {  	[tilespmem:s13+$0xFFFFFF90] =	vst v20;
	v19 =	vmul.f32 v19, v9;
	v18 =	vld [tilespmem:s12+$0x20]  }
0x10f: {  	v20 =	vld [tilespmem:s12+$0xFFFFFFA0];
	[tilespmem:s14+$0x10] =	vst v17  }
0x110: {  	[tilespmem:s14+$0xFFFFFF90] =	vst v19;
	v17 =	vld [tilespmem:s16+$0x20]  }
0x111: {  	v19 =	vld [tilespmem:s16+$0xFFFFFFA0]  }
0x112: {  	v15 =	vmul.f32 v15, v6  }
0x113: {  	v18 =	vmul.f32 v18, v8  }
0x114: {  	[tilespmem:s10+$0xFFFFFFA0] =	vst v15;
	v15 =	vmul.f32 v20, v7  }
0x115: {  	[tilespmem:s13+$0x20] =	vst v18;
	v18 =	vld [tilespmem:s5+$0xFFFFFFB0];
	v17 =	vmul.f32 v17, v10  }
0x116: {  	[tilespmem:s13+$0xFFFFFFA0] =	vst v15;
	v19 =	vmul.f32 v19, v9;
	v15 =	vld [tilespmem:s12+$0x30]  }
0x117: {  	[tilespmem:s14+$0x20] =	vst v17;
	v17 =	vld [tilespmem:s12+$0xFFFFFFB0]  }
0x118: {  	v13 =	vmul.f32 v13, v2;
	[tilespmem:s14+$0xFFFFFFA0] =	vst v19;
	v19 =	vld [tilespmem:s16+$0x30]  }
0x119: {  	[tilespmem:s4+$0x70] =	vst v16;
	v14 =	vmul.f32 v14, v5;
	v16 =	vld [tilespmem:s16+$0xFFFFFFB0]  }
0x11a: {  	[tilespmem:s6+$0x50] =	vst v13;
	v13 =	vmul.f32 v18, v6  }
0x11b: {  	[tilespmem:s10+$0x30] =	vst v14;
	v14 =	vmul.f32 v15, v8  }
0x11c: {  	v15 =	vld [tilespmem:s5+$0x40];
	[tilespmem:s10+$0xFFFFFFB0] =	vst v13;
	v13 =	vmul.f32 v17, v7  }
0x11d: {  	v17 =	vld [tilespmem:s5+$0xFFFFFFC0];
	[tilespmem:s13+$0x30] =	vst v14;
	v14 =	vmul.f32 v19, v10  }
0x11e: {  	v18 =	vld [tilespmem:s12+$0x40];
	[tilespmem:s13+$0xFFFFFFB0] =	vst v13;
	v13 =	vmul.f32 v16, v9  }
0x11f: {  	v11 =	vmul.f32 v11, v3;
	v16 =	vld [tilespmem:s12+$0xFFFFFFC0];
	[tilespmem:s14+$0x30] =	vst v14  }
0x120: {  	v12 =	vmul.f32 v12, v4;
	v14 =	vld [tilespmem:s16+$0x40];
	[tilespmem:s14+$0xFFFFFFB0] =	vst v13  }
0x121: {  	[tilespmem:s6+$0xFFFFFFC0] =	vst v11;
	v11 =	vmul.f32 v15, v5;
	v13 =	vld [tilespmem:s16+$0xFFFFFFC0]  }
0x122: {  	[tilespmem:s4+$0xFFFFFFE0] =	vst v12;
	v15 =	vld [tilespmem:s26+$0x60];
	v12 =	vmul.f32 v17, v6  }
0x123: {  	v17 =	vld [tilespmem:s26+$0xFFFFFFD0];
	[tilespmem:s10+$0x40] =	vst v11;
	v11 =	vmul.f32 v18, v8  }
0x124: {  	v18 =	vld [tilespmem:s5+$0x50];
	[tilespmem:s10+$0xFFFFFFC0] =	vst v12;
	v12 =	vmul.f32 v16, v7  }
0x125: {  	v16 =	vld [tilespmem:s5+$0xFFFFFFD0];
	[tilespmem:s13+$0x40] =	vst v11;
	v11 =	vmul.f32 v14, v10  }
0x126: {  	v14 =	vld [tilespmem:s12+$0x50];
	[tilespmem:s13+$0xFFFFFFC0] =	vst v12;
	v12 =	vmul.f32 v13, v9  }
0x127: {  	v13 =	vmul.f32 v15, v2;
	v15 =	vld [tilespmem:s12+$0xFFFFFFD0];
	[tilespmem:s14+$0x40] =	vst v11  }
0x128: {  	v11 =	vmul.f32 v17, v3;
	v17 =	vld [tilespmem:s16+$0x50];
	[tilespmem:s14+$0xFFFFFFC0] =	vst v12  }
0x129: {  	[tilespmem:s6+$0x60] =	vst v13;
	v12 =	vmul.f32 v18, v5;
	v13 =	vld [tilespmem:s16+$0xFFFFFFD0]  }
0x12a: {  	v18 =	vld [tilespmem:s0+$0xFFFFFFF0];
	[tilespmem:s6+$0xFFFFFFD0] =	vst v11;
	v11 =	vmul.f32 v16, v6  }
0x12b: {  	v16 =	vld [tilespmem:s26+$0xFFFFFFE0];
	[tilespmem:s10+$0x50] =	vst v12;
	v12 =	vmul.f32 v14, v8  }
0x12c: {  	v14 =	vld [tilespmem:s5+$0x60];
	[tilespmem:s10+$0xFFFFFFD0] =	vst v11;
	v11 =	vmul.f32 v15, v7  }
0x12d: {  	v15 =	vld [tilespmem:s5+$0xFFFFFFE0];
	[tilespmem:s13+$0x50] =	vst v12;
	v12 =	vmul.f32 v17, v10  }
0x12e: {  	v17 =	vld [tilespmem:s12+$0x60];
	[tilespmem:s13+$0xFFFFFFD0] =	vst v11;
	v11 =	vmul.f32 v13, v9  }
0x12f: {  	v4 =	vmul.f32 v18, v4;
	v13 =	vld [tilespmem:s12+$0xFFFFFFE0];
	[tilespmem:s14+$0x50] =	vst v12  }
0x130: {  	v12 =	vmul.f32 v16, v3;
	v16 =	vld [tilespmem:s16+$0x60];
	[tilespmem:s14+$0xFFFFFFD0] =	vst v11  }
0x131: {  	[tilespmem:s4+$0xFFFFFFF0] =	vst v4;
	v4 =	vmul.f32 v14, v5;
	v11 =	vld [tilespmem:s16+$0xFFFFFFE0]  }
0x132: {  	v14 =	vld [tilespmem:s26+$0x70];
	[tilespmem:s6+$0xFFFFFFE0] =	vst v12;
	v12 =	vmul.f32 v15, v6  }
0x133: {  	v15 =	vld [tilespmem:s26+$0xFFFFFFF0];
	[tilespmem:s10+$0x60] =	vst v4;
	v4 =	vmul.f32 v17, v8  }
0x134: {  	v17 =	vld [tilespmem:s5+$0x70];
	[tilespmem:s10+$0xFFFFFFE0] =	vst v12;
	v12 =	vmul.f32 v13, v7  }
0x135: {  	v13 =	vld [tilespmem:s5+$0xFFFFFFF0];
	[tilespmem:s13+$0x60] =	vst v4;
	v4 =	vmul.f32 v16, v10  }
0x136: {  	v16 =	vld [tilespmem:s12+$0x70];
	[tilespmem:s13+$0xFFFFFFE0] =	vst v12;
	v11 =	vmul.f32 v11, v9  }
0x137: {  	v2 =	vmul.f32 v14, v2;
	v12 =	vld [tilespmem:s12+$0xFFFFFFF0];
	[tilespmem:s14+$0x60] =	vst v4  }
0x138: {  	v3 =	vmul.f32 v15, v3;
	v4 =	vld [tilespmem:s16+$0x70];
	[tilespmem:s14+$0xFFFFFFE0] =	vst v11  }
0x139: {  	[tilespmem:s6+$0x70] =	vst v2;
	v2 =	vmul.f32 v17, v5;
	v5 =	vld [tilespmem:s16+$0xFFFFFFF0]  }
0x13a: {  	[tilespmem:s6+$0xFFFFFFF0] =	vst v3;
	v3 =	vmul.f32 v13, v6  }
0x13b: {  	[tilespmem:s10+$0x70] =	vst v2;
	v2 =	vmul.f32 v16, v8  }
0x13c: {  	p1 =	seq.s32 s11, $0x27;
	[tilespmem:s10+$0xFFFFFFF0] =	vst v3;
	v3 =	vmul.f32 v12, v7  }
0x13d: {  	s0 =	sshll.u32 @!p1 s11, $0x9;
	[tilespmem:s13+$0x70] =	vst v2;
	v2 =	vmul.f32 v4, v10  }
0x13e: {  	s4 =	sshrl.u32 @!p1 s0, $0x2;
	[tilespmem:s13+$0xFFFFFFF0] =	vst v3;
	v3 =	vmul.f32 v5, v9  }
0x13f: {  	s0 =	simm.s32 @p1 $0x4E00;
	s4 =	sadd.s32 @!p1 $0x80, s4;
	[tilespmem:s14+$0x70] =	vst v2  }
0x140: {  	s5 =	simm.s32 @!p1 $0x40;
	s6 =	simm.s32 @!p1 $0x3C00;
	s10 =	simm.s32 $0x41;
	[tilespmem:s14+$0xFFFFFFF0] =	vst v3  }
0x141: {  	[tilespmem:s6], [sflag:$0x1] =	stream.indirect.gather @!p1 [hbm4b:s1+s5], $0x80, s4, s5, $0xb8;
	[tilespmem:$0x1FC00] =	vst v63  }
0x142: {  	v2 =	vmov s10;
	s4 =	sshrl.u32 s0, $0x2  }
0x143: {  	v2 =	vand.u32 $0x7F, v2;
	s0 =	sadd.s32 $0x1400, s4  }
0x144: {  	v2 =	vor.u32 v1, v2;
	[spmem:s3] =	stream.indirect.scatter.add.f32 [tilespmem:s24], [sflag:$0x3], $0x80, s0, s25, $0xb8;
	[tilespmem:$0x1FC00] =	vst v63  }
0x145: {  	v2 =	vbroadcast v2, $0x0;
	_ =	swait.ge [sflag:s30], $0x2000  }
0x146: {  	[sflag:s30] =	ssyncset.done $0x0  }
0x147: {  	s0 =	simm.s32 @!p0 $0x4;
	[sflag:s30] =	ssyncadd.s32 $0xFFFFE000  }
0x148: {  	s12 =	simm.s32 $0x40;
	_ =	swait.ge @!p0 [sflag:s0], $0x2000  }
0x149: {  	v3 =	vmov s12;
	[sflag:s0] =	ssyncset.done @!p0 $0x0  }
0x14a: {  	v3 =	vand.u32 $0x7E, v3;
	[sflag:s0] =	ssyncadd.s32 @!p0 $0xFFFFE000  }
0x14b: {  	s14 =	simm.s32 $0x5C80;
	v3 =	vor.u32 v1, v3;
	v10 =	vld.idx.msk [tilespmem:v2+s23+$0x0], $0xffff  }
0x14c: {  	v2 =	vbroadcast v3, $0x0;
	v3 =	vld [tilespmem:s14+$0x0];
	_ =	sdelay $0x4  }
0x14d: {  	v3 =	vmul.f32 v3, v10  }
0x14e: {  	s26 =	simm.s32 $0x9C80;
	v4 =	vld.idx.msk [tilespmem:v2+s23+$0x0], $0xffff  }
0x14f: {  	v2 =	vld [tilespmem:s14+$0xFFFFFF80];
	[tilespmem:s26+$0x0] =	vst v3  }
0x150: {  	s13 =	simm.s32 $0x43;
	v5 =	vld [tilespmem:s14+$0x10]  }
0x151: {  	v3 =	vmov s13  }
0x152: {  	v3 =	vand.u32 $0x7F, v3  }
0x153: {  	v3 =	vor.u32 v1, v3  }
0x154: {  	s15 =	simm.s32 $0x42;
	v3 =	vbroadcast v3, $0x0;
	v2 =	vmul.f32 v2, v4  }
0x155: {  	v6 =	vmov s15;
	v5 =	vmul.f32 v5, v10  }
0x156: {  	v6 =	vand.u32 $0x7E, v6;
	s0 =	simm.s32 $0x5D80;
	[tilespmem:s26+$0xFFFFFF80] =	vst v2  }
0x157: {  	v8 =	vld [tilespmem:s0+$0x0];
	v2 =	vor.u32 v1, v6;
	[tilespmem:s26+$0x10] =	vst v5  }
0x158: {  	v5 =	vbroadcast v2, $0x0;
	v7 =	vld [tilespmem:s14+$0x20]  }
0x159: {  	v6 =	vld [tilespmem:s14+$0xFFFFFF90]  }
0x15a: {  	v2 =	vld.idx.msk [tilespmem:v3+s23+$0x0], $0xffff;
	_ =	sdelay $0x2  }
0x15b: {  	v7 =	vmul.f32 v7, v10  }
0x15c: {  	v3 =	vld.idx.msk [tilespmem:v5+s23+$0x0], $0xffff;
	v5 =	vmul.f32 v6, v4  }
0x15d: {  	v8 =	vmul.f32 v8, v2;
	[tilespmem:s26+$0x20] =	vst v7  }
0x15e: {  	s6 =	simm.s32 $0x9D80;
	v6 =	vld [tilespmem:s0+$0xFFFFFF80];
	[tilespmem:s26+$0xFFFFFF90] =	vst v5  }
0x15f: {  	s16 =	simm.s32 $0x45;
	[tilespmem:s6+$0x0] =	vst v8;
	v5 =	vld [tilespmem:s14+$0x30]  }
0x160: {  	v8 =	vmov s16;
	v9 =	vld [tilespmem:s0+$0x10]  }
0x161: {  	v7 =	vld [tilespmem:s14+$0xFFFFFFA0];
	v8 =	vand.u32 $0x7F, v8  }
0x162: {  	s10 =	simm.s32 $0x44;
	v8 =	vor.u32 v1, v8  }
0x163: {  	v11 =	vmov s10;
	v6 =	vmul.f32 v6, v3;
	v8 =	vbroadcast v8, $0x0  }
0x164: {  	v11 =	vand.u32 $0x7E, v11;
	v5 =	vmul.f32 v5, v10  }
0x165: {  	v11 =	vor.u32 v1, v11;
	[tilespmem:s6+$0xFFFFFF80] =	vst v6;
	v9 =	vmul.f32 v9, v2  }
0x166: {  	v6 =	vmul.f32 v7, v4;
	v7 =	vbroadcast v11, $0x0;
	v11 =	vld [tilespmem:s0+$0xFFFFFF90];
	[tilespmem:s26+$0x30] =	vst v5  }
0x167: {  	[tilespmem:s6+$0x10] =	vst v9;
	v12 =	vld [tilespmem:s14+$0x40]  }
0x168: {  	v9 =	vld [tilespmem:s0+$0x20]  }
0x169: {  	s5 =	simm.s32 $0x5E80;
	v5 =	vld.idx.msk [tilespmem:v8+s23+$0x0], $0xffff  }
0x16a: {  	[tilespmem:s26+$0xFFFFFFA0] =	vst v6;
	v8 =	vld [tilespmem:s5+$0x0]  }
0x16b: {  	v13 =	vld [tilespmem:s14+$0xFFFFFFB0]  }
0x16c: {  	s12 =	simm.s32 $0x46;
	v6 =	vld.idx.msk [tilespmem:v7+s23+$0x0], $0xffff;
	v7 =	vmul.f32 v12, v10  }
0x16d: {  	v14 =	vld [tilespmem:s5+$0xFFFFFF80];
	v11 =	vmul.f32 v11, v3;
	v12 =	vmov s12  }
0x16e: {  	v9 =	vmul.f32 v9, v2;
	v12 =	vand.u32 $0x7E, v12;
	[tilespmem:s26+$0x40] =	vst v7  }
0x16f: {  	[tilespmem:s6+$0xFFFFFF90] =	vst v11;
	v8 =	vmul.f32 v8, v5;
	v11 =	vor.u32 v1, v12;
	v12 =	vld [tilespmem:s14+$0x50]  }
0x170: {  	s10 =	simm.s32 $0x9E80;
	v7 =	vmul.f32 v13, v4;
	v13 =	vld [tilespmem:s0+$0xFFFFFFA0];
	[tilespmem:s6+$0x20] =	vst v9;
	v11 =	vbroadcast v11, $0x0  }
0x171: {  	[tilespmem:s10+$0x0] =	vst v8;
	v9 =	vld [tilespmem:s0+$0x30]  }
0x172: {  	s13 =	simm.s32 $0x47;
	[tilespmem:s26+$0xFFFFFFB0] =	vst v7;
	v7 =	vmul.f32 v14, v6;
	v14 =	vld [tilespmem:s5+$0x10]  }
0x173: {  	v8 =	vmov s13;
	v15 =	vld [tilespmem:s14+$0xFFFFFFC0]  }
0x174: {  	[tilespmem:s10+$0xFFFFFF80] =	vst v7;
	v7 =	vand.u32 $0x7F, v8;
	v8 =	vmul.f32 v12, v10  }
0x175: {  	v16 =	vor.u32 v1, v7;
	v12 =	vmul.f32 v13, v3;
	v13 =	vld [tilespmem:s5+$0xFFFFFF90]  }
0x176: {  	v9 =	vmul.f32 v9, v2;
	v7 =	vld.idx.msk [tilespmem:v11+s23+$0x0], $0xffff;
	v11 =	vbroadcast v16, $0x0;
	[tilespmem:s26+$0x50] =	vst v8  }
0x177: {  	v14 =	vmul.f32 v14, v5;
	[tilespmem:s6+$0xFFFFFFA0] =	vst v12;
	v12 =	vld [tilespmem:s14+$0x60]  }
0x178: {  	v8 =	vmul.f32 v15, v4;
	[tilespmem:s6+$0x30] =	vst v9;
	v15 =	vld [tilespmem:s0+$0xFFFFFFB0]  }
0x179: {  	v9 =	vld [tilespmem:s0+$0x40];
	[tilespmem:s10+$0x10] =	vst v14  }
0x17a: {  	[tilespmem:s26+$0xFFFFFFC0] =	vst v8;
	v14 =	vld [tilespmem:s5+$0x20]  }
0x17b: {  	v16 =	vld [tilespmem:s14+$0xFFFFFFD0]  }
0x17c: {  	s12 =	simm.s32 $0x5F80;
	v8 =	vld.idx.msk [tilespmem:v11+s23+$0x0], $0xffff;
	v11 =	vmul.f32 v12, v10  }
0x17d: {  	s15 =	simm.s32 $0x48;
	v12 =	vmul.f32 v13, v6;
	v13 =	vld [tilespmem:s12+$0x0]  }
0x17e: {  	v17 =	vmov s15;
	v18 =	vld [tilespmem:s12+$0xFFFFFF80];
	v9 =	vmul.f32 v9, v2;
	[tilespmem:s26+$0x60] =	vst v11  }
0x17f: {  	[tilespmem:s10+$0xFFFFFF90] =	vst v12;
	v11 =	vmul.f32 v15, v3;
	v12 =	vand.u32 $0x7E, v17;
	v15 =	vld [tilespmem:s14+$0x70]  }
0x180: {  	v14 =	vmul.f32 v14, v5;
	[tilespmem:s6+$0x40] =	vst v9;
	v12 =	vor.u32 v1, v12;
	v17 =	vld [tilespmem:s5+$0xFFFFFFA0]  }
0x181: {  	v9 =	vmul.f32 v16, v4;
	[tilespmem:s6+$0xFFFFFFB0] =	vst v11;
	v11 =	vbroadcast v12, $0x0;
	v12 =	vld [tilespmem:s0+$0x50]  }
0x182: {  	[tilespmem:s10+$0x20] =	vst v14;
	v13 =	vmul.f32 v13, v8;
	v14 =	vld [tilespmem:s0+$0xFFFFFFC0]  }
0x183: {  	s13 =	simm.s32 $0x9F80;
	[tilespmem:s26+$0xFFFFFFD0] =	vst v9;
	v9 =	vmul.f32 v18, v7;
	v16 =	vld [tilespmem:s5+$0x30]  }
0x184: {  	s16 =	simm.s32 $0x49;
	[tilespmem:s13+$0x0] =	vst v13;
	v13 =	vld [tilespmem:s14+$0xFFFFFFE0]  }
0x185: {  	v18 =	vmov s16;
	[tilespmem:s13+$0xFFFFFF80] =	vst v9;
	v19 =	vld [tilespmem:s12+$0x10];
	v9 =	vmul.f32 v17, v6  }
0x186: {  	v17 =	vand.u32 $0x7F, v18;
	v18 =	vld [tilespmem:s12+$0xFFFFFF90];
	v12 =	vmul.f32 v12, v2  }
0x187: {  	[tilespmem:s10+$0xFFFFFFA0] =	vst v9;
	v9 =	vld.idx.msk [tilespmem:v11+s23+$0x0], $0xffff;
	v11 =	vor.u32 v1, v17;
	v14 =	vmul.f32 v14, v3  }
0x188: {  	v17 =	vbroadcast v11, $0x0;
	[tilespmem:s6+$0x50] =	vst v12;
	v12 =	vld [tilespmem:s5+$0xFFFFFFB0];
	v11 =	vmul.f32 v16, v5  }
0x189: {  	[tilespmem:s6+$0xFFFFFFC0] =	vst v14;
	v63 =	vld [tilespmem:s0+$0x60];
	v13 =	vmul.f32 v13, v4  }
0x18a: {  	v16 =	vmul.f32 v19, v8;
	[tilespmem:s10+$0x30] =	vst v11;
	v11 =	vld [tilespmem:s0+$0xFFFFFFD0]  }
0x18b: {  	v10 =	vmul.f32 v15, v10;
	v14 =	vld [tilespmem:s5+$0x40];
	[tilespmem:s26+$0xFFFFFFE0] =	vst v13  }
0x18c: {  	v18 =	vmul.f32 v18, v7;
	[tilespmem:s13+$0x10] =	vst v16;
	v13 =	vld [tilespmem:s14+$0xFFFFFFF0]  }
0x18d: {  	[tilespmem:s26+$0x70] =	vst v10;
	v15 =	vld [tilespmem:s12+$0x20];
	v16 =	vmul.f32 v12, v6  }
0x18e: {  	s15 =	simm.s32 $0x8;
	[tilespmem:s13+$0xFFFFFF90] =	vst v18;
	s14 =	simm.s32 $0x6080;
	v10 =	vld.idx.msk [tilespmem:v17+s23+$0x0], $0xffff;
	v12 =	vmul.f32 v63, v2  }
.LBB2_12:
0x18f: {  	s16 =	sadd.s32 $0x42, s15;
	v17 =	vld [tilespmem:s14+$0x0];
	[tilespmem:s10+$0xFFFFFFB0] =	vst v16;
	v11 =	vmul.f32 v11, v3  }
0x190: {  	v16 =	vmov s16;
	v18 =	vld [tilespmem:s14+$0xFFFFFF80];
	v14 =	vmul.f32 v14, v5;
	[tilespmem:s6+$0x60] =	vst v12  }
0x191: {  	v12 =	vand.u32 $0x7E, v16;
	[tilespmem:s6+$0xFFFFFFD0] =	vst v11;
	v11 =	vld [tilespmem:s0+$0x70];
	v13 =	vmul.f32 v13, v4;
	v4 =	vmovc v3;
	v3 =	vmovc v6;
	v6 =	vmov v7  }
0x192: {  	v7 =	vmov v9;
	v12 =	vor.u32 v1, v12;
	v16 =	vld [tilespmem:s12+$0xFFFFFFA0];
	v15 =	vmul.f32 v15, v8;
	[tilespmem:s10+$0x40] =	vst v14  }
0x193: {  	v9 =	vbroadcast v12, $0x0;
	v12 =	vld [tilespmem:s5+$0x50];
	[tilespmem:s26+$0xFFFFFFF0] =	vst v13;
	s26 =	smov.u32 s6;
	s6 =	smov.u32 s10;
	s10 =	smov.u32 s13  }
0x194: {  	v13 =	vmul.f32 v17, v10;
	[tilespmem:s13+$0x20] =	vst v15;
	v14 =	vld [tilespmem:s5+$0xFFFFFFC0]  }
0x195: {  	s13 =	sadd.s32 $0x100, s13;
	v15 =	vmul.f32 v18, v7;
	v17 =	vld [tilespmem:s12+$0x30]  }
0x196: {  	s16 =	sadd.s32 $0x43, s15;
	s15 =	sadd.s32 $0x2, s15;
	[tilespmem:s13+$0x0] =	vst v13;
	v13 =	vld [tilespmem:s0+$0xFFFFFFE0];
	v11 =	vmul.f32 v11, v2;
	v2 =	vmovc v5;
	v5 =	vmov v8;
	v8 =	vmov v10  }
0x197: {  	p0 =	slt.u32 s15, $0x3E;
	v10 =	vmov s16;
	[tilespmem:s13+$0xFFFFFF80] =	vst v15;
	v15 =	vld [tilespmem:s14+$0x10];
	v16 =	vmul.f32 v16, v6  }
0x198: {  	v10 =	vand.u32 $0x7F, v10;
	v18 =	vld [tilespmem:s14+$0xFFFFFF90];
	v12 =	vmul.f32 v12, v2;
	[tilespmem:s26+$0x70] =	vst v11  }
0x199: {  	v10 =	vor.u32 v1, v10;
	v9 =	vld.idx.msk [tilespmem:v9+s23+$0x0], $0xffff;
	[tilespmem:s10+$0xFFFFFFA0] =	vst v16;
	v11 =	vmul.f32 v14, v3  }
0x19a: {  	v10 =	vbroadcast v10, $0x0;
	v16 =	vld [tilespmem:s12+$0xFFFFFFB0];
	v14 =	vmul.f32 v17, v5;
	[tilespmem:s6+$0x50] =	vst v12  }
0x19b: {  	[tilespmem:s6+$0xFFFFFFC0] =	vst v11;
	v12 =	vld [tilespmem:s5+$0x60];
	v13 =	vmul.f32 v13, v4  }
.Ltmp8:
0x19c: {  	v15 =	vmul.f32 v15, v8;
	[tilespmem:s10+$0x30] =	vst v14;
	v11 =	vld [tilespmem:s5+$0xFFFFFFD0];
	(pc) =	sbr.rel @p0 .LBB2_12-.Ltmp8, $4  }
0x19d: {  	v17 =	vmul.f32 v18, v7;
	v14 =	vld [tilespmem:s12+$0x40];
	[tilespmem:s26+$0xFFFFFFE0] =	vst v13  }
0x19e: {  	[tilespmem:s13+$0x10] =	vst v15;
	v13 =	vld [tilespmem:s0+$0xFFFFFFF0];
	s0 =	smov.u32 s5;
	s5 =	smov.u32 s12;
	s12 =	smov.u32 s14  }
0x19f: {  	[tilespmem:s13+$0xFFFFFF90] =	vst v17;
	v15 =	vld [tilespmem:s14+$0x20];
	v16 =	vmul.f32 v16, v6  }
0x1a0: {  	s14 =	sadd.s32 $0x100, s14;
	v10 =	vld.idx.msk [tilespmem:v10+s23+$0x0], $0xffff;
	v12 =	vmul.f32 v12, v2  }
0x1a1: {  	v1 =	vld [tilespmem:s14+$0x0]  }
0x1a2: {  	v17 =	vld [tilespmem:s14+$0xFFFFFF80];
	_ =	sdelay $0x3  }
0x1a3: {  	v1 =	vmul.f32 v1, v10  }
0x1a4: {  	s15 =	sadd.s32 $0x100, s13;
	v17 =	vmul.f32 v17, v9  }
0x1a5: {  	[tilespmem:s15+$0x0] =	vst v1  }
0x1a6: {  	[tilespmem:s15+$0xFFFFFF80] =	vst v17;
	v1 =	vld [tilespmem:s14+$0x10]  }
0x1a7: {  	v17 =	vld [tilespmem:s14+$0xFFFFFF90];
	_ =	sdelay $0x3  }
0x1a8: {  	v1 =	vmul.f32 v1, v10  }
0x1a9: {  	v17 =	vmul.f32 v17, v9  }
0x1aa: {  	v18 =	vld [tilespmem:s12+$0xFFFFFFA0];
	[tilespmem:s15+$0x10] =	vst v1  }
0x1ab: {  	[tilespmem:s15+$0xFFFFFF90] =	vst v17;
	v1 =	vld [tilespmem:s14+$0x20]  }
0x1ac: {  	v17 =	vld [tilespmem:s14+$0xFFFFFFA0];
	_ =	sdelay $0x1  }
0x1ad: {  	v15 =	vmul.f32 v15, v8  }
0x1ae: {  	v18 =	vmul.f32 v18, v7  }
0x1af: {  	[tilespmem:s13+$0x20] =	vst v15;
	v1 =	vmul.f32 v1, v10  }
0x1b0: {  	v15 =	vld [tilespmem:s12+$0x30];
	[tilespmem:s13+$0xFFFFFFA0] =	vst v18;
	v17 =	vmul.f32 v17, v9  }
0x1b1: {  	v18 =	vld [tilespmem:s12+$0xFFFFFFB0];
	[tilespmem:s15+$0x20] =	vst v1  }
0x1b2: {  	[tilespmem:s15+$0xFFFFFFA0] =	vst v17;
	v1 =	vld [tilespmem:s14+$0x30]  }
0x1b3: {  	v17 =	vld [tilespmem:s14+$0xFFFFFFB0];
	_ =	sdelay $0x1  }
0x1b4: {  	v15 =	vmul.f32 v15, v8  }
0x1b5: {  	[tilespmem:s10+$0xFFFFFFB0] =	vst v16;
	v34 =	vmul.f32 v18, v7  }
0x1b6: {  	v35 =	vld [tilespmem:s5+$0xFFFFFFC0];
	[tilespmem:s13+$0x30] =	vst v15;
	v1 =	vmul.f32 v1, v10  }
0x1b7: {  	v15 =	vld [tilespmem:s12+$0x40];
	[tilespmem:s13+$0xFFFFFFB0] =	vst v34;
	v36 =	vmul.f32 v17, v9  }
0x1b8: {  	v37 =	vld [tilespmem:s12+$0xFFFFFFC0];
	[tilespmem:s15+$0x30] =	vst v1  }
0x1b9: {  	[tilespmem:s15+$0xFFFFFFB0] =	vst v36;
	v1 =	vld [tilespmem:s14+$0x40]  }
0x1ba: {  	v14 =	vmul.f32 v14, v5;
	v16 =	vld [tilespmem:s14+$0xFFFFFFC0]  }
0x1bb: {  	v18 =	vmul.f32 v35, v6  }
0x1bc: {  	[tilespmem:s10+$0x40] =	vst v14;
	v38 =	vmul.f32 v15, v8  }
0x1bd: {  	v39 =	vld [tilespmem:s5+$0x50];
	[tilespmem:s10+$0xFFFFFFC0] =	vst v18;
	v17 =	vmul.f32 v37, v7  }
0x1be: {  	v40 =	vld [tilespmem:s5+$0xFFFFFFD0];
	[tilespmem:s13+$0x40] =	vst v38;
	v1 =	vmul.f32 v1, v10  }
0x1bf: {  	v41 =	vld [tilespmem:s12+$0x50];
	[tilespmem:s13+$0xFFFFFFC0] =	vst v17;
	v16 =	vmul.f32 v16, v9  }
0x1c0: {  	[tilespmem:s15+$0x40] =	vst v1;
	v1 =	vld [tilespmem:s12+$0xFFFFFFD0]  }
0x1c1: {  	v11 =	vmul.f32 v11, v3;
	[tilespmem:s15+$0xFFFFFFC0] =	vst v16;
	v42 =	vld [tilespmem:s14+$0x50]  }
0x1c2: {  	[tilespmem:s6+$0x60] =	vst v12;
	v43 =	vmul.f32 v39, v5;
	v44 =	vld [tilespmem:s14+$0xFFFFFFD0]  }
0x1c3: {  	[tilespmem:s6+$0xFFFFFFD0] =	vst v11;
	v45 =	vmul.f32 v40, v6  }
0x1c4: {  	v46 =	vld [tilespmem:s0+$0xFFFFFFE0];
	[tilespmem:s10+$0x50] =	vst v43;
	v47 =	vmul.f32 v41, v8  }
0x1c5: {  	v48 =	vld [tilespmem:s5+$0x60];
	[tilespmem:s10+$0xFFFFFFD0] =	vst v45;
	v1 =	vmul.f32 v1, v7  }
0x1c6: {  	v11 =	vld [tilespmem:s5+$0xFFFFFFE0];
	[tilespmem:s13+$0x50] =	vst v47;
	v49 =	vmul.f32 v42, v10  }
0x1c7: {  	v50 =	vld [tilespmem:s12+$0x60];
	[tilespmem:s13+$0xFFFFFFD0] =	vst v1;
	v1 =	vmul.f32 v44, v9  }
0x1c8: {  	v4 =	vmul.f32 v13, v4;
	v51 =	vld [tilespmem:s12+$0xFFFFFFE0];
	[tilespmem:s15+$0x50] =	vst v49  }
0x1c9: {  	v52 =	vmul.f32 v46, v3;
	v53 =	vld [tilespmem:s14+$0x60];
	[tilespmem:s15+$0xFFFFFFD0] =	vst v1  }
0x1ca: {  	[tilespmem:s26+$0xFFFFFFF0] =	vst v4;
	v1 =	vmul.f32 v48, v5;
	v54 =	vld [tilespmem:s14+$0xFFFFFFE0]  }
0x1cb: {  	v55 =	vld [tilespmem:s0+$0x70];
	[tilespmem:s6+$0xFFFFFFE0] =	vst v52;
	v56 =	vmul.f32 v11, v6  }
0x1cc: {  	v57 =	vld [tilespmem:s0+$0xFFFFFFF0];
	[tilespmem:s10+$0x60] =	vst v1;
	v1 =	vmul.f32 v50, v8  }
0x1cd: {  	[tilespmem:s10+$0xFFFFFFE0] =	vst v56;
	v58 =	vld [tilespmem:s5+$0x70];
	v59 =	vmul.f32 v51, v7  }
0x1ce: {  	v60 =	vld [tilespmem:s5+$0xFFFFFFF0];
	[tilespmem:s13+$0x60] =	vst v1;
	v1 =	vmul.f32 v53, v10  }
0x1cf: {  	v61 =	vld [tilespmem:s12+$0x70];
	[tilespmem:s13+$0xFFFFFFE0] =	vst v59;
	v62 =	vmul.f32 v54, v9  }
0x1d0: {  	v2 =	vmul.f32 v55, v2;
	v63 =	vld [tilespmem:s12+$0xFFFFFFF0];
	[tilespmem:s15+$0x60] =	vst v1  }
0x1d1: {  	v1 =	vmul.f32 v57, v3;
	v3 =	vld [tilespmem:s14+$0x70];
	[tilespmem:s15+$0xFFFFFFE0] =	vst v62  }
0x1d2: {  	[tilespmem:s6+$0x70] =	vst v2;
	v2 =	vmul.f32 v58, v5;
	v4 =	vld [tilespmem:s14+$0xFFFFFFF0]  }
0x1d3: {  	[tilespmem:s6+$0xFFFFFFF0] =	vst v1;
	v1 =	vmul.f32 v60, v6  }
0x1d4: {  	[tilespmem:s10+$0x70] =	vst v2;
	v2 =	vmul.f32 v61, v8  }
.Ltmp9:
0x1d5: {  	[tilespmem:s10+$0xFFFFFFF0] =	vst v1;
	v1 =	vmul.f32 v63, v7;
	(pc) =	sbr.rel @p1 .LBB2_15-.Ltmp9, $4  }
0x1d6: {  	[tilespmem:s13+$0x70] =	vst v2;
	v2 =	vmul.f32 v3, v10  }
0x1d7: {  	[tilespmem:s13+$0xFFFFFFF0] =	vst v1;
	v1 =	vmul.f32 v4, v9  }
0x1d8: {  	[tilespmem:s15+$0x70] =	vst v2  }
0x1d9: {  	s0 =	sadd.s32 $0x1440, s4;
	[tilespmem:s15+$0xFFFFFFF0] =	vst v1  }
.Ltmp10:
0x1da: {  	(pc) =	sbr.rel .LBB2_9-.Ltmp10, $4  }
0x1db: {  	s4 =	sadd.s32 $0xC0, s4  }
0x1dc: {  	[tilespmem:s28], [sflag:$0x2] =	stream.indirect.gather [hbm4b:s1+s25], $0x80, s4, s25, $0xb8;
	[tilespmem:$0x1FC00] =	vst v63  }
0x1dd: {  	s11 =	sadd.s32 $0x1, s11  }
0x1de: {  	[spmem:s3] =	stream.indirect.scatter.add.f32 [tilespmem:s31], [sflag:$0x4], $0x80, s0, s25, $0xb8;
	[tilespmem:$0x1FC00] =	vst v63  }
.LBB2_17:
0x1df: {  	_ =	sfence.sel $0x180000  }
0x1e0: {  	[bflag:$0x0] =	sbarrier.arrive $0xFFFF  }
0x1e1: {  	_ =	strace $0x9000004A  }
0x1e2: {  	s0 =	stileid.u32;
	[bflag:$0x2] =	sbarrier.arrive $0xFFFF  }
0x1e3: {  	p0 =	sne.s32 s0, $0x0;
	s0 =	rddreg [dreg:$0x3]  }
0x1e4: {  	s0 =	sadd.s32 @!p0 $0x100000, s0  }
0x1e5: {  	[sflag:s0] =	ssyncadd.tile.s32 @!p0 $0x1;
	_ =	shalt  }
.Lfunc_end2:
_tile_overlayer_lowered:
.L_overlay_start_2:
0x1e6: {  	(tag) =	ssettag $0x2  }
0x1e7: {  	s0 =	rddreg [dreg:$0x0];
	s2 =	stileid.u32  }
0x1e8: {  	s1 =	rddreg [dreg:$0x1];
	p0 =	sne.s32 s2, $0x0  }
0x1e9: {  	s3 =	rddreg [dreg:$0x2];
	[bflag:$0x3] =	sbarrier.arrive $0xFFFF;
	s2 =	simm.s32 @!p0 $0x1C05  }
0x1ea: {  	[timem:s3], [sflag:s2] =	dma.local @!p0 [hbm:s0], s1  }
0x1eb: {  	s0 =	simm.s32 @!p0 $0x5  }
0x1ec: {  	_ =	swait.ge @!p0 [sflag:s0], s1  }
0x1ed: {  	s1 =	ssub.s32 @!p0 $0x0, s1;
	[sflag:s0] =	ssyncset.done @!p0 $0x0  }
0x1ee: {  	[sflag:s0] =	ssyncadd.s32 @!p0 s1  }
0x1ef: {  	[bflag:$0x3] =	sbarrier.arrive $0xFFFF  }
0x1f0: {  	_ =	shalt  }

// kernel: kernel.14.cloned.1.call-start
scs
__scs_entry_jumppad:
0x0: {  	(pc) =	sbr.rel $0x88, $3  }
0x1: {  	(tag) =	ssettag $0x0;
	lr =	simm.s32 $0x1  }
0x2: {  	[smem:$0x3F9B] =	sst lr;
	_ =	strace $0xD0000000  }
0x3: {  	_ = 	snop  }
0x4: {  	_ = 	snop  }
0x5: {  	_ = 	snop  }
0x6: {  	_ = 	snop  }
0x7: {  	_ = 	snop  }
__scs_overlays_trampoline_lowered:
0x8: {  	[smem:$0x3FAA] =	sst s0  }
0x9: {  	[smem:$0x3FAB] =	sst s1  }
0xa: {  	[smem:$0x3FAC] =	sst s2  }
0xb: {  	[smem:$0x3FAD] =	sst s3  }
0xc: {  	[smem:$0x3FAE] =	sst s4  }
0xd: {  	[smem:$0x3FAF] =	sst s5  }
0xe: {  	[smem:$0x3FB0] =	sst s6  }
0xf: {  	[smem:$0x3FB1] =	sst s7  }
0x10: {  	[smem:$0x3FB2] =	sst s8  }
0x11: {  	[smem:$0x3FB3] =	sst s9;
	s0 =	simm.s32 @!p0 $0x0  }
0x12: {  	s1 =	sld [smem:$0x3F99];
	s0 =	simm.s32 @p0 $0x1  }
0x13: {  	[smem:$0x3FB4] =	sst s0;
	s0 =	simm.s32 @!p1 $0x0  }
0x14: {  	s2 =	sld [smem:$0x3F98];
	s0 =	simm.s32 @p1 $0x1  }
0x15: {  	[smem:$0x3FB5] =	sst s0;
	s0 =	simm.s32 @!p2 $0x0  }
0x16: {  	s3 =	sld [smem:$0x3FDB];
	s0 =	simm.s32 @p2 $0x1  }
0x17: {  	s4 =	simm.s32 $0x1BF5;
	[smem:$0x3FB7] =	sst s0  }
0x18: {  	s0 =	sld [smem:$0x3F9A];
	_ =	swait.ge [sflag:s4], $0x0  }
0x19: {  	s7 =	sld [smem:$0x3F9B]  }
0x1a: {  	s8 =	sadd.s32 $0xFFFFE003, lr  }
0x1b: {  	s9 =	sadd.s32 $0xFFFFFEF7, lr;
	s5 =	simm.s32 $0xFFFFFFFF;
	p2 =	slt.u32 s8, $0xFFFFF086  }
0x1c: {  	p1 =	slt.u32 s9, $0xF7A;
	s5 =	simm.s32 @!p2 $0x0  }
0x1d: {  	s5 =	simm.s32 @p1 $0x1;
	p0 =	seq.s32 s7, s2  }
0x1e: {  	s7 =	smul.u32 @!p0 $0xF7A, s2;
	p2 =	seq.s32 @!p0 s5, $0x0  }
0x1f: {  	s9 =	smul.u32 $0xF7A, s1;
	s8 =	simm.s32 @!p0 $0x1BF5;
	p2 =	por !p2, p0  }
0x20: {  	[sflag:s8] =	ssyncset.s32 @!p0 $0xFFFFF086;
	s6 =	sadd.s32 @!p0 s3, s7;
	s7 =	simm.s32 @!p0 $0x108  }
0x21: {  	s3 =	sadd.s32 s3, s9;
	s6 =	sadd.s32 @!p0 $0x88, s6;
	s7 =	simm.s32 @p2 $0x1082  }
0x22: {  	[simem:s7], [sflag:s8] =	dma.local @!p0 [hbm:s6], $0xF7A  }
0x23: {  	s9 =	sor.u32 $0xD0000000, s2;
	s6 =	simm.s32 $0x108;
	_ =	swait.ge @!p0 [sflag:s8], $0x0  }
0x24: {  	s3 =	sadd.s32 $0x88, s3;
	s6 =	simm.s32 @!p1 $0x1082;
	[sflag:s4] =	ssyncset.s32 $0xFFFFF086  }
0x25: {  	[simem:s6], [sflag:s4] =	dma.local [hbm:s3], $0xF7A  }
0x26: {  	[smem:$0x3F9B] =	sst s1;
	(tag) =	ssettag s2;
	_ =	strace s9  }
0x27: {  	s1 =	sld [smem:$0x3FAB]  }
0x28: {  	s2 =	sld [smem:$0x3FAC]  }
0x29: {  	s4 =	sld [smem:$0x3FAE]  }
0x2a: {  	p0 =	seq.s32 s5, $0x0;
	s5 =	sld [smem:$0x3FAF]  }
0x2b: {  	s6 =	sld [smem:$0x3FB0]  }
0x2c: {  	s7 =	sld [smem:$0x3FB1]  }
0x2d: {  	s3 =	simm.s32 $0x108;
	s8 =	sld [smem:$0x3FB2]  }
0x2e: {  	s3 =	simm.s32 @!p0 $0x1082;
	s9 =	sld [smem:$0x3FB3]  }
0x2f: {  	lr =	sadd.s32 s0, s3;
	s0 =	sld [smem:$0x3FAA]  }
0x30: {  	s3 =	sld [smem:$0x3FAD]  }
0x31: {  	[smem:$0x3FB6] =	sst s10  }
0x32: {  	s10 =	sld [smem:$0x3FB4];
	_ =	sdelay $0x3  }
0x33: {  	p0 =	seq.s32 s10, $0x1;
	s10 =	sld [smem:$0x3FB6];
	_ =	sdelay $0x3  }
0x34: {  	[smem:$0x3FB6] =	sst s10  }
0x35: {  	s10 =	sld [smem:$0x3FB5];
	_ =	sdelay $0x3  }
0x36: {  	p1 =	seq.s32 s10, $0x1;
	s10 =	sld [smem:$0x3FB6];
	_ =	sdelay $0x3  }
0x37: {  	[smem:$0x3FB6] =	sst s10  }
0x38: {  	s10 =	sld [smem:$0x3FB7]  }
0x39: {  	_ = 	snop;
	(pc) =	sbr.ind lr, $3  }
0x3a: {  	_ = 	snop  }
0x3b: {  	_ = 	snop  }
0x3c: {  	p2 =	seq.s32 s10, $0x1;
	s10 =	sld [smem:$0x3FB6]  }
0x3d: {  	_ =	shalt  }
0x3e: {  	_ =	shalt  }
0x3f: {  	_ =	shalt  }
0x40: {  	_ =	shalt  }
0x41: {  	_ =	shalt  }
0x42: {  	_ =	shalt  }
0x43: {  	_ =	shalt  }
0x44: {  	_ =	shalt  }
0x45: {  	_ =	shalt  }
0x46: {  	_ =	shalt  }
0x47: {  	_ =	shalt  }
0x48: {  	_ =	shalt  }
0x49: {  	_ =	shalt  }
0x4a: {  	_ =	shalt  }
0x4b: {  	_ =	shalt  }
0x4c: {  	_ =	shalt  }
0x4d: {  	_ =	shalt  }
0x4e: {  	_ =	shalt  }
0x4f: {  	_ =	shalt  }
0x50: {  	_ =	shalt  }
0x51: {  	_ =	shalt  }
0x52: {  	_ =	shalt  }
0x53: {  	_ =	shalt  }
0x54: {  	_ =	shalt  }
0x55: {  	_ =	shalt  }
0x56: {  	_ =	shalt  }
0x57: {  	_ =	shalt  }
0x58: {  	_ =	shalt  }
0x59: {  	_ =	shalt  }
0x5a: {  	_ =	shalt  }
0x5b: {  	_ =	shalt  }
0x5c: {  	_ =	shalt  }
0x5d: {  	_ =	shalt  }
0x5e: {  	_ =	shalt  }
0x5f: {  	_ =	shalt  }
0x60: {  	_ =	shalt  }
0x61: {  	_ =	shalt  }
0x62: {  	_ =	shalt  }
0x63: {  	_ =	shalt  }
0x64: {  	_ =	shalt  }
0x65: {  	_ =	shalt  }
0x66: {  	_ =	shalt  }
0x67: {  	_ =	shalt  }
0x68: {  	_ =	shalt  }
0x69: {  	_ =	shalt  }
0x6a: {  	_ =	shalt  }
0x6b: {  	_ =	shalt  }
0x6c: {  	_ =	shalt  }
0x6d: {  	_ =	shalt  }
0x6e: {  	_ =	shalt  }
0x6f: {  	_ =	shalt  }
0x70: {  	_ =	shalt  }
0x71: {  	_ =	shalt  }
0x72: {  	_ =	shalt  }
0x73: {  	_ =	shalt  }
0x74: {  	_ =	shalt  }
0x75: {  	_ =	shalt  }
0x76: {  	_ =	shalt  }
0x77: {  	_ =	shalt  }
0x78: {  	_ =	shalt  }
0x79: {  	_ =	shalt  }
0x7a: {  	_ =	shalt  }
0x7b: {  	_ =	shalt  }
0x7c: {  	_ =	shalt  }
0x7d: {  	_ =	shalt  }
0x7e: {  	_ =	shalt  }
0x7f: {  	_ =	shalt  }
0x80: {  	_ =	shalt  }
0x81: {  	_ =	shalt  }
0x82: {  	_ =	shalt  }
0x83: {  	_ =	shalt  }
0x84: {  	_ =	shalt  }
0x85: {  	_ =	shalt  }
0x86: {  	_ =	shalt  }
0x87: {  	_ =	shalt  }
.Lfunc_end0:
.L_simem_size_0:
called_computation.2_lowered:
.L_overlay_start_0:
0x88: {  	s2 =	sld [smem:$0x3FD9]  }
0x89: {  	s3 =	sld [smem:$0x3FFE];
	_ =	sdelay $0x1  }
0x8a: {  	s1 =	srdreg.scid  }
0x8b: {  	s0 =	sand.u32 $0x1, s1  }
0x8c: {  	s14 =	sshll.u32 s0, $0xA;
	s2 =	sadd.s32 s3, s2  }
0x8d: {  	s2 =	sadd.s32 s2, s14  }
0x8e: {  	[smem:$0x3FC2] =	sst s2  }
0x8f: {  	_ = 	snop  }
0x90: {  	s2 =	sld [smem:$0x3FD0];
	_ =	sdelay $0x2  }
0x91: {  	s15 =	simm.s32 $0xA;
	s4 =	simm.s32 $0x10  }
0x92: {  	[smem:s4], [sflag:s15] =	dma.local [hbm:s2], $0x1  }
0x93: {  	_ =	swait.eq [sflag:s15], $0x1  }
0x94: {  	[sflag:s15] =	ssyncset.done $0x0  }
0x95: {  	[sflag:s15] =	ssyncadd.s32 $0xFFFFFFFF  }
0x96: {  	s16 =	sld [smem:$0x11];
	(tm) =	ssettm $0x1  }
0x97: {  	s17 =	sld [smem:$0x3FFB];
	_ =	sdelay $0x3  }
0x98: {  	_ =	strace s17  }
0x99: {  	s3 =	sld [smem:$0x3FFC];
	_ =	sdelay $0x3  }
0x9a: {  	_ =	strace s3  }
0x9b: {  	s3 =	sld [smem:$0x3FFD];
	_ =	sdelay $0x3  }
0x9c: {  	_ =	strace s3  }
0x9d: {  	_ =	strace $0x8FFFFFFF  }
0x9e: {  	s18 =	sld [smem:$0x3FDB];
	_ =	sdelay $0x1  }
0x9f: {  	s19 =	simm.s32 $_scs_section_size  }
0xa0: {  	s5 =	simm.s32 $_size__tile_overlayer_lowered;
	s6 =	simm.s32 $_tile_overlayer_lowered  }
0xa1: {  	s22 =	simm.s32 $0x1BFF;
	s21 =	sshll.u32 s6, $0x1;
	s3 =	sadd.s32 s19, s18  }
0xa2: {  	s7 =	simm.s32 $0x0;
	s20 =	sshll.u32 s5, $0x1;
	s5 =	sadd.s32 s21, s3  }
0xa3: {  	[timem:s7], [sflag:s22] =	dma.local [hbm:s5], s20  }
0xa4: {  	_ =	swait.ge [sflag:s22], s20  }
0xa5: {  	s4 =	ssub.s32 $0x0, s20;
	[sflag:s22] =	ssyncset.done $0x0  }
0xa6: {  	[sflag:s22] =	ssyncadd.s32 s4;
	_ =	sdelay $0x1  }
0xa7: {  	s23 =	simm.s32 $0x1B8B  }
0xa8: {  	_ =	swait.ge [sflag:s23], $0x1  }
0xa9: {  	[sflag:s23] =	ssyncset.done $0x0  }
0xaa: {  	s25 =	simm.s32 $0x1B8E;
	s24 =	sld [smem:$0x3FFE];
	[sflag:s23] =	ssyncadd.s32 $0xFFFFFFFF  }
0xab: {  	s26 =	simm.s32 $execute0_lowered;
	[smem:$0x3FD2] =	sst s25  }
0xac: {  	s5 =	sshll.u32 s26, $0x1;
	_ =	strace $0x8000004C;
	[dreg:$0x1] =	wrdreg $0xFFFFFFFF  }
0xad: {  	s28 =	simm.s32 $_size_execute0_lowered;
	s3 =	sadd.s32 s3, s5;
	[dreg:$0x0] =	wrdreg $0x0  }
0xae: {  	s5 =	sshll.u32 s28, $0x1;
	[dreg:$0x2] =	wrdreg s3  }
0xaf: {  	[dreg:$0x3] =	wrdreg s5  }
0xb0: {  	[dreg:$0x4] =	wrdreg $0xC0  }
0xb1: {  	_ =	task [dreg:s7], $0x5FFFF  }
0xb2: {  	[dreg:$0x1] =	wrdreg $0xFFFFFFFF  }
0xb3: {  	[dreg:$0x0] =	wrdreg $0x60  }
0xb4: {  	[dreg:$0x2] =	wrdreg s16  }
0xb5: {  	[dreg:$0x3] =	wrdreg s24  }
0xb6: {  	[dreg:$0x4] =	wrdreg $0xBC000  }
0xb7: {  	[dreg:$0x5] =	wrdreg $0x9  }
0xb8: {  	_ =	task.clear_ibuf [dreg:s7], $0x6FFFF;
	_ =	strace $0x9000004C  }
0xb9: {  	s29 =	simm.s32 $0x9;
	_ =	strace $0x8000004E  }
0xba: {  	_ =	swait.ge [sflag:s29], $0x1  }
0xbb: {  	[sflag:s29] =	ssyncadd.s32 $0xFFFFFFFF  }
0xbc: {  	_ =	strace $0x9000004E  }
0xbd: {  	_ =	sfence  }
0xbe: {  	s30 =	sld [smem:$0x0];
	_ =	sdelay $0x2  }
0xbf: {  	s31 =	sshll.u32 s1, $0xD;
	s1 =	sshrl.u32 s1, $0x2  }
0xc0: {  	s3 =	sand.u32 $0x4000, s31;
	s1 =	sadd.s32 s1, s30  }
0xc1: {  	s0 =	sor.u32 s3, s0;
	s1 =	sshll.u32 s1, $0x11  }
0xc2: {  	s0 =	sor.u32 s1, s0  }
0xc3: {  	s0 =	sadd.s32 $0x8F2B, s0  }
0xc4: {  	[sflag:s0] =	ssyncadd.remote.s32 $0x1  }
0xc5: {  	_ =	sfence.sel $0xFFFF  }
0xc6: {  	[dreg:$0x0] =	wrdreg $0xFFFFFFFF;
	(pc) =	sbr.abs _section_cstart, $3  }
0xc7: {  	[dreg:$0x1] =	wrdreg $0xFFFFFFFF  }
0xc8: {  	_ =	task.clear_ibuf [dreg:s7], $0x2FFFF;
	_ =	strace $0x9FFFFFFF  }
0xc9: {  	(tm) =	ssettm $0x7FFFFFFF  }
tec
execute0_lowered:
.L_overlay_start_1:
0x0: {  	(tag) =	ssettag $0x1  }
0x1: {  	s1 =	rddreg [dreg:$0x0];
	s0 =	srdreg.scid  }
0x2: {  	s2 =	rddreg [dreg:$0x1];
	s8 =	stileid.u32  }
0x3: {  	s3 =	rddreg [dreg:$0x2];
	s6 =	simm.s32 $0x0;
	s5 =	smul.u32 $0x28, s8  }
0x4: {  	s28 =	simm.s32 $0x5C00;
	s29 =	simm.s32 $0x1;
	s7 =	smul.u32 $0x50000, s8  }
0x5: {  	s30 =	simm.s32 $0x2;
	s0 =	sand.u32 $0x1, s0;
	s19 =	smul.u32 $0x14000, s8  }
0x6: {  	s31 =	simm.s32 $0x9C00;
	[smem:$0x7FF] =	sst s6;
	s4 =	smul.u32 $0x280, s0  }
0x7: {  	s8 =	simm.s32 $0x0;
	s14 =	ssub.s32 $0x2, s0;
	s0 =	smul.u32 $0x500000, s0  }
0x8: {  	_ =	strace $0x8000004D;
	s15 =	sshrl.u32 s14, $0x1;
	s18 =	sshrl.u32 s7, $0x2  }
0x9: {  	s4 =	sadd.s32 s5, s4;
	s16 =	ssub.s32 s14, s15;
	s0 =	sadd.s32 s0, s19  }
0xa: {  	s9 =	sadd.s32 s18, s3;
	[dreg:$0x8] =	wrdreg s0;
	s21 =	smax.u32 s16, $0x1  }
0xb: {  	s4 =	sshll.u32 s4, $0x4;
	s22 =	sadd.s32 $0x2000, s9;
	[dreg:$0x9] =	wrdreg s21  }
0xc: {  	s23 =	sadd.s32 $0x4000, s9;
	s24 =	sadd.s32 $0x6000, s9;
	[dreg:$0xa] =	wrdreg s22  }
0xd: {  	s25 =	sadd.s32 $0x8000, s9;
	s26 =	sadd.s32 $0xA000, s9;
	[dreg:$0xb] =	wrdreg s23  }
0xe: {  	s18 =	sadd.s32 $0xE000, s9;
	s19 =	sadd.s32 $0x10000, s9;
	[dreg:$0xc] =	wrdreg s24  }
0xf: {  	s4 =	sadd.s32 s4, s2;
	s2 =	sadd.s32 $0xFC00, s2;
	[dreg:$0xd] =	wrdreg s25  }
0x10: {  	[dreg:$0xe] =	wrdreg s26;
	s21 =	simm.s32 $0x5;
	s23 =	simm.s32 $0x2800  }
.Ltmp0:
0x11: {  	[dreg:$0x4] =	wrdreg s2;
	s17 =	sadd.s32 $0x5C00, s4;
	(pc) =	sbr.rel .LBB2_1-.Ltmp0, $4  }
0x12: {  	s24 =	simm.s32 $0x7C00;
	s20 =	sadd.s32 $0xC00, s4;
	[dreg:$0x5] =	wrdreg s17  }
0x13: {  	s25 =	simm.s32 $0x40;
	s4 =	sadd.s32 $0xAC00, s4;
	[dreg:$0x6] =	wrdreg s20  }
0x14: {  	s22 =	simm.s32 $0x4;
	s2 =	simm.s32 $0x3;
	[dreg:$0x7] =	wrdreg s4  }
0x15: {  	v0 =	vimm.f32 $0.0e+00;
	s17 =	sadd.s32 $0xC000, s9;
	s20 =	sadd.s32 $0x12000, s9;
	s4 =	simm.s32 $0x0  }
.LBB2_16:
0x16: {  	s4 =	rddreg [dreg:$0xf]  }
0x17: {  	s0 =	rddreg [dreg:$0x9];
	s4 =	sadd.s32 $0x1, s4  }
0x18: {  	p0 =	sne.s32 s4, s0  }
.Ltmp1:
0x19: {  	_ = 	snop;
	(pc) =	sbr.rel @!p0 .LBB2_17-.Ltmp1, $1  }
0x1a: {  	_ =	sdelay $0x3  }
.LBB2_1:
0x1b: {  	[dreg:$0xf] =	wrdreg s4  }
0x1c: {  	s0 =	simm.s32 $0x0;
	s15 =	rddreg [dreg:$0x5]  }
0x1d: {  	[tilespmem:s0], [sflag:$0x5] =	stream.linear.gather [hbm4b:s15+s0], $0x1400, $0x38;
	[tilespmem:$0x1FC00] =	vst v63  }
0x1e: {  	_ =	swait.ge [sflag:s21], $0x1400  }
0x1f: {  	[sflag:s21] =	ssyncset.done $0x0  }
0x20: {  	s5 =	simm.s32 $0x1400;
	s16 =	rddreg [dreg:$0x6];
	[sflag:s21] =	ssyncadd.s32 $0xFFFFEC00  }
0x21: {  	[tilespmem:s5], [sflag:$0x5] =	stream.linear.gather [hbm4b:s16+s0], $0x1400, $0x38;
	[tilespmem:$0x1FC00] =	vst v63  }
0x22: {  	_ =	swait.ge [sflag:s21], $0x1400  }
0x23: {  	[sflag:s21] =	ssyncset.done $0x0  }
.Ltmp2:
0x24: {  	s26 =	rddreg [dreg:$0x7];
	[sflag:s21] =	ssyncadd.s32 $0xFFFFEC00;
	(pc) =	sbr.rel .LBB2_2-.Ltmp2, $4  }
0x25: {  	[tilespmem:s23], [sflag:$0x5] =	stream.linear.gather [hbm4b:s26+s0], $0x1400, $0x38;
	[tilespmem:$0x1FC00] =	vst v63  }
0x26: {  	_ =	swait.ge [sflag:s21], $0x1400  }
0x27: {  	[sflag:s21] =	ssyncset.done $0x0  }
0x28: {  	s7 =	simm.s32 $0x0;
	[sflag:s21] =	ssyncadd.s32 $0xFFFFEC00  }
.LBB2_15:
0x29: {  	[spmem:s3] =	stream.indirect.scatter.add.f32 [tilespmem:s31], [sflag:$0x4], $0x80, s0, s25, $0xb8;
	[tilespmem:$0x1FC00] =	vst v63  }
0x2a: {  	_ =	swait.ge [sflag:s2], $0x2000  }
0x2b: {  	[sflag:s2] =	ssyncset.done $0x0  }
0x2c: {  	[sflag:s2] =	ssyncadd.s32 $0xFFFFE000  }
0x2d: {  	s15 =	smul.u32 $0x140000, s7;
	_ =	swait.ge [sflag:s22], $0x2000  }
0x2e: {  	s16 =	stileid.u32;
	s26 =	sshrl.u32 s9, $0x3;
	[sflag:s22] =	ssyncset.done $0x0  }
0x2f: {  	s7 =	sadd.s32 $0x1, s7;
	s4 =	rddreg [dreg:$0x8];
	[sflag:s22] =	ssyncadd.s32 $0xFFFFE000  }
0x30: {  	p0 =	sne.s32 s7, $0x4;
	s0 =	sadd.s32 s15, s4;
	[bflag:$0x0] =	sbarrier.arrive $0xFFFF  }
0x31: {  	s4 =	sshll.u32 s16, $0x6;
	s0 =	sshrl.u32 s0, $0x3;
	s5 =	rddreg [dreg:$0x4]  }
.Ltmp3:
0x32: {  	s4 =	sor.u32 $0x1C05, s4;
	s0 =	sadd.s32 s5, s0;
	(pc) =	sbr.rel @!p0 .LBB2_16-.Ltmp3, $4  }
0x33: {  	[hbm:s0], [sflag:s4] =	dma.local [spmem:s26], $0x2800  }
0x34: {  	_ =	swait.ge [sflag:s21], $0x2800  }
0x35: {  	[sflag:s21] =	ssyncset.done $0x0  }
0x36: {  	[sflag:s21] =	ssyncadd.s32 $0xFFFFD800  }
.LBB2_2:
0x37: {  	p0 =	seq.s32 s7, $0x0  }
.Ltmp4:
0x38: {  	_ = 	snop;
	(pc) =	sbr.rel @p0 .LBB2_6-.Ltmp4, $1  }
0x39: {  	_ =	sdelay $0x3  }
0x3a: {  	s0 =	simm.s32 $0x0  }
0x3b: {  	v2 =	vld [tilespmem:s0+$0x70]  }
0x3c: {  	v5 =	vld [tilespmem:s0+$0x0]  }
0x3d: {  	v6 =	vld [tilespmem:s0+$0x10]  }
0x3e: {  	v4 =	vld [tilespmem:s0+$0x20]  }
0x3f: {  	v3 =	vld [tilespmem:s0+$0x30]  }
0x40: {  	v1 =	vld [tilespmem:s0+$0x40];
	v7 =	vadd.s32 $0x2710, v2  }
0x41: {  	v2 =	vld [tilespmem:s0+$0x50];
	v5 =	vadd.s32 $0x2710, v5;
	[tilespmem:s0+$0x70] =	vst v7  }
0x42: {  	s4 =	simm.s32 $0x80;
	s5 =	simm.s32 $0x400;
	v6 =	vadd.s32 $0x2710, v6;
	[tilespmem:s0+$0x0] =	vst v5;
	v5 =	vld [tilespmem:s0+$0x60]  }
.LBB2_4:
0x43: {  	p0 =	sne.s32 s5, $0x4E00;
	v7 =	vld [tilespmem:s4+$0x70];
	[tilespmem:s0+$0x10] =	vst v6;
	v4 =	vadd.s32 $0x2710, v4  }
0x44: {  	v6 =	vld [tilespmem:s4+$0x0];
	[tilespmem:s0+$0x20] =	vst v4;
	v3 =	vadd.s32 $0x2710, v3  }
0x45: {  	v8 =	vld [tilespmem:s4+$0x10];
	[tilespmem:s0+$0x30] =	vst v3;
	v1 =	vadd.s32 $0x2710, v1  }
.Ltmp5:
0x46: {  	v4 =	vld [tilespmem:s4+$0x20];
	[tilespmem:s0+$0x40] =	vst v1;
	v1 =	vadd.s32 $0x2710, v2;
	(pc) =	sbr.rel @p0 .LBB2_4-.Ltmp5, $4  }
0x47: {  	v3 =	vld [tilespmem:s4+$0x30];
	[tilespmem:s0+$0x50] =	vst v1;
	v2 =	vadd.s32 $0x2710, v5  }
0x48: {  	v1 =	vld [tilespmem:s4+$0x40];
	v5 =	vadd.s32 $0x2710, v7;
	[tilespmem:s0+$0x60] =	vst v2;
	s0 =	smov.u32 s4  }
0x49: {  	v6 =	vadd.s32 $0x2710, v6;
	v2 =	vld [tilespmem:s0+$0x50];
	[tilespmem:s0+$0x70] =	vst v5  }
0x4a: {  	s4 =	sshra.s32 s5, $0x2;
	s5 =	sadd.s32 $0x200, s5;
	[tilespmem:s0+$0x0] =	vst v6;
	v6 =	vadd.s32 $0x2710, v8;
	v5 =	vld [tilespmem:s0+$0x60]  }
0x4b: {  	v7 =	vld [tilespmem:s4+$0x70];
	[tilespmem:s0+$0x10] =	vst v6;
	v4 =	vadd.s32 $0x2710, v4  }
0x4c: {  	v8 =	vld [tilespmem:s4+$0x0];
	[tilespmem:s0+$0x20] =	vst v4;
	v3 =	vadd.s32 $0x2710, v3  }
0x4d: {  	v60 =	vld [tilespmem:s4+$0x10];
	[tilespmem:s0+$0x30] =	vst v3;
	v1 =	vadd.s32 $0x2710, v1  }
0x4e: {  	v61 =	vld [tilespmem:s4+$0x20];
	[tilespmem:s0+$0x40] =	vst v1;
	v1 =	vadd.s32 $0x2710, v2  }
0x4f: {  	v3 =	vld [tilespmem:s4+$0x30];
	[tilespmem:s0+$0x50] =	vst v1;
	v5 =	vadd.s32 $0x2710, v5  }
0x50: {  	v2 =	vld [tilespmem:s4+$0x40];
	v1 =	vadd.s32 $0x2710, v7;
	[tilespmem:s0+$0x60] =	vst v5  }
0x51: {  	v62 =	vld [tilespmem:s4+$0x50];
	[tilespmem:s4+$0x70] =	vst v1;
	v1 =	vadd.s32 $0x2710, v8  }
0x52: {  	v63 =	vld [tilespmem:s4+$0x60];
	[tilespmem:s4+$0x0] =	vst v1;
	v1 =	vadd.s32 $0x2710, v60  }
0x53: {  	[tilespmem:s4+$0x10] =	vst v1;
	v1 =	vadd.s32 $0x2710, v61  }
0x54: {  	[tilespmem:s4+$0x20] =	vst v1;
	v1 =	vadd.s32 $0x2710, v3  }
0x55: {  	[tilespmem:s4+$0x30] =	vst v1;
	v1 =	vadd.s32 $0x2710, v2  }
0x56: {  	[tilespmem:s4+$0x40] =	vst v1;
	v1 =	vadd.s32 $0x2710, v62  }
0x57: {  	[tilespmem:s4+$0x50] =	vst v1;
	v1 =	vadd.s32 $0x2710, v63  }
0x58: {  	[tilespmem:s4+$0x60] =	vst v1  }
.LBB2_6:
0x59: {  	s0 =	simm.s32 $0x7C80  }
0x5a: {  	[tilespmem:s0+$0xFFFFFF80] =	vst v0  }
0x5b: {  	[tilespmem:s0+$0x70] =	vst v0  }
0x5c: {  	[tilespmem:s0+$0x60] =	vst v0  }
0x5d: {  	[tilespmem:s0+$0x50] =	vst v0  }
0x5e: {  	[tilespmem:s0+$0x40] =	vst v0  }
0x5f: {  	[tilespmem:s0+$0x30] =	vst v0  }
0x60: {  	[tilespmem:s0+$0x20] =	vst v0  }
0x61: {  	[tilespmem:s0+$0x10] =	vst v0  }
0x62: {  	[tilespmem:s0+$0x0] =	vst v0  }
0x63: {  	[tilespmem:s0+$0xFFFFFFF0] =	vst v0  }
0x64: {  	[tilespmem:s0+$0xFFFFFFE0] =	vst v0  }
0x65: {  	[tilespmem:s0+$0xFFFFFFD0] =	vst v0  }
0x66: {  	[tilespmem:s0+$0xFFFFFFC0] =	vst v0  }
0x67: {  	[tilespmem:s0+$0xFFFFFFB0] =	vst v0  }
0x68: {  	s4 =	simm.s32 $0x0;
	[tilespmem:s0+$0xFFFFFFA0] =	vst v0  }
.LBB2_7:
0x69: {  	s4 =	sadd.s32 $0x2, s4;
	[tilespmem:s0+$0xFFFFFF90] =	vst v0;
	s0 =	sadd.s32 $0x100, s0  }
0x6a: {  	[tilespmem:s0+$0xFFFFFF80] =	vst v0;
	p0 =	slt.u32 s4, $0x3E  }
0x6b: {  	[tilespmem:s0+$0x70] =	vst v0  }
0x6c: {  	[tilespmem:s0+$0x60] =	vst v0  }
0x6d: {  	[tilespmem:s0+$0x50] =	vst v0  }
0x6e: {  	[tilespmem:s0+$0x40] =	vst v0  }
0x6f: {  	[tilespmem:s0+$0x30] =	vst v0  }
0x70: {  	[tilespmem:s0+$0x20] =	vst v0  }
0x71: {  	[tilespmem:s0+$0x10] =	vst v0  }
0x72: {  	[tilespmem:s0+$0x0] =	vst v0  }
0x73: {  	[tilespmem:s0+$0xFFFFFFF0] =	vst v0  }
.Ltmp6:
0x74: {  	[tilespmem:s0+$0xFFFFFFE0] =	vst v0;
	(pc) =	sbr.rel @p0 .LBB2_7-.Ltmp6, $4  }
0x75: {  	[tilespmem:s0+$0xFFFFFFD0] =	vst v0  }
0x76: {  	[tilespmem:s0+$0xFFFFFFC0] =	vst v0  }
0x77: {  	[tilespmem:s0+$0xFFFFFFB0] =	vst v0  }
0x78: {  	[tilespmem:s0+$0xFFFFFFA0] =	vst v0  }
0x79: {  	[tilespmem:s0+$0xFFFFFF90] =	vst v0  }
0x7a: {  	[spmem:s9] =	stream.linear.scatter [tilespmem:s24], [sflag:$0x5], $0x2000, $0x38;
	[tilespmem:$0x1FC00] =	vst v63  }
0x7b: {  	_ =	swait.ge [sflag:s21], $0x2000  }
0x7c: {  	[sflag:s21] =	ssyncset.done $0x0  }
0x7d: {  	s12 =	rddreg [dreg:$0xa];
	[sflag:s21] =	ssyncadd.s32 $0xFFFFE000  }
0x7e: {  	[spmem:s12] =	stream.linear.scatter [tilespmem:s24], [sflag:$0x5], $0x2000, $0x38;
	[tilespmem:$0x1FC00] =	vst v63  }
0x7f: {  	_ =	swait.ge [sflag:s21], $0x2000  }
0x80: {  	[sflag:s21] =	ssyncset.done $0x0  }
0x81: {  	s13 =	rddreg [dreg:$0xb];
	[sflag:s21] =	ssyncadd.s32 $0xFFFFE000  }
0x82: {  	[spmem:s13] =	stream.linear.scatter [tilespmem:s24], [sflag:$0x5], $0x2000, $0x38;
	[tilespmem:$0x1FC00] =	vst v63  }
0x83: {  	_ =	swait.ge [sflag:s21], $0x2000  }
0x84: {  	[sflag:s21] =	ssyncset.done $0x0  }
0x85: {  	s14 =	rddreg [dreg:$0xc];
	[sflag:s21] =	ssyncadd.s32 $0xFFFFE000  }
0x86: {  	[spmem:s14] =	stream.linear.scatter [tilespmem:s24], [sflag:$0x5], $0x2000, $0x38;
	[tilespmem:$0x1FC00] =	vst v63  }
0x87: {  	_ =	swait.ge [sflag:s21], $0x2000  }
0x88: {  	[sflag:s21] =	ssyncset.done $0x0  }
0x89: {  	s15 =	rddreg [dreg:$0xd];
	[sflag:s21] =	ssyncadd.s32 $0xFFFFE000  }
0x8a: {  	[spmem:s15] =	stream.linear.scatter [tilespmem:s24], [sflag:$0x5], $0x2000, $0x38;
	[tilespmem:$0x1FC00] =	vst v63  }
0x8b: {  	_ =	swait.ge [sflag:s21], $0x2000  }
0x8c: {  	[sflag:s21] =	ssyncset.done $0x0  }
0x8d: {  	s16 =	rddreg [dreg:$0xe];
	[sflag:s21] =	ssyncadd.s32 $0xFFFFE000  }
0x8e: {  	[spmem:s16] =	stream.linear.scatter [tilespmem:s24], [sflag:$0x5], $0x2000, $0x38;
	[tilespmem:$0x1FC00] =	vst v63  }
0x8f: {  	_ =	swait.ge [sflag:s21], $0x2000  }
0x90: {  	[sflag:s21] =	ssyncset.done $0x0  }
0x91: {  	[sflag:s21] =	ssyncadd.s32 $0xFFFFE000  }
0x92: {  	[spmem:s17] =	stream.linear.scatter [tilespmem:s24], [sflag:$0x5], $0x2000, $0x38;
	[tilespmem:$0x1FC00] =	vst v63  }
0x93: {  	_ =	swait.ge [sflag:s21], $0x2000  }
0x94: {  	[sflag:s21] =	ssyncset.done $0x0  }
0x95: {  	[sflag:s21] =	ssyncadd.s32 $0xFFFFE000  }
0x96: {  	[spmem:s18] =	stream.linear.scatter [tilespmem:s24], [sflag:$0x5], $0x2000, $0x38;
	[tilespmem:$0x1FC00] =	vst v63  }
0x97: {  	_ =	swait.ge [sflag:s21], $0x2000  }
0x98: {  	[sflag:s21] =	ssyncset.done $0x0  }
0x99: {  	[sflag:s21] =	ssyncadd.s32 $0xFFFFE000  }
0x9a: {  	[spmem:s19] =	stream.linear.scatter [tilespmem:s24], [sflag:$0x5], $0x2000, $0x38;
	[tilespmem:$0x1FC00] =	vst v63  }
0x9b: {  	_ =	swait.ge [sflag:s21], $0x2000  }
0x9c: {  	[sflag:s21] =	ssyncset.done $0x0  }
0x9d: {  	[sflag:s21] =	ssyncadd.s32 $0xFFFFE000  }
0x9e: {  	[spmem:s20] =	stream.linear.scatter [tilespmem:s24], [sflag:$0x5], $0x2000, $0x38;
	[tilespmem:$0x1FC00] =	vst v63  }
0x9f: {  	_ =	swait.ge [sflag:s21], $0x2000  }
0xa0: {  	[sflag:s21] =	ssyncset.done $0x0  }
0xa1: {  	[sflag:s21] =	ssyncadd.s32 $0xFFFFE000  }
0xa2: {  	s26 =	simm.s32 $0x3C00;
	[bflag:$0x0] =	sbarrier.arrive $0xFFFF  }
0xa3: {  	[tilespmem:s26], [sflag:$0x1] =	stream.indirect.gather [hbm4b:s1+s25], $0x80, s8, s25, $0xb8;
	[tilespmem:$0x1FC00] =	vst v63  }
0xa4: {  	s11 =	simm.s32 $0x0  }
0xa5: {  	[tilespmem:s28], [sflag:$0x2] =	stream.indirect.gather [hbm4b:s1+s25], $0x80, s25, s25, $0xb8;
	[tilespmem:$0x1FC00] =	vst v63  }
.LBB2_9:
0xa6: {  	s0 =	simm.s32 $0x1  }
0xa7: {  	s4 =	sshll.u32 s11, $0x7;
	v2 =	vmov s0  }
0xa8: {  	v1 =	vmov s4;
	v2 =	vand.u32 $0x7F, v2  }
0xa9: {  	v2 =	vor.u32 v1, v2  }
0xaa: {  	_ =	swait.ge [sflag:s29], $0x2000;
	v2 =	vbroadcast v2, $0x0  }
0xab: {  	p0 =	seq.s32 s11, $0x0;
	[sflag:s29] =	ssyncset.done $0x0  }
0xac: {  	s0 =	simm.s32 @!p0 $0x3;
	[sflag:s29] =	ssyncadd.s32 $0xFFFFE000  }
0xad: {  	_ =	swait.ge @!p0 [sflag:s0], $0x2000  }
0xae: {  	v3 =	vmov s8;
	[sflag:s0] =	ssyncset.done @!p0 $0x0  }
0xaf: {  	v3 =	vand.u32 $0x7E, v3;
	[sflag:s0] =	ssyncadd.s32 @!p0 $0xFFFFE000  }
0xb0: {  	v3 =	vor.u32 v1, v3;
	s0 =	simm.s32 $0x3C80;
	v9 =	vld.idx.msk [tilespmem:v2+s23+$0x0], $0xffff  }
0xb1: {  	v2 =	vbroadcast v3, $0x0;
	v3 =	vld [tilespmem:s0+$0x0];
	_ =	sdelay $0x4  }
0xb2: {  	v3 =	vmul.f32 v3, v9  }
0xb3: {  	s4 =	simm.s32 $0x7C80;
	v4 =	vld.idx.msk [tilespmem:v2+s23+$0x0], $0xffff  }
0xb4: {  	v2 =	vld [tilespmem:s0+$0xFFFFFF80];
	[tilespmem:s4+$0x0] =	vst v3  }
0xb5: {  	s5 =	simm.s32 $0x3;
	v5 =	vld [tilespmem:s0+$0x10]  }
0xb6: {  	v3 =	vmov s5  }
0xb7: {  	v3 =	vand.u32 $0x7F, v3  }
0xb8: {  	v3 =	vor.u32 v1, v3  }
0xb9: {  	s14 =	simm.s32 $0x2;
	v3 =	vbroadcast v3, $0x0;
	v2 =	vmul.f32 v2, v4  }
0xba: {  	v6 =	vmov s14;
	v5 =	vmul.f32 v5, v9  }
0xbb: {  	s26 =	simm.s32 $0x3D80;
	v6 =	vand.u32 $0x7E, v6;
	[tilespmem:s4+$0xFFFFFF80] =	vst v2  }
0xbc: {  	v8 =	vld [tilespmem:s26+$0x0];
	v2 =	vor.u32 v1, v6;
	[tilespmem:s4+$0x10] =	vst v5  }
0xbd: {  	v5 =	vbroadcast v2, $0x0;
	v7 =	vld [tilespmem:s0+$0x20]  }
0xbe: {  	v6 =	vld [tilespmem:s0+$0xFFFFFF90]  }
0xbf: {  	v2 =	vld.idx.msk [tilespmem:v3+s23+$0x0], $0xffff;
	_ =	sdelay $0x2  }
0xc0: {  	v7 =	vmul.f32 v7, v9  }
0xc1: {  	v3 =	vld.idx.msk [tilespmem:v5+s23+$0x0], $0xffff;
	v5 =	vmul.f32 v6, v4  }
0xc2: {  	v8 =	vmul.f32 v8, v2;
	[tilespmem:s4+$0x20] =	vst v7  }
0xc3: {  	s6 =	simm.s32 $0x7D80;
	v6 =	vld [tilespmem:s26+$0xFFFFFF80];
	[tilespmem:s4+$0xFFFFFF90] =	vst v5  }
0xc4: {  	s15 =	simm.s32 $0x5;
	[tilespmem:s6+$0x0] =	vst v8;
	v5 =	vld [tilespmem:s0+$0x30]  }
0xc5: {  	v8 =	vmov s15;
	v10 =	vld [tilespmem:s26+$0x10]  }
0xc6: {  	v7 =	vld [tilespmem:s0+$0xFFFFFFA0];
	v8 =	vand.u32 $0x7F, v8  }
0xc7: {  	s16 =	simm.s32 $0x4;
	v8 =	vor.u32 v1, v8  }
0xc8: {  	v11 =	vmov s16;
	v6 =	vmul.f32 v6, v3;
	v8 =	vbroadcast v8, $0x0  }
0xc9: {  	v11 =	vand.u32 $0x7E, v11;
	v5 =	vmul.f32 v5, v9  }
0xca: {  	v11 =	vor.u32 v1, v11;
	[tilespmem:s6+$0xFFFFFF80] =	vst v6;
	v10 =	vmul.f32 v10, v2  }
0xcb: {  	v6 =	vmul.f32 v7, v4;
	v7 =	vbroadcast v11, $0x0;
	v11 =	vld [tilespmem:s26+$0xFFFFFF90];
	[tilespmem:s4+$0x30] =	vst v5  }
0xcc: {  	[tilespmem:s6+$0x10] =	vst v10;
	v12 =	vld [tilespmem:s0+$0x40]  }
0xcd: {  	v10 =	vld [tilespmem:s26+$0x20]  }
0xce: {  	s5 =	simm.s32 $0x3E80;
	v5 =	vld.idx.msk [tilespmem:v8+s23+$0x0], $0xffff  }
0xcf: {  	[tilespmem:s4+$0xFFFFFFA0] =	vst v6;
	v8 =	vld [tilespmem:s5+$0x0]  }
0xd0: {  	v13 =	vld [tilespmem:s0+$0xFFFFFFB0]  }
0xd1: {  	s10 =	simm.s32 $0x6;
	v6 =	vld.idx.msk [tilespmem:v7+s23+$0x0], $0xffff;
	v7 =	vmul.f32 v12, v9  }
0xd2: {  	v14 =	vld [tilespmem:s5+$0xFFFFFF80];
	v11 =	vmul.f32 v11, v3;
	v12 =	vmov s10  }
0xd3: {  	v10 =	vmul.f32 v10, v2;
	v12 =	vand.u32 $0x7E, v12;
	[tilespmem:s4+$0x40] =	vst v7  }
0xd4: {  	[tilespmem:s6+$0xFFFFFF90] =	vst v11;
	v8 =	vmul.f32 v8, v5;
	v11 =	vor.u32 v1, v12;
	v12 =	vld [tilespmem:s0+$0x50]  }
0xd5: {  	s10 =	simm.s32 $0x7E80;
	v7 =	vmul.f32 v13, v4;
	v13 =	vld [tilespmem:s26+$0xFFFFFFA0];
	[tilespmem:s6+$0x20] =	vst v10;
	v11 =	vbroadcast v11, $0x0  }
0xd6: {  	[tilespmem:s10+$0x0] =	vst v8;
	v10 =	vld [tilespmem:s26+$0x30]  }
0xd7: {  	s12 =	simm.s32 $0x7;
	[tilespmem:s4+$0xFFFFFFB0] =	vst v7;
	v7 =	vmul.f32 v14, v6  }
0xd8: {  	v8 =	vmov s12;
	v14 =	vld [tilespmem:s5+$0x10]  }
0xd9: {  	[tilespmem:s10+$0xFFFFFF80] =	vst v7;
	v7 =	vand.u32 $0x7F, v8;
	v8 =	vmul.f32 v12, v9  }
0xda: {  	v15 =	vld [tilespmem:s0+$0xFFFFFFC0];
	v16 =	vor.u32 v1, v7;
	v12 =	vmul.f32 v13, v3  }
0xdb: {  	v10 =	vmul.f32 v10, v2;
	v7 =	vld.idx.msk [tilespmem:v11+s23+$0x0], $0xffff;
	v11 =	vbroadcast v16, $0x0;
	[tilespmem:s4+$0x50] =	vst v8  }
0xdc: {  	[tilespmem:s6+$0xFFFFFFA0] =	vst v12;
	v12 =	vld [tilespmem:s0+$0x60]  }
0xdd: {  	v13 =	vld [tilespmem:s5+$0xFFFFFF90];
	v14 =	vmul.f32 v14, v5;
	[tilespmem:s6+$0x30] =	vst v10  }
0xde: {  	v10 =	vld [tilespmem:s26+$0x40]  }
0xdf: {  	v8 =	vmul.f32 v15, v4;
	v15 =	vld [tilespmem:s26+$0xFFFFFFB0];
	[tilespmem:s10+$0x10] =	vst v14  }
0xe0: {  	v14 =	vld [tilespmem:s5+$0x20]  }
0xe1: {  	[tilespmem:s4+$0xFFFFFFC0] =	vst v8;
	v8 =	vld.idx.msk [tilespmem:v11+s23+$0x0], $0xffff;
	v11 =	vmul.f32 v12, v9  }
0xe2: {  	v12 =	vmul.f32 v13, v6  }
0xe3: {  	s12 =	simm.s32 $0x3F80;
	v16 =	vld [tilespmem:s0+$0xFFFFFFD0];
	v10 =	vmul.f32 v10, v2;
	[tilespmem:s4+$0x60] =	vst v11  }
0xe4: {  	s13 =	simm.s32 $0x8;
	v17 =	vld [tilespmem:s12+$0x0];
	[tilespmem:s10+$0xFFFFFF90] =	vst v12;
	v11 =	vmul.f32 v15, v3  }
0xe5: {  	v18 =	vld [tilespmem:s12+$0xFFFFFF80];
	v12 =	vmov s13;
	[tilespmem:s6+$0x40] =	vst v10  }
0xe6: {  	v10 =	vmul.f32 v14, v5;
	v19 =	vld [tilespmem:s0+$0x70];
	[tilespmem:s6+$0xFFFFFFB0] =	vst v11;
	v11 =	vand.u32 $0x7E, v12  }
0xe7: {  	v15 =	vld [tilespmem:s5+$0xFFFFFFA0];
	v12 =	vor.u32 v1, v11  }
0xe8: {  	v14 =	vmul.f32 v16, v4;
	v13 =	vld [tilespmem:s26+$0x50];
	[tilespmem:s10+$0x20] =	vst v10;
	v10 =	vbroadcast v12, $0x0  }
0xe9: {  	v16 =	vmul.f32 v17, v8;
	v11 =	vld [tilespmem:s26+$0xFFFFFFC0]  }
0xea: {  	s13 =	simm.s32 $0x7F80;
	[tilespmem:s4+$0xFFFFFFD0] =	vst v14;
	v17 =	vmul.f32 v18, v7;
	v14 =	vld [tilespmem:s5+$0x30]  }
0xeb: {  	s14 =	simm.s32 $0xA;
	s15 =	simm.s32 $0x9;
	[tilespmem:s13+$0x0] =	vst v16;
	v12 =	vld [tilespmem:s0+$0xFFFFFFE0];
	v16 =	vmul.f32 v19, v9  }
.LBB2_10:
0xec: {  	p1 =	slt.u32 s14, $0x3E;
	v9 =	vmov s15;
	[tilespmem:s13+$0xFFFFFF80] =	vst v17;
	v17 =	vld [tilespmem:s12+$0x10];
	v15 =	vmul.f32 v15, v6  }
0xed: {  	v9 =	vand.u32 $0x7F, v9;
	v18 =	vld [tilespmem:s12+$0xFFFFFF90];
	v13 =	vmul.f32 v13, v2;
	[tilespmem:s4+$0x70] =	vst v16  }
0xee: {  	v10 =	vld.idx.msk [tilespmem:v10+s23+$0x0], $0xffff;
	v9 =	vor.u32 v1, v9;
	[tilespmem:s10+$0xFFFFFFA0] =	vst v15;
	v11 =	vmul.f32 v11, v3  }
0xef: {  	v9 =	vbroadcast v9, $0x0;
	v15 =	vld [tilespmem:s5+$0xFFFFFFB0];
	v14 =	vmul.f32 v14, v5;
	[tilespmem:s6+$0x50] =	vst v13  }
0xf0: {  	[tilespmem:s6+$0xFFFFFFC0] =	vst v11;
	v11 =	vld [tilespmem:s26+$0x60];
	v12 =	vmul.f32 v12, v4  }
0xf1: {  	v13 =	vmul.f32 v17, v8;
	[tilespmem:s10+$0x30] =	vst v14;
	v14 =	vld [tilespmem:s26+$0xFFFFFFD0]  }
0xf2: {  	v16 =	vmul.f32 v18, v7;
	v17 =	vld [tilespmem:s5+$0x40];
	[tilespmem:s4+$0xFFFFFFE0] =	vst v12  }
0xf3: {  	[tilespmem:s13+$0x10] =	vst v13;
	v12 =	vld [tilespmem:s0+$0xFFFFFFF0];
	s0 =	smov.u32 s26;
	s26 =	smov.u32 s5;
	s5 =	smov.u32 s12  }
0xf4: {  	[tilespmem:s13+$0xFFFFFF90] =	vst v16;
	v13 =	vld [tilespmem:s12+$0x20];
	v15 =	vmul.f32 v15, v6  }
0xf5: {  	s12 =	sadd.s32 $0x100, s12;
	v9 =	vld.idx.msk [tilespmem:v9+s23+$0x0], $0xffff;
	v11 =	vmul.f32 v11, v2  }
0xf6: {  	v16 =	vld [tilespmem:s12+$0x0];
	[tilespmem:s10+$0xFFFFFFB0] =	vst v15;
	v14 =	vmul.f32 v14, v3  }
0xf7: {  	v15 =	vmov s14;
	v18 =	vld [tilespmem:s12+$0xFFFFFF80];
	v17 =	vmul.f32 v17, v5;
	[tilespmem:s6+$0x60] =	vst v11  }
0xf8: {  	v11 =	vand.u32 $0x7E, v15;
	[tilespmem:s6+$0xFFFFFFD0] =	vst v14;
	v19 =	vld [tilespmem:s0+$0x70];
	v12 =	vmul.f32 v12, v4;
	v4 =	vmovc v3;
	v3 =	vmovc v6;
	v6 =	vmov v7  }
.Ltmp7:
0xf9: {  	v11 =	vor.u32 v1, v11;
	v7 =	vmov v10;
	v15 =	vld [tilespmem:s5+$0xFFFFFFA0];
	v14 =	vmul.f32 v13, v8;
	[tilespmem:s10+$0x40] =	vst v17;
	(pc) =	sbr.rel @p1 .LBB2_10-.Ltmp7, $4  }
0xfa: {  	v10 =	vbroadcast v11, $0x0;
	v13 =	vld [tilespmem:s26+$0x50];
	[tilespmem:s4+$0xFFFFFFF0] =	vst v12;
	s4 =	smov.u32 s6;
	s6 =	smov.u32 s10;
	s10 =	smov.u32 s13  }
0xfb: {  	v12 =	vmul.f32 v16, v9;
	[tilespmem:s13+$0x20] =	vst v14;
	v11 =	vld [tilespmem:s26+$0xFFFFFFC0]  }
0xfc: {  	s13 =	sadd.s32 $0x100, s13;
	v17 =	vmul.f32 v18, v7;
	v14 =	vld [tilespmem:s5+$0x30]  }
0xfd: {  	s15 =	sadd.s32 $0x1, s14;
	s14 =	sadd.s32 $0x2, s14;
	[tilespmem:s13+$0x0] =	vst v12;
	v12 =	vld [tilespmem:s0+$0xFFFFFFE0];
	v16 =	vmul.f32 v19, v2;
	v2 =	vmovc v5;
	v5 =	vmov v8;
	v8 =	vmov v9  }
0xfe: {  	v9 =	vmov s15  }
0xff: {  	v9 =	vand.u32 $0x7F, v9  }
0x100: {  	v9 =	vor.u32 v1, v9  }
0x101: {  	v18 =	vbroadcast v9, $0x0;
	_ =	sdelay $0x4  }
0x102: {  	v9 =	vld.idx.msk [tilespmem:v10+s23+$0x0], $0xffff  }
0x103: {  	s16 =	sadd.s32 $0x100, s12;
	v10 =	vld.idx.msk [tilespmem:v18+s23+$0x0], $0xffff  }
0x104: {  	v18 =	vld [tilespmem:s16+$0x0]  }
0x105: {  	v19 =	vld [tilespmem:s16+$0xFFFFFF80];
	_ =	sdelay $0x3  }
0x106: {  	v18 =	vmul.f32 v18, v10  }
0x107: {  	[tilespmem:s13+$0xFFFFFF80] =	vst v17;
	v17 =	vld [tilespmem:s12+$0x10];
	s14 =	sadd.s32 $0x100, s13;
	v19 =	vmul.f32 v19, v9  }
0x108: {  	v20 =	vld [tilespmem:s12+$0xFFFFFF90];
	[tilespmem:s14+$0x0] =	vst v18  }
0x109: {  	[tilespmem:s14+$0xFFFFFF80] =	vst v19;
	v18 =	vld [tilespmem:s16+$0x10]  }
0x10a: {  	v19 =	vld [tilespmem:s16+$0xFFFFFF90];
	_ =	sdelay $0x1  }
0x10b: {  	v17 =	vmul.f32 v17, v8  }
0x10c: {  	v20 =	vmul.f32 v20, v7  }
0x10d: {  	[tilespmem:s13+$0x10] =	vst v17;
	v17 =	vmul.f32 v18, v10  }
0x10e: {  	[tilespmem:s13+$0xFFFFFF90] =	vst v20;
	v19 =	vmul.f32 v19, v9;
	v18 =	vld [tilespmem:s12+$0x20]  }
0x10f: {  	v20 =	vld [tilespmem:s12+$0xFFFFFFA0];
	[tilespmem:s14+$0x10] =	vst v17  }
0x110: {  	[tilespmem:s14+$0xFFFFFF90] =	vst v19;
	v17 =	vld [tilespmem:s16+$0x20]  }
0x111: {  	v19 =	vld [tilespmem:s16+$0xFFFFFFA0]  }
0x112: {  	v15 =	vmul.f32 v15, v6  }
0x113: {  	v18 =	vmul.f32 v18, v8  }
0x114: {  	[tilespmem:s10+$0xFFFFFFA0] =	vst v15;
	v15 =	vmul.f32 v20, v7  }
0x115: {  	[tilespmem:s13+$0x20] =	vst v18;
	v18 =	vld [tilespmem:s5+$0xFFFFFFB0];
	v17 =	vmul.f32 v17, v10  }
0x116: {  	[tilespmem:s13+$0xFFFFFFA0] =	vst v15;
	v19 =	vmul.f32 v19, v9;
	v15 =	vld [tilespmem:s12+$0x30]  }
0x117: {  	[tilespmem:s14+$0x20] =	vst v17;
	v17 =	vld [tilespmem:s12+$0xFFFFFFB0]  }
0x118: {  	v13 =	vmul.f32 v13, v2;
	[tilespmem:s14+$0xFFFFFFA0] =	vst v19;
	v19 =	vld [tilespmem:s16+$0x30]  }
0x119: {  	[tilespmem:s4+$0x70] =	vst v16;
	v14 =	vmul.f32 v14, v5;
	v16 =	vld [tilespmem:s16+$0xFFFFFFB0]  }
0x11a: {  	[tilespmem:s6+$0x50] =	vst v13;
	v13 =	vmul.f32 v18, v6  }
0x11b: {  	[tilespmem:s10+$0x30] =	vst v14;
	v14 =	vmul.f32 v15, v8  }
0x11c: {  	v15 =	vld [tilespmem:s5+$0x40];
	[tilespmem:s10+$0xFFFFFFB0] =	vst v13;
	v13 =	vmul.f32 v17, v7  }
0x11d: {  	v17 =	vld [tilespmem:s5+$0xFFFFFFC0];
	[tilespmem:s13+$0x30] =	vst v14;
	v14 =	vmul.f32 v19, v10  }
0x11e: {  	v18 =	vld [tilespmem:s12+$0x40];
	[tilespmem:s13+$0xFFFFFFB0] =	vst v13;
	v13 =	vmul.f32 v16, v9  }
0x11f: {  	v11 =	vmul.f32 v11, v3;
	v16 =	vld [tilespmem:s12+$0xFFFFFFC0];
	[tilespmem:s14+$0x30] =	vst v14  }
0x120: {  	v12 =	vmul.f32 v12, v4;
	v14 =	vld [tilespmem:s16+$0x40];
	[tilespmem:s14+$0xFFFFFFB0] =	vst v13  }
0x121: {  	[tilespmem:s6+$0xFFFFFFC0] =	vst v11;
	v11 =	vmul.f32 v15, v5;
	v13 =	vld [tilespmem:s16+$0xFFFFFFC0]  }
0x122: {  	[tilespmem:s4+$0xFFFFFFE0] =	vst v12;
	v15 =	vld [tilespmem:s26+$0x60];
	v12 =	vmul.f32 v17, v6  }
0x123: {  	v17 =	vld [tilespmem:s26+$0xFFFFFFD0];
	[tilespmem:s10+$0x40] =	vst v11;
	v11 =	vmul.f32 v18, v8  }
0x124: {  	v18 =	vld [tilespmem:s5+$0x50];
	[tilespmem:s10+$0xFFFFFFC0] =	vst v12;
	v12 =	vmul.f32 v16, v7  }
0x125: {  	v16 =	vld [tilespmem:s5+$0xFFFFFFD0];
	[tilespmem:s13+$0x40] =	vst v11;
	v11 =	vmul.f32 v14, v10  }
0x126: {  	v14 =	vld [tilespmem:s12+$0x50];
	[tilespmem:s13+$0xFFFFFFC0] =	vst v12;
	v12 =	vmul.f32 v13, v9  }
0x127: {  	v13 =	vmul.f32 v15, v2;
	v15 =	vld [tilespmem:s12+$0xFFFFFFD0];
	[tilespmem:s14+$0x40] =	vst v11  }
0x128: {  	v11 =	vmul.f32 v17, v3;
	v17 =	vld [tilespmem:s16+$0x50];
	[tilespmem:s14+$0xFFFFFFC0] =	vst v12  }
0x129: {  	[tilespmem:s6+$0x60] =	vst v13;
	v12 =	vmul.f32 v18, v5;
	v13 =	vld [tilespmem:s16+$0xFFFFFFD0]  }
0x12a: {  	v18 =	vld [tilespmem:s0+$0xFFFFFFF0];
	[tilespmem:s6+$0xFFFFFFD0] =	vst v11;
	v11 =	vmul.f32 v16, v6  }
0x12b: {  	v16 =	vld [tilespmem:s26+$0xFFFFFFE0];
	[tilespmem:s10+$0x50] =	vst v12;
	v12 =	vmul.f32 v14, v8  }
0x12c: {  	v14 =	vld [tilespmem:s5+$0x60];
	[tilespmem:s10+$0xFFFFFFD0] =	vst v11;
	v11 =	vmul.f32 v15, v7  }
0x12d: {  	v15 =	vld [tilespmem:s5+$0xFFFFFFE0];
	[tilespmem:s13+$0x50] =	vst v12;
	v12 =	vmul.f32 v17, v10  }
0x12e: {  	v17 =	vld [tilespmem:s12+$0x60];
	[tilespmem:s13+$0xFFFFFFD0] =	vst v11;
	v11 =	vmul.f32 v13, v9  }
0x12f: {  	v4 =	vmul.f32 v18, v4;
	v13 =	vld [tilespmem:s12+$0xFFFFFFE0];
	[tilespmem:s14+$0x50] =	vst v12  }
0x130: {  	v12 =	vmul.f32 v16, v3;
	v16 =	vld [tilespmem:s16+$0x60];
	[tilespmem:s14+$0xFFFFFFD0] =	vst v11  }
0x131: {  	[tilespmem:s4+$0xFFFFFFF0] =	vst v4;
	v4 =	vmul.f32 v14, v5;
	v11 =	vld [tilespmem:s16+$0xFFFFFFE0]  }
0x132: {  	v14 =	vld [tilespmem:s26+$0x70];
	[tilespmem:s6+$0xFFFFFFE0] =	vst v12;
	v12 =	vmul.f32 v15, v6  }
0x133: {  	v15 =	vld [tilespmem:s26+$0xFFFFFFF0];
	[tilespmem:s10+$0x60] =	vst v4;
	v4 =	vmul.f32 v17, v8  }
0x134: {  	v17 =	vld [tilespmem:s5+$0x70];
	[tilespmem:s10+$0xFFFFFFE0] =	vst v12;
	v12 =	vmul.f32 v13, v7  }
0x135: {  	v13 =	vld [tilespmem:s5+$0xFFFFFFF0];
	[tilespmem:s13+$0x60] =	vst v4;
	v4 =	vmul.f32 v16, v10  }
0x136: {  	v16 =	vld [tilespmem:s12+$0x70];
	[tilespmem:s13+$0xFFFFFFE0] =	vst v12;
	v11 =	vmul.f32 v11, v9  }
0x137: {  	v2 =	vmul.f32 v14, v2;
	v12 =	vld [tilespmem:s12+$0xFFFFFFF0];
	[tilespmem:s14+$0x60] =	vst v4  }
0x138: {  	v3 =	vmul.f32 v15, v3;
	v4 =	vld [tilespmem:s16+$0x70];
	[tilespmem:s14+$0xFFFFFFE0] =	vst v11  }
0x139: {  	[tilespmem:s6+$0x70] =	vst v2;
	v2 =	vmul.f32 v17, v5;
	v5 =	vld [tilespmem:s16+$0xFFFFFFF0]  }
0x13a: {  	[tilespmem:s6+$0xFFFFFFF0] =	vst v3;
	v3 =	vmul.f32 v13, v6  }
0x13b: {  	[tilespmem:s10+$0x70] =	vst v2;
	v2 =	vmul.f32 v16, v8  }
0x13c: {  	p1 =	seq.s32 s11, $0x27;
	[tilespmem:s10+$0xFFFFFFF0] =	vst v3;
	v3 =	vmul.f32 v12, v7  }
0x13d: {  	s0 =	sshll.u32 @!p1 s11, $0x9;
	[tilespmem:s13+$0x70] =	vst v2;
	v2 =	vmul.f32 v4, v10  }
0x13e: {  	s4 =	sshrl.u32 @!p1 s0, $0x2;
	[tilespmem:s13+$0xFFFFFFF0] =	vst v3;
	v3 =	vmul.f32 v5, v9  }
0x13f: {  	s0 =	simm.s32 @p1 $0x4E00;
	s4 =	sadd.s32 @!p1 $0x80, s4;
	[tilespmem:s14+$0x70] =	vst v2  }
0x140: {  	s5 =	simm.s32 @!p1 $0x40;
	s6 =	simm.s32 @!p1 $0x3C00;
	s10 =	simm.s32 $0x41;
	[tilespmem:s14+$0xFFFFFFF0] =	vst v3  }
0x141: {  	[tilespmem:s6], [sflag:$0x1] =	stream.indirect.gather @!p1 [hbm4b:s1+s5], $0x80, s4, s5, $0xb8;
	[tilespmem:$0x1FC00] =	vst v63  }
0x142: {  	v2 =	vmov s10;
	s4 =	sshrl.u32 s0, $0x2  }
0x143: {  	v2 =	vand.u32 $0x7F, v2;
	s0 =	sadd.s32 $0x1400, s4  }
0x144: {  	v2 =	vor.u32 v1, v2;
	[spmem:s3] =	stream.indirect.scatter.add.f32 [tilespmem:s24], [sflag:$0x3], $0x80, s0, s25, $0xb8;
	[tilespmem:$0x1FC00] =	vst v63  }
0x145: {  	v2 =	vbroadcast v2, $0x0;
	_ =	swait.ge [sflag:s30], $0x2000  }
0x146: {  	[sflag:s30] =	ssyncset.done $0x0  }
0x147: {  	s0 =	simm.s32 @!p0 $0x4;
	[sflag:s30] =	ssyncadd.s32 $0xFFFFE000  }
0x148: {  	s12 =	simm.s32 $0x40;
	_ =	swait.ge @!p0 [sflag:s0], $0x2000  }
0x149: {  	v3 =	vmov s12;
	[sflag:s0] =	ssyncset.done @!p0 $0x0  }
0x14a: {  	v3 =	vand.u32 $0x7E, v3;
	[sflag:s0] =	ssyncadd.s32 @!p0 $0xFFFFE000  }
0x14b: {  	s14 =	simm.s32 $0x5C80;
	v3 =	vor.u32 v1, v3;
	v10 =	vld.idx.msk [tilespmem:v2+s23+$0x0], $0xffff  }
0x14c: {  	v2 =	vbroadcast v3, $0x0;
	v3 =	vld [tilespmem:s14+$0x0];
	_ =	sdelay $0x4  }
0x14d: {  	v3 =	vmul.f32 v3, v10  }
0x14e: {  	s26 =	simm.s32 $0x9C80;
	v4 =	vld.idx.msk [tilespmem:v2+s23+$0x0], $0xffff  }
0x14f: {  	v2 =	vld [tilespmem:s14+$0xFFFFFF80];
	[tilespmem:s26+$0x0] =	vst v3  }
0x150: {  	s13 =	simm.s32 $0x43;
	v5 =	vld [tilespmem:s14+$0x10]  }
0x151: {  	v3 =	vmov s13  }
0x152: {  	v3 =	vand.u32 $0x7F, v3  }
0x153: {  	v3 =	vor.u32 v1, v3  }
0x154: {  	s15 =	simm.s32 $0x42;
	v3 =	vbroadcast v3, $0x0;
	v2 =	vmul.f32 v2, v4  }
0x155: {  	v6 =	vmov s15;
	v5 =	vmul.f32 v5, v10  }
0x156: {  	v6 =	vand.u32 $0x7E, v6;
	s0 =	simm.s32 $0x5D80;
	[tilespmem:s26+$0xFFFFFF80] =	vst v2  }
0x157: {  	v8 =	vld [tilespmem:s0+$0x0];
	v2 =	vor.u32 v1, v6;
	[tilespmem:s26+$0x10] =	vst v5  }
0x158: {  	v5 =	vbroadcast v2, $0x0;
	v7 =	vld [tilespmem:s14+$0x20]  }
0x159: {  	v6 =	vld [tilespmem:s14+$0xFFFFFF90]  }
0x15a: {  	v2 =	vld.idx.msk [tilespmem:v3+s23+$0x0], $0xffff;
	_ =	sdelay $0x2  }
0x15b: {  	v7 =	vmul.f32 v7, v10  }
0x15c: {  	v3 =	vld.idx.msk [tilespmem:v5+s23+$0x0], $0xffff;
	v5 =	vmul.f32 v6, v4  }
0x15d: {  	v8 =	vmul.f32 v8, v2;
	[tilespmem:s26+$0x20] =	vst v7  }
0x15e: {  	s6 =	simm.s32 $0x9D80;
	v6 =	vld [tilespmem:s0+$0xFFFFFF80];
	[tilespmem:s26+$0xFFFFFF90] =	vst v5  }
0x15f: {  	s16 =	simm.s32 $0x45;
	[tilespmem:s6+$0x0] =	vst v8;
	v5 =	vld [tilespmem:s14+$0x30]  }
0x160: {  	v8 =	vmov s16;
	v9 =	vld [tilespmem:s0+$0x10]  }
0x161: {  	v7 =	vld [tilespmem:s14+$0xFFFFFFA0];
	v8 =	vand.u32 $0x7F, v8  }
0x162: {  	s10 =	simm.s32 $0x44;
	v8 =	vor.u32 v1, v8  }
0x163: {  	v11 =	vmov s10;
	v6 =	vmul.f32 v6, v3;
	v8 =	vbroadcast v8, $0x0  }
0x164: {  	v11 =	vand.u32 $0x7E, v11;
	v5 =	vmul.f32 v5, v10  }
0x165: {  	v11 =	vor.u32 v1, v11;
	[tilespmem:s6+$0xFFFFFF80] =	vst v6;
	v9 =	vmul.f32 v9, v2  }
0x166: {  	v6 =	vmul.f32 v7, v4;
	v7 =	vbroadcast v11, $0x0;
	v11 =	vld [tilespmem:s0+$0xFFFFFF90];
	[tilespmem:s26+$0x30] =	vst v5  }
0x167: {  	[tilespmem:s6+$0x10] =	vst v9;
	v12 =	vld [tilespmem:s14+$0x40]  }
0x168: {  	v9 =	vld [tilespmem:s0+$0x20]  }
0x169: {  	s5 =	simm.s32 $0x5E80;
	v5 =	vld.idx.msk [tilespmem:v8+s23+$0x0], $0xffff  }
0x16a: {  	[tilespmem:s26+$0xFFFFFFA0] =	vst v6;
	v8 =	vld [tilespmem:s5+$0x0]  }
0x16b: {  	v13 =	vld [tilespmem:s14+$0xFFFFFFB0]  }
0x16c: {  	s12 =	simm.s32 $0x46;
	v6 =	vld.idx.msk [tilespmem:v7+s23+$0x0], $0xffff;
	v7 =	vmul.f32 v12, v10  }
0x16d: {  	v14 =	vld [tilespmem:s5+$0xFFFFFF80];
	v11 =	vmul.f32 v11, v3;
	v12 =	vmov s12  }
0x16e: {  	v9 =	vmul.f32 v9, v2;
	v12 =	vand.u32 $0x7E, v12;
	[tilespmem:s26+$0x40] =	vst v7  }
0x16f: {  	[tilespmem:s6+$0xFFFFFF90] =	vst v11;
	v8 =	vmul.f32 v8, v5;
	v11 =	vor.u32 v1, v12;
	v12 =	vld [tilespmem:s14+$0x50]  }
0x170: {  	s10 =	simm.s32 $0x9E80;
	v7 =	vmul.f32 v13, v4;
	v13 =	vld [tilespmem:s0+$0xFFFFFFA0];
	[tilespmem:s6+$0x20] =	vst v9;
	v11 =	vbroadcast v11, $0x0  }
0x171: {  	[tilespmem:s10+$0x0] =	vst v8;
	v9 =	vld [tilespmem:s0+$0x30]  }
0x172: {  	s13 =	simm.s32 $0x47;
	[tilespmem:s26+$0xFFFFFFB0] =	vst v7;
	v7 =	vmul.f32 v14, v6;
	v14 =	vld [tilespmem:s5+$0x10]  }
0x173: {  	v8 =	vmov s13;
	v15 =	vld [tilespmem:s14+$0xFFFFFFC0]  }
0x174: {  	[tilespmem:s10+$0xFFFFFF80] =	vst v7;
	v7 =	vand.u32 $0x7F, v8;
	v8 =	vmul.f32 v12, v10  }
0x175: {  	v16 =	vor.u32 v1, v7;
	v12 =	vmul.f32 v13, v3;
	v13 =	vld [tilespmem:s5+$0xFFFFFF90]  }
0x176: {  	v9 =	vmul.f32 v9, v2;
	v7 =	vld.idx.msk [tilespmem:v11+s23+$0x0], $0xffff;
	v11 =	vbroadcast v16, $0x0;
	[tilespmem:s26+$0x50] =	vst v8  }
0x177: {  	v14 =	vmul.f32 v14, v5;
	[tilespmem:s6+$0xFFFFFFA0] =	vst v12;
	v12 =	vld [tilespmem:s14+$0x60]  }
0x178: {  	v8 =	vmul.f32 v15, v4;
	[tilespmem:s6+$0x30] =	vst v9;
	v15 =	vld [tilespmem:s0+$0xFFFFFFB0]  }
0x179: {  	v9 =	vld [tilespmem:s0+$0x40];
	[tilespmem:s10+$0x10] =	vst v14  }
0x17a: {  	[tilespmem:s26+$0xFFFFFFC0] =	vst v8;
	v14 =	vld [tilespmem:s5+$0x20]  }
0x17b: {  	v16 =	vld [tilespmem:s14+$0xFFFFFFD0]  }
0x17c: {  	s12 =	simm.s32 $0x5F80;
	v8 =	vld.idx.msk [tilespmem:v11+s23+$0x0], $0xffff;
	v11 =	vmul.f32 v12, v10  }
0x17d: {  	s15 =	simm.s32 $0x48;
	v12 =	vmul.f32 v13, v6;
	v13 =	vld [tilespmem:s12+$0x0]  }
0x17e: {  	v17 =	vmov s15;
	v18 =	vld [tilespmem:s12+$0xFFFFFF80];
	v9 =	vmul.f32 v9, v2;
	[tilespmem:s26+$0x60] =	vst v11  }
0x17f: {  	[tilespmem:s10+$0xFFFFFF90] =	vst v12;
	v11 =	vmul.f32 v15, v3;
	v12 =	vand.u32 $0x7E, v17;
	v15 =	vld [tilespmem:s14+$0x70]  }
0x180: {  	v14 =	vmul.f32 v14, v5;
	[tilespmem:s6+$0x40] =	vst v9;
	v12 =	vor.u32 v1, v12;
	v17 =	vld [tilespmem:s5+$0xFFFFFFA0]  }
0x181: {  	v9 =	vmul.f32 v16, v4;
	[tilespmem:s6+$0xFFFFFFB0] =	vst v11;
	v11 =	vbroadcast v12, $0x0;
	v12 =	vld [tilespmem:s0+$0x50]  }
0x182: {  	[tilespmem:s10+$0x20] =	vst v14;
	v13 =	vmul.f32 v13, v8;
	v14 =	vld [tilespmem:s0+$0xFFFFFFC0]  }
0x183: {  	s13 =	simm.s32 $0x9F80;
	[tilespmem:s26+$0xFFFFFFD0] =	vst v9;
	v9 =	vmul.f32 v18, v7;
	v16 =	vld [tilespmem:s5+$0x30]  }
0x184: {  	s16 =	simm.s32 $0x49;
	[tilespmem:s13+$0x0] =	vst v13;
	v13 =	vld [tilespmem:s14+$0xFFFFFFE0]  }
0x185: {  	v18 =	vmov s16;
	[tilespmem:s13+$0xFFFFFF80] =	vst v9;
	v19 =	vld [tilespmem:s12+$0x10];
	v9 =	vmul.f32 v17, v6  }
0x186: {  	v17 =	vand.u32 $0x7F, v18;
	v18 =	vld [tilespmem:s12+$0xFFFFFF90];
	v12 =	vmul.f32 v12, v2  }
0x187: {  	[tilespmem:s10+$0xFFFFFFA0] =	vst v9;
	v9 =	vld.idx.msk [tilespmem:v11+s23+$0x0], $0xffff;
	v11 =	vor.u32 v1, v17;
	v14 =	vmul.f32 v14, v3  }
0x188: {  	v17 =	vbroadcast v11, $0x0;
	[tilespmem:s6+$0x50] =	vst v12;
	v12 =	vld [tilespmem:s5+$0xFFFFFFB0];
	v11 =	vmul.f32 v16, v5  }
0x189: {  	[tilespmem:s6+$0xFFFFFFC0] =	vst v14;
	v63 =	vld [tilespmem:s0+$0x60];
	v13 =	vmul.f32 v13, v4  }
0x18a: {  	v16 =	vmul.f32 v19, v8;
	[tilespmem:s10+$0x30] =	vst v11;
	v11 =	vld [tilespmem:s0+$0xFFFFFFD0]  }
0x18b: {  	v10 =	vmul.f32 v15, v10;
	v14 =	vld [tilespmem:s5+$0x40];
	[tilespmem:s26+$0xFFFFFFE0] =	vst v13  }
0x18c: {  	v18 =	vmul.f32 v18, v7;
	[tilespmem:s13+$0x10] =	vst v16;
	v13 =	vld [tilespmem:s14+$0xFFFFFFF0]  }
0x18d: {  	[tilespmem:s26+$0x70] =	vst v10;
	v15 =	vld [tilespmem:s12+$0x20];
	v16 =	vmul.f32 v12, v6  }
0x18e: {  	s15 =	simm.s32 $0x8;
	[tilespmem:s13+$0xFFFFFF90] =	vst v18;
	s14 =	simm.s32 $0x6080;
	v10 =	vld.idx.msk [tilespmem:v17+s23+$0x0], $0xffff;
	v12 =	vmul.f32 v63, v2  }
.LBB2_12:
0x18f: {  	s16 =	sadd.s32 $0x42, s15;
	v17 =	vld [tilespmem:s14+$0x0];
	[tilespmem:s10+$0xFFFFFFB0] =	vst v16;
	v11 =	vmul.f32 v11, v3  }
0x190: {  	v16 =	vmov s16;
	v18 =	vld [tilespmem:s14+$0xFFFFFF80];
	v14 =	vmul.f32 v14, v5;
	[tilespmem:s6+$0x60] =	vst v12  }
0x191: {  	v12 =	vand.u32 $0x7E, v16;
	[tilespmem:s6+$0xFFFFFFD0] =	vst v11;
	v11 =	vld [tilespmem:s0+$0x70];
	v13 =	vmul.f32 v13, v4;
	v4 =	vmovc v3;
	v3 =	vmovc v6;
	v6 =	vmov v7  }
0x192: {  	v7 =	vmov v9;
	v12 =	vor.u32 v1, v12;
	v16 =	vld [tilespmem:s12+$0xFFFFFFA0];
	v15 =	vmul.f32 v15, v8;
	[tilespmem:s10+$0x40] =	vst v14  }
0x193: {  	v9 =	vbroadcast v12, $0x0;
	v12 =	vld [tilespmem:s5+$0x50];
	[tilespmem:s26+$0xFFFFFFF0] =	vst v13;
	s26 =	smov.u32 s6;
	s6 =	smov.u32 s10;
	s10 =	smov.u32 s13  }
0x194: {  	v13 =	vmul.f32 v17, v10;
	[tilespmem:s13+$0x20] =	vst v15;
	v14 =	vld [tilespmem:s5+$0xFFFFFFC0]  }
0x195: {  	s13 =	sadd.s32 $0x100, s13;
	v15 =	vmul.f32 v18, v7;
	v17 =	vld [tilespmem:s12+$0x30]  }
0x196: {  	s16 =	sadd.s32 $0x43, s15;
	s15 =	sadd.s32 $0x2, s15;
	[tilespmem:s13+$0x0] =	vst v13;
	v13 =	vld [tilespmem:s0+$0xFFFFFFE0];
	v11 =	vmul.f32 v11, v2;
	v2 =	vmovc v5;
	v5 =	vmov v8;
	v8 =	vmov v10  }
0x197: {  	p0 =	slt.u32 s15, $0x3E;
	v10 =	vmov s16;
	[tilespmem:s13+$0xFFFFFF80] =	vst v15;
	v15 =	vld [tilespmem:s14+$0x10];
	v16 =	vmul.f32 v16, v6  }
0x198: {  	v10 =	vand.u32 $0x7F, v10;
	v18 =	vld [tilespmem:s14+$0xFFFFFF90];
	v12 =	vmul.f32 v12, v2;
	[tilespmem:s26+$0x70] =	vst v11  }
0x199: {  	v10 =	vor.u32 v1, v10;
	v9 =	vld.idx.msk [tilespmem:v9+s23+$0x0], $0xffff;
	[tilespmem:s10+$0xFFFFFFA0] =	vst v16;
	v11 =	vmul.f32 v14, v3  }
0x19a: {  	v10 =	vbroadcast v10, $0x0;
	v16 =	vld [tilespmem:s12+$0xFFFFFFB0];
	v14 =	vmul.f32 v17, v5;
	[tilespmem:s6+$0x50] =	vst v12  }
0x19b: {  	[tilespmem:s6+$0xFFFFFFC0] =	vst v11;
	v12 =	vld [tilespmem:s5+$0x60];
	v13 =	vmul.f32 v13, v4  }
.Ltmp8:
0x19c: {  	v15 =	vmul.f32 v15, v8;
	[tilespmem:s10+$0x30] =	vst v14;
	v11 =	vld [tilespmem:s5+$0xFFFFFFD0];
	(pc) =	sbr.rel @p0 .LBB2_12-.Ltmp8, $4  }
0x19d: {  	v17 =	vmul.f32 v18, v7;
	v14 =	vld [tilespmem:s12+$0x40];
	[tilespmem:s26+$0xFFFFFFE0] =	vst v13  }
0x19e: {  	[tilespmem:s13+$0x10] =	vst v15;
	v13 =	vld [tilespmem:s0+$0xFFFFFFF0];
	s0 =	smov.u32 s5;
	s5 =	smov.u32 s12;
	s12 =	smov.u32 s14  }
0x19f: {  	[tilespmem:s13+$0xFFFFFF90] =	vst v17;
	v15 =	vld [tilespmem:s14+$0x20];
	v16 =	vmul.f32 v16, v6  }
0x1a0: {  	s14 =	sadd.s32 $0x100, s14;
	v10 =	vld.idx.msk [tilespmem:v10+s23+$0x0], $0xffff;
	v12 =	vmul.f32 v12, v2  }
0x1a1: {  	v1 =	vld [tilespmem:s14+$0x0]  }
0x1a2: {  	v17 =	vld [tilespmem:s14+$0xFFFFFF80];
	_ =	sdelay $0x3  }
0x1a3: {  	v1 =	vmul.f32 v1, v10  }
0x1a4: {  	s15 =	sadd.s32 $0x100, s13;
	v17 =	vmul.f32 v17, v9  }
0x1a5: {  	[tilespmem:s15+$0x0] =	vst v1  }
0x1a6: {  	[tilespmem:s15+$0xFFFFFF80] =	vst v17;
	v1 =	vld [tilespmem:s14+$0x10]  }
0x1a7: {  	v17 =	vld [tilespmem:s14+$0xFFFFFF90];
	_ =	sdelay $0x3  }
0x1a8: {  	v1 =	vmul.f32 v1, v10  }
0x1a9: {  	v17 =	vmul.f32 v17, v9  }
0x1aa: {  	v18 =	vld [tilespmem:s12+$0xFFFFFFA0];
	[tilespmem:s15+$0x10] =	vst v1  }
0x1ab: {  	[tilespmem:s15+$0xFFFFFF90] =	vst v17;
	v1 =	vld [tilespmem:s14+$0x20]  }
0x1ac: {  	v17 =	vld [tilespmem:s14+$0xFFFFFFA0];
	_ =	sdelay $0x1  }
0x1ad: {  	v15 =	vmul.f32 v15, v8  }
0x1ae: {  	v18 =	vmul.f32 v18, v7  }
0x1af: {  	[tilespmem:s13+$0x20] =	vst v15;
	v1 =	vmul.f32 v1, v10  }
0x1b0: {  	v15 =	vld [tilespmem:s12+$0x30];
	[tilespmem:s13+$0xFFFFFFA0] =	vst v18;
	v17 =	vmul.f32 v17, v9  }
0x1b1: {  	v18 =	vld [tilespmem:s12+$0xFFFFFFB0];
	[tilespmem:s15+$0x20] =	vst v1  }
0x1b2: {  	[tilespmem:s15+$0xFFFFFFA0] =	vst v17;
	v1 =	vld [tilespmem:s14+$0x30]  }
0x1b3: {  	v17 =	vld [tilespmem:s14+$0xFFFFFFB0];
	_ =	sdelay $0x1  }
0x1b4: {  	v15 =	vmul.f32 v15, v8  }
0x1b5: {  	[tilespmem:s10+$0xFFFFFFB0] =	vst v16;
	v34 =	vmul.f32 v18, v7  }
0x1b6: {  	v35 =	vld [tilespmem:s5+$0xFFFFFFC0];
	[tilespmem:s13+$0x30] =	vst v15;
	v1 =	vmul.f32 v1, v10  }
0x1b7: {  	v15 =	vld [tilespmem:s12+$0x40];
	[tilespmem:s13+$0xFFFFFFB0] =	vst v34;
	v36 =	vmul.f32 v17, v9  }
0x1b8: {  	v37 =	vld [tilespmem:s12+$0xFFFFFFC0];
	[tilespmem:s15+$0x30] =	vst v1  }
0x1b9: {  	[tilespmem:s15+$0xFFFFFFB0] =	vst v36;
	v1 =	vld [tilespmem:s14+$0x40]  }
0x1ba: {  	v14 =	vmul.f32 v14, v5;
	v16 =	vld [tilespmem:s14+$0xFFFFFFC0]  }
0x1bb: {  	v18 =	vmul.f32 v35, v6  }
0x1bc: {  	[tilespmem:s10+$0x40] =	vst v14;
	v38 =	vmul.f32 v15, v8  }
0x1bd: {  	v39 =	vld [tilespmem:s5+$0x50];
	[tilespmem:s10+$0xFFFFFFC0] =	vst v18;
	v17 =	vmul.f32 v37, v7  }
0x1be: {  	v40 =	vld [tilespmem:s5+$0xFFFFFFD0];
	[tilespmem:s13+$0x40] =	vst v38;
	v1 =	vmul.f32 v1, v10  }
0x1bf: {  	v41 =	vld [tilespmem:s12+$0x50];
	[tilespmem:s13+$0xFFFFFFC0] =	vst v17;
	v16 =	vmul.f32 v16, v9  }
0x1c0: {  	[tilespmem:s15+$0x40] =	vst v1;
	v1 =	vld [tilespmem:s12+$0xFFFFFFD0]  }
0x1c1: {  	v11 =	vmul.f32 v11, v3;
	[tilespmem:s15+$0xFFFFFFC0] =	vst v16;
	v42 =	vld [tilespmem:s14+$0x50]  }
0x1c2: {  	[tilespmem:s6+$0x60] =	vst v12;
	v43 =	vmul.f32 v39, v5;
	v44 =	vld [tilespmem:s14+$0xFFFFFFD0]  }
0x1c3: {  	[tilespmem:s6+$0xFFFFFFD0] =	vst v11;
	v45 =	vmul.f32 v40, v6  }
0x1c4: {  	v46 =	vld [tilespmem:s0+$0xFFFFFFE0];
	[tilespmem:s10+$0x50] =	vst v43;
	v47 =	vmul.f32 v41, v8  }
0x1c5: {  	v48 =	vld [tilespmem:s5+$0x60];
	[tilespmem:s10+$0xFFFFFFD0] =	vst v45;
	v1 =	vmul.f32 v1, v7  }
0x1c6: {  	v11 =	vld [tilespmem:s5+$0xFFFFFFE0];
	[tilespmem:s13+$0x50] =	vst v47;
	v49 =	vmul.f32 v42, v10  }
0x1c7: {  	v50 =	vld [tilespmem:s12+$0x60];
	[tilespmem:s13+$0xFFFFFFD0] =	vst v1;
	v1 =	vmul.f32 v44, v9  }
0x1c8: {  	v4 =	vmul.f32 v13, v4;
	v51 =	vld [tilespmem:s12+$0xFFFFFFE0];
	[tilespmem:s15+$0x50] =	vst v49  }
0x1c9: {  	v52 =	vmul.f32 v46, v3;
	v53 =	vld [tilespmem:s14+$0x60];
	[tilespmem:s15+$0xFFFFFFD0] =	vst v1  }
0x1ca: {  	[tilespmem:s26+$0xFFFFFFF0] =	vst v4;
	v1 =	vmul.f32 v48, v5;
	v54 =	vld [tilespmem:s14+$0xFFFFFFE0]  }
0x1cb: {  	v55 =	vld [tilespmem:s0+$0x70];
	[tilespmem:s6+$0xFFFFFFE0] =	vst v52;
	v56 =	vmul.f32 v11, v6  }
0x1cc: {  	v57 =	vld [tilespmem:s0+$0xFFFFFFF0];
	[tilespmem:s10+$0x60] =	vst v1;
	v1 =	vmul.f32 v50, v8  }
0x1cd: {  	[tilespmem:s10+$0xFFFFFFE0] =	vst v56;
	v58 =	vld [tilespmem:s5+$0x70];
	v59 =	vmul.f32 v51, v7  }
0x1ce: {  	v60 =	vld [tilespmem:s5+$0xFFFFFFF0];
	[tilespmem:s13+$0x60] =	vst v1;
	v1 =	vmul.f32 v53, v10  }
0x1cf: {  	v61 =	vld [tilespmem:s12+$0x70];
	[tilespmem:s13+$0xFFFFFFE0] =	vst v59;
	v62 =	vmul.f32 v54, v9  }
0x1d0: {  	v2 =	vmul.f32 v55, v2;
	v63 =	vld [tilespmem:s12+$0xFFFFFFF0];
	[tilespmem:s15+$0x60] =	vst v1  }
0x1d1: {  	v1 =	vmul.f32 v57, v3;
	v3 =	vld [tilespmem:s14+$0x70];
	[tilespmem:s15+$0xFFFFFFE0] =	vst v62  }
0x1d2: {  	[tilespmem:s6+$0x70] =	vst v2;
	v2 =	vmul.f32 v58, v5;
	v4 =	vld [tilespmem:s14+$0xFFFFFFF0]  }
0x1d3: {  	[tilespmem:s6+$0xFFFFFFF0] =	vst v1;
	v1 =	vmul.f32 v60, v6  }
0x1d4: {  	[tilespmem:s10+$0x70] =	vst v2;
	v2 =	vmul.f32 v61, v8  }
.Ltmp9:
0x1d5: {  	[tilespmem:s10+$0xFFFFFFF0] =	vst v1;
	v1 =	vmul.f32 v63, v7;
	(pc) =	sbr.rel @p1 .LBB2_15-.Ltmp9, $4  }
0x1d6: {  	[tilespmem:s13+$0x70] =	vst v2;
	v2 =	vmul.f32 v3, v10  }
0x1d7: {  	[tilespmem:s13+$0xFFFFFFF0] =	vst v1;
	v1 =	vmul.f32 v4, v9  }
0x1d8: {  	[tilespmem:s15+$0x70] =	vst v2  }
0x1d9: {  	s0 =	sadd.s32 $0x1440, s4;
	[tilespmem:s15+$0xFFFFFFF0] =	vst v1  }
.Ltmp10:
0x1da: {  	(pc) =	sbr.rel .LBB2_9-.Ltmp10, $4  }
0x1db: {  	s4 =	sadd.s32 $0xC0, s4  }
0x1dc: {  	[tilespmem:s28], [sflag:$0x2] =	stream.indirect.gather [hbm4b:s1+s25], $0x80, s4, s25, $0xb8;
	[tilespmem:$0x1FC00] =	vst v63  }
0x1dd: {  	s11 =	sadd.s32 $0x1, s11  }
0x1de: {  	[spmem:s3] =	stream.indirect.scatter.add.f32 [tilespmem:s31], [sflag:$0x4], $0x80, s0, s25, $0xb8;
	[tilespmem:$0x1FC00] =	vst v63  }
.LBB2_17:
0x1df: {  	_ =	sfence.sel $0x180000  }
0x1e0: {  	[bflag:$0x0] =	sbarrier.arrive $0xFFFF  }
0x1e1: {  	_ =	strace $0x9000004D  }
0x1e2: {  	s0 =	stileid.u32;
	[bflag:$0x2] =	sbarrier.arrive $0xFFFF  }
0x1e3: {  	p0 =	sne.s32 s0, $0x0;
	s0 =	rddreg [dreg:$0x3]  }
0x1e4: {  	s0 =	sadd.s32 @!p0 $0x100000, s0  }
0x1e5: {  	[sflag:s0] =	ssyncadd.tile.s32 @!p0 $0x1;
	_ =	shalt  }
.Lfunc_end2:
_tile_overlayer_lowered:
.L_overlay_start_2:
0x1e6: {  	(tag) =	ssettag $0x2  }
0x1e7: {  	s0 =	rddreg [dreg:$0x0];
	s2 =	stileid.u32  }
0x1e8: {  	s1 =	rddreg [dreg:$0x1];
	p0 =	sne.s32 s2, $0x0  }
0x1e9: {  	s3 =	rddreg [dreg:$0x2];
	[bflag:$0x3] =	sbarrier.arrive $0xFFFF;
	s2 =	simm.s32 @!p0 $0x1C05  }
0x1ea: {  	[timem:s3], [sflag:s2] =	dma.local @!p0 [hbm:s0], s1  }
0x1eb: {  	s0 =	simm.s32 @!p0 $0x5  }
0x1ec: {  	_ =	swait.ge @!p0 [sflag:s0], s1  }
0x1ed: {  	s1 =	ssub.s32 @!p0 $0x0, s1;
	[sflag:s0] =	ssyncset.done @!p0 $0x0  }
0x1ee: {  	[sflag:s0] =	ssyncadd.s32 @!p0 s1  }
0x1ef: {  	[bflag:$0x3] =	sbarrier.arrive $0xFFFF  }
0x1f0: {  	_ =	shalt  }

// kernel: kernel.8.cloned.1.call-start
scs
__scs_entry_jumppad:
0x0: {  	(pc) =	sbr.rel $0x88, $3  }
0x1: {  	(tag) =	ssettag $0x0;
	lr =	simm.s32 $0x1  }
0x2: {  	[smem:$0x3F9B] =	sst lr;
	_ =	strace $0xD0000000  }
0x3: {  	_ = 	snop  }
0x4: {  	_ = 	snop  }
0x5: {  	_ = 	snop  }
0x6: {  	_ = 	snop  }
0x7: {  	_ = 	snop  }
__scs_overlays_trampoline_lowered:
0x8: {  	[smem:$0x3FAA] =	sst s0  }
0x9: {  	[smem:$0x3FAB] =	sst s1  }
0xa: {  	[smem:$0x3FAC] =	sst s2  }
0xb: {  	[smem:$0x3FAD] =	sst s3  }
0xc: {  	[smem:$0x3FAE] =	sst s4  }
0xd: {  	[smem:$0x3FAF] =	sst s5  }
0xe: {  	[smem:$0x3FB0] =	sst s6  }
0xf: {  	[smem:$0x3FB1] =	sst s7  }
0x10: {  	[smem:$0x3FB2] =	sst s8  }
0x11: {  	[smem:$0x3FB3] =	sst s9;
	s0 =	simm.s32 @!p0 $0x0  }
0x12: {  	s1 =	sld [smem:$0x3F99];
	s0 =	simm.s32 @p0 $0x1  }
0x13: {  	[smem:$0x3FB4] =	sst s0;
	s0 =	simm.s32 @!p1 $0x0  }
0x14: {  	s2 =	sld [smem:$0x3F98];
	s0 =	simm.s32 @p1 $0x1  }
0x15: {  	[smem:$0x3FB5] =	sst s0;
	s0 =	simm.s32 @!p2 $0x0  }
0x16: {  	s3 =	sld [smem:$0x3FDB];
	s0 =	simm.s32 @p2 $0x1  }
0x17: {  	s4 =	simm.s32 $0x1BF5;
	[smem:$0x3FB7] =	sst s0  }
0x18: {  	s0 =	sld [smem:$0x3F9A];
	_ =	swait.ge [sflag:s4], $0x0  }
0x19: {  	s7 =	sld [smem:$0x3F9B]  }
0x1a: {  	s8 =	sadd.s32 $0xFFFFE003, lr  }
0x1b: {  	s9 =	sadd.s32 $0xFFFFFEF7, lr;
	s5 =	simm.s32 $0xFFFFFFFF;
	p2 =	slt.u32 s8, $0xFFFFF086  }
0x1c: {  	p1 =	slt.u32 s9, $0xF7A;
	s5 =	simm.s32 @!p2 $0x0  }
0x1d: {  	s5 =	simm.s32 @p1 $0x1;
	p0 =	seq.s32 s7, s2  }
0x1e: {  	s7 =	smul.u32 @!p0 $0xF7A, s2;
	p2 =	seq.s32 @!p0 s5, $0x0  }
0x1f: {  	s9 =	smul.u32 $0xF7A, s1;
	s8 =	simm.s32 @!p0 $0x1BF5;
	p2 =	por !p2, p0  }
0x20: {  	[sflag:s8] =	ssyncset.s32 @!p0 $0xFFFFF086;
	s6 =	sadd.s32 @!p0 s3, s7;
	s7 =	simm.s32 @!p0 $0x108  }
0x21: {  	s3 =	sadd.s32 s3, s9;
	s6 =	sadd.s32 @!p0 $0x88, s6;
	s7 =	simm.s32 @p2 $0x1082  }
0x22: {  	[simem:s7], [sflag:s8] =	dma.local @!p0 [hbm:s6], $0xF7A  }
0x23: {  	s9 =	sor.u32 $0xD0000000, s2;
	s6 =	simm.s32 $0x108;
	_ =	swait.ge @!p0 [sflag:s8], $0x0  }
0x24: {  	s3 =	sadd.s32 $0x88, s3;
	s6 =	simm.s32 @!p1 $0x1082;
	[sflag:s4] =	ssyncset.s32 $0xFFFFF086  }
0x25: {  	[simem:s6], [sflag:s4] =	dma.local [hbm:s3], $0xF7A  }
0x26: {  	[smem:$0x3F9B] =	sst s1;
	(tag) =	ssettag s2;
	_ =	strace s9  }
0x27: {  	s1 =	sld [smem:$0x3FAB]  }
0x28: {  	s2 =	sld [smem:$0x3FAC]  }
0x29: {  	s4 =	sld [smem:$0x3FAE]  }
0x2a: {  	p0 =	seq.s32 s5, $0x0;
	s5 =	sld [smem:$0x3FAF]  }
0x2b: {  	s6 =	sld [smem:$0x3FB0]  }
0x2c: {  	s7 =	sld [smem:$0x3FB1]  }
0x2d: {  	s3 =	simm.s32 $0x108;
	s8 =	sld [smem:$0x3FB2]  }
0x2e: {  	s3 =	simm.s32 @!p0 $0x1082;
	s9 =	sld [smem:$0x3FB3]  }
0x2f: {  	lr =	sadd.s32 s0, s3;
	s0 =	sld [smem:$0x3FAA]  }
0x30: {  	s3 =	sld [smem:$0x3FAD]  }
0x31: {  	[smem:$0x3FB6] =	sst s10  }
0x32: {  	s10 =	sld [smem:$0x3FB4];
	_ =	sdelay $0x3  }
0x33: {  	p0 =	seq.s32 s10, $0x1;
	s10 =	sld [smem:$0x3FB6];
	_ =	sdelay $0x3  }
0x34: {  	[smem:$0x3FB6] =	sst s10  }
0x35: {  	s10 =	sld [smem:$0x3FB5];
	_ =	sdelay $0x3  }
0x36: {  	p1 =	seq.s32 s10, $0x1;
	s10 =	sld [smem:$0x3FB6];
	_ =	sdelay $0x3  }
0x37: {  	[smem:$0x3FB6] =	sst s10  }
0x38: {  	s10 =	sld [smem:$0x3FB7]  }
0x39: {  	_ = 	snop;
	(pc) =	sbr.ind lr, $3  }
0x3a: {  	_ = 	snop  }
0x3b: {  	_ = 	snop  }
0x3c: {  	p2 =	seq.s32 s10, $0x1;
	s10 =	sld [smem:$0x3FB6]  }
0x3d: {  	_ =	shalt  }
0x3e: {  	_ =	shalt  }
0x3f: {  	_ =	shalt  }
0x40: {  	_ =	shalt  }
0x41: {  	_ =	shalt  }
0x42: {  	_ =	shalt  }
0x43: {  	_ =	shalt  }
0x44: {  	_ =	shalt  }
0x45: {  	_ =	shalt  }
0x46: {  	_ =	shalt  }
0x47: {  	_ =	shalt  }
0x48: {  	_ =	shalt  }
0x49: {  	_ =	shalt  }
0x4a: {  	_ =	shalt  }
0x4b: {  	_ =	shalt  }
0x4c: {  	_ =	shalt  }
0x4d: {  	_ =	shalt  }
0x4e: {  	_ =	shalt  }
0x4f: {  	_ =	shalt  }
0x50: {  	_ =	shalt  }
0x51: {  	_ =	shalt  }
0x52: {  	_ =	shalt  }
0x53: {  	_ =	shalt  }
0x54: {  	_ =	shalt  }
0x55: {  	_ =	shalt  }
0x56: {  	_ =	shalt  }
0x57: {  	_ =	shalt  }
0x58: {  	_ =	shalt  }
0x59: {  	_ =	shalt  }
0x5a: {  	_ =	shalt  }
0x5b: {  	_ =	shalt  }
0x5c: {  	_ =	shalt  }
0x5d: {  	_ =	shalt  }
0x5e: {  	_ =	shalt  }
0x5f: {  	_ =	shalt  }
0x60: {  	_ =	shalt  }
0x61: {  	_ =	shalt  }
0x62: {  	_ =	shalt  }
0x63: {  	_ =	shalt  }
0x64: {  	_ =	shalt  }
0x65: {  	_ =	shalt  }
0x66: {  	_ =	shalt  }
0x67: {  	_ =	shalt  }
0x68: {  	_ =	shalt  }
0x69: {  	_ =	shalt  }
0x6a: {  	_ =	shalt  }
0x6b: {  	_ =	shalt  }
0x6c: {  	_ =	shalt  }
0x6d: {  	_ =	shalt  }
0x6e: {  	_ =	shalt  }
0x6f: {  	_ =	shalt  }
0x70: {  	_ =	shalt  }
0x71: {  	_ =	shalt  }
0x72: {  	_ =	shalt  }
0x73: {  	_ =	shalt  }
0x74: {  	_ =	shalt  }
0x75: {  	_ =	shalt  }
0x76: {  	_ =	shalt  }
0x77: {  	_ =	shalt  }
0x78: {  	_ =	shalt  }
0x79: {  	_ =	shalt  }
0x7a: {  	_ =	shalt  }
0x7b: {  	_ =	shalt  }
0x7c: {  	_ =	shalt  }
0x7d: {  	_ =	shalt  }
0x7e: {  	_ =	shalt  }
0x7f: {  	_ =	shalt  }
0x80: {  	_ =	shalt  }
0x81: {  	_ =	shalt  }
0x82: {  	_ =	shalt  }
0x83: {  	_ =	shalt  }
0x84: {  	_ =	shalt  }
0x85: {  	_ =	shalt  }
0x86: {  	_ =	shalt  }
0x87: {  	_ =	shalt  }
.Lfunc_end0:
.L_simem_size_0:
called_computation_lowered:
.L_overlay_start_0:
0x88: {  	s2 =	sld [smem:$0x3FD9]  }
0x89: {  	s3 =	sld [smem:$0x3FFE];
	_ =	sdelay $0x1  }
0x8a: {  	s1 =	srdreg.scid  }
0x8b: {  	s0 =	sand.u32 $0x1, s1  }
0x8c: {  	s14 =	sshll.u32 s0, $0xA;
	s2 =	sadd.s32 s3, s2  }
0x8d: {  	s2 =	sadd.s32 s2, s14  }
0x8e: {  	[smem:$0x3FC2] =	sst s2  }
0x8f: {  	_ = 	snop  }
0x90: {  	s2 =	sld [smem:$0x3FD0];
	_ =	sdelay $0x2  }
0x91: {  	s15 =	simm.s32 $0xA;
	s4 =	simm.s32 $0x10  }
0x92: {  	[smem:s4], [sflag:s15] =	dma.local [hbm:s2], $0x1  }
0x93: {  	_ =	swait.eq [sflag:s15], $0x1  }
0x94: {  	[sflag:s15] =	ssyncset.done $0x0  }
0x95: {  	[sflag:s15] =	ssyncadd.s32 $0xFFFFFFFF  }
0x96: {  	s16 =	sld [smem:$0x10];
	(tm) =	ssettm $0x1  }
0x97: {  	s17 =	sld [smem:$0x3FFB];
	_ =	sdelay $0x3  }
0x98: {  	_ =	strace s17  }
0x99: {  	s3 =	sld [smem:$0x3FFC];
	_ =	sdelay $0x3  }
0x9a: {  	_ =	strace s3  }
0x9b: {  	s3 =	sld [smem:$0x3FFD];
	_ =	sdelay $0x3  }
0x9c: {  	_ =	strace s3  }
0x9d: {  	_ =	strace $0x8FFFFFFF  }
0x9e: {  	s18 =	sld [smem:$0x3FDB];
	_ =	sdelay $0x1  }
0x9f: {  	s19 =	simm.s32 $_scs_section_size  }
0xa0: {  	s5 =	simm.s32 $_size__tile_overlayer_lowered;
	s6 =	simm.s32 $_tile_overlayer_lowered  }
0xa1: {  	s22 =	simm.s32 $0x1BFF;
	s21 =	sshll.u32 s6, $0x1;
	s3 =	sadd.s32 s19, s18  }
0xa2: {  	s7 =	simm.s32 $0x0;
	s20 =	sshll.u32 s5, $0x1;
	s5 =	sadd.s32 s21, s3  }
0xa3: {  	[timem:s7], [sflag:s22] =	dma.local [hbm:s5], s20  }
0xa4: {  	_ =	swait.ge [sflag:s22], s20  }
0xa5: {  	s4 =	ssub.s32 $0x0, s20;
	[sflag:s22] =	ssyncset.done $0x0  }
0xa6: {  	[sflag:s22] =	ssyncadd.s32 s4;
	_ =	sdelay $0x1  }
0xa7: {  	s23 =	simm.s32 $0x1B8B  }
0xa8: {  	_ =	swait.ge [sflag:s23], $0x1  }
0xa9: {  	[sflag:s23] =	ssyncset.done $0x0  }
0xaa: {  	s25 =	simm.s32 $0x1B8E;
	s24 =	sld [smem:$0x3FFE];
	[sflag:s23] =	ssyncadd.s32 $0xFFFFFFFF  }
0xab: {  	s26 =	simm.s32 $execute0_lowered;
	[smem:$0x3FD2] =	sst s25  }
0xac: {  	s5 =	sshll.u32 s26, $0x1;
	_ =	strace $0x80000046;
	[dreg:$0x1] =	wrdreg $0xFFFFFFFF  }
0xad: {  	s28 =	simm.s32 $_size_execute0_lowered;
	s3 =	sadd.s32 s3, s5;
	[dreg:$0x0] =	wrdreg $0x0  }
0xae: {  	s5 =	sshll.u32 s28, $0x1;
	[dreg:$0x2] =	wrdreg s3  }
0xaf: {  	[dreg:$0x3] =	wrdreg s5  }
0xb0: {  	[dreg:$0x4] =	wrdreg $0xC0  }
0xb1: {  	_ =	task [dreg:s7], $0x5FFFF  }
0xb2: {  	[dreg:$0x1] =	wrdreg $0xFFFFFFFF  }
0xb3: {  	[dreg:$0x0] =	wrdreg $0x60  }
0xb4: {  	[dreg:$0x2] =	wrdreg s24  }
0xb5: {  	[dreg:$0x3] =	wrdreg s16  }
0xb6: {  	[dreg:$0x4] =	wrdreg $0x8E800  }
0xb7: {  	[dreg:$0x5] =	wrdreg $0x9  }
0xb8: {  	_ =	task.clear_ibuf [dreg:s7], $0x6FFFF;
	_ =	strace $0x90000046  }
0xb9: {  	s29 =	simm.s32 $0x9;
	_ =	strace $0x80000048  }
0xba: {  	_ =	swait.ge [sflag:s29], $0x1  }
0xbb: {  	[sflag:s29] =	ssyncadd.s32 $0xFFFFFFFF  }
0xbc: {  	_ =	strace $0x90000048  }
0xbd: {  	_ =	sfence  }
0xbe: {  	s30 =	sld [smem:$0x0];
	_ =	sdelay $0x2  }
0xbf: {  	s31 =	sshll.u32 s1, $0xD;
	s1 =	sshrl.u32 s1, $0x2  }
0xc0: {  	s3 =	sand.u32 $0x4000, s31;
	s1 =	sadd.s32 s1, s30  }
0xc1: {  	s0 =	sor.u32 s3, s0;
	s1 =	sshll.u32 s1, $0x11  }
0xc2: {  	s0 =	sor.u32 s1, s0  }
0xc3: {  	s0 =	sadd.s32 $0x8F2B, s0  }
0xc4: {  	[sflag:s0] =	ssyncadd.remote.s32 $0x1  }
0xc5: {  	_ =	sfence.sel $0xFFFF  }
0xc6: {  	[dreg:$0x0] =	wrdreg $0xFFFFFFFF;
	(pc) =	sbr.abs _section_cstart, $3  }
0xc7: {  	[dreg:$0x1] =	wrdreg $0xFFFFFFFF  }
0xc8: {  	_ =	task.clear_ibuf [dreg:s7], $0x2FFFF;
	_ =	strace $0x9FFFFFFF  }
0xc9: {  	(tm) =	ssettm $0x7FFFFFFF  }
tec
execute0_lowered:
.L_overlay_start_1:
0x0: {  	(tag) =	ssettag $0x1  }
0x1: {  	s0 =	rddreg [dreg:$0x0]  }
0x2: {  	s11 =	rddreg [dreg:$0x1];
	s1 =	srdreg.scid  }
0x3: {  	s3 =	rddreg [dreg:$0x2];
	s2 =	stileid.u32  }
0x4: {  	s4 =	simm.s32 $0x0;
	s15 =	simm.s32 $0x5000;
	s16 =	simm.s32 $0x6400  }
0x5: {  	s17 =	simm.s32 $0x8C00;
	s18 =	simm.s32 $0x7800;
	s19 =	simm.s32 $0x80  }
0x6: {  	s22 =	simm.s32 $0x20;
	s23 =	simm.s32 $0x10;
	s7 =	smul.u32 $0x28, s2  }
0x7: {  	s8 =	sand.u32 $0x1, s1;
	s1 =	rddreg [dreg:$0x3];
	s10 =	smul.u32 $0xA00, s2  }
0x8: {  	s24 =	simm.s32 $0x0;
	[smem:$0x7FF] =	sst s4;
	s13 =	smul.u32 $0x500, s2  }
0x9: {  	s5 =	sadd.s32 $0x600, s0;
	s20 =	sshll.u32 s2, $0x6;
	s6 =	smul.u32 $0x280, s8  }
0xa: {  	_ =	strace $0x80000047;
	s9 =	ssub.s32 $0x2, s8;
	s30 =	sshll.u32 s8, $0x7  }
0xb: {  	s20 =	sor.u32 $0x1C01, s20;
	s29 =	sshrl.u32 s9, $0x1;
	s10 =	sshrl.u32 s10, $0x2  }
0xc: {  	s13 =	sor.u32 s30, s13;
	s6 =	sadd.s32 s7, s6;
	s14 =	ssub.s32 s9, s29  }
0xd: {  	s9 =	sadd.s32 s10, s3;
	s31 =	sshrl.u32 s13, $0x3;
	s7 =	sshll.u32 s6, $0x4  }
0xe: {  	s13 =	simm.s32 $0x1;
	s11 =	sadd.s32 s11, s31;
	s12 =	sadd.s32 s7, s0  }
0xf: {  	s21 =	sshrl.u32 s9, $0x3;
	s7 =	sadd.s32 $0x5C00, s12;
	s8 =	sadd.s32 $0xC00, s12  }
0x10: {  	v0 =	vimm.f32 $0.0e+00;
	s10 =	sadd.s32 $0xAC00, s12;
	s12 =	smax.u32 s14, $0x1;
	s14 =	simm.s32 $0x2800  }
.LBB2_1:
0x11: {  	[tilespmem:s4], [sflag:$0x1] =	stream.linear.gather [hbm4b:s5+s4], $0x2710, $0x38;
	[tilespmem:$0x9100] =	vst v63  }
0x12: {  	_ =	swait.ge [sflag:s13], $0x2710  }
0x13: {  	[sflag:s13] =	ssyncset.done $0x0  }
0x14: {  	[sflag:s13] =	ssyncadd.s32 $0xFFFFD8F0  }
0x15: {  	[tilespmem:s14], [sflag:$0x1] =	stream.linear.gather [hbm4b:s0+s4], $0x2710, $0x38;
	[tilespmem:$0x9100] =	vst v63  }
0x16: {  	_ =	swait.ge [sflag:s13], $0x2710  }
0x17: {  	[sflag:s13] =	ssyncset.done $0x0  }
0x18: {  	[sflag:s13] =	ssyncadd.s32 $0xFFFFD8F0  }
0x19: {  	[tilespmem:s15], [sflag:$0x1] =	stream.linear.gather [hbm4b:s7+s4], $0x1400, $0x38;
	[tilespmem:$0x9100] =	vst v63  }
0x1a: {  	_ =	swait.ge [sflag:s13], $0x1400  }
0x1b: {  	[sflag:s13] =	ssyncset.done $0x0  }
0x1c: {  	[sflag:s13] =	ssyncadd.s32 $0xFFFFEC00  }
0x1d: {  	[tilespmem:s16], [sflag:$0x1] =	stream.linear.gather [hbm4b:s8+s4], $0x1400, $0x38;
	[tilespmem:$0x9100] =	vst v63  }
0x1e: {  	_ =	swait.ge [sflag:s13], $0x1400  }
0x1f: {  	[sflag:s13] =	ssyncset.done $0x0  }
0x20: {  	[sflag:s13] =	ssyncadd.s32 $0xFFFFEC00  }
0x21: {  	[tilespmem:$0x8C00] =	vst v0  }
0x22: {  	[tilespmem:$0x8C10] =	vst v0  }
0x23: {  	[tilespmem:$0x8C20] =	vst v0  }
0x24: {  	[tilespmem:$0x8C30] =	vst v0  }
0x25: {  	[tilespmem:$0x8C40] =	vst v0  }
0x26: {  	[tilespmem:$0x8C50] =	vst v0  }
0x27: {  	[tilespmem:$0x8C60] =	vst v0  }
0x28: {  	[tilespmem:$0x8C70] =	vst v0  }
0x29: {  	[tilespmem:$0x8C80] =	vst v0  }
0x2a: {  	[tilespmem:$0x8C90] =	vst v0  }
0x2b: {  	[tilespmem:$0x8CA0] =	vst v0  }
0x2c: {  	[tilespmem:$0x8CB0] =	vst v0  }
0x2d: {  	[tilespmem:$0x8CC0] =	vst v0  }
0x2e: {  	[tilespmem:$0x8CD0] =	vst v0  }
0x2f: {  	[tilespmem:$0x8CE0] =	vst v0  }
0x30: {  	[tilespmem:$0x8CF0] =	vst v0  }
0x31: {  	[tilespmem:$0x8D00] =	vst v0  }
0x32: {  	[tilespmem:$0x8D10] =	vst v0  }
0x33: {  	[tilespmem:$0x8D20] =	vst v0  }
0x34: {  	[tilespmem:$0x8D30] =	vst v0  }
0x35: {  	[tilespmem:$0x8D40] =	vst v0  }
0x36: {  	[tilespmem:$0x8D50] =	vst v0  }
0x37: {  	[tilespmem:$0x8D60] =	vst v0  }
0x38: {  	[tilespmem:$0x8D70] =	vst v0  }
0x39: {  	[tilespmem:$0x8D80] =	vst v0  }
0x3a: {  	[tilespmem:$0x8D90] =	vst v0  }
0x3b: {  	[tilespmem:$0x8DA0] =	vst v0  }
0x3c: {  	[tilespmem:$0x8DB0] =	vst v0  }
0x3d: {  	[tilespmem:$0x8DC0] =	vst v0  }
0x3e: {  	[tilespmem:$0x8DD0] =	vst v0  }
0x3f: {  	[tilespmem:$0x8DE0] =	vst v0  }
0x40: {  	[tilespmem:$0x8DF0] =	vst v0  }
0x41: {  	[tilespmem:$0x8E00] =	vst v0  }
0x42: {  	[tilespmem:$0x8E10] =	vst v0  }
0x43: {  	[tilespmem:$0x8E20] =	vst v0  }
0x44: {  	[tilespmem:$0x8E30] =	vst v0  }
0x45: {  	[tilespmem:$0x8E40] =	vst v0  }
0x46: {  	[tilespmem:$0x8E50] =	vst v0  }
0x47: {  	[tilespmem:$0x8E60] =	vst v0  }
0x48: {  	[tilespmem:$0x8E70] =	vst v0  }
0x49: {  	[spmem:s9] =	stream.linear.scatter [tilespmem:s17], [sflag:$0x1], $0x280, $0x38;
	[tilespmem:$0x9100] =	vst v63  }
0x4a: {  	_ =	swait.ge [sflag:s13], $0x280  }
0x4b: {  	[sflag:s13] =	ssyncset.done $0x0  }
0x4c: {  	s25 =	smov.u32 s6;
	s26 =	simm.s32 $0x0;
	[sflag:s13] =	ssyncadd.s32 $0xFFFFFD80  }
.LBB2_2:
0x4d: {  	s28 =	sshra.s32 s26, $0x2  }
0x4e: {  	v1 =	vld [tilespmem:s28+$0x5000]  }
0x4f: {  	v2 =	vld [tilespmem:s28+$0x6400];
	_ =	sdelay $0x6  }
0x50: {  	v1 =	vld.idx.msk [tilespmem:v1+s4+$0x0], $0xffff  }
0x51: {  	v2 =	vld.idx.msk [tilespmem:v2+s14+$0x0], $0xffff;
	_ =	sdelay $0x4  }
0x52: {  	v1 =	vadd.f32 v2, v1;
	_ =	sdelay $0x1  }
0x53: {  	v1 =	vsub.f32 $0.0e+00, v1;
	_ =	sdelay $0x1  }
0x54: {  	v1 =	vmul.f32 $1.442695020e+00, v1;
	_ =	sdelay $0x1  }
0x55: {  	(erf) = vpow2.f32 v1;
	_ =	sdelay $0x8  }
0x56: {  	v1 =	vpop (erf)  }
0x57: {  	v1 =	vadd.f32 $1.000000000e+00, v1;
	_ =	sdelay $0x1  }
0x58: {  	(erf) = vrcp.f32 v1;
	_ =	sdelay $0x8  }
0x59: {  	v1 =	vpop (erf)  }
0x5a: {  	v1 =	vmul.f32 $1.442695020e+00, v1;
	_ =	sdelay $0x1  }
0x5b: {  	(erf) = vpow2.f32 v1;
	_ =	sdelay $0x3  }
0x5c: {  	v1 =	vld [tilespmem:s28+$0x5010]  }
0x5d: {  	v2 =	vld [tilespmem:s28+$0x6410];
	_ =	sdelay $0x3  }
0x5e: {  	p0 =	slt.u32 s25, $0x4E2;
	v3 =	vpop (erf)  }
0x5f: {  	v3 =	vpsel !p0, $0x0, v3  }
0x60: {  	[tilespmem:s28+$0x7800] =	vst v3  }
0x61: {  	v1 =	vld.idx.msk [tilespmem:v1+s4+$0x0], $0xffff  }
0x62: {  	v2 =	vld.idx.msk [tilespmem:v2+s14+$0x0], $0xffff;
	_ =	sdelay $0x4  }
0x63: {  	v1 =	vadd.f32 v2, v1;
	_ =	sdelay $0x1  }
0x64: {  	v1 =	vsub.f32 $0.0e+00, v1;
	_ =	sdelay $0x1  }
0x65: {  	v1 =	vmul.f32 $1.442695020e+00, v1;
	_ =	sdelay $0x1  }
0x66: {  	(erf) = vpow2.f32 v1;
	_ =	sdelay $0x8  }
0x67: {  	v1 =	vpop (erf)  }
0x68: {  	v1 =	vadd.f32 $1.000000000e+00, v1;
	_ =	sdelay $0x1  }
0x69: {  	(erf) = vrcp.f32 v1;
	_ =	sdelay $0x8  }
0x6a: {  	v1 =	vpop (erf)  }
0x6b: {  	v1 =	vmul.f32 $1.442695020e+00, v1;
	_ =	sdelay $0x1  }
0x6c: {  	(erf) = vpow2.f32 v1;
	_ =	sdelay $0x3  }
0x6d: {  	v1 =	vld [tilespmem:s28+$0x5020]  }
0x6e: {  	v2 =	vld [tilespmem:s28+$0x6420];
	_ =	sdelay $0x3  }
0x6f: {  	v3 =	vpop (erf)  }
0x70: {  	v3 =	vpsel !p0, $0x0, v3  }
0x71: {  	[tilespmem:s28+$0x7810] =	vst v3  }
0x72: {  	v1 =	vld.idx.msk [tilespmem:v1+s4+$0x0], $0xffff  }
0x73: {  	v2 =	vld.idx.msk [tilespmem:v2+s14+$0x0], $0xffff;
	_ =	sdelay $0x4  }
0x74: {  	v1 =	vadd.f32 v2, v1;
	_ =	sdelay $0x1  }
0x75: {  	v1 =	vsub.f32 $0.0e+00, v1;
	_ =	sdelay $0x1  }
0x76: {  	v1 =	vmul.f32 $1.442695020e+00, v1;
	_ =	sdelay $0x1  }
0x77: {  	(erf) = vpow2.f32 v1;
	_ =	sdelay $0x8  }
0x78: {  	v1 =	vpop (erf)  }
0x79: {  	v1 =	vadd.f32 $1.000000000e+00, v1;
	_ =	sdelay $0x1  }
0x7a: {  	(erf) = vrcp.f32 v1;
	_ =	sdelay $0x8  }
0x7b: {  	v1 =	vpop (erf)  }
0x7c: {  	v1 =	vmul.f32 $1.442695020e+00, v1;
	_ =	sdelay $0x1  }
0x7d: {  	(erf) = vpow2.f32 v1;
	_ =	sdelay $0x3  }
0x7e: {  	v1 =	vld [tilespmem:s28+$0x5030]  }
0x7f: {  	v2 =	vld [tilespmem:s28+$0x6430];
	_ =	sdelay $0x3  }
0x80: {  	v3 =	vpop (erf)  }
0x81: {  	v3 =	vpsel !p0, $0x0, v3  }
0x82: {  	[tilespmem:s28+$0x7820] =	vst v3  }
0x83: {  	v1 =	vld.idx.msk [tilespmem:v1+s4+$0x0], $0xffff  }
0x84: {  	v2 =	vld.idx.msk [tilespmem:v2+s14+$0x0], $0xffff;
	_ =	sdelay $0x4  }
0x85: {  	v1 =	vadd.f32 v2, v1;
	_ =	sdelay $0x1  }
0x86: {  	v1 =	vsub.f32 $0.0e+00, v1;
	_ =	sdelay $0x1  }
0x87: {  	v1 =	vmul.f32 $1.442695020e+00, v1;
	_ =	sdelay $0x1  }
0x88: {  	(erf) = vpow2.f32 v1;
	_ =	sdelay $0x8  }
0x89: {  	v1 =	vpop (erf)  }
0x8a: {  	v1 =	vadd.f32 $1.000000000e+00, v1;
	_ =	sdelay $0x1  }
0x8b: {  	(erf) = vrcp.f32 v1;
	_ =	sdelay $0x8  }
0x8c: {  	v1 =	vpop (erf)  }
0x8d: {  	v1 =	vmul.f32 $1.442695020e+00, v1;
	_ =	sdelay $0x1  }
0x8e: {  	(erf) = vpow2.f32 v1;
	_ =	sdelay $0x3  }
0x8f: {  	v1 =	vld [tilespmem:s28+$0x5040]  }
0x90: {  	v2 =	vld [tilespmem:s28+$0x6440];
	_ =	sdelay $0x3  }
0x91: {  	v3 =	vpop (erf)  }
0x92: {  	v3 =	vpsel !p0, $0x0, v3  }
0x93: {  	[tilespmem:s28+$0x7830] =	vst v3  }
0x94: {  	v1 =	vld.idx.msk [tilespmem:v1+s4+$0x0], $0xffff  }
0x95: {  	v2 =	vld.idx.msk [tilespmem:v2+s14+$0x0], $0xffff;
	_ =	sdelay $0x4  }
0x96: {  	v1 =	vadd.f32 v2, v1;
	_ =	sdelay $0x1  }
0x97: {  	v1 =	vsub.f32 $0.0e+00, v1;
	_ =	sdelay $0x1  }
0x98: {  	v1 =	vmul.f32 $1.442695020e+00, v1;
	_ =	sdelay $0x1  }
0x99: {  	(erf) = vpow2.f32 v1;
	_ =	sdelay $0x8  }
0x9a: {  	v1 =	vpop (erf)  }
0x9b: {  	v1 =	vadd.f32 $1.000000000e+00, v1;
	_ =	sdelay $0x1  }
0x9c: {  	(erf) = vrcp.f32 v1;
	_ =	sdelay $0x8  }
0x9d: {  	v1 =	vpop (erf)  }
0x9e: {  	v1 =	vmul.f32 $1.442695020e+00, v1;
	_ =	sdelay $0x1  }
0x9f: {  	(erf) = vpow2.f32 v1;
	_ =	sdelay $0x3  }
0xa0: {  	v1 =	vld [tilespmem:s28+$0x5050]  }
0xa1: {  	v2 =	vld [tilespmem:s28+$0x6450];
	_ =	sdelay $0x3  }
0xa2: {  	v3 =	vpop (erf)  }
0xa3: {  	v3 =	vpsel !p0, $0x0, v3  }
0xa4: {  	[tilespmem:s28+$0x7840] =	vst v3  }
0xa5: {  	v1 =	vld.idx.msk [tilespmem:v1+s4+$0x0], $0xffff  }
0xa6: {  	v2 =	vld.idx.msk [tilespmem:v2+s14+$0x0], $0xffff;
	_ =	sdelay $0x4  }
0xa7: {  	v1 =	vadd.f32 v2, v1;
	_ =	sdelay $0x1  }
0xa8: {  	v1 =	vsub.f32 $0.0e+00, v1;
	_ =	sdelay $0x1  }
0xa9: {  	v1 =	vmul.f32 $1.442695020e+00, v1;
	_ =	sdelay $0x1  }
0xaa: {  	(erf) = vpow2.f32 v1;
	_ =	sdelay $0x8  }
0xab: {  	v1 =	vpop (erf)  }
0xac: {  	v1 =	vadd.f32 $1.000000000e+00, v1;
	_ =	sdelay $0x1  }
0xad: {  	(erf) = vrcp.f32 v1;
	_ =	sdelay $0x8  }
0xae: {  	v1 =	vpop (erf)  }
0xaf: {  	v1 =	vmul.f32 $1.442695020e+00, v1;
	_ =	sdelay $0x1  }
0xb0: {  	(erf) = vpow2.f32 v1;
	_ =	sdelay $0x3  }
0xb1: {  	v1 =	vld [tilespmem:s28+$0x5060]  }
0xb2: {  	v2 =	vld [tilespmem:s28+$0x6460];
	_ =	sdelay $0x3  }
0xb3: {  	v3 =	vpop (erf)  }
0xb4: {  	v3 =	vpsel !p0, $0x0, v3  }
0xb5: {  	[tilespmem:s28+$0x7850] =	vst v3  }
0xb6: {  	v1 =	vld.idx.msk [tilespmem:v1+s4+$0x0], $0xffff  }
0xb7: {  	v2 =	vld.idx.msk [tilespmem:v2+s14+$0x0], $0xffff;
	_ =	sdelay $0x4  }
0xb8: {  	v1 =	vadd.f32 v2, v1;
	_ =	sdelay $0x1  }
0xb9: {  	v1 =	vsub.f32 $0.0e+00, v1;
	_ =	sdelay $0x1  }
0xba: {  	v1 =	vmul.f32 $1.442695020e+00, v1;
	_ =	sdelay $0x1  }
0xbb: {  	(erf) = vpow2.f32 v1;
	_ =	sdelay $0x8  }
0xbc: {  	v1 =	vpop (erf)  }
0xbd: {  	v1 =	vadd.f32 $1.000000000e+00, v1;
	_ =	sdelay $0x1  }
0xbe: {  	(erf) = vrcp.f32 v1;
	_ =	sdelay $0x8  }
0xbf: {  	v1 =	vpop (erf)  }
0xc0: {  	v1 =	vmul.f32 $1.442695020e+00, v1;
	_ =	sdelay $0x1  }
0xc1: {  	(erf) = vpow2.f32 v1;
	_ =	sdelay $0x3  }
0xc2: {  	v1 =	vld [tilespmem:s28+$0x5070]  }
0xc3: {  	v2 =	vld [tilespmem:s28+$0x6470];
	_ =	sdelay $0x3  }
0xc4: {  	v3 =	vpop (erf)  }
0xc5: {  	v3 =	vpsel !p0, $0x0, v3  }
0xc6: {  	[tilespmem:s28+$0x7860] =	vst v3  }
0xc7: {  	v1 =	vld.idx.msk [tilespmem:v1+s4+$0x0], $0xffff  }
0xc8: {  	v2 =	vld.idx.msk [tilespmem:v2+s14+$0x0], $0xffff;
	_ =	sdelay $0x4  }
0xc9: {  	v1 =	vadd.f32 v2, v1;
	_ =	sdelay $0x1  }
0xca: {  	v1 =	vsub.f32 $0.0e+00, v1;
	_ =	sdelay $0x1  }
0xcb: {  	v1 =	vmul.f32 $1.442695020e+00, v1;
	_ =	sdelay $0x1  }
0xcc: {  	(erf) = vpow2.f32 v1;
	_ =	sdelay $0x8  }
0xcd: {  	v1 =	vpop (erf)  }
0xce: {  	v1 =	vadd.f32 $1.000000000e+00, v1;
	_ =	sdelay $0x1  }
0xcf: {  	(erf) = vrcp.f32 v1;
	_ =	sdelay $0x8  }
0xd0: {  	v1 =	vpop (erf)  }
0xd1: {  	v1 =	vmul.f32 $1.442695020e+00, v1;
	_ =	sdelay $0x1  }
0xd2: {  	(erf) = vpow2.f32 v1;
	_ =	sdelay $0x8  }
0xd3: {  	v1 =	vpop (erf)  }
0xd4: {  	v1 =	vpsel !p0, $0x0, v1;
	p0 =	sne.s32 s26, $0x4E00  }
.Ltmp0:
0xd5: {  	_ = 	snop;
	(pc) =	sbr.rel @p0 .LBB2_2-.Ltmp0, $2  }
0xd6: {  	_ =	sdelay $0x2  }
0xd7: {  	s25 =	sadd.s32 $0x1, s25;
	s26 =	sadd.s32 $0x200, s26;
	[tilespmem:s28+$0x7870] =	vst v1  }
0xd8: {  	s25 =	simm.s32 $0x0  }
0xd9: {  	[hbm4b:s10+s25] =	stream.linear.scatter [tilespmem:s18], [sflag:$0x1], $0x1400, $0x38;
	[tilespmem:$0x9100] =	vst v63  }
0xda: {  	_ =	swait.ge [sflag:s13], $0x1400  }
0xdb: {  	[sflag:s13] =	ssyncset.done $0x0  }
0xdc: {  	[sflag:s13] =	ssyncadd.s32 $0xFFFFEC00  }
0xdd: {  	s31 =	simm.s32 $0x7800;
	s26 =	simm.s32 $0x6400;
	[bflag:$0x0] =	sbarrier.arrive $0xFFFF  }
0xde: {  	[spmem:s3] =	stream.indirect.scatter.add.f32 [tilespmem:s31], [sflag:$0x1], $0x1, s26, s19, $0xb8;
	[tilespmem:$0x9100] =	vst v63  }
0xdf: {  	s25 =	simm.s32 $0x200;
	_ =	swait.ge [sflag:s13], $0x80  }
.LBB2_4:
0xe0: {  	s26 =	sshra.s32 s25, $0x2  }
0xe1: {  	[sflag:s13] =	ssyncset.done $0x0;
	p0 =	sne.s32 s25, $0x4E00;
	s28 =	sadd.s32 $0x7800, s26  }
.Ltmp1:
0xe2: {  	s26 =	sadd.s32 $0x6400, s26;
	[sflag:s13] =	ssyncadd.s32 $0xFFFFFF80;
	(pc) =	sbr.rel @p0 .LBB2_4-.Ltmp1, $3  }
0xe3: {  	[spmem:s3] =	stream.indirect.scatter.add.f32 [tilespmem:s28], [sflag:$0x1], $0x1, s26, s19, $0xb8;
	[tilespmem:$0x9100] =	vst v63  }
0xe4: {  	s25 =	sadd.s32 $0x200, s25;
	_ =	sdelay $0x1  }
0xe5: {  	_ =	swait.ge [sflag:s13], $0x80  }
0xe6: {  	[sflag:s13] =	ssyncset.done $0x0;
	s24 =	sadd.s32 $0x1, s24  }
0xe7: {  	[sflag:s13] =	ssyncadd.s32 $0xFFFFFF80;
	p0 =	sne.s32 s24, s12  }
.Ltmp2:
0xe8: {  	[bflag:$0x0] =	sbarrier.arrive $0xFFFF;
	(pc) =	sbr.rel @p0 .LBB2_1-.Ltmp2, $4  }
0xe9: {  	[hbm:s11@s22], [sflag:s20] =	dma.strided [spmem:s21@s23], $0x50, s13, $0x10   }
0xea: {  	_ =	swait.ge [sflag:s13], $0x50  }
0xeb: {  	[sflag:s13] =	ssyncset.done $0x0  }
0xec: {  	[sflag:s13] =	ssyncadd.s32 $0xFFFFFFB0  }
0xed: {  	_ =	sfence.sel $0x180000  }
0xee: {  	[bflag:$0x0] =	sbarrier.arrive $0xFFFF  }
0xef: {  	p0 =	sne.s32 s2, $0x0;
	_ =	strace $0x90000047  }
0xf0: {  	s0 =	sadd.s32 @!p0 $0x100000, s1;
	[bflag:$0x2] =	sbarrier.arrive $0xFFFF  }
0xf1: {  	[sflag:s0] =	ssyncadd.tile.s32 @!p0 $0x1;
	_ =	shalt  }
.Lfunc_end2:
_tile_overlayer_lowered:
.L_overlay_start_2:
0xf2: {  	(tag) =	ssettag $0x2  }
0xf3: {  	s0 =	rddreg [dreg:$0x0];
	s2 =	stileid.u32  }
0xf4: {  	s1 =	rddreg [dreg:$0x1];
	p0 =	sne.s32 s2, $0x0  }
0xf5: {  	s3 =	rddreg [dreg:$0x2];
	[bflag:$0x3] =	sbarrier.arrive $0xFFFF;
	s2 =	simm.s32 @!p0 $0x1C01  }
0xf6: {  	[timem:s3], [sflag:s2] =	dma.local @!p0 [hbm:s0], s1  }
0xf7: {  	s0 =	simm.s32 @!p0 $0x1  }
0xf8: {  	_ =	swait.ge @!p0 [sflag:s0], s1  }
0xf9: {  	s1 =	ssub.s32 @!p0 $0x0, s1;
	[sflag:s0] =	ssyncset.done @!p0 $0x0  }
0xfa: {  	[sflag:s0] =	ssyncadd.s32 @!p0 s1  }
0xfb: {  	[bflag:$0x3] =	sbarrier.arrive $0xFFFF  }
0xfc: {  	_ =	shalt  }

</sc_bundles>
